<compile_context>
chip_gen: v7x
topology: tpu7x:2x2x1
jax: 0.10.2.dev20260603
libtpu: 0.0.44.dev20260713+nightly
codegen_flags: <defaults>
</compile_context>

<pallas_src>
import functools

import jax
import jax.numpy as jnp
from jax import lax
from jax.experimental import pallas as pl
from jax.experimental.pallas import tpu as pltpu
from jax.experimental.pallas import tpu_sc as plsc

_N = 10000
_DEG = 32
_D = 128
_BN = 400

_NC = 2
_NS = 16
_NW = _NC * _NS
_A = 3200
_PER_W = _A // _NW
_CHUNK = 10
_NCHUNKS = _PER_W // _CHUNK


def _sc_mean_body(neigh_hbm, out_hbm, buf0, buf1, obuf, sem0, sem1):
    wid = lax.axis_index("s") * _NC + lax.axis_index("c")
    gbase = wid * _PER_W

    def start(c, buf, sem):
        pltpu.async_copy(neigh_hbm.at[pl.ds(gbase + c * _CHUNK, _CHUNK)], buf, sem)

    def wait(buf, sem):
        pltpu.make_async_copy(
            neigh_hbm.at[pl.ds(gbase, _CHUNK)], buf, sem
        ).wait()

    def compute(c, buf):
        for n in range(_CHUNK):
            def rbody(r, accs):
                return tuple(
                    accs[g] + buf[n, r, pl.ds(g * 16, 16)] for g in range(8)
                )
            accs = lax.fori_loop(
                0, _DEG, rbody,
                tuple(jnp.zeros((16,), jnp.float32) for _ in range(8)),
            )
            row = c * _CHUNK + n
            for g in range(8):
                obuf[row, pl.ds(g * 16, 16)] = accs[g] * (1.0 / _DEG)

    start(0, buf0, sem0)
    start(1, buf1, sem1)

    def body2(j, carry):
        c = 2 * j
        wait(buf0, sem0)
        compute(c, buf0)

        @pl.when(c + 2 < _NCHUNKS)
        def _():
            start(c + 2, buf0, sem0)

        wait(buf1, sem1)
        compute(c + 1, buf1)

        @pl.when(c + 3 < _NCHUNKS)
        def _():
            start(c + 3, buf1, sem1)

        return carry

    lax.fori_loop(0, _NCHUNKS // 2, body2, 0)
    pltpu.sync_copy(obuf, out_hbm.at[wid])


_sc_mean = functools.partial(
    pl.kernel,
    out_type=jax.ShapeDtypeStruct((_NW, _PER_W, _D), jnp.float32),
    mesh=plsc.VectorSubcoreMesh(
        core_axis_name="c", subcore_axis_name="s", num_cores=_NC, num_subcores=_NS
    ),
    scratch_types=[
        pltpu.VMEM((_CHUNK, _DEG, _D), jnp.float32),
        pltpu.VMEM((_CHUNK, _DEG, _D), jnp.float32),
        pltpu.VMEM((_PER_W, _D), jnp.float32),
        pltpu.SemaphoreType.DMA,
        pltpu.SemaphoreType.DMA,
    ],
)(_sc_mean_body)


def _tc_tail_body(src_ref, neigh_ref, wa_ref, ws_ref, out_ref):
    mean = jnp.mean(neigh_ref[...], axis=1)
    h = jnp.dot(mean, wa_ref[...], preferred_element_type=jnp.float32)
    h += jnp.dot(src_ref[...], ws_ref[...], preferred_element_type=jnp.float32)
    out_ref[...] = jnp.maximum(h, 0.0)


def _tc_head_body(mean_ref, src_ref, wa_ref, ws_ref, out_ref):
    h = jnp.dot(mean_ref[...], wa_ref[...], preferred_element_type=jnp.float32)
    h += jnp.dot(src_ref[...], ws_ref[...], preferred_element_type=jnp.float32)
    out_ref[...] = jnp.maximum(h, 0.0)


def kernel(src_node_features, neighbor_node_features, W_agg, W_self):
    n_tail = _N - _A
    off = _A // _BN

    sc_mean = _sc_mean(neighbor_node_features).reshape(_A, _D)

    out_tail = pl.pallas_call(
        _tc_tail_body,
        grid=(n_tail // _BN,),
        in_specs=[
            pl.BlockSpec((_BN, _D), lambda i: (i + off, 0)),
            pl.BlockSpec((_BN, _DEG, _D), lambda i: (i + off, 0, 0)),
            pl.BlockSpec((_D, _D), lambda i: (0, 0)),
            pl.BlockSpec((_D, _D), lambda i: (0, 0)),
        ],
        out_specs=pl.BlockSpec((_BN, _D), lambda i: (i, 0)),
        out_shape=jax.ShapeDtypeStruct((n_tail, _D), jnp.float32),
    )(src_node_features, neighbor_node_features, W_agg, W_self)

    out_head = pl.pallas_call(
        _tc_head_body,
        grid=(_A // _BN,),
        in_specs=[
            pl.BlockSpec((_BN, _D), lambda i: (i, 0)),
            pl.BlockSpec((_BN, _D), lambda i: (i, 0)),
            pl.BlockSpec((_D, _D), lambda i: (0, 0)),
            pl.BlockSpec((_D, _D), lambda i: (0, 0)),
        ],
        out_specs=pl.BlockSpec((_BN, _D), lambda i: (i, 0)),
        out_shape=jax.ShapeDtypeStruct((_A, _D), jnp.float32),
    )(sc_mean, src_node_features, W_agg, W_self)

    return jnp.concatenate([out_head, out_tail], axis=0)

# --- scband reference (transcript-rebuilt; emitter-appended) ---
"""Pipeline reference for scband-sage-gcn-75711683494055 (READ-ONLY COPY).

The authoritative reference and input builder live on the scoring server;
editing this copy changes nothing except your own understanding.
"""

import jax, jax.numpy as jnp
import numpy as np

N = 10000
DEG = 32
D_IN = 128
D_HID = 128

def setup_inputs(seed: int = 0) -> dict:
    key = jax.random.key(seed)
    k1, k2, k3, k4 = jax.random.split(key, 4)
    src_node_features = jax.random.normal(k1, (N, D_IN), dtype=jnp.float32)
    neighbor_node_features = jax.random.normal(k2, (N, DEG, D_IN), dtype=jnp.float32)
    # learned params: aggregator weight and self weight (kaiming-like scale)
    scale = float(np.sqrt(2.0 / D_IN))
    W_agg = jax.random.normal(k3, (D_IN, D_HID), dtype=jnp.float32) * scale
    W_self = jax.random.normal(k4, (D_IN, D_HID), dtype=jnp.float32) * scale
    return {
        "src_node_features": src_node_features,
        "neighbor_node_features": neighbor_node_features,
        "W_agg": W_agg,
        "W_self": W_self,
    }

def reference(src_node_features, neighbor_node_features, W_agg, W_self):
    # NeighborAggregator with aggr_method='mean': mean over neighbor axis, then linear
    aggr_neighbor = jnp.mean(neighbor_node_features, axis=1)          # [N, D_IN]
    neighbor_hidden = jnp.matmul(aggr_neighbor, W_agg)                # [N, D_HID]
    # self transform
    self_hidden = jnp.matmul(src_node_features, W_self)               # [N, D_HID]
    # aggr_hidden_method='sum'
    hidden = self_hidden + neighbor_hidden
    # activation=F.relu
    return jax.nn.relu(hidden)

if __name__ == "__main__":
    import jax
    _d = setup_inputs()
    print(jax.jit(kernel)(*tuple(_d.values())))

</pallas_src>

<mosaic_0001>
#map = affine_map<(d0, d1) -> (0, 0, 0)>
module attributes {stable_mosaic.version = 14 : i64} {
  func.func @_sc_mean_body(%arg0: i32, %arg1: i32, %arg2: memref<10000x32x128xf32, #tpu.memory_space<hbm>>, %arg3: memref<32x100x128xf32, #tpu.memory_space<hbm>>, %arg4: memref<10x32x128xf32, #tpu.memory_space<vmem>>, %arg5: memref<10x32x128xf32, #tpu.memory_space<vmem>>, %arg6: memref<100x128xf32, #tpu.memory_space<vmem>>, %arg7: memref<!tpu.dma_semaphore, #tpu.memory_space<semaphore_mem>>, %arg8: memref<!tpu.dma_semaphore, #tpu.memory_space<semaphore_mem>>) attributes {dimension_semantics = [#tpu.dimension_semantics<core_parallel>, #tpu.dimension_semantics<subcore_parallel>], iteration_bounds = array<i64: 2, 16>, scalar_prefetch = 0 : i64, scratch_operands = 5 : i64, tpu.core_type = #tpu.core_type<sc_vector_subcore>, window_params = [{transform_indices = #map}, {transform_indices = #map}]} {
    %mul3A = arith.constant 2 : i32
    %mul3A_0 = arith.muli %arg1, %mul3A : i32
    %add3A = arith.addi %mul3A_0, %arg0 : i32
    %mul3A_1 = arith.constant 100 : i32
    %mul3A_2 = arith.muli %add3A, %mul3A_1 : i32
    %add3A_3 = arith.constant 0 : i32
    %add3A_4 = arith.addi %mul3A_2, %add3A_3 : i32
    %dma_start3A = arith.constant 0 : i32
    %dma_start3A_5 = arith.constant 0 : i32
    %dma_start3A_6 = tpu.memref_slice %arg2[%add3A_4, %dma_start3A, %dma_start3A_5] : memref<10000x32x128xf32, #tpu.memory_space<hbm>> -> memref<10x32x128xf32, #tpu.memory_space<hbm>>
    %dma_start3A_7 = arith.constant 0 : i32
    %dma_start3A_8 = arith.constant 0 : i32
    %dma_start3A_9 = tpu.memref_slice %arg2[%add3A_4, %dma_start3A_7, %dma_start3A_8] : memref<10000x32x128xf32, #tpu.memory_space<hbm>> -> memref<10x32x128xf32, #tpu.memory_space<hbm>>
    tpu.enqueue_dma source(%dma_start3A_9 : memref<10x32x128xf32, #tpu.memory_space<hbm>>) target(%arg4 : memref<10x32x128xf32, #tpu.memory_space<vmem>>) target_semaphore(%arg7 : memref<!tpu.dma_semaphore, #tpu.memory_space<semaphore_mem>>)
    %add3A_10 = arith.constant 10 : i32
    %add3A_11 = arith.addi %mul3A_2, %add3A_10 : i32
    %dma_start3A_12 = arith.constant 0 : i32
    %dma_start3A_13 = arith.constant 0 : i32
    %dma_start3A_14 = tpu.memref_slice %arg2[%add3A_11, %dma_start3A_12, %dma_start3A_13] : memref<10000x32x128xf32, #tpu.memory_space<hbm>> -> memref<10x32x128xf32, #tpu.memory_space<hbm>>
    %dma_start3A_15 = arith.constant 0 : i32
    %dma_start3A_16 = arith.constant 0 : i32
    %dma_start3A_17 = tpu.memref_slice %arg2[%add3A_11, %dma_start3A_15, %dma_start3A_16] : memref<10000x32x128xf32, #tpu.memory_space<hbm>> -> memref<10x32x128xf32, #tpu.memory_space<hbm>>
    tpu.enqueue_dma source(%dma_start3A_17 : memref<10x32x128xf32, #tpu.memory_space<hbm>>) target(%arg5 : memref<10x32x128xf32, #tpu.memory_space<vmem>>) target_semaphore(%arg8 : memref<!tpu.dma_semaphore, #tpu.memory_space<semaphore_mem>>)
    %scan3A = arith.constant 0 : i32
    %scan3A_18 = arith.constant 0 : i32
    %scan3A_19 = arith.constant 5 : i32
    %scan3A_20 = arith.addi %scan3A_18, %scan3A_19 : i32
    %scan3A_21 = arith.constant 1 : i32
    scf.for %scan3A_23 = %scan3A_18 to %scan3A_20 step %scan3A_21  : i32 {
      %mul3A_24 = arith.constant 2 : i32
      %mul3A_25 = arith.muli %mul3A_24, %scan3A_23 : i32
      %dma_wait3A = arith.constant 0 : i32
      %dma_wait3A_26 = arith.constant 0 : i32
      %dma_wait3A_27 = tpu.memref_slice %arg2[%mul3A_2, %dma_wait3A, %dma_wait3A_26] : memref<10000x32x128xf32, #tpu.memory_space<hbm>> -> memref<10x32x128xf32, #tpu.memory_space<hbm>>
      %dma_wait3A_28 = arith.constant 0 : i32
      %dma_wait3A_29 = arith.constant 0 : i32
      %dma_wait3A_30 = tpu.memref_slice %arg2[%mul3A_2, %dma_wait3A_28, %dma_wait3A_29] : memref<10000x32x128xf32, #tpu.memory_space<hbm>> -> memref<10x32x128xf32, #tpu.memory_space<hbm>>
      tpu.wait_dma2 semaphore(%arg7 : memref<!tpu.dma_semaphore, #tpu.memory_space<semaphore_mem>>) src(%dma_wait3A_30 : memref<10x32x128xf32, #tpu.memory_space<hbm>>) dst(%arg4 : memref<10x32x128xf32, #tpu.memory_space<vmem>>)
      %broadcast_in_dim3A = arith.constant 0.000000e+00 : f32
      %broadcast_in_dim3A_31 = vector.broadcast %broadcast_in_dim3A : f32 to vector<16xf32>
      %broadcast_in_dim3A_32 = arith.constant 0.000000e+00 : f32
      %broadcast_in_dim3A_33 = vector.broadcast %broadcast_in_dim3A_32 : f32 to vector<16xf32>
      %broadcast_in_dim3A_34 = arith.constant 0.000000e+00 : f32
      %broadcast_in_dim3A_35 = vector.broadcast %broadcast_in_dim3A_34 : f32 to vector<16xf32>
      %broadcast_in_dim3A_36 = arith.constant 0.000000e+00 : f32
      %broadcast_in_dim3A_37 = vector.broadcast %broadcast_in_dim3A_36 : f32 to vector<16xf32>
      %broadcast_in_dim3A_38 = arith.constant 0.000000e+00 : f32
      %broadcast_in_dim3A_39 = vector.broadcast %broadcast_in_dim3A_38 : f32 to vector<16xf32>
      %broadcast_in_dim3A_40 = arith.constant 0.000000e+00 : f32
      %broadcast_in_dim3A_41 = vector.broadcast %broadcast_in_dim3A_40 : f32 to vector<16xf32>
      %broadcast_in_dim3A_42 = arith.constant 0.000000e+00 : f32
      %broadcast_in_dim3A_43 = vector.broadcast %broadcast_in_dim3A_42 : f32 to vector<16xf32>
      %broadcast_in_dim3A_44 = arith.constant 0.000000e+00 : f32
      %broadcast_in_dim3A_45 = vector.broadcast %broadcast_in_dim3A_44 : f32 to vector<16xf32>
      %scan3A_46 = arith.constant 0 : i32
      %scan3A_47 = arith.constant 32 : i32
      %scan3A_48 = arith.addi %scan3A_46, %scan3A_47 : i32
      %scan3A_49 = arith.constant 1 : i32
      %scan3A_50:8 = scf.for %scan3A_1848 = %scan3A_46 to %scan3A_48 step %scan3A_49 iter_args(%scan3A_1849 = %broadcast_in_dim3A_31, %scan3A_1850 = %broadcast_in_dim3A_33, %scan3A_1851 = %broadcast_in_dim3A_35, %scan3A_1852 = %broadcast_in_dim3A_37, %scan3A_1853 = %broadcast_in_dim3A_39, %scan3A_1854 = %broadcast_in_dim3A_41, %scan3A_1855 = %broadcast_in_dim3A_43, %scan3A_1856 = %broadcast_in_dim3A_45) -> (vector<16xf32>, vector<16xf32>, vector<16xf32>, vector<16xf32>, vector<16xf32>, vector<16xf32>, vector<16xf32>, vector<16xf32>)  : i32 {
        %get3A = arith.constant 0 : i32
        %get3A_1857 = arith.index_cast %get3A : i32 to index
        %get3A_1858 = arith.index_cast %scan3A_1848 : i32 to index
        %get3A_1859 = arith.constant 0 : index
        %get3A_1860 = tpu.vector_load %arg4[%get3A_1857, %get3A_1858, %get3A_1859] {strides = array<i32>} : memref<10x32x128xf32, #tpu.memory_space<vmem>>, vector<1x1x16xf32>,
        %get3A_1861 = vector.shape_cast %get3A_1860 : vector<1x1x16xf32> to vector<16xf32>
        %add3A_1862 = arith.addf %scan3A_1849, %get3A_1861 : vector<16xf32>
        %get3A_1863 = arith.constant 0 : i32
        %get3A_1864 = arith.index_cast %get3A_1863 : i32 to index
        %get3A_1865 = arith.index_cast %scan3A_1848 : i32 to index
        %get3A_1866 = arith.constant 16 : index
        %get3A_1867 = tpu.vector_load %arg4[%get3A_1864, %get3A_1865, %get3A_1866] {strides = array<i32>} : memref<10x32x128xf32, #tpu.memory_space<vmem>>, vector<1x1x16xf32>,
        %get3A_1868 = vector.shape_cast %get3A_1867 : vector<1x1x16xf32> to vector<16xf32>
        %add3A_1869 = arith.addf %scan3A_1850, %get3A_1868 : vector<16xf32>
        %get3A_1870 = arith.constant 0 : i32
        %get3A_1871 = arith.index_cast %get3A_1870 : i32 to index
        %get3A_1872 = arith.index_cast %scan3A_1848 : i32 to index
        %get3A_1873 = arith.constant 32 : index
        %get3A_1874 = tpu.vector_load %arg4[%get3A_1871, %get3A_1872, %get3A_1873] {strides = array<i32>} : memref<10x32x128xf32, #tpu.memory_space<vmem>>, vector<1x1x16xf32>,
        %get3A_1875 = vector.shape_cast %get3A_1874 : vector<1x1x16xf32> to vector<16xf32>
        %add3A_1876 = arith.addf %scan3A_1851, %get3A_1875 : vector<16xf32>
        %get3A_1877 = arith.constant 0 : i32
        %get3A_1878 = arith.index_cast %get3A_1877 : i32 to index
        %get3A_1879 = arith.index_cast %scan3A_1848 : i32 to index
        %get3A_1880 = arith.constant 48 : index
        %get3A_1881 = tpu.vector_load %arg4[%get3A_1878, %get3A_1879, %get3A_1880] {strides = array<i32>} : memref<10x32x128xf32, #tpu.memory_space<vmem>>, vector<1x1x16xf32>,
        %get3A_1882 = vector.shape_cast %get3A_1881 : vector<1x1x16xf32> to vector<16xf32>
        %add3A_1883 = arith.addf %scan3A_1852, %get3A_1882 : vector<16xf32>
        %get3A_1884 = arith.constant 0 : i32
        %get3A_1885 = arith.index_cast %get3A_1884 : i32 to index
        %get3A_1886 = arith.index_cast %scan3A_1848 : i32 to index
        %get3A_1887 = arith.constant 64 : index
        %get3A_1888 = tpu.vector_load %arg4[%get3A_1885, %get3A_1886, %get3A_1887] {strides = array<i32>} : memref<10x32x128xf32, #tpu.memory_space<vmem>>, vector<1x1x16xf32>,
        %get3A_1889 = vector.shape_cast %get3A_1888 : vector<1x1x16xf32> to vector<16xf32>
        %add3A_1890 = arith.addf %scan3A_1853, %get3A_1889 : vector<16xf32>
        %get3A_1891 = arith.constant 0 : i32
        %get3A_1892 = arith.index_cast %get3A_1891 : i32 to index
        %get3A_1893 = arith.index_cast %scan3A_1848 : i32 to index
        %get3A_1894 = arith.constant 80 : index
        %get3A_1895 = tpu.vector_load %arg4[%get3A_1892, %get3A_1893, %get3A_1894] {strides = array<i32>} : memref<10x32x128xf32, #tpu.memory_space<vmem>>, vector<1x1x16xf32>,
        %get3A_1896 = vector.shape_cast %get3A_1895 : vector<1x1x16xf32> to vector<16xf32>
        %add3A_1897 = arith.addf %scan3A_1854, %get3A_1896 : vector<16xf32>
        %get3A_1898 = arith.constant 0 : i32
        %get3A_1899 = arith.index_cast %get3A_1898 : i32 to index
        %get3A_1900 = arith.index_cast %scan3A_1848 : i32 to index
        %get3A_1901 = arith.constant 96 : index
        %get3A_1902 = tpu.vector_load %arg4[%get3A_1899, %get3A_1900, %get3A_1901] {strides = array<i32>} : memref<10x32x128xf32, #tpu.memory_space<vmem>>, vector<1x1x16xf32>,
        %get3A_1903 = vector.shape_cast %get3A_1902 : vector<1x1x16xf32> to vector<16xf32>
        %add3A_1904 = arith.addf %scan3A_1855, %get3A_1903 : vector<16xf32>
        %get3A_1905 = arith.constant 0 : i32
        %get3A_1906 = arith.index_cast %get3A_1905 : i32 to index
        %get3A_1907 = arith.index_cast %scan3A_1848 : i32 to index
        %get3A_1908 = arith.constant 112 : index
        %get3A_1909 = tpu.vector_load %arg4[%get3A_1906, %get3A_1907, %get3A_1908] {strides = array<i32>} : memref<10x32x128xf32, #tpu.memory_space<vmem>>, vector<1x1x16xf32>,
        %get3A_1910 = vector.shape_cast %get3A_1909 : vector<1x1x16xf32> to vector<16xf32>
        %add3A_1911 = arith.addf %scan3A_1856, %get3A_1910 : vector<16xf32>
        scf.yield %add3A_1862, %add3A_1869, %add3A_1876, %add3A_1883, %add3A_1890, %add3A_1897, %add3A_1904, %add3A_1911 : vector<16xf32>, vector<16xf32>, vector<16xf32>, vector<16xf32>, vector<16xf32>, vector<16xf32>, vector<16xf32>, vector<16xf32>
      }
      %scan3A_51 = arith.constant 32 : i32
      %mul3A_52 = arith.constant 10 : i32
      %mul3A_53 = arith.muli %mul3A_25, %mul3A_52 : i32
      %add3A_54 = arith.constant 0 : i32
      %add3A_55 = arith.addi %mul3A_53, %add3A_54 : i32
      %mul3A_56 = arith.constant 3.125000e-02 : f32
      %mul3A_57 = vector.broadcast %mul3A_56 : f32 to vector<16xf32>
      %mul3A_58 = arith.mulf %scan3A_50#0, %mul3A_57 : vector<16xf32>
      %swap3A = arith.index_cast %add3A_55 : i32 to index
      %swap3A_59 = arith.constant 0 : index
      %swap3A_60 = tpu.vector_load %arg6[%swap3A, %swap3A_59] {strides = array<i32>} : memref<100x128xf32, #tpu.memory_space<vmem>>, vector<1x16xf32>,
      %swap3A_61 = vector.shape_cast %swap3A_60 : vector<1x16xf32> to vector<16xf32>
      %swap3A_62 = vector.shape_cast %mul3A_58 : vector<16xf32> to vector<1x16xf32>
      tpu.vector_store %arg6[%swap3A, %swap3A_59], %swap3A_62 {strides = array<i32>} : memref<100x128xf32, #tpu.memory_space<vmem>>, vector<1x16xf32>,
      %mul3A_63 = arith.constant 3.125000e-02 : f32
      %mul3A_64 = vector.broadcast %mul3A_63 : f32 to vector<16xf32>
      %mul3A_65 = arith.mulf %scan3A_50#1, %mul3A_64 : vector<16xf32>
      %swap3A_66 = arith.index_cast %add3A_55 : i32 to index
      %swap3A_67 = arith.constant 16 : index
      %swap3A_68 = tpu.vector_load %arg6[%swap3A_66, %swap3A_67] {strides = array<i32>} : memref<100x128xf32, #tpu.memory_space<vmem>>, vector<1x16xf32>,
      %swap3A_69 = vector.shape_cast %swap3A_68 : vector<1x16xf32> to vector<16xf32>
      %swap3A_70 = vector.shape_cast %mul3A_65 : vector<16xf32> to vector<1x16xf32>
      tpu.vector_store %arg6[%swap3A_66, %swap3A_67], %swap3A_70 {strides = array<i32>} : memref<100x128xf32, #tpu.memory_space<vmem>>, vector<1x16xf32>,
      %mul3A_71 = arith.constant 3.125000e-02 : f32
      %mul3A_72 = vector.broadcast %mul3A_71 : f32 to vector<16xf32>
      %mul3A_73 = arith.mulf %scan3A_50#2, %mul3A_72 : vector<16xf32>
      %swap3A_74 = arith.index_cast %add3A_55 : i32 to index
      %swap3A_75 = arith.constant 32 : index
      %swap3A_76 = tpu.vector_load %arg6[%swap3A_74, %swap3A_75] {strides = array<i32>} : memref<100x128xf32, #tpu.memory_space<vmem>>, vector<1x16xf32>,
      %swap3A_77 = vector.shape_cast %swap3A_76 : vector<1x16xf32> to vector<16xf32>
      %swap3A_78 = vector.shape_cast %mul3A_73 : vector<16xf32> to vector<1x16xf32>
      tpu.vector_store %arg6[%swap3A_74, %swap3A_75], %swap3A_78 {strides = array<i32>} : memref<100x128xf32, #tpu.memory_space<vmem>>, vector<1x16xf32>,
      %mul3A_79 = arith.constant 3.125000e-02 : f32
      %mul3A_80 = vector.broadcast %mul3A_79 : f32 to vector<16xf32>
      %mul3A_81 = arith.mulf %scan3A_50#3, %mul3A_80 : vector<16xf32>
      %swap3A_82 = arith.index_cast %add3A_55 : i32 to index
      %swap3A_83 = arith.constant 48 : index
      %swap3A_84 = tpu.vector_load %arg6[%swap3A_82, %swap3A_83] {strides = array<i32>} : memref<100x128xf32, #tpu.memory_space<vmem>>, vector<1x16xf32>,
      %swap3A_85 = vector.shape_cast %swap3A_84 : vector<1x16xf32> to vector<16xf32>
      %swap3A_86 = vector.shape_cast %mul3A_81 : vector<16xf32> to vector<1x16xf32>
      tpu.vector_store %arg6[%swap3A_82, %swap3A_83], %swap3A_86 {strides = array<i32>} : memref<100x128xf32, #tpu.memory_space<vmem>>, vector<1x16xf32>,
      %mul3A_87 = arith.constant 3.125000e-02 : f32
      %mul3A_88 = vector.broadcast %mul3A_87 : f32 to vector<16xf32>
      %mul3A_89 = arith.mulf %scan3A_50#4, %mul3A_88 : vector<16xf32>
      %swap3A_90 = arith.index_cast %add3A_55 : i32 to index
      %swap3A_91 = arith.constant 64 : index
      %swap3A_92 = tpu.vector_load %arg6[%swap3A_90, %swap3A_91] {strides = array<i32>} : memref<100x128xf32, #tpu.memory_space<vmem>>, vector<1x16xf32>,
      %swap3A_93 = vector.shape_cast %swap3A_92 : vector<1x16xf32> to vector<16xf32>
      %swap3A_94 = vector.shape_cast %mul3A_89 : vector<16xf32> to vector<1x16xf32>
      tpu.vector_store %arg6[%swap3A_90, %swap3A_91], %swap3A_94 {strides = array<i32>} : memref<100x128xf32, #tpu.memory_space<vmem>>, vector<1x16xf32>,
      %mul3A_95 = arith.constant 3.125000e-02 : f32
      %mul3A_96 = vector.broadcast %mul3A_95 : f32 to vector<16xf32>
      %mul3A_97 = arith.mulf %scan3A_50#5, %mul3A_96 : vector<16xf32>
      %swap3A_98 = arith.index_cast %add3A_55 : i32 to index
      %swap3A_99 = arith.constant 80 : index
      %swap3A_100 = tpu.vector_load %arg6[%swap3A_98, %swap3A_99] {strides = array<i32>} : memref<100x128xf32, #tpu.memory_space<vmem>>, vector<1x16xf32>,
      %swap3A_101 = vector.shape_cast %swap3A_100 : vector<1x16xf32> to vector<16xf32>
      %swap3A_102 = vector.shape_cast %mul3A_97 : vector<16xf32> to vector<1x16xf32>
      tpu.vector_store %arg6[%swap3A_98, %swap3A_99], %swap3A_102 {strides = array<i32>} : memref<100x128xf32, #tpu.memory_space<vmem>>, vector<1x16xf32>,
      %mul3A_103 = arith.constant 3.125000e-02 : f32
      %mul3A_104 = vector.broadcast %mul3A_103 : f32 to vector<16xf32>
      %mul3A_105 = arith.mulf %scan3A_50#6, %mul3A_104 : vector<16xf32>
      %swap3A_106 = arith.index_cast %add3A_55 : i32 to index
      %swap3A_107 = arith.constant 96 : index
      %swap3A_108 = tpu.vector_load %arg6[%swap3A_106, %swap3A_107] {strides = array<i32>} : memref<100x128xf32, #tpu.memory_space<vmem>>, vector<1x16xf32>,
      %swap3A_109 = vector.shape_cast %swap3A_108 : vector<1x16xf32> to vector<16xf32>
      %swap3A_110 = vector.shape_cast %mul3A_105 : vector<16xf32> to vector<1x16xf32>
      tpu.vector_store %arg6[%swap3A_106, %swap3A_107], %swap3A_110 {strides = array<i32>} : memref<100x128xf32, #tpu.memory_space<vmem>>, vector<1x16xf32>,
      %mul3A_111 = arith.constant 3.125000e-02 : f32
      %mul3A_112 = vector.broadcast %mul3A_111 : f32 to vector<16xf32>
      %mul3A_113 = arith.mulf %scan3A_50#7, %mul3A_112 : vector<16xf32>
      %swap3A_114 = arith.index_cast %add3A_55 : i32 to index
      %swap3A_115 = arith.constant 112 : index
      %swap3A_116 = tpu.vector_load %arg6[%swap3A_114, %swap3A_115] {strides = array<i32>} : memref<100x128xf32, #tpu.memory_space<vmem>>, vector<1x16xf32>,
      %swap3A_117 = vector.shape_cast %swap3A_116 : vector<1x16xf32> to vector<16xf32>
      %swap3A_118 = vector.shape_cast %mul3A_113 : vector<16xf32> to vector<1x16xf32>
      tpu.vector_store %arg6[%swap3A_114, %swap3A_115], %swap3A_118 {strides = array<i32>} : memref<100x128xf32, #tpu.memory_space<vmem>>, vector<1x16xf32>,
      %broadcast_in_dim3A_119 = arith.constant 0.000000e+00 : f32
      %broadcast_in_dim3A_120 = vector.broadcast %broadcast_in_dim3A_119 : f32 to vector<16xf32>
      %broadcast_in_dim3A_121 = arith.constant 0.000000e+00 : f32
      %broadcast_in_dim3A_122 = vector.broadcast %broadcast_in_dim3A_121 : f32 to vector<16xf32>
      %broadcast_in_dim3A_123 = arith.constant 0.000000e+00 : f32
      %broadcast_in_dim3A_124 = vector.broadcast %broadcast_in_dim3A_123 : f32 to vector<16xf32>
      %broadcast_in_dim3A_125 = arith.constant 0.000000e+00 : f32
      %broadcast_in_dim3A_126 = vector.broadcast %broadcast_in_dim3A_125 : f32 to vector<16xf32>
      %broadcast_in_dim3A_127 = arith.constant 0.000000e+00 : f32
      %broadcast_in_dim3A_128 = vector.broadcast %broadcast_in_dim3A_127 : f32 to vector<16xf32>
      %broadcast_in_dim3A_129 = arith.constant 0.000000e+00 : f32
      %broadcast_in_dim3A_130 = vector.broadcast %broadcast_in_dim3A_129 : f32 to vector<16xf32>
      %broadcast_in_dim3A_131 = arith.constant 0.000000e+00 : f32
      %broadcast_in_dim3A_132 = vector.broadcast %broadcast_in_dim3A_131 : f32 to vector<16xf32>
      %broadcast_in_dim3A_133 = arith.constant 0.000000e+00 : f32
      %broadcast_in_dim3A_134 = vector.broadcast %broadcast_in_dim3A_133 : f32 to vector<16xf32>
      %scan3A_135 = arith.constant 0 : i32
      %scan3A_136 = arith.constant 32 : i32
      %scan3A_137 = arith.addi %scan3A_135, %scan3A_136 : i32
      %scan3A_138 = arith.constant 1 : i32
      %scan3A_139:8 = scf.for %scan3A_1848 = %scan3A_135 to %scan3A_137 step %scan3A_138 iter_args(%scan3A_1849 = %broadcast_in_dim3A_120, %scan3A_1850 = %broadcast_in_dim3A_122, %scan3A_1851 = %broadcast_in_dim3A_124, %scan3A_1852 = %broadcast_in_dim3A_126, %scan3A_1853 = %broadcast_in_dim3A_128, %scan3A_1854 = %broadcast_in_dim3A_130, %scan3A_1855 = %broadcast_in_dim3A_132, %scan3A_1856 = %broadcast_in_dim3A_134) -> (vector<16xf32>, vector<16xf32>, vector<16xf32>, vector<16xf32>, vector<16xf32>, vector<16xf32>, vector<16xf32>, vector<16xf32>)  : i32 {
        %get3A = arith.constant 1 : i32
        %get3A_1857 = arith.index_cast %get3A : i32 to index
        %get3A_1858 = arith.index_cast %scan3A_1848 : i32 to index
        %get3A_1859 = arith.constant 0 : index
        %get3A_1860 = tpu.vector_load %arg4[%get3A_1857, %get3A_1858, %get3A_1859] {strides = array<i32>} : memref<10x32x128xf32, #tpu.memory_space<vmem>>, vector<1x1x16xf32>,
        %get3A_1861 = vector.shape_cast %get3A_1860 : vector<1x1x16xf32> to vector<16xf32>
        %add3A_1862 = arith.addf %scan3A_1849, %get3A_1861 : vector<16xf32>
        %get3A_1863 = arith.constant 1 : i32
        %get3A_1864 = arith.index_cast %get3A_1863 : i32 to index
        %get3A_1865 = arith.index_cast %scan3A_1848 : i32 to index
        %get3A_1866 = arith.constant 16 : index
        %get3A_1867 = tpu.vector_load %arg4[%get3A_1864, %get3A_1865, %get3A_1866] {strides = array<i32>} : memref<10x32x128xf32, #tpu.memory_space<vmem>>, vector<1x1x16xf32>,
        %get3A_1868 = vector.shape_cast %get3A_1867 : vector<1x1x16xf32> to vector<16xf32>
        %add3A_1869 = arith.addf %scan3A_1850, %get3A_1868 : vector<16xf32>
        %get3A_1870 = arith.constant 1 : i32
        %get3A_1871 = arith.index_cast %get3A_1870 : i32 to index
        %get3A_1872 = arith.index_cast %scan3A_1848 : i32 to index
        %get3A_1873 = arith.constant 32 : index
        %get3A_1874 = tpu.vector_load %arg4[%get3A_1871, %get3A_1872, %get3A_1873] {strides = array<i32>} : memref<10x32x128xf32, #tpu.memory_space<vmem>>, vector<1x1x16xf32>,
        %get3A_1875 = vector.shape_cast %get3A_1874 : vector<1x1x16xf32> to vector<16xf32>
        %add3A_1876 = arith.addf %scan3A_1851, %get3A_1875 : vector<16xf32>
        %get3A_1877 = arith.constant 1 : i32
        %get3A_1878 = arith.index_cast %get3A_1877 : i32 to index
        %get3A_1879 = arith.index_cast %scan3A_1848 : i32 to index
        %get3A_1880 = arith.constant 48 : index
        %get3A_1881 = tpu.vector_load %arg4[%get3A_1878, %get3A_1879, %get3A_1880] {strides = array<i32>} : memref<10x32x128xf32, #tpu.memory_space<vmem>>, vector<1x1x16xf32>,
        %get3A_1882 = vector.shape_cast %get3A_1881 : vector<1x1x16xf32> to vector<16xf32>
        %add3A_1883 = arith.addf %scan3A_1852, %get3A_1882 : vector<16xf32>
        %get3A_1884 = arith.constant 1 : i32
        %get3A_1885 = arith.index_cast %get3A_1884 : i32 to index
        %get3A_1886 = arith.index_cast %scan3A_1848 : i32 to index
        %get3A_1887 = arith.constant 64 : index
        %get3A_1888 = tpu.vector_load %arg4[%get3A_1885, %get3A_1886, %get3A_1887] {strides = array<i32>} : memref<10x32x128xf32, #tpu.memory_space<vmem>>, vector<1x1x16xf32>,
        %get3A_1889 = vector.shape_cast %get3A_1888 : vector<1x1x16xf32> to vector<16xf32>
        %add3A_1890 = arith.addf %scan3A_1853, %get3A_1889 : vector<16xf32>
        %get3A_1891 = arith.constant 1 : i32
        %get3A_1892 = arith.index_cast %get3A_1891 : i32 to index
        %get3A_1893 = arith.index_cast %scan3A_1848 : i32 to index
        %get3A_1894 = arith.constant 80 : index
        %get3A_1895 = tpu.vector_load %arg4[%get3A_1892, %get3A_1893, %get3A_1894] {strides = array<i32>} : memref<10x32x128xf32, #tpu.memory_space<vmem>>, vector<1x1x16xf32>,
        %get3A_1896 = vector.shape_cast %get3A_1895 : vector<1x1x16xf32> to vector<16xf32>
        %add3A_1897 = arith.addf %scan3A_1854, %get3A_1896 : vector<16xf32>
        %get3A_1898 = arith.constant 1 : i32
        %get3A_1899 = arith.index_cast %get3A_1898 : i32 to index
        %get3A_1900 = arith.index_cast %scan3A_1848 : i32 to index
        %get3A_1901 = arith.constant 96 : index
        %get3A_1902 = tpu.vector_load %arg4[%get3A_1899, %get3A_1900, %get3A_1901] {strides = array<i32>} : memref<10x32x128xf32, #tpu.memory_space<vmem>>, vector<1x1x16xf32>,
        %get3A_1903 = vector.shape_cast %get3A_1902 : vector<1x1x16xf32> to vector<16xf32>
        %add3A_1904 = arith.addf %scan3A_1855, %get3A_1903 : vector<16xf32>
        %get3A_1905 = arith.constant 1 : i32
        %get3A_1906 = arith.index_cast %get3A_1905 : i32 to index
        %get3A_1907 = arith.index_cast %scan3A_1848 : i32 to index
        %get3A_1908 = arith.constant 112 : index
        %get3A_1909 = tpu.vector_load %arg4[%get3A_1906, %get3A_1907, %get3A_1908] {strides = array<i32>} : memref<10x32x128xf32, #tpu.memory_space<vmem>>, vector<1x1x16xf32>,
        %get3A_1910 = vector.shape_cast %get3A_1909 : vector<1x1x16xf32> to vector<16xf32>
        %add3A_1911 = arith.addf %scan3A_1856, %get3A_1910 : vector<16xf32>
        scf.yield %add3A_1862, %add3A_1869, %add3A_1876, %add3A_1883, %add3A_1890, %add3A_1897, %add3A_1904, %add3A_1911 : vector<16xf32>, vector<16xf32>, vector<16xf32>, vector<16xf32>, vector<16xf32>, vector<16xf32>, vector<16xf32>, vector<16xf32>
      }
      %scan3A_140 = arith.constant 32 : i32
      %mul3A_141 = arith.constant 10 : i32
      %mul3A_142 = arith.muli %mul3A_25, %mul3A_141 : i32
      %add3A_143 = arith.constant 1 : i32
      %add3A_144 = arith.addi %mul3A_142, %add3A_143 : i32
      %mul3A_145 = arith.constant 3.125000e-02 : f32
      %mul3A_146 = vector.broadcast %mul3A_145 : f32 to vector<16xf32>
      %mul3A_147 = arith.mulf %scan3A_139#0, %mul3A_146 : vector<16xf32>
      %swap3A_148 = arith.index_cast %add3A_144 : i32 to index
      %swap3A_149 = arith.constant 0 : index
      %swap3A_150 = tpu.vector_load %arg6[%swap3A_148, %swap3A_149] {strides = array<i32>} : memref<100x128xf32, #tpu.memory_space<vmem>>, vector<1x16xf32>,
      %swap3A_151 = vector.shape_cast %swap3A_150 : vector<1x16xf32> to vector<16xf32>
      %swap3A_152 = vector.shape_cast %mul3A_147 : vector<16xf32> to vector<1x16xf32>
      tpu.vector_store %arg6[%swap3A_148, %swap3A_149], %swap3A_152 {strides = array<i32>} : memref<100x128xf32, #tpu.memory_space<vmem>>, vector<1x16xf32>,
      %mul3A_153 = arith.constant 3.125000e-02 : f32
      %mul3A_154 = vector.broadcast %mul3A_153 : f32 to vector<16xf32>
      %mul3A_155 = arith.mulf %scan3A_139#1, %mul3A_154 : vector<16xf32>
      %swap3A_156 = arith.index_cast %add3A_144 : i32 to index
      %swap3A_157 = arith.constant 16 : index
      %swap3A_158 = tpu.vector_load %arg6[%swap3A_156, %swap3A_157] {strides = array<i32>} : memref<100x128xf32, #tpu.memory_space<vmem>>, vector<1x16xf32>,
      %swap3A_159 = vector.shape_cast %swap3A_158 : vector<1x16xf32> to vector<16xf32>
      %swap3A_160 = vector.shape_cast %mul3A_155 : vector<16xf32> to vector<1x16xf32>
      tpu.vector_store %arg6[%swap3A_156, %swap3A_157], %swap3A_160 {strides = array<i32>} : memref<100x128xf32, #tpu.memory_space<vmem>>, vector<1x16xf32>,
      %mul3A_161 = arith.constant 3.125000e-02 : f32
      %mul3A_162 = vector.broadcast %mul3A_161 : f32 to vector<16xf32>
      %mul3A_163 = arith.mulf %scan3A_139#2, %mul3A_162 : vector<16xf32>
      %swap3A_164 = arith.index_cast %add3A_144 : i32 to index
      %swap3A_165 = arith.constant 32 : index
      %swap3A_166 = tpu.vector_load %arg6[%swap3A_164, %swap3A_165] {strides = array<i32>} : memref<100x128xf32, #tpu.memory_space<vmem>>, vector<1x16xf32>,
      %swap3A_167 = vector.shape_cast %swap3A_166 : vector<1x16xf32> to vector<16xf32>
      %swap3A_168 = vector.shape_cast %mul3A_163 : vector<16xf32> to vector<1x16xf32>
      tpu.vector_store %arg6[%swap3A_164, %swap3A_165], %swap3A_168 {strides = array<i32>} : memref<100x128xf32, #tpu.memory_space<vmem>>, vector<1x16xf32>,
      %mul3A_169 = arith.constant 3.125000e-02 : f32
      %mul3A_170 = vector.broadcast %mul3A_169 : f32 to vector<16xf32>
      %mul3A_171 = arith.mulf %scan3A_139#3, %mul3A_170 : vector<16xf32>
      %swap3A_172 = arith.index_cast %add3A_144 : i32 to index
      %swap3A_173 = arith.constant 48 : index
      %swap3A_174 = tpu.vector_load %arg6[%swap3A_172, %swap3A_173] {strides = array<i32>} : memref<100x128xf32, #tpu.memory_space<vmem>>, vector<1x16xf32>,
      %swap3A_175 = vector.shape_cast %swap3A_174 : vector<1x16xf32> to vector<16xf32>
      %swap3A_176 = vector.shape_cast %mul3A_171 : vector<16xf32> to vector<1x16xf32>
      tpu.vector_store %arg6[%swap3A_172, %swap3A_173], %swap3A_176 {strides = array<i32>} : memref<100x128xf32, #tpu.memory_space<vmem>>, vector<1x16xf32>,
      %mul3A_177 = arith.constant 3.125000e-02 : f32
      %mul3A_178 = vector.broadcast %mul3A_177 : f32 to vector<16xf32>
      %mul3A_179 = arith.mulf %scan3A_139#4, %mul3A_178 : vector<16xf32>
      %swap3A_180 = arith.index_cast %add3A_144 : i32 to index
      %swap3A_181 = arith.constant 64 : index
      %swap3A_182 = tpu.vector_load %arg6[%swap3A_180, %swap3A_181] {strides = array<i32>} : memref<100x128xf32, #tpu.memory_space<vmem>>, vector<1x16xf32>,
      %swap3A_183 = vector.shape_cast %swap3A_182 : vector<1x16xf32> to vector<16xf32>
      %swap3A_184 = vector.shape_cast %mul3A_179 : vector<16xf32> to vector<1x16xf32>
      tpu.vector_store %arg6[%swap3A_180, %swap3A_181], %swap3A_184 {strides = array<i32>} : memref<100x128xf32, #tpu.memory_space<vmem>>, vector<1x16xf32>,
      %mul3A_185 = arith.constant 3.125000e-02 : f32
      %mul3A_186 = vector.broadcast %mul3A_185 : f32 to vector<16xf32>
      %mul3A_187 = arith.mulf %scan3A_139#5, %mul3A_186 : vector<16xf32>
      %swap3A_188 = arith.index_cast %add3A_144 : i32 to index
      %swap3A_189 = arith.constant 80 : index
      %swap3A_190 = tpu.vector_load %arg6[%swap3A_188, %swap3A_189] {strides = array<i32>} : memref<100x128xf32, #tpu.memory_space<vmem>>, vector<1x16xf32>,
      %swap3A_191 = vector.shape_cast %swap3A_190 : vector<1x16xf32> to vector<16xf32>
      %swap3A_192 = vector.shape_cast %mul3A_187 : vector<16xf32> to vector<1x16xf32>
      tpu.vector_store %arg6[%swap3A_188, %swap3A_189], %swap3A_192 {strides = array<i32>} : memref<100x128xf32, #tpu.memory_space<vmem>>, vector<1x16xf32>,
      %mul3A_193 = arith.constant 3.125000e-02 : f32
      %mul3A_194 = vector.broadcast %mul3A_193 : f32 to vector<16xf32>
      %mul3A_195 = arith.mulf %scan3A_139#6, %mul3A_194 : vector<16xf32>
      %swap3A_196 = arith.index_cast %add3A_144 : i32 to index
      %swap3A_197 = arith.constant 96 : index
      %swap3A_198 = tpu.vector_load %arg6[%swap3A_196, %swap3A_197] {strides = array<i32>} : memref<100x128xf32, #tpu.memory_space<vmem>>, vector<1x16xf32>,
      %swap3A_199 = vector.shape_cast %swap3A_198 : vector<1x16xf32> to vector<16xf32>
      %swap3A_200 = vector.shape_cast %mul3A_195 : vector<16xf32> to vector<1x16xf32>
      tpu.vector_store %arg6[%swap3A_196, %swap3A_197], %swap3A_200 {strides = array<i32>} : memref<100x128xf32, #tpu.memory_space<vmem>>, vector<1x16xf32>,
      %mul3A_201 = arith.constant 3.125000e-02 : f32
      %mul3A_202 = vector.broadcast %mul3A_201 : f32 to vector<16xf32>
      %mul3A_203 = arith.mulf %scan3A_139#7, %mul3A_202 : vector<16xf32>
      %swap3A_204 = arith.index_cast %add3A_144 : i32 to index
      %swap3A_205 = arith.constant 112 : index
      %swap3A_206 = tpu.vector_load %arg6[%swap3A_204, %swap3A_205] {strides = array<i32>} : memref<100x128xf32, #tpu.memory_space<vmem>>, vector<1x16xf32>,
      %swap3A_207 = vector.shape_cast %swap3A_206 : vector<1x16xf32> to vector<16xf32>
      %swap3A_208 = vector.shape_cast %mul3A_203 : vector<16xf32> to vector<1x16xf32>
      tpu.vector_store %arg6[%swap3A_204, %swap3A_205], %swap3A_208 {strides = array<i32>} : memref<100x128xf32, #tpu.memory_space<vmem>>, vector<1x16xf32>,
      %broadcast_in_dim3A_209 = arith.constant 0.000000e+00 : f32
      %broadcast_in_dim3A_210 = vector.broadcast %broadcast_in_dim3A_209 : f32 to vector<16xf32>
      %broadcast_in_dim3A_211 = arith.constant 0.000000e+00 : f32
      %broadcast_in_dim3A_212 = vector.broadcast %broadcast_in_dim3A_211 : f32 to vector<16xf32>
      %broadcast_in_dim3A_213 = arith.constant 0.000000e+00 : f32
      %broadcast_in_dim3A_214 = vector.broadcast %broadcast_in_dim3A_213 : f32 to vector<16xf32>
      %broadcast_in_dim3A_215 = arith.constant 0.000000e+00 : f32
      %broadcast_in_dim3A_216 = vector.broadcast %broadcast_in_dim3A_215 : f32 to vector<16xf32>
      %broadcast_in_dim3A_217 = arith.constant 0.000000e+00 : f32
      %broadcast_in_dim3A_218 = vector.broadcast %broadcast_in_dim3A_217 : f32 to vector<16xf32>
      %broadcast_in_dim3A_219 = arith.constant 0.000000e+00 : f32
      %broadcast_in_dim3A_220 = vector.broadcast %broadcast_in_dim3A_219 : f32 to vector<16xf32>
      %broadcast_in_dim3A_221 = arith.constant 0.000000e+00 : f32
      %broadcast_in_dim3A_222 = vector.broadcast %broadcast_in_dim3A_221 : f32 to vector<16xf32>
      %broadcast_in_dim3A_223 = arith.constant 0.000000e+00 : f32
      %broadcast_in_dim3A_224 = vector.broadcast %broadcast_in_dim3A_223 : f32 to vector<16xf32>
      %scan3A_225 = arith.constant 0 : i32
      %scan3A_226 = arith.constant 32 : i32
      %scan3A_227 = arith.addi %scan3A_225, %scan3A_226 : i32
      %scan3A_228 = arith.constant 1 : i32
      %scan3A_229:8 = scf.for %scan3A_1848 = %scan3A_225 to %scan3A_227 step %scan3A_228 iter_args(%scan3A_1849 = %broadcast_in_dim3A_210, %scan3A_1850 = %broadcast_in_dim3A_212, %scan3A_1851 = %broadcast_in_dim3A_214, %scan3A_1852 = %broadcast_in_dim3A_216, %scan3A_1853 = %broadcast_in_dim3A_218, %scan3A_1854 = %broadcast_in_dim3A_220, %scan3A_1855 = %broadcast_in_dim3A_222, %scan3A_1856 = %broadcast_in_dim3A_224) -> (vector<16xf32>, vector<16xf32>, vector<16xf32>, vector<16xf32>, vector<16xf32>, vector<16xf32>, vector<16xf32>, vector<16xf32>)  : i32 {
        %get3A = arith.constant 2 : i32
        %get3A_1857 = arith.index_cast %get3A : i32 to index
        %get3A_1858 = arith.index_cast %scan3A_1848 : i32 to index
        %get3A_1859 = arith.constant 0 : index
        %get3A_1860 = tpu.vector_load %arg4[%get3A_1857, %get3A_1858, %get3A_1859] {strides = array<i32>} : memref<10x32x128xf32, #tpu.memory_space<vmem>>, vector<1x1x16xf32>,
        %get3A_1861 = vector.shape_cast %get3A_1860 : vector<1x1x16xf32> to vector<16xf32>
        %add3A_1862 = arith.addf %scan3A_1849, %get3A_1861 : vector<16xf32>
        %get3A_1863 = arith.constant 2 : i32
        %get3A_1864 = arith.index_cast %get3A_1863 : i32 to index
        %get3A_1865 = arith.index_cast %scan3A_1848 : i32 to index
        %get3A_1866 = arith.constant 16 : index
        %get3A_1867 = tpu.vector_load %arg4[%get3A_1864, %get3A_1865, %get3A_1866] {strides = array<i32>} : memref<10x32x128xf32, #tpu.memory_space<vmem>>, vector<1x1x16xf32>,
        %get3A_1868 = vector.shape_cast %get3A_1867 : vector<1x1x16xf32> to vector<16xf32>
        %add3A_1869 = arith.addf %scan3A_1850, %get3A_1868 : vector<16xf32>
        %get3A_1870 = arith.constant 2 : i32
        %get3A_1871 = arith.index_cast %get3A_1870 : i32 to index
        %get3A_1872 = arith.index_cast %scan3A_1848 : i32 to index
        %get3A_1873 = arith.constant 32 : index
        %get3A_1874 = tpu.vector_load %arg4[%get3A_1871, %get3A_1872, %get3A_1873] {strides = array<i32>} : memref<10x32x128xf32, #tpu.memory_space<vmem>>, vector<1x1x16xf32>,
        %get3A_1875 = vector.shape_cast %get3A_1874 : vector<1x1x16xf32> to vector<16xf32>
        %add3A_1876 = arith.addf %scan3A_1851, %get3A_1875 : vector<16xf32>
        %get3A_1877 = arith.constant 2 : i32
        %get3A_1878 = arith.index_cast %get3A_1877 : i32 to index
        %get3A_1879 = arith.index_cast %scan3A_1848 : i32 to index
        %get3A_1880 = arith.constant 48 : index
        %get3A_1881 = tpu.vector_load %arg4[%get3A_1878, %get3A_1879, %get3A_1880] {strides = array<i32>} : memref<10x32x128xf32, #tpu.memory_space<vmem>>, vector<1x1x16xf32>,
        %get3A_1882 = vector.shape_cast %get3A_1881 : vector<1x1x16xf32> to vector<16xf32>
        %add3A_1883 = arith.addf %scan3A_1852, %get3A_1882 : vector<16xf32>
        %get3A_1884 = arith.constant 2 : i32
        %get3A_1885 = arith.index_cast %get3A_1884 : i32 to index
        %get3A_1886 = arith.index_cast %scan3A_1848 : i32 to index
        %get3A_1887 = arith.constant 64 : index
        %get3A_1888 = tpu.vector_load %arg4[%get3A_1885, %get3A_1886, %get3A_1887] {strides = array<i32>} : memref<10x32x128xf32, #tpu.memory_space<vmem>>, vector<1x1x16xf32>,
        %get3A_1889 = vector.shape_cast %get3A_1888 : vector<1x1x16xf32> to vector<16xf32>
        %add3A_1890 = arith.addf %scan3A_1853, %get3A_1889 : vector<16xf32>
        %get3A_1891 = arith.constant 2 : i32
        %get3A_1892 = arith.index_cast %get3A_1891 : i32 to index
        %get3A_1893 = arith.index_cast %scan3A_1848 : i32 to index
        %get3A_1894 = arith.constant 80 : index
        %get3A_1895 = tpu.vector_load %arg4[%get3A_1892, %get3A_1893, %get3A_1894] {strides = array<i32>} : memref<10x32x128xf32, #tpu.memory_space<vmem>>, vector<1x1x16xf32>,
        %get3A_1896 = vector.shape_cast %get3A_1895 : vector<1x1x16xf32> to vector<16xf32>
        %add3A_1897 = arith.addf %scan3A_1854, %get3A_1896 : vector<16xf32>
        %get3A_1898 = arith.constant 2 : i32
        %get3A_1899 = arith.index_cast %get3A_1898 : i32 to index
        %get3A_1900 = arith.index_cast %scan3A_1848 : i32 to index
        %get3A_1901 = arith.constant 96 : index
        %get3A_1902 = tpu.vector_load %arg4[%get3A_1899, %get3A_1900, %get3A_1901] {strides = array<i32>} : memref<10x32x128xf32, #tpu.memory_space<vmem>>, vector<1x1x16xf32>,
        %get3A_1903 = vector.shape_cast %get3A_1902 : vector<1x1x16xf32> to vector<16xf32>
        %add3A_1904 = arith.addf %scan3A_1855, %get3A_1903 : vector<16xf32>
        %get3A_1905 = arith.constant 2 : i32
        %get3A_1906 = arith.index_cast %get3A_1905 : i32 to index
        %get3A_1907 = arith.index_cast %scan3A_1848 : i32 to index
        %get3A_1908 = arith.constant 112 : index
        %get3A_1909 = tpu.vector_load %arg4[%get3A_1906, %get3A_1907, %get3A_1908] {strides = array<i32>} : memref<10x32x128xf32, #tpu.memory_space<vmem>>, vector<1x1x16xf32>,
        %get3A_1910 = vector.shape_cast %get3A_1909 : vector<1x1x16xf32> to vector<16xf32>
        %add3A_1911 = arith.addf %scan3A_1856, %get3A_1910 : vector<16xf32>
        scf.yield %add3A_1862, %add3A_1869, %add3A_1876, %add3A_1883, %add3A_1890, %add3A_1897, %add3A_1904, %add3A_1911 : vector<16xf32>, vector<16xf32>, vector<16xf32>, vector<16xf32>, vector<16xf32>, vector<16xf32>, vector<16xf32>, vector<16xf32>
      }
      %scan3A_230 = arith.constant 32 : i32
      %mul3A_231 = arith.constant 10 : i32
      %mul3A_232 = arith.muli %mul3A_25, %mul3A_231 : i32
      %add3A_233 = arith.constant 2 : i32
      %add3A_234 = arith.addi %mul3A_232, %add3A_233 : i32
      %mul3A_235 = arith.constant 3.125000e-02 : f32
      %mul3A_236 = vector.broadcast %mul3A_235 : f32 to vector<16xf32>
      %mul3A_237 = arith.mulf %scan3A_229#0, %mul3A_236 : vector<16xf32>
      %swap3A_238 = arith.index_cast %add3A_234 : i32 to index
      %swap3A_239 = arith.constant 0 : index
      %swap3A_240 = tpu.vector_load %arg6[%swap3A_238, %swap3A_239] {strides = array<i32>} : memref<100x128xf32, #tpu.memory_space<vmem>>, vector<1x16xf32>,
      %swap3A_241 = vector.shape_cast %swap3A_240 : vector<1x16xf32> to vector<16xf32>
      %swap3A_242 = vector.shape_cast %mul3A_237 : vector<16xf32> to vector<1x16xf32>
      tpu.vector_store %arg6[%swap3A_238, %swap3A_239], %swap3A_242 {strides = array<i32>} : memref<100x128xf32, #tpu.memory_space<vmem>>, vector<1x16xf32>,
      %mul3A_243 = arith.constant 3.125000e-02 : f32
      %mul3A_244 = vector.broadcast %mul3A_243 : f32 to vector<16xf32>
      %mul3A_245 = arith.mulf %scan3A_229#1, %mul3A_244 : vector<16xf32>
      %swap3A_246 = arith.index_cast %add3A_234 : i32 to index
      %swap3A_247 = arith.constant 16 : index
      %swap3A_248 = tpu.vector_load %arg6[%swap3A_246, %swap3A_247] {strides = array<i32>} : memref<100x128xf32, #tpu.memory_space<vmem>>, vector<1x16xf32>,
      %swap3A_249 = vector.shape_cast %swap3A_248 : vector<1x16xf32> to vector<16xf32>
      %swap3A_250 = vector.shape_cast %mul3A_245 : vector<16xf32> to vector<1x16xf32>
      tpu.vector_store %arg6[%swap3A_246, %swap3A_247], %swap3A_250 {strides = array<i32>} : memref<100x128xf32, #tpu.memory_space<vmem>>, vector<1x16xf32>,
      %mul3A_251 = arith.constant 3.125000e-02 : f32
      %mul3A_252 = vector.broadcast %mul3A_251 : f32 to vector<16xf32>
      %mul3A_253 = arith.mulf %scan3A_229#2, %mul3A_252 : vector<16xf32>
      %swap3A_254 = arith.index_cast %add3A_234 : i32 to index
      %swap3A_255 = arith.constant 32 : index
      %swap3A_256 = tpu.vector_load %arg6[%swap3A_254, %swap3A_255] {strides = array<i32>} : memref<100x128xf32, #tpu.memory_space<vmem>>, vector<1x16xf32>,
      %swap3A_257 = vector.shape_cast %swap3A_256 : vector<1x16xf32> to vector<16xf32>
      %swap3A_258 = vector.shape_cast %mul3A_253 : vector<16xf32> to vector<1x16xf32>
      tpu.vector_store %arg6[%swap3A_254, %swap3A_255], %swap3A_258 {strides = array<i32>} : memref<100x128xf32, #tpu.memory_space<vmem>>, vector<1x16xf32>,
      %mul3A_259 = arith.constant 3.125000e-02 : f32
      %mul3A_260 = vector.broadcast %mul3A_259 : f32 to vector<16xf32>
      %mul3A_261 = arith.mulf %scan3A_229#3, %mul3A_260 : vector<16xf32>
      %swap3A_262 = arith.index_cast %add3A_234 : i32 to index
      %swap3A_263 = arith.constant 48 : index
      %swap3A_264 = tpu.vector_load %arg6[%swap3A_262, %swap3A_263] {strides = array<i32>} : memref<100x128xf32, #tpu.memory_space<vmem>>, vector<1x16xf32>,
      %swap3A_265 = vector.shape_cast %swap3A_264 : vector<1x16xf32> to vector<16xf32>
      %swap3A_266 = vector.shape_cast %mul3A_261 : vector<16xf32> to vector<1x16xf32>
      tpu.vector_store %arg6[%swap3A_262, %swap3A_263], %swap3A_266 {strides = array<i32>} : memref<100x128xf32, #tpu.memory_space<vmem>>, vector<1x16xf32>,
      %mul3A_267 = arith.constant 3.125000e-02 : f32
      %mul3A_268 = vector.broadcast %mul3A_267 : f32 to vector<16xf32>
      %mul3A_269 = arith.mulf %scan3A_229#4, %mul3A_268 : vector<16xf32>
      %swap3A_270 = arith.index_cast %add3A_234 : i32 to index
      %swap3A_271 = arith.constant 64 : index
      %swap3A_272 = tpu.vector_load %arg6[%swap3A_270, %swap3A_271] {strides = array<i32>} : memref<100x128xf32, #tpu.memory_space<vmem>>, vector<1x16xf32>,
      %swap3A_273 = vector.shape_cast %swap3A_272 : vector<1x16xf32> to vector<16xf32>
      %swap3A_274 = vector.shape_cast %mul3A_269 : vector<16xf32> to vector<1x16xf32>
      tpu.vector_store %arg6[%swap3A_270, %swap3A_271], %swap3A_274 {strides = array<i32>} : memref<100x128xf32, #tpu.memory_space<vmem>>, vector<1x16xf32>,
      %mul3A_275 = arith.constant 3.125000e-02 : f32
      %mul3A_276 = vector.broadcast %mul3A_275 : f32 to vector<16xf32>
      %mul3A_277 = arith.mulf %scan3A_229#5, %mul3A_276 : vector<16xf32>
      %swap3A_278 = arith.index_cast %add3A_234 : i32 to index
      %swap3A_279 = arith.constant 80 : index
      %swap3A_280 = tpu.vector_load %arg6[%swap3A_278, %swap3A_279] {strides = array<i32>} : memref<100x128xf32, #tpu.memory_space<vmem>>, vector<1x16xf32>,
      %swap3A_281 = vector.shape_cast %swap3A_280 : vector<1x16xf32> to vector<16xf32>
      %swap3A_282 = vector.shape_cast %mul3A_277 : vector<16xf32> to vector<1x16xf32>
      tpu.vector_store %arg6[%swap3A_278, %swap3A_279], %swap3A_282 {strides = array<i32>} : memref<100x128xf32, #tpu.memory_space<vmem>>, vector<1x16xf32>,
      %mul3A_283 = arith.constant 3.125000e-02 : f32
      %mul3A_284 = vector.broadcast %mul3A_283 : f32 to vector<16xf32>
      %mul3A_285 = arith.mulf %scan3A_229#6, %mul3A_284 : vector<16xf32>
      %swap3A_286 = arith.index_cast %add3A_234 : i32 to index
      %swap3A_287 = arith.constant 96 : index
      %swap3A_288 = tpu.vector_load %arg6[%swap3A_286, %swap3A_287] {strides = array<i32>} : memref<100x128xf32, #tpu.memory_space<vmem>>, vector<1x16xf32>,
      %swap3A_289 = vector.shape_cast %swap3A_288 : vector<1x16xf32> to vector<16xf32>
      %swap3A_290 = vector.shape_cast %mul3A_285 : vector<16xf32> to vector<1x16xf32>
      tpu.vector_store %arg6[%swap3A_286, %swap3A_287], %swap3A_290 {strides = array<i32>} : memref<100x128xf32, #tpu.memory_space<vmem>>, vector<1x16xf32>,
      %mul3A_291 = arith.constant 3.125000e-02 : f32
      %mul3A_292 = vector.broadcast %mul3A_291 : f32 to vector<16xf32>
      %mul3A_293 = arith.mulf %scan3A_229#7, %mul3A_292 : vector<16xf32>
      %swap3A_294 = arith.index_cast %add3A_234 : i32 to index
      %swap3A_295 = arith.constant 112 : index
      %swap3A_296 = tpu.vector_load %arg6[%swap3A_294, %swap3A_295] {strides = array<i32>} : memref<100x128xf32, #tpu.memory_space<vmem>>, vector<1x16xf32>,
      %swap3A_297 = vector.shape_cast %swap3A_296 : vector<1x16xf32> to vector<16xf32>
      %swap3A_298 = vector.shape_cast %mul3A_293 : vector<16xf32> to vector<1x16xf32>
      tpu.vector_store %arg6[%swap3A_294, %swap3A_295], %swap3A_298 {strides = array<i32>} : memref<100x128xf32, #tpu.memory_space<vmem>>, vector<1x16xf32>,
      %broadcast_in_dim3A_299 = arith.constant 0.000000e+00 : f32
      %broadcast_in_dim3A_300 = vector.broadcast %broadcast_in_dim3A_299 : f32 to vector<16xf32>
      %broadcast_in_dim3A_301 = arith.constant 0.000000e+00 : f32
      %broadcast_in_dim3A_302 = vector.broadcast %broadcast_in_dim3A_301 : f32 to vector<16xf32>
      %broadcast_in_dim3A_303 = arith.constant 0.000000e+00 : f32
      %broadcast_in_dim3A_304 = vector.broadcast %broadcast_in_dim3A_303 : f32 to vector<16xf32>
      %broadcast_in_dim3A_305 = arith.constant 0.000000e+00 : f32
      %broadcast_in_dim3A_306 = vector.broadcast %broadcast_in_dim3A_305 : f32 to vector<16xf32>
      %broadcast_in_dim3A_307 = arith.constant 0.000000e+00 : f32
      %broadcast_in_dim3A_308 = vector.broadcast %broadcast_in_dim3A_307 : f32 to vector<16xf32>
      %broadcast_in_dim3A_309 = arith.constant 0.000000e+00 : f32
      %broadcast_in_dim3A_310 = vector.broadcast %broadcast_in_dim3A_309 : f32 to vector<16xf32>
      %broadcast_in_dim3A_311 = arith.constant 0.000000e+00 : f32
      %broadcast_in_dim3A_312 = vector.broadcast %broadcast_in_dim3A_311 : f32 to vector<16xf32>
      %broadcast_in_dim3A_313 = arith.constant 0.000000e+00 : f32
      %broadcast_in_dim3A_314 = vector.broadcast %broadcast_in_dim3A_313 : f32 to vector<16xf32>
      %scan3A_315 = arith.constant 0 : i32
      %scan3A_316 = arith.constant 32 : i32
      %scan3A_317 = arith.addi %scan3A_315, %scan3A_316 : i32
      %scan3A_318 = arith.constant 1 : i32
      %scan3A_319:8 = scf.for %scan3A_1848 = %scan3A_315 to %scan3A_317 step %scan3A_318 iter_args(%scan3A_1849 = %broadcast_in_dim3A_300, %scan3A_1850 = %broadcast_in_dim3A_302, %scan3A_1851 = %broadcast_in_dim3A_304, %scan3A_1852 = %broadcast_in_dim3A_306, %scan3A_1853 = %broadcast_in_dim3A_308, %scan3A_1854 = %broadcast_in_dim3A_310, %scan3A_1855 = %broadcast_in_dim3A_312, %scan3A_1856 = %broadcast_in_dim3A_314) -> (vector<16xf32>, vector<16xf32>, vector<16xf32>, vector<16xf32>, vector<16xf32>, vector<16xf32>, vector<16xf32>, vector<16xf32>)  : i32 {
        %get3A = arith.constant 3 : i32
        %get3A_1857 = arith.index_cast %get3A : i32 to index
        %get3A_1858 = arith.index_cast %scan3A_1848 : i32 to index
        %get3A_1859 = arith.constant 0 : index
        %get3A_1860 = tpu.vector_load %arg4[%get3A_1857, %get3A_1858, %get3A_1859] {strides = array<i32>} : memref<10x32x128xf32, #tpu.memory_space<vmem>>, vector<1x1x16xf32>,
        %get3A_1861 = vector.shape_cast %get3A_1860 : vector<1x1x16xf32> to vector<16xf32>
        %add3A_1862 = arith.addf %scan3A_1849, %get3A_1861 : vector<16xf32>
        %get3A_1863 = arith.constant 3 : i32
        %get3A_1864 = arith.index_cast %get3A_1863 : i32 to index
        %get3A_1865 = arith.index_cast %scan3A_1848 : i32 to index
        %get3A_1866 = arith.constant 16 : index
        %get3A_1867 = tpu.vector_load %arg4[%get3A_1864, %get3A_1865, %get3A_1866] {strides = array<i32>} : memref<10x32x128xf32, #tpu.memory_space<vmem>>, vector<1x1x16xf32>,
        %get3A_1868 = vector.shape_cast %get3A_1867 : vector<1x1x16xf32> to vector<16xf32>
        %add3A_1869 = arith.addf %scan3A_1850, %get3A_1868 : vector<16xf32>
        %get3A_1870 = arith.constant 3 : i32
        %get3A_1871 = arith.index_cast %get3A_1870 : i32 to index
        %get3A_1872 = arith.index_cast %scan3A_1848 : i32 to index
        %get3A_1873 = arith.constant 32 : index
        %get3A_1874 = tpu.vector_load %arg4[%get3A_1871, %get3A_1872, %get3A_1873] {strides = array<i32>} : memref<10x32x128xf32, #tpu.memory_space<vmem>>, vector<1x1x16xf32>,
        %get3A_1875 = vector.shape_cast %get3A_1874 : vector<1x1x16xf32> to vector<16xf32>
        %add3A_1876 = arith.addf %scan3A_1851, %get3A_1875 : vector<16xf32>
        %get3A_1877 = arith.constant 3 : i32
        %get3A_1878 = arith.index_cast %get3A_1877 : i32 to index
        %get3A_1879 = arith.index_cast %scan3A_1848 : i32 to index
        %get3A_1880 = arith.constant 48 : index
        %get3A_1881 = tpu.vector_load %arg4[%get3A_1878, %get3A_1879, %get3A_1880] {strides = array<i32>} : memref<10x32x128xf32, #tpu.memory_space<vmem>>, vector<1x1x16xf32>,
        %get3A_1882 = vector.shape_cast %get3A_1881 : vector<1x1x16xf32> to vector<16xf32>
        %add3A_1883 = arith.addf %scan3A_1852, %get3A_1882 : vector<16xf32>
        %get3A_1884 = arith.constant 3 : i32
        %get3A_1885 = arith.index_cast %get3A_1884 : i32 to index
        %get3A_1886 = arith.index_cast %scan3A_1848 : i32 to index
        %get3A_1887 = arith.constant 64 : index
        %get3A_1888 = tpu.vector_load %arg4[%get3A_1885, %get3A_1886, %get3A_1887] {strides = array<i32>} : memref<10x32x128xf32, #tpu.memory_space<vmem>>, vector<1x1x16xf32>,
        %get3A_1889 = vector.shape_cast %get3A_1888 : vector<1x1x16xf32> to vector<16xf32>
        %add3A_1890 = arith.addf %scan3A_1853, %get3A_1889 : vector<16xf32>
        %get3A_1891 = arith.constant 3 : i32
        %get3A_1892 = arith.index_cast %get3A_1891 : i32 to index
        %get3A_1893 = arith.index_cast %scan3A_1848 : i32 to index
        %get3A_1894 = arith.constant 80 : index
        %get3A_1895 = tpu.vector_load %arg4[%get3A_1892, %get3A_1893, %get3A_1894] {strides = array<i32>} : memref<10x32x128xf32, #tpu.memory_space<vmem>>, vector<1x1x16xf32>,
        %get3A_1896 = vector.shape_cast %get3A_1895 : vector<1x1x16xf32> to vector<16xf32>
        %add3A_1897 = arith.addf %scan3A_1854, %get3A_1896 : vector<16xf32>
        %get3A_1898 = arith.constant 3 : i32
        %get3A_1899 = arith.index_cast %get3A_1898 : i32 to index
        %get3A_1900 = arith.index_cast %scan3A_1848 : i32 to index
        %get3A_1901 = arith.constant 96 : index
        %get3A_1902 = tpu.vector_load %arg4[%get3A_1899, %get3A_1900, %get3A_1901] {strides = array<i32>} : memref<10x32x128xf32, #tpu.memory_space<vmem>>, vector<1x1x16xf32>,
        %get3A_1903 = vector.shape_cast %get3A_1902 : vector<1x1x16xf32> to vector<16xf32>
        %add3A_1904 = arith.addf %scan3A_1855, %get3A_1903 : vector<16xf32>
        %get3A_1905 = arith.constant 3 : i32
        %get3A_1906 = arith.index_cast %get3A_1905 : i32 to index
        %get3A_1907 = arith.index_cast %scan3A_1848 : i32 to index
        %get3A_1908 = arith.constant 112 : index
        %get3A_1909 = tpu.vector_load %arg4[%get3A_1906, %get3A_1907, %get3A_1908] {strides = array<i32>} : memref<10x32x128xf32, #tpu.memory_space<vmem>>, vector<1x1x16xf32>,
        %get3A_1910 = vector.shape_cast %get3A_1909 : vector<1x1x16xf32> to vector<16xf32>
        %add3A_1911 = arith.addf %scan3A_1856, %get3A_1910 : vector<16xf32>
        scf.yield %add3A_1862, %add3A_1869, %add3A_1876, %add3A_1883, %add3A_1890, %add3A_1897, %add3A_1904, %add3A_1911 : vector<16xf32>, vector<16xf32>, vector<16xf32>, vector<16xf32>, vector<16xf32>, vector<16xf32>, vector<16xf32>, vector<16xf32>
      }
      %scan3A_320 = arith.constant 32 : i32
      %mul3A_321 = arith.constant 10 : i32
      %mul3A_322 = arith.muli %mul3A_25, %mul3A_321 : i32
      %add3A_323 = arith.constant 3 : i32
      %add3A_324 = arith.addi %mul3A_322, %add3A_323 : i32
      %mul3A_325 = arith.constant 3.125000e-02 : f32
      %mul3A_326 = vector.broadcast %mul3A_325 : f32 to vector<16xf32>
      %mul3A_327 = arith.mulf %scan3A_319#0, %mul3A_326 : vector<16xf32>
      %swap3A_328 = arith.index_cast %add3A_324 : i32 to index
      %swap3A_329 = arith.constant 0 : index
      %swap3A_330 = tpu.vector_load %arg6[%swap3A_328, %swap3A_329] {strides = array<i32>} : memref<100x128xf32, #tpu.memory_space<vmem>>, vector<1x16xf32>,
      %swap3A_331 = vector.shape_cast %swap3A_330 : vector<1x16xf32> to vector<16xf32>
      %swap3A_332 = vector.shape_cast %mul3A_327 : vector<16xf32> to vector<1x16xf32>
      tpu.vector_store %arg6[%swap3A_328, %swap3A_329], %swap3A_332 {strides = array<i32>} : memref<100x128xf32, #tpu.memory_space<vmem>>, vector<1x16xf32>,
      %mul3A_333 = arith.constant 3.125000e-02 : f32
      %mul3A_334 = vector.broadcast %mul3A_333 : f32 to vector<16xf32>
      %mul3A_335 = arith.mulf %scan3A_319#1, %mul3A_334 : vector<16xf32>
      %swap3A_336 = arith.index_cast %add3A_324 : i32 to index
      %swap3A_337 = arith.constant 16 : index
      %swap3A_338 = tpu.vector_load %arg6[%swap3A_336, %swap3A_337] {strides = array<i32>} : memref<100x128xf32, #tpu.memory_space<vmem>>, vector<1x16xf32>,
      %swap3A_339 = vector.shape_cast %swap3A_338 : vector<1x16xf32> to vector<16xf32>
      %swap3A_340 = vector.shape_cast %mul3A_335 : vector<16xf32> to vector<1x16xf32>
      tpu.vector_store %arg6[%swap3A_336, %swap3A_337], %swap3A_340 {strides = array<i32>} : memref<100x128xf32, #tpu.memory_space<vmem>>, vector<1x16xf32>,
      %mul3A_341 = arith.constant 3.125000e-02 : f32
      %mul3A_342 = vector.broadcast %mul3A_341 : f32 to vector<16xf32>
      %mul3A_343 = arith.mulf %scan3A_319#2, %mul3A_342 : vector<16xf32>
      %swap3A_344 = arith.index_cast %add3A_324 : i32 to index
      %swap3A_345 = arith.constant 32 : index
      %swap3A_346 = tpu.vector_load %arg6[%swap3A_344, %swap3A_345] {strides = array<i32>} : memref<100x128xf32, #tpu.memory_space<vmem>>, vector<1x16xf32>,
      %swap3A_347 = vector.shape_cast %swap3A_346 : vector<1x16xf32> to vector<16xf32>
      %swap3A_348 = vector.shape_cast %mul3A_343 : vector<16xf32> to vector<1x16xf32>
      tpu.vector_store %arg6[%swap3A_344, %swap3A_345], %swap3A_348 {strides = array<i32>} : memref<100x128xf32, #tpu.memory_space<vmem>>, vector<1x16xf32>,
      %mul3A_349 = arith.constant 3.125000e-02 : f32
      %mul3A_350 = vector.broadcast %mul3A_349 : f32 to vector<16xf32>
      %mul3A_351 = arith.mulf %scan3A_319#3, %mul3A_350 : vector<16xf32>
      %swap3A_352 = arith.index_cast %add3A_324 : i32 to index
      %swap3A_353 = arith.constant 48 : index
      %swap3A_354 = tpu.vector_load %arg6[%swap3A_352, %swap3A_353] {strides = array<i32>} : memref<100x128xf32, #tpu.memory_space<vmem>>, vector<1x16xf32>,
      %swap3A_355 = vector.shape_cast %swap3A_354 : vector<1x16xf32> to vector<16xf32>
      %swap3A_356 = vector.shape_cast %mul3A_351 : vector<16xf32> to vector<1x16xf32>
      tpu.vector_store %arg6[%swap3A_352, %swap3A_353], %swap3A_356 {strides = array<i32>} : memref<100x128xf32, #tpu.memory_space<vmem>>, vector<1x16xf32>,
      %mul3A_357 = arith.constant 3.125000e-02 : f32
      %mul3A_358 = vector.broadcast %mul3A_357 : f32 to vector<16xf32>
      %mul3A_359 = arith.mulf %scan3A_319#4, %mul3A_358 : vector<16xf32>
      %swap3A_360 = arith.index_cast %add3A_324 : i32 to index
      %swap3A_361 = arith.constant 64 : index
      %swap3A_362 = tpu.vector_load %arg6[%swap3A_360, %swap3A_361] {strides = array<i32>} : memref<100x128xf32, #tpu.memory_space<vmem>>, vector<1x16xf32>,
      %swap3A_363 = vector.shape_cast %swap3A_362 : vector<1x16xf32> to vector<16xf32>
      %swap3A_364 = vector.shape_cast %mul3A_359 : vector<16xf32> to vector<1x16xf32>
      tpu.vector_store %arg6[%swap3A_360, %swap3A_361], %swap3A_364 {strides = array<i32>} : memref<100x128xf32, #tpu.memory_space<vmem>>, vector<1x16xf32>,
      %mul3A_365 = arith.constant 3.125000e-02 : f32
      %mul3A_366 = vector.broadcast %mul3A_365 : f32 to vector<16xf32>
      %mul3A_367 = arith.mulf %scan3A_319#5, %mul3A_366 : vector<16xf32>
      %swap3A_368 = arith.index_cast %add3A_324 : i32 to index
      %swap3A_369 = arith.constant 80 : index
      %swap3A_370 = tpu.vector_load %arg6[%swap3A_368, %swap3A_369] {strides = array<i32>} : memref<100x128xf32, #tpu.memory_space<vmem>>, vector<1x16xf32>,
      %swap3A_371 = vector.shape_cast %swap3A_370 : vector<1x16xf32> to vector<16xf32>
      %swap3A_372 = vector.shape_cast %mul3A_367 : vector<16xf32> to vector<1x16xf32>
      tpu.vector_store %arg6[%swap3A_368, %swap3A_369], %swap3A_372 {strides = array<i32>} : memref<100x128xf32, #tpu.memory_space<vmem>>, vector<1x16xf32>,
      %mul3A_373 = arith.constant 3.125000e-02 : f32
      %mul3A_374 = vector.broadcast %mul3A_373 : f32 to vector<16xf32>
      %mul3A_375 = arith.mulf %scan3A_319#6, %mul3A_374 : vector<16xf32>
      %swap3A_376 = arith.index_cast %add3A_324 : i32 to index
      %swap3A_377 = arith.constant 96 : index
      %swap3A_378 = tpu.vector_load %arg6[%swap3A_376, %swap3A_377] {strides = array<i32>} : memref<100x128xf32, #tpu.memory_space<vmem>>, vector<1x16xf32>,
      %swap3A_379 = vector.shape_cast %swap3A_378 : vector<1x16xf32> to vector<16xf32>
      %swap3A_380 = vector.shape_cast %mul3A_375 : vector<16xf32> to vector<1x16xf32>
      tpu.vector_store %arg6[%swap3A_376, %swap3A_377], %swap3A_380 {strides = array<i32>} : memref<100x128xf32, #tpu.memory_space<vmem>>, vector<1x16xf32>,
      %mul3A_381 = arith.constant 3.125000e-02 : f32
      %mul3A_382 = vector.broadcast %mul3A_381 : f32 to vector<16xf32>
      %mul3A_383 = arith.mulf %scan3A_319#7, %mul3A_382 : vector<16xf32>
      %swap3A_384 = arith.index_cast %add3A_324 : i32 to index
      %swap3A_385 = arith.constant 112 : index
      %swap3A_386 = tpu.vector_load %arg6[%swap3A_384, %swap3A_385] {strides = array<i32>} : memref<100x128xf32, #tpu.memory_space<vmem>>, vector<1x16xf32>,
      %swap3A_387 = vector.shape_cast %swap3A_386 : vector<1x16xf32> to vector<16xf32>
      %swap3A_388 = vector.shape_cast %mul3A_383 : vector<16xf32> to vector<1x16xf32>
      tpu.vector_store %arg6[%swap3A_384, %swap3A_385], %swap3A_388 {strides = array<i32>} : memref<100x128xf32, #tpu.memory_space<vmem>>, vector<1x16xf32>,
      %broadcast_in_dim3A_389 = arith.constant 0.000000e+00 : f32
      %broadcast_in_dim3A_390 = vector.broadcast %broadcast_in_dim3A_389 : f32 to vector<16xf32>
      %broadcast_in_dim3A_391 = arith.constant 0.000000e+00 : f32
      %broadcast_in_dim3A_392 = vector.broadcast %broadcast_in_dim3A_391 : f32 to vector<16xf32>
      %broadcast_in_dim3A_393 = arith.constant 0.000000e+00 : f32
      %broadcast_in_dim3A_394 = vector.broadcast %broadcast_in_dim3A_393 : f32 to vector<16xf32>
      %broadcast_in_dim3A_395 = arith.constant 0.000000e+00 : f32
      %broadcast_in_dim3A_396 = vector.broadcast %broadcast_in_dim3A_395 : f32 to vector<16xf32>
      %broadcast_in_dim3A_397 = arith.constant 0.000000e+00 : f32
      %broadcast_in_dim3A_398 = vector.broadcast %broadcast_in_dim3A_397 : f32 to vector<16xf32>
      %broadcast_in_dim3A_399 = arith.constant 0.000000e+00 : f32
      %broadcast_in_dim3A_400 = vector.broadcast %broadcast_in_dim3A_399 : f32 to vector<16xf32>
      %broadcast_in_dim3A_401 = arith.constant 0.000000e+00 : f32
      %broadcast_in_dim3A_402 = vector.broadcast %broadcast_in_dim3A_401 : f32 to vector<16xf32>
      %broadcast_in_dim3A_403 = arith.constant 0.000000e+00 : f32
      %broadcast_in_dim3A_404 = vector.broadcast %broadcast_in_dim3A_403 : f32 to vector<16xf32>
      %scan3A_405 = arith.constant 0 : i32
      %scan3A_406 = arith.constant 32 : i32
      %scan3A_407 = arith.addi %scan3A_405, %scan3A_406 : i32
      %scan3A_408 = arith.constant 1 : i32
      %scan3A_409:8 = scf.for %scan3A_1848 = %scan3A_405 to %scan3A_407 step %scan3A_408 iter_args(%scan3A_1849 = %broadcast_in_dim3A_390, %scan3A_1850 = %broadcast_in_dim3A_392, %scan3A_1851 = %broadcast_in_dim3A_394, %scan3A_1852 = %broadcast_in_dim3A_396, %scan3A_1853 = %broadcast_in_dim3A_398, %scan3A_1854 = %broadcast_in_dim3A_400, %scan3A_1855 = %broadcast_in_dim3A_402, %scan3A_1856 = %broadcast_in_dim3A_404) -> (vector<16xf32>, vector<16xf32>, vector<16xf32>, vector<16xf32>, vector<16xf32>, vector<16xf32>, vector<16xf32>, vector<16xf32>)  : i32 {
        %get3A = arith.constant 4 : i32
        %get3A_1857 = arith.index_cast %get3A : i32 to index
        %get3A_1858 = arith.index_cast %scan3A_1848 : i32 to index
        %get3A_1859 = arith.constant 0 : index
        %get3A_1860 = tpu.vector_load %arg4[%get3A_1857, %get3A_1858, %get3A_1859] {strides = array<i32>} : memref<10x32x128xf32, #tpu.memory_space<vmem>>, vector<1x1x16xf32>,
        %get3A_1861 = vector.shape_cast %get3A_1860 : vector<1x1x16xf32> to vector<16xf32>
        %add3A_1862 = arith.addf %scan3A_1849, %get3A_1861 : vector<16xf32>
        %get3A_1863 = arith.constant 4 : i32
        %get3A_1864 = arith.index_cast %get3A_1863 : i32 to index
        %get3A_1865 = arith.index_cast %scan3A_1848 : i32 to index
        %get3A_1866 = arith.constant 16 : index
        %get3A_1867 = tpu.vector_load %arg4[%get3A_1864, %get3A_1865, %get3A_1866] {strides = array<i32>} : memref<10x32x128xf32, #tpu.memory_space<vmem>>, vector<1x1x16xf32>,
        %get3A_1868 = vector.shape_cast %get3A_1867 : vector<1x1x16xf32> to vector<16xf32>
        %add3A_1869 = arith.addf %scan3A_1850, %get3A_1868 : vector<16xf32>
        %get3A_1870 = arith.constant 4 : i32
        %get3A_1871 = arith.index_cast %get3A_1870 : i32 to index
        %get3A_1872 = arith.index_cast %scan3A_1848 : i32 to index
        %get3A_1873 = arith.constant 32 : index
        %get3A_1874 = tpu.vector_load %arg4[%get3A_1871, %get3A_1872, %get3A_1873] {strides = array<i32>} : memref<10x32x128xf32, #tpu.memory_space<vmem>>, vector<1x1x16xf32>,
        %get3A_1875 = vector.shape_cast %get3A_1874 : vector<1x1x16xf32> to vector<16xf32>
        %add3A_1876 = arith.addf %scan3A_1851, %get3A_1875 : vector<16xf32>
        %get3A_1877 = arith.constant 4 : i32
        %get3A_1878 = arith.index_cast %get3A_1877 : i32 to index
        %get3A_1879 = arith.index_cast %scan3A_1848 : i32 to index
        %get3A_1880 = arith.constant 48 : index
        %get3A_1881 = tpu.vector_load %arg4[%get3A_1878, %get3A_1879, %get3A_1880] {strides = array<i32>} : memref<10x32x128xf32, #tpu.memory_space<vmem>>, vector<1x1x16xf32>,
        %get3A_1882 = vector.shape_cast %get3A_1881 : vector<1x1x16xf32> to vector<16xf32>
        %add3A_1883 = arith.addf %scan3A_1852, %get3A_1882 : vector<16xf32>
        %get3A_1884 = arith.constant 4 : i32
        %get3A_1885 = arith.index_cast %get3A_1884 : i32 to index
        %get3A_1886 = arith.index_cast %scan3A_1848 : i32 to index
        %get3A_1887 = arith.constant 64 : index
        %get3A_1888 = tpu.vector_load %arg4[%get3A_1885, %get3A_1886, %get3A_1887] {strides = array<i32>} : memref<10x32x128xf32, #tpu.memory_space<vmem>>, vector<1x1x16xf32>,
        %get3A_1889 = vector.shape_cast %get3A_1888 : vector<1x1x16xf32> to vector<16xf32>
        %add3A_1890 = arith.addf %scan3A_1853, %get3A_1889 : vector<16xf32>
        %get3A_1891 = arith.constant 4 : i32
        %get3A_1892 = arith.index_cast %get3A_1891 : i32 to index
        %get3A_1893 = arith.index_cast %scan3A_1848 : i32 to index
        %get3A_1894 = arith.constant 80 : index
        %get3A_1895 = tpu.vector_load %arg4[%get3A_1892, %get3A_1893, %get3A_1894] {strides = array<i32>} : memref<10x32x128xf32, #tpu.memory_space<vmem>>, vector<1x1x16xf32>,
        %get3A_1896 = vector.shape_cast %get3A_1895 : vector<1x1x16xf32> to vector<16xf32>
        %add3A_1897 = arith.addf %scan3A_1854, %get3A_1896 : vector<16xf32>
        %get3A_1898 = arith.constant 4 : i32
        %get3A_1899 = arith.index_cast %get3A_1898 : i32 to index
        %get3A_1900 = arith.index_cast %scan3A_1848 : i32 to index
        %get3A_1901 = arith.constant 96 : index
        %get3A_1902 = tpu.vector_load %arg4[%get3A_1899, %get3A_1900, %get3A_1901] {strides = array<i32>} : memref<10x32x128xf32, #tpu.memory_space<vmem>>, vector<1x1x16xf32>,
        %get3A_1903 = vector.shape_cast %get3A_1902 : vector<1x1x16xf32> to vector<16xf32>
        %add3A_1904 = arith.addf %scan3A_1855, %get3A_1903 : vector<16xf32>
        %get3A_1905 = arith.constant 4 : i32
        %get3A_1906 = arith.index_cast %get3A_1905 : i32 to index
        %get3A_1907 = arith.index_cast %scan3A_1848 : i32 to index
        %get3A_1908 = arith.constant 112 : index
        %get3A_1909 = tpu.vector_load %arg4[%get3A_1906, %get3A_1907, %get3A_1908] {strides = array<i32>} : memref<10x32x128xf32, #tpu.memory_space<vmem>>, vector<1x1x16xf32>,
        %get3A_1910 = vector.shape_cast %get3A_1909 : vector<1x1x16xf32> to vector<16xf32>
        %add3A_1911 = arith.addf %scan3A_1856, %get3A_1910 : vector<16xf32>
        scf.yield %add3A_1862, %add3A_1869, %add3A_1876, %add3A_1883, %add3A_1890, %add3A_1897, %add3A_1904, %add3A_1911 : vector<16xf32>, vector<16xf32>, vector<16xf32>, vector<16xf32>, vector<16xf32>, vector<16xf32>, vector<16xf32>, vector<16xf32>
      }
      %scan3A_410 = arith.constant 32 : i32
      %mul3A_411 = arith.constant 10 : i32
      %mul3A_412 = arith.muli %mul3A_25, %mul3A_411 : i32
      %add3A_413 = arith.constant 4 : i32
      %add3A_414 = arith.addi %mul3A_412, %add3A_413 : i32
      %mul3A_415 = arith.constant 3.125000e-02 : f32
      %mul3A_416 = vector.broadcast %mul3A_415 : f32 to vector<16xf32>
      %mul3A_417 = arith.mulf %scan3A_409#0, %mul3A_416 : vector<16xf32>
      %swap3A_418 = arith.index_cast %add3A_414 : i32 to index
      %swap3A_419 = arith.constant 0 : index
      %swap3A_420 = tpu.vector_load %arg6[%swap3A_418, %swap3A_419] {strides = array<i32>} : memref<100x128xf32, #tpu.memory_space<vmem>>, vector<1x16xf32>,
      %swap3A_421 = vector.shape_cast %swap3A_420 : vector<1x16xf32> to vector<16xf32>
      %swap3A_422 = vector.shape_cast %mul3A_417 : vector<16xf32> to vector<1x16xf32>
      tpu.vector_store %arg6[%swap3A_418, %swap3A_419], %swap3A_422 {strides = array<i32>} : memref<100x128xf32, #tpu.memory_space<vmem>>, vector<1x16xf32>,
      %mul3A_423 = arith.constant 3.125000e-02 : f32
      %mul3A_424 = vector.broadcast %mul3A_423 : f32 to vector<16xf32>
      %mul3A_425 = arith.mulf %scan3A_409#1, %mul3A_424 : vector<16xf32>
      %swap3A_426 = arith.index_cast %add3A_414 : i32 to index
      %swap3A_427 = arith.constant 16 : index
      %swap3A_428 = tpu.vector_load %arg6[%swap3A_426, %swap3A_427] {strides = array<i32>} : memref<100x128xf32, #tpu.memory_space<vmem>>, vector<1x16xf32>,
      %swap3A_429 = vector.shape_cast %swap3A_428 : vector<1x16xf32> to vector<16xf32>
      %swap3A_430 = vector.shape_cast %mul3A_425 : vector<16xf32> to vector<1x16xf32>
      tpu.vector_store %arg6[%swap3A_426, %swap3A_427], %swap3A_430 {strides = array<i32>} : memref<100x128xf32, #tpu.memory_space<vmem>>, vector<1x16xf32>,
      %mul3A_431 = arith.constant 3.125000e-02 : f32
      %mul3A_432 = vector.broadcast %mul3A_431 : f32 to vector<16xf32>
      %mul3A_433 = arith.mulf %scan3A_409#2, %mul3A_432 : vector<16xf32>
      %swap3A_434 = arith.index_cast %add3A_414 : i32 to index
      %swap3A_435 = arith.constant 32 : index
      %swap3A_436 = tpu.vector_load %arg6[%swap3A_434, %swap3A_435] {strides = array<i32>} : memref<100x128xf32, #tpu.memory_space<vmem>>, vector<1x16xf32>,
      %swap3A_437 = vector.shape_cast %swap3A_436 : vector<1x16xf32> to vector<16xf32>
      %swap3A_438 = vector.shape_cast %mul3A_433 : vector<16xf32> to vector<1x16xf32>
      tpu.vector_store %arg6[%swap3A_434, %swap3A_435], %swap3A_438 {strides = array<i32>} : memref<100x128xf32, #tpu.memory_space<vmem>>, vector<1x16xf32>,
      %mul3A_439 = arith.constant 3.125000e-02 : f32
      %mul3A_440 = vector.broadcast %mul3A_439 : f32 to vector<16xf32>
      %mul3A_441 = arith.mulf %scan3A_409#3, %mul3A_440 : vector<16xf32>
      %swap3A_442 = arith.index_cast %add3A_414 : i32 to index
      %swap3A_443 = arith.constant 48 : index
      %swap3A_444 = tpu.vector_load %arg6[%swap3A_442, %swap3A_443] {strides = array<i32>} : memref<100x128xf32, #tpu.memory_space<vmem>>, vector<1x16xf32>,
      %swap3A_445 = vector.shape_cast %swap3A_444 : vector<1x16xf32> to vector<16xf32>
      %swap3A_446 = vector.shape_cast %mul3A_441 : vector<16xf32> to vector<1x16xf32>
      tpu.vector_store %arg6[%swap3A_442, %swap3A_443], %swap3A_446 {strides = array<i32>} : memref<100x128xf32, #tpu.memory_space<vmem>>, vector<1x16xf32>,
      %mul3A_447 = arith.constant 3.125000e-02 : f32
      %mul3A_448 = vector.broadcast %mul3A_447 : f32 to vector<16xf32>
      %mul3A_449 = arith.mulf %scan3A_409#4, %mul3A_448 : vector<16xf32>
      %swap3A_450 = arith.index_cast %add3A_414 : i32 to index
      %swap3A_451 = arith.constant 64 : index
      %swap3A_452 = tpu.vector_load %arg6[%swap3A_450, %swap3A_451] {strides = array<i32>} : memref<100x128xf32, #tpu.memory_space<vmem>>, vector<1x16xf32>,
      %swap3A_453 = vector.shape_cast %swap3A_452 : vector<1x16xf32> to vector<16xf32>
      %swap3A_454 = vector.shape_cast %mul3A_449 : vector<16xf32> to vector<1x16xf32>
      tpu.vector_store %arg6[%swap3A_450, %swap3A_451], %swap3A_454 {strides = array<i32>} : memref<100x128xf32, #tpu.memory_space<vmem>>, vector<1x16xf32>,
      %mul3A_455 = arith.constant 3.125000e-02 : f32
      %mul3A_456 = vector.broadcast %mul3A_455 : f32 to vector<16xf32>
      %mul3A_457 = arith.mulf %scan3A_409#5, %mul3A_456 : vector<16xf32>
      %swap3A_458 = arith.index_cast %add3A_414 : i32 to index
      %swap3A_459 = arith.constant 80 : index
      %swap3A_460 = tpu.vector_load %arg6[%swap3A_458, %swap3A_459] {strides = array<i32>} : memref<100x128xf32, #tpu.memory_space<vmem>>, vector<1x16xf32>,
      %swap3A_461 = vector.shape_cast %swap3A_460 : vector<1x16xf32> to vector<16xf32>
      %swap3A_462 = vector.shape_cast %mul3A_457 : vector<16xf32> to vector<1x16xf32>
      tpu.vector_store %arg6[%swap3A_458, %swap3A_459], %swap3A_462 {strides = array<i32>} : memref<100x128xf32, #tpu.memory_space<vmem>>, vector<1x16xf32>,
      %mul3A_463 = arith.constant 3.125000e-02 : f32
      %mul3A_464 = vector.broadcast %mul3A_463 : f32 to vector<16xf32>
      %mul3A_465 = arith.mulf %scan3A_409#6, %mul3A_464 : vector<16xf32>
      %swap3A_466 = arith.index_cast %add3A_414 : i32 to index
      %swap3A_467 = arith.constant 96 : index
      %swap3A_468 = tpu.vector_load %arg6[%swap3A_466, %swap3A_467] {strides = array<i32>} : memref<100x128xf32, #tpu.memory_space<vmem>>, vector<1x16xf32>,
      %swap3A_469 = vector.shape_cast %swap3A_468 : vector<1x16xf32> to vector<16xf32>
      %swap3A_470 = vector.shape_cast %mul3A_465 : vector<16xf32> to vector<1x16xf32>
      tpu.vector_store %arg6[%swap3A_466, %swap3A_467], %swap3A_470 {strides = array<i32>} : memref<100x128xf32, #tpu.memory_space<vmem>>, vector<1x16xf32>,
      %mul3A_471 = arith.constant 3.125000e-02 : f32
      %mul3A_472 = vector.broadcast %mul3A_471 : f32 to vector<16xf32>
      %mul3A_473 = arith.mulf %scan3A_409#7, %mul3A_472 : vector<16xf32>
      %swap3A_474 = arith.index_cast %add3A_414 : i32 to index
      %swap3A_475 = arith.constant 112 : index
      %swap3A_476 = tpu.vector_load %arg6[%swap3A_474, %swap3A_475] {strides = array<i32>} : memref<100x128xf32, #tpu.memory_space<vmem>>, vector<1x16xf32>,
      %swap3A_477 = vector.shape_cast %swap3A_476 : vector<1x16xf32> to vector<16xf32>
      %swap3A_478 = vector.shape_cast %mul3A_473 : vector<16xf32> to vector<1x16xf32>
      tpu.vector_store %arg6[%swap3A_474, %swap3A_475], %swap3A_478 {strides = array<i32>} : memref<100x128xf32, #tpu.memory_space<vmem>>, vector<1x16xf32>,
      %broadcast_in_dim3A_479 = arith.constant 0.000000e+00 : f32
      %broadcast_in_dim3A_480 = vector.broadcast %broadcast_in_dim3A_479 : f32 to vector<16xf32>
      %broadcast_in_dim3A_481 = arith.constant 0.000000e+00 : f32
      %broadcast_in_dim3A_482 = vector.broadcast %broadcast_in_dim3A_481 : f32 to vector<16xf32>
      %broadcast_in_dim3A_483 = arith.constant 0.000000e+00 : f32
      %broadcast_in_dim3A_484 = vector.broadcast %broadcast_in_dim3A_483 : f32 to vector<16xf32>
      %broadcast_in_dim3A_485 = arith.constant 0.000000e+00 : f32
      %broadcast_in_dim3A_486 = vector.broadcast %broadcast_in_dim3A_485 : f32 to vector<16xf32>
      %broadcast_in_dim3A_487 = arith.constant 0.000000e+00 : f32
      %broadcast_in_dim3A_488 = vector.broadcast %broadcast_in_dim3A_487 : f32 to vector<16xf32>
      %broadcast_in_dim3A_489 = arith.constant 0.000000e+00 : f32
      %broadcast_in_dim3A_490 = vector.broadcast %broadcast_in_dim3A_489 : f32 to vector<16xf32>
      %broadcast_in_dim3A_491 = arith.constant 0.000000e+00 : f32
      %broadcast_in_dim3A_492 = vector.broadcast %broadcast_in_dim3A_491 : f32 to vector<16xf32>
      %broadcast_in_dim3A_493 = arith.constant 0.000000e+00 : f32
      %broadcast_in_dim3A_494 = vector.broadcast %broadcast_in_dim3A_493 : f32 to vector<16xf32>
      %scan3A_495 = arith.constant 0 : i32
      %scan3A_496 = arith.constant 32 : i32
      %scan3A_497 = arith.addi %scan3A_495, %scan3A_496 : i32
      %scan3A_498 = arith.constant 1 : i32
      %scan3A_499:8 = scf.for %scan3A_1848 = %scan3A_495 to %scan3A_497 step %scan3A_498 iter_args(%scan3A_1849 = %broadcast_in_dim3A_480, %scan3A_1850 = %broadcast_in_dim3A_482, %scan3A_1851 = %broadcast_in_dim3A_484, %scan3A_1852 = %broadcast_in_dim3A_486, %scan3A_1853 = %broadcast_in_dim3A_488, %scan3A_1854 = %broadcast_in_dim3A_490, %scan3A_1855 = %broadcast_in_dim3A_492, %scan3A_1856 = %broadcast_in_dim3A_494) -> (vector<16xf32>, vector<16xf32>, vector<16xf32>, vector<16xf32>, vector<16xf32>, vector<16xf32>, vector<16xf32>, vector<16xf32>)  : i32 {
        %get3A = arith.constant 5 : i32
        %get3A_1857 = arith.index_cast %get3A : i32 to index
        %get3A_1858 = arith.index_cast %scan3A_1848 : i32 to index
        %get3A_1859 = arith.constant 0 : index
        %get3A_1860 = tpu.vector_load %arg4[%get3A_1857, %get3A_1858, %get3A_1859] {strides = array<i32>} : memref<10x32x128xf32, #tpu.memory_space<vmem>>, vector<1x1x16xf32>,
        %get3A_1861 = vector.shape_cast %get3A_1860 : vector<1x1x16xf32> to vector<16xf32>
        %add3A_1862 = arith.addf %scan3A_1849, %get3A_1861 : vector<16xf32>
        %get3A_1863 = arith.constant 5 : i32
        %get3A_1864 = arith.index_cast %get3A_1863 : i32 to index
        %get3A_1865 = arith.index_cast %scan3A_1848 : i32 to index
        %get3A_1866 = arith.constant 16 : index
        %get3A_1867 = tpu.vector_load %arg4[%get3A_1864, %get3A_1865, %get3A_1866] {strides = array<i32>} : memref<10x32x128xf32, #tpu.memory_space<vmem>>, vector<1x1x16xf32>,
        %get3A_1868 = vector.shape_cast %get3A_1867 : vector<1x1x16xf32> to vector<16xf32>
        %add3A_1869 = arith.addf %scan3A_1850, %get3A_1868 : vector<16xf32>
        %get3A_1870 = arith.constant 5 : i32
        %get3A_1871 = arith.index_cast %get3A_1870 : i32 to index
        %get3A_1872 = arith.index_cast %scan3A_1848 : i32 to index
        %get3A_1873 = arith.constant 32 : index
        %get3A_1874 = tpu.vector_load %arg4[%get3A_1871, %get3A_1872, %get3A_1873] {strides = array<i32>} : memref<10x32x128xf32, #tpu.memory_space<vmem>>, vector<1x1x16xf32>,
        %get3A_1875 = vector.shape_cast %get3A_1874 : vector<1x1x16xf32> to vector<16xf32>
        %add3A_1876 = arith.addf %scan3A_1851, %get3A_1875 : vector<16xf32>
        %get3A_1877 = arith.constant 5 : i32
        %get3A_1878 = arith.index_cast %get3A_1877 : i32 to index
        %get3A_1879 = arith.index_cast %scan3A_1848 : i32 to index
        %get3A_1880 = arith.constant 48 : index
        %get3A_1881 = tpu.vector_load %arg4[%get3A_1878, %get3A_1879, %get3A_1880] {strides = array<i32>} : memref<10x32x128xf32, #tpu.memory_space<vmem>>, vector<1x1x16xf32>,
        %get3A_1882 = vector.shape_cast %get3A_1881 : vector<1x1x16xf32> to vector<16xf32>
        %add3A_1883 = arith.addf %scan3A_1852, %get3A_1882 : vector<16xf32>
        %get3A_1884 = arith.constant 5 : i32
        %get3A_1885 = arith.index_cast %get3A_1884 : i32 to index
        %get3A_1886 = arith.index_cast %scan3A_1848 : i32 to index
        %get3A_1887 = arith.constant 64 : index
        %get3A_1888 = tpu.vector_load %arg4[%get3A_1885, %get3A_1886, %get3A_1887] {strides = array<i32>} : memref<10x32x128xf32, #tpu.memory_space<vmem>>, vector<1x1x16xf32>,
        %get3A_1889 = vector.shape_cast %get3A_1888 : vector<1x1x16xf32> to vector<16xf32>
        %add3A_1890 = arith.addf %scan3A_1853, %get3A_1889 : vector<16xf32>
        %get3A_1891 = arith.constant 5 : i32
        %get3A_1892 = arith.index_cast %get3A_1891 : i32 to index
        %get3A_1893 = arith.index_cast %scan3A_1848 : i32 to index
        %get3A_1894 = arith.constant 80 : index
        %get3A_1895 = tpu.vector_load %arg4[%get3A_1892, %get3A_1893, %get3A_1894] {strides = array<i32>} : memref<10x32x128xf32, #tpu.memory_space<vmem>>, vector<1x1x16xf32>,
        %get3A_1896 = vector.shape_cast %get3A_1895 : vector<1x1x16xf32> to vector<16xf32>
        %add3A_1897 = arith.addf %scan3A_1854, %get3A_1896 : vector<16xf32>
        %get3A_1898 = arith.constant 5 : i32
        %get3A_1899 = arith.index_cast %get3A_1898 : i32 to index
        %get3A_1900 = arith.index_cast %scan3A_1848 : i32 to index
        %get3A_1901 = arith.constant 96 : index
        %get3A_1902 = tpu.vector_load %arg4[%get3A_1899, %get3A_1900, %get3A_1901] {strides = array<i32>} : memref<10x32x128xf32, #tpu.memory_space<vmem>>, vector<1x1x16xf32>,
        %get3A_1903 = vector.shape_cast %get3A_1902 : vector<1x1x16xf32> to vector<16xf32>
        %add3A_1904 = arith.addf %scan3A_1855, %get3A_1903 : vector<16xf32>
        %get3A_1905 = arith.constant 5 : i32
        %get3A_1906 = arith.index_cast %get3A_1905 : i32 to index
        %get3A_1907 = arith.index_cast %scan3A_1848 : i32 to index
        %get3A_1908 = arith.constant 112 : index
        %get3A_1909 = tpu.vector_load %arg4[%get3A_1906, %get3A_1907, %get3A_1908] {strides = array<i32>} : memref<10x32x128xf32, #tpu.memory_space<vmem>>, vector<1x1x16xf32>,
        %get3A_1910 = vector.shape_cast %get3A_1909 : vector<1x1x16xf32> to vector<16xf32>
        %add3A_1911 = arith.addf %scan3A_1856, %get3A_1910 : vector<16xf32>
        scf.yield %add3A_1862, %add3A_1869, %add3A_1876, %add3A_1883, %add3A_1890, %add3A_1897, %add3A_1904, %add3A_1911 : vector<16xf32>, vector<16xf32>, vector<16xf32>, vector<16xf32>, vector<16xf32>, vector<16xf32>, vector<16xf32>, vector<16xf32>
      }
      %scan3A_500 = arith.constant 32 : i32
      %mul3A_501 = arith.constant 10 : i32
      %mul3A_502 = arith.muli %mul3A_25, %mul3A_501 : i32
      %add3A_503 = arith.constant 5 : i32
      %add3A_504 = arith.addi %mul3A_502, %add3A_503 : i32
      %mul3A_505 = arith.constant 3.125000e-02 : f32
      %mul3A_506 = vector.broadcast %mul3A_505 : f32 to vector<16xf32>
      %mul3A_507 = arith.mulf %scan3A_499#0, %mul3A_506 : vector<16xf32>
      %swap3A_508 = arith.index_cast %add3A_504 : i32 to index
      %swap3A_509 = arith.constant 0 : index
      %swap3A_510 = tpu.vector_load %arg6[%swap3A_508, %swap3A_509] {strides = array<i32>} : memref<100x128xf32, #tpu.memory_space<vmem>>, vector<1x16xf32>,
      %swap3A_511 = vector.shape_cast %swap3A_510 : vector<1x16xf32> to vector<16xf32>
      %swap3A_512 = vector.shape_cast %mul3A_507 : vector<16xf32> to vector<1x16xf32>
      tpu.vector_store %arg6[%swap3A_508, %swap3A_509], %swap3A_512 {strides = array<i32>} : memref<100x128xf32, #tpu.memory_space<vmem>>, vector<1x16xf32>,
      %mul3A_513 = arith.constant 3.125000e-02 : f32
      %mul3A_514 = vector.broadcast %mul3A_513 : f32 to vector<16xf32>
      %mul3A_515 = arith.mulf %scan3A_499#1, %mul3A_514 : vector<16xf32>
      %swap3A_516 = arith.index_cast %add3A_504 : i32 to index
      %swap3A_517 = arith.constant 16 : index
      %swap3A_518 = tpu.vector_load %arg6[%swap3A_516, %swap3A_517] {strides = array<i32>} : memref<100x128xf32, #tpu.memory_space<vmem>>, vector<1x16xf32>,
      %swap3A_519 = vector.shape_cast %swap3A_518 : vector<1x16xf32> to vector<16xf32>
      %swap3A_520 = vector.shape_cast %mul3A_515 : vector<16xf32> to vector<1x16xf32>
      tpu.vector_store %arg6[%swap3A_516, %swap3A_517], %swap3A_520 {strides = array<i32>} : memref<100x128xf32, #tpu.memory_space<vmem>>, vector<1x16xf32>,
      %mul3A_521 = arith.constant 3.125000e-02 : f32
      %mul3A_522 = vector.broadcast %mul3A_521 : f32 to vector<16xf32>
      %mul3A_523 = arith.mulf %scan3A_499#2, %mul3A_522 : vector<16xf32>
      %swap3A_524 = arith.index_cast %add3A_504 : i32 to index
      %swap3A_525 = arith.constant 32 : index
      %swap3A_526 = tpu.vector_load %arg6[%swap3A_524, %swap3A_525] {strides = array<i32>} : memref<100x128xf32, #tpu.memory_space<vmem>>, vector<1x16xf32>,
      %swap3A_527 = vector.shape_cast %swap3A_526 : vector<1x16xf32> to vector<16xf32>
      %swap3A_528 = vector.shape_cast %mul3A_523 : vector<16xf32> to vector<1x16xf32>
      tpu.vector_store %arg6[%swap3A_524, %swap3A_525], %swap3A_528 {strides = array<i32>} : memref<100x128xf32, #tpu.memory_space<vmem>>, vector<1x16xf32>,
      %mul3A_529 = arith.constant 3.125000e-02 : f32
      %mul3A_530 = vector.broadcast %mul3A_529 : f32 to vector<16xf32>
      %mul3A_531 = arith.mulf %scan3A_499#3, %mul3A_530 : vector<16xf32>
      %swap3A_532 = arith.index_cast %add3A_504 : i32 to index
      %swap3A_533 = arith.constant 48 : index
      %swap3A_534 = tpu.vector_load %arg6[%swap3A_532, %swap3A_533] {strides = array<i32>} : memref<100x128xf32, #tpu.memory_space<vmem>>, vector<1x16xf32>,
      %swap3A_535 = vector.shape_cast %swap3A_534 : vector<1x16xf32> to vector<16xf32>
      %swap3A_536 = vector.shape_cast %mul3A_531 : vector<16xf32> to vector<1x16xf32>
      tpu.vector_store %arg6[%swap3A_532, %swap3A_533], %swap3A_536 {strides = array<i32>} : memref<100x128xf32, #tpu.memory_space<vmem>>, vector<1x16xf32>,
      %mul3A_537 = arith.constant 3.125000e-02 : f32
      %mul3A_538 = vector.broadcast %mul3A_537 : f32 to vector<16xf32>
      %mul3A_539 = arith.mulf %scan3A_499#4, %mul3A_538 : vector<16xf32>
      %swap3A_540 = arith.index_cast %add3A_504 : i32 to index
      %swap3A_541 = arith.constant 64 : index
      %swap3A_542 = tpu.vector_load %arg6[%swap3A_540, %swap3A_541] {strides = array<i32>} : memref<100x128xf32, #tpu.memory_space<vmem>>, vector<1x16xf32>,
      %swap3A_543 = vector.shape_cast %swap3A_542 : vector<1x16xf32> to vector<16xf32>
      %swap3A_544 = vector.shape_cast %mul3A_539 : vector<16xf32> to vector<1x16xf32>
      tpu.vector_store %arg6[%swap3A_540, %swap3A_541], %swap3A_544 {strides = array<i32>} : memref<100x128xf32, #tpu.memory_space<vmem>>, vector<1x16xf32>,
      %mul3A_545 = arith.constant 3.125000e-02 : f32
      %mul3A_546 = vector.broadcast %mul3A_545 : f32 to vector<16xf32>
      %mul3A_547 = arith.mulf %scan3A_499#5, %mul3A_546 : vector<16xf32>
      %swap3A_548 = arith.index_cast %add3A_504 : i32 to index
      %swap3A_549 = arith.constant 80 : index
      %swap3A_550 = tpu.vector_load %arg6[%swap3A_548, %swap3A_549] {strides = array<i32>} : memref<100x128xf32, #tpu.memory_space<vmem>>, vector<1x16xf32>,
      %swap3A_551 = vector.shape_cast %swap3A_550 : vector<1x16xf32> to vector<16xf32>
      %swap3A_552 = vector.shape_cast %mul3A_547 : vector<16xf32> to vector<1x16xf32>
      tpu.vector_store %arg6[%swap3A_548, %swap3A_549], %swap3A_552 {strides = array<i32>} : memref<100x128xf32, #tpu.memory_space<vmem>>, vector<1x16xf32>,
      %mul3A_553 = arith.constant 3.125000e-02 : f32
      %mul3A_554 = vector.broadcast %mul3A_553 : f32 to vector<16xf32>
      %mul3A_555 = arith.mulf %scan3A_499#6, %mul3A_554 : vector<16xf32>
      %swap3A_556 = arith.index_cast %add3A_504 : i32 to index
      %swap3A_557 = arith.constant 96 : index
      %swap3A_558 = tpu.vector_load %arg6[%swap3A_556, %swap3A_557] {strides = array<i32>} : memref<100x128xf32, #tpu.memory_space<vmem>>, vector<1x16xf32>,
      %swap3A_559 = vector.shape_cast %swap3A_558 : vector<1x16xf32> to vector<16xf32>
      %swap3A_560 = vector.shape_cast %mul3A_555 : vector<16xf32> to vector<1x16xf32>
      tpu.vector_store %arg6[%swap3A_556, %swap3A_557], %swap3A_560 {strides = array<i32>} : memref<100x128xf32, #tpu.memory_space<vmem>>, vector<1x16xf32>,
      %mul3A_561 = arith.constant 3.125000e-02 : f32
      %mul3A_562 = vector.broadcast %mul3A_561 : f32 to vector<16xf32>
      %mul3A_563 = arith.mulf %scan3A_499#7, %mul3A_562 : vector<16xf32>
      %swap3A_564 = arith.index_cast %add3A_504 : i32 to index
      %swap3A_565 = arith.constant 112 : index
      %swap3A_566 = tpu.vector_load %arg6[%swap3A_564, %swap3A_565] {strides = array<i32>} : memref<100x128xf32, #tpu.memory_space<vmem>>, vector<1x16xf32>,
      %swap3A_567 = vector.shape_cast %swap3A_566 : vector<1x16xf32> to vector<16xf32>
      %swap3A_568 = vector.shape_cast %mul3A_563 : vector<16xf32> to vector<1x16xf32>
      tpu.vector_store %arg6[%swap3A_564, %swap3A_565], %swap3A_568 {strides = array<i32>} : memref<100x128xf32, #tpu.memory_space<vmem>>, vector<1x16xf32>,
      %broadcast_in_dim3A_569 = arith.constant 0.000000e+00 : f32
      %broadcast_in_dim3A_570 = vector.broadcast %broadcast_in_dim3A_569 : f32 to vector<16xf32>
      %broadcast_in_dim3A_571 = arith.constant 0.000000e+00 : f32
      %broadcast_in_dim3A_572 = vector.broadcast %broadcast_in_dim3A_571 : f32 to vector<16xf32>
      %broadcast_in_dim3A_573 = arith.constant 0.000000e+00 : f32
      %broadcast_in_dim3A_574 = vector.broadcast %broadcast_in_dim3A_573 : f32 to vector<16xf32>
      %broadcast_in_dim3A_575 = arith.constant 0.000000e+00 : f32
      %broadcast_in_dim3A_576 = vector.broadcast %broadcast_in_dim3A_575 : f32 to vector<16xf32>
      %broadcast_in_dim3A_577 = arith.constant 0.000000e+00 : f32
      %broadcast_in_dim3A_578 = vector.broadcast %broadcast_in_dim3A_577 : f32 to vector<16xf32>
      %broadcast_in_dim3A_579 = arith.constant 0.000000e+00 : f32
      %broadcast_in_dim3A_580 = vector.broadcast %broadcast_in_dim3A_579 : f32 to vector<16xf32>
      %broadcast_in_dim3A_581 = arith.constant 0.000000e+00 : f32
      %broadcast_in_dim3A_582 = vector.broadcast %broadcast_in_dim3A_581 : f32 to vector<16xf32>
      %broadcast_in_dim3A_583 = arith.constant 0.000000e+00 : f32
      %broadcast_in_dim3A_584 = vector.broadcast %broadcast_in_dim3A_583 : f32 to vector<16xf32>
      %scan3A_585 = arith.constant 0 : i32
      %scan3A_586 = arith.constant 32 : i32
      %scan3A_587 = arith.addi %scan3A_585, %scan3A_586 : i32
      %scan3A_588 = arith.constant 1 : i32
      %scan3A_589:8 = scf.for %scan3A_1848 = %scan3A_585 to %scan3A_587 step %scan3A_588 iter_args(%scan3A_1849 = %broadcast_in_dim3A_570, %scan3A_1850 = %broadcast_in_dim3A_572, %scan3A_1851 = %broadcast_in_dim3A_574, %scan3A_1852 = %broadcast_in_dim3A_576, %scan3A_1853 = %broadcast_in_dim3A_578, %scan3A_1854 = %broadcast_in_dim3A_580, %scan3A_1855 = %broadcast_in_dim3A_582, %scan3A_1856 = %broadcast_in_dim3A_584) -> (vector<16xf32>, vector<16xf32>, vector<16xf32>, vector<16xf32>, vector<16xf32>, vector<16xf32>, vector<16xf32>, vector<16xf32>)  : i32 {
        %get3A = arith.constant 6 : i32
        %get3A_1857 = arith.index_cast %get3A : i32 to index
        %get3A_1858 = arith.index_cast %scan3A_1848 : i32 to index
        %get3A_1859 = arith.constant 0 : index
        %get3A_1860 = tpu.vector_load %arg4[%get3A_1857, %get3A_1858, %get3A_1859] {strides = array<i32>} : memref<10x32x128xf32, #tpu.memory_space<vmem>>, vector<1x1x16xf32>,
        %get3A_1861 = vector.shape_cast %get3A_1860 : vector<1x1x16xf32> to vector<16xf32>
        %add3A_1862 = arith.addf %scan3A_1849, %get3A_1861 : vector<16xf32>
        %get3A_1863 = arith.constant 6 : i32
        %get3A_1864 = arith.index_cast %get3A_1863 : i32 to index
        %get3A_1865 = arith.index_cast %scan3A_1848 : i32 to index
        %get3A_1866 = arith.constant 16 : index
        %get3A_1867 = tpu.vector_load %arg4[%get3A_1864, %get3A_1865, %get3A_1866] {strides = array<i32>} : memref<10x32x128xf32, #tpu.memory_space<vmem>>, vector<1x1x16xf32>,
        %get3A_1868 = vector.shape_cast %get3A_1867 : vector<1x1x16xf32> to vector<16xf32>
        %add3A_1869 = arith.addf %scan3A_1850, %get3A_1868 : vector<16xf32>
        %get3A_1870 = arith.constant 6 : i32
        %get3A_1871 = arith.index_cast %get3A_1870 : i32 to index
        %get3A_1872 = arith.index_cast %scan3A_1848 : i32 to index
        %get3A_1873 = arith.constant 32 : index
        %get3A_1874 = tpu.vector_load %arg4[%get3A_1871, %get3A_1872, %get3A_1873] {strides = array<i32>} : memref<10x32x128xf32, #tpu.memory_space<vmem>>, vector<1x1x16xf32>,
        %get3A_1875 = vector.shape_cast %get3A_1874 : vector<1x1x16xf32> to vector<16xf32>
        %add3A_1876 = arith.addf %scan3A_1851, %get3A_1875 : vector<16xf32>
        %get3A_1877 = arith.constant 6 : i32
        %get3A_1878 = arith.index_cast %get3A_1877 : i32 to index
        %get3A_1879 = arith.index_cast %scan3A_1848 : i32 to index
        %get3A_1880 = arith.constant 48 : index
        %get3A_1881 = tpu.vector_load %arg4[%get3A_1878, %get3A_1879, %get3A_1880] {strides = array<i32>} : memref<10x32x128xf32, #tpu.memory_space<vmem>>, vector<1x1x16xf32>,
        %get3A_1882 = vector.shape_cast %get3A_1881 : vector<1x1x16xf32> to vector<16xf32>
        %add3A_1883 = arith.addf %scan3A_1852, %get3A_1882 : vector<16xf32>
        %get3A_1884 = arith.constant 6 : i32
        %get3A_1885 = arith.index_cast %get3A_1884 : i32 to index
        %get3A_1886 = arith.index_cast %scan3A_1848 : i32 to index
        %get3A_1887 = arith.constant 64 : index
        %get3A_1888 = tpu.vector_load %arg4[%get3A_1885, %get3A_1886, %get3A_1887] {strides = array<i32>} : memref<10x32x128xf32, #tpu.memory_space<vmem>>, vector<1x1x16xf32>,
        %get3A_1889 = vector.shape_cast %get3A_1888 : vector<1x1x16xf32> to vector<16xf32>
        %add3A_1890 = arith.addf %scan3A_1853, %get3A_1889 : vector<16xf32>
        %get3A_1891 = arith.constant 6 : i32
        %get3A_1892 = arith.index_cast %get3A_1891 : i32 to index
        %get3A_1893 = arith.index_cast %scan3A_1848 : i32 to index
        %get3A_1894 = arith.constant 80 : index
        %get3A_1895 = tpu.vector_load %arg4[%get3A_1892, %get3A_1893, %get3A_1894] {strides = array<i32>} : memref<10x32x128xf32, #tpu.memory_space<vmem>>, vector<1x1x16xf32>,
        %get3A_1896 = vector.shape_cast %get3A_1895 : vector<1x1x16xf32> to vector<16xf32>
        %add3A_1897 = arith.addf %scan3A_1854, %get3A_1896 : vector<16xf32>
        %get3A_1898 = arith.constant 6 : i32
        %get3A_1899 = arith.index_cast %get3A_1898 : i32 to index
        %get3A_1900 = arith.index_cast %scan3A_1848 : i32 to index
        %get3A_1901 = arith.constant 96 : index
        %get3A_1902 = tpu.vector_load %arg4[%get3A_1899, %get3A_1900, %get3A_1901] {strides = array<i32>} : memref<10x32x128xf32, #tpu.memory_space<vmem>>, vector<1x1x16xf32>,
        %get3A_1903 = vector.shape_cast %get3A_1902 : vector<1x1x16xf32> to vector<16xf32>
        %add3A_1904 = arith.addf %scan3A_1855, %get3A_1903 : vector<16xf32>
        %get3A_1905 = arith.constant 6 : i32
        %get3A_1906 = arith.index_cast %get3A_1905 : i32 to index
        %get3A_1907 = arith.index_cast %scan3A_1848 : i32 to index
        %get3A_1908 = arith.constant 112 : index
        %get3A_1909 = tpu.vector_load %arg4[%get3A_1906, %get3A_1907, %get3A_1908] {strides = array<i32>} : memref<10x32x128xf32, #tpu.memory_space<vmem>>, vector<1x1x16xf32>,
        %get3A_1910 = vector.shape_cast %get3A_1909 : vector<1x1x16xf32> to vector<16xf32>
        %add3A_1911 = arith.addf %scan3A_1856, %get3A_1910 : vector<16xf32>
        scf.yield %add3A_1862, %add3A_1869, %add3A_1876, %add3A_1883, %add3A_1890, %add3A_1897, %add3A_1904, %add3A_1911 : vector<16xf32>, vector<16xf32>, vector<16xf32>, vector<16xf32>, vector<16xf32>, vector<16xf32>, vector<16xf32>, vector<16xf32>
      }
      %scan3A_590 = arith.constant 32 : i32
      %mul3A_591 = arith.constant 10 : i32
      %mul3A_592 = arith.muli %mul3A_25, %mul3A_591 : i32
      %add3A_593 = arith.constant 6 : i32
      %add3A_594 = arith.addi %mul3A_592, %add3A_593 : i32
      %mul3A_595 = arith.constant 3.125000e-02 : f32
      %mul3A_596 = vector.broadcast %mul3A_595 : f32 to vector<16xf32>
      %mul3A_597 = arith.mulf %scan3A_589#0, %mul3A_596 : vector<16xf32>
      %swap3A_598 = arith.index_cast %add3A_594 : i32 to index
      %swap3A_599 = arith.constant 0 : index
      %swap3A_600 = tpu.vector_load %arg6[%swap3A_598, %swap3A_599] {strides = array<i32>} : memref<100x128xf32, #tpu.memory_space<vmem>>, vector<1x16xf32>,
      %swap3A_601 = vector.shape_cast %swap3A_600 : vector<1x16xf32> to vector<16xf32>
      %swap3A_602 = vector.shape_cast %mul3A_597 : vector<16xf32> to vector<1x16xf32>
      tpu.vector_store %arg6[%swap3A_598, %swap3A_599], %swap3A_602 {strides = array<i32>} : memref<100x128xf32, #tpu.memory_space<vmem>>, vector<1x16xf32>,
      %mul3A_603 = arith.constant 3.125000e-02 : f32
      %mul3A_604 = vector.broadcast %mul3A_603 : f32 to vector<16xf32>
      %mul3A_605 = arith.mulf %scan3A_589#1, %mul3A_604 : vector<16xf32>
      %swap3A_606 = arith.index_cast %add3A_594 : i32 to index
      %swap3A_607 = arith.constant 16 : index
      %swap3A_608 = tpu.vector_load %arg6[%swap3A_606, %swap3A_607] {strides = array<i32>} : memref<100x128xf32, #tpu.memory_space<vmem>>, vector<1x16xf32>,
      %swap3A_609 = vector.shape_cast %swap3A_608 : vector<1x16xf32> to vector<16xf32>
      %swap3A_610 = vector.shape_cast %mul3A_605 : vector<16xf32> to vector<1x16xf32>
      tpu.vector_store %arg6[%swap3A_606, %swap3A_607], %swap3A_610 {strides = array<i32>} : memref<100x128xf32, #tpu.memory_space<vmem>>, vector<1x16xf32>,
      %mul3A_611 = arith.constant 3.125000e-02 : f32
      %mul3A_612 = vector.broadcast %mul3A_611 : f32 to vector<16xf32>
      %mul3A_613 = arith.mulf %scan3A_589#2, %mul3A_612 : vector<16xf32>
      %swap3A_614 = arith.index_cast %add3A_594 : i32 to index
      %swap3A_615 = arith.constant 32 : index
      %swap3A_616 = tpu.vector_load %arg6[%swap3A_614, %swap3A_615] {strides = array<i32>} : memref<100x128xf32, #tpu.memory_space<vmem>>, vector<1x16xf32>,
      %swap3A_617 = vector.shape_cast %swap3A_616 : vector<1x16xf32> to vector<16xf32>
      %swap3A_618 = vector.shape_cast %mul3A_613 : vector<16xf32> to vector<1x16xf32>
      tpu.vector_store %arg6[%swap3A_614, %swap3A_615], %swap3A_618 {strides = array<i32>} : memref<100x128xf32, #tpu.memory_space<vmem>>, vector<1x16xf32>,
      %mul3A_619 = arith.constant 3.125000e-02 : f32
      %mul3A_620 = vector.broadcast %mul3A_619 : f32 to vector<16xf32>
      %mul3A_621 = arith.mulf %scan3A_589#3, %mul3A_620 : vector<16xf32>
      %swap3A_622 = arith.index_cast %add3A_594 : i32 to index
      %swap3A_623 = arith.constant 48 : index
      %swap3A_624 = tpu.vector_load %arg6[%swap3A_622, %swap3A_623] {strides = array<i32>} : memref<100x128xf32, #tpu.memory_space<vmem>>, vector<1x16xf32>,
      %swap3A_625 = vector.shape_cast %swap3A_624 : vector<1x16xf32> to vector<16xf32>
      %swap3A_626 = vector.shape_cast %mul3A_621 : vector<16xf32> to vector<1x16xf32>
      tpu.vector_store %arg6[%swap3A_622, %swap3A_623], %swap3A_626 {strides = array<i32>} : memref<100x128xf32, #tpu.memory_space<vmem>>, vector<1x16xf32>,
      %mul3A_627 = arith.constant 3.125000e-02 : f32
      %mul3A_628 = vector.broadcast %mul3A_627 : f32 to vector<16xf32>
      %mul3A_629 = arith.mulf %scan3A_589#4, %mul3A_628 : vector<16xf32>
      %swap3A_630 = arith.index_cast %add3A_594 : i32 to index
      %swap3A_631 = arith.constant 64 : index
      %swap3A_632 = tpu.vector_load %arg6[%swap3A_630, %swap3A_631] {strides = array<i32>} : memref<100x128xf32, #tpu.memory_space<vmem>>, vector<1x16xf32>,
      %swap3A_633 = vector.shape_cast %swap3A_632 : vector<1x16xf32> to vector<16xf32>
      %swap3A_634 = vector.shape_cast %mul3A_629 : vector<16xf32> to vector<1x16xf32>
      tpu.vector_store %arg6[%swap3A_630, %swap3A_631], %swap3A_634 {strides = array<i32>} : memref<100x128xf32, #tpu.memory_space<vmem>>, vector<1x16xf32>,
      %mul3A_635 = arith.constant 3.125000e-02 : f32
      %mul3A_636 = vector.broadcast %mul3A_635 : f32 to vector<16xf32>
      %mul3A_637 = arith.mulf %scan3A_589#5, %mul3A_636 : vector<16xf32>
      %swap3A_638 = arith.index_cast %add3A_594 : i32 to index
      %swap3A_639 = arith.constant 80 : index
      %swap3A_640 = tpu.vector_load %arg6[%swap3A_638, %swap3A_639] {strides = array<i32>} : memref<100x128xf32, #tpu.memory_space<vmem>>, vector<1x16xf32>,
      %swap3A_641 = vector.shape_cast %swap3A_640 : vector<1x16xf32> to vector<16xf32>
      %swap3A_642 = vector.shape_cast %mul3A_637 : vector<16xf32> to vector<1x16xf32>
      tpu.vector_store %arg6[%swap3A_638, %swap3A_639], %swap3A_642 {strides = array<i32>} : memref<100x128xf32, #tpu.memory_space<vmem>>, vector<1x16xf32>,
      %mul3A_643 = arith.constant 3.125000e-02 : f32
      %mul3A_644 = vector.broadcast %mul3A_643 : f32 to vector<16xf32>
      %mul3A_645 = arith.mulf %scan3A_589#6, %mul3A_644 : vector<16xf32>
      %swap3A_646 = arith.index_cast %add3A_594 : i32 to index
      %swap3A_647 = arith.constant 96 : index
      %swap3A_648 = tpu.vector_load %arg6[%swap3A_646, %swap3A_647] {strides = array<i32>} : memref<100x128xf32, #tpu.memory_space<vmem>>, vector<1x16xf32>,
      %swap3A_649 = vector.shape_cast %swap3A_648 : vector<1x16xf32> to vector<16xf32>
      %swap3A_650 = vector.shape_cast %mul3A_645 : vector<16xf32> to vector<1x16xf32>
      tpu.vector_store %arg6[%swap3A_646, %swap3A_647], %swap3A_650 {strides = array<i32>} : memref<100x128xf32, #tpu.memory_space<vmem>>, vector<1x16xf32>,
      %mul3A_651 = arith.constant 3.125000e-02 : f32
      %mul3A_652 = vector.broadcast %mul3A_651 : f32 to vector<16xf32>
      %mul3A_653 = arith.mulf %scan3A_589#7, %mul3A_652 : vector<16xf32>
      %swap3A_654 = arith.index_cast %add3A_594 : i32 to index
      %swap3A_655 = arith.constant 112 : index
      %swap3A_656 = tpu.vector_load %arg6[%swap3A_654, %swap3A_655] {strides = array<i32>} : memref<100x128xf32, #tpu.memory_space<vmem>>, vector<1x16xf32>,
      %swap3A_657 = vector.shape_cast %swap3A_656 : vector<1x16xf32> to vector<16xf32>
      %swap3A_658 = vector.shape_cast %mul3A_653 : vector<16xf32> to vector<1x16xf32>
      tpu.vector_store %arg6[%swap3A_654, %swap3A_655], %swap3A_658 {strides = array<i32>} : memref<100x128xf32, #tpu.memory_space<vmem>>, vector<1x16xf32>,
      %broadcast_in_dim3A_659 = arith.constant 0.000000e+00 : f32
      %broadcast_in_dim3A_660 = vector.broadcast %broadcast_in_dim3A_659 : f32 to vector<16xf32>
      %broadcast_in_dim3A_661 = arith.constant 0.000000e+00 : f32
      %broadcast_in_dim3A_662 = vector.broadcast %broadcast_in_dim3A_661 : f32 to vector<16xf32>
      %broadcast_in_dim3A_663 = arith.constant 0.000000e+00 : f32
      %broadcast_in_dim3A_664 = vector.broadcast %broadcast_in_dim3A_663 : f32 to vector<16xf32>
      %broadcast_in_dim3A_665 = arith.constant 0.000000e+00 : f32
      %broadcast_in_dim3A_666 = vector.broadcast %broadcast_in_dim3A_665 : f32 to vector<16xf32>
      %broadcast_in_dim3A_667 = arith.constant 0.000000e+00 : f32
      %broadcast_in_dim3A_668 = vector.broadcast %broadcast_in_dim3A_667 : f32 to vector<16xf32>
      %broadcast_in_dim3A_669 = arith.constant 0.000000e+00 : f32
      %broadcast_in_dim3A_670 = vector.broadcast %broadcast_in_dim3A_669 : f32 to vector<16xf32>
      %broadcast_in_dim3A_671 = arith.constant 0.000000e+00 : f32
      %broadcast_in_dim3A_672 = vector.broadcast %broadcast_in_dim3A_671 : f32 to vector<16xf32>
      %broadcast_in_dim3A_673 = arith.constant 0.000000e+00 : f32
      %broadcast_in_dim3A_674 = vector.broadcast %broadcast_in_dim3A_673 : f32 to vector<16xf32>
      %scan3A_675 = arith.constant 0 : i32
      %scan3A_676 = arith.constant 32 : i32
      %scan3A_677 = arith.addi %scan3A_675, %scan3A_676 : i32
      %scan3A_678 = arith.constant 1 : i32
      %scan3A_679:8 = scf.for %scan3A_1848 = %scan3A_675 to %scan3A_677 step %scan3A_678 iter_args(%scan3A_1849 = %broadcast_in_dim3A_660, %scan3A_1850 = %broadcast_in_dim3A_662, %scan3A_1851 = %broadcast_in_dim3A_664, %scan3A_1852 = %broadcast_in_dim3A_666, %scan3A_1853 = %broadcast_in_dim3A_668, %scan3A_1854 = %broadcast_in_dim3A_670, %scan3A_1855 = %broadcast_in_dim3A_672, %scan3A_1856 = %broadcast_in_dim3A_674) -> (vector<16xf32>, vector<16xf32>, vector<16xf32>, vector<16xf32>, vector<16xf32>, vector<16xf32>, vector<16xf32>, vector<16xf32>)  : i32 {
        %get3A = arith.constant 7 : i32
        %get3A_1857 = arith.index_cast %get3A : i32 to index
        %get3A_1858 = arith.index_cast %scan3A_1848 : i32 to index
        %get3A_1859 = arith.constant 0 : index
        %get3A_1860 = tpu.vector_load %arg4[%get3A_1857, %get3A_1858, %get3A_1859] {strides = array<i32>} : memref<10x32x128xf32, #tpu.memory_space<vmem>>, vector<1x1x16xf32>,
        %get3A_1861 = vector.shape_cast %get3A_1860 : vector<1x1x16xf32> to vector<16xf32>
        %add3A_1862 = arith.addf %scan3A_1849, %get3A_1861 : vector<16xf32>
        %get3A_1863 = arith.constant 7 : i32
        %get3A_1864 = arith.index_cast %get3A_1863 : i32 to index
        %get3A_1865 = arith.index_cast %scan3A_1848 : i32 to index
        %get3A_1866 = arith.constant 16 : index
        %get3A_1867 = tpu.vector_load %arg4[%get3A_1864, %get3A_1865, %get3A_1866] {strides = array<i32>} : memref<10x32x128xf32, #tpu.memory_space<vmem>>, vector<1x1x16xf32>,
        %get3A_1868 = vector.shape_cast %get3A_1867 : vector<1x1x16xf32> to vector<16xf32>
        %add3A_1869 = arith.addf %scan3A_1850, %get3A_1868 : vector<16xf32>
        %get3A_1870 = arith.constant 7 : i32
        %get3A_1871 = arith.index_cast %get3A_1870 : i32 to index
        %get3A_1872 = arith.index_cast %scan3A_1848 : i32 to index
        %get3A_1873 = arith.constant 32 : index
        %get3A_1874 = tpu.vector_load %arg4[%get3A_1871, %get3A_1872, %get3A_1873] {strides = array<i32>} : memref<10x32x128xf32, #tpu.memory_space<vmem>>, vector<1x1x16xf32>,
        %get3A_1875 = vector.shape_cast %get3A_1874 : vector<1x1x16xf32> to vector<16xf32>
        %add3A_1876 = arith.addf %scan3A_1851, %get3A_1875 : vector<16xf32>
        %get3A_1877 = arith.constant 7 : i32
        %get3A_1878 = arith.index_cast %get3A_1877 : i32 to index
        %get3A_1879 = arith.index_cast %scan3A_1848 : i32 to index
        %get3A_1880 = arith.constant 48 : index
        %get3A_1881 = tpu.vector_load %arg4[%get3A_1878, %get3A_1879, %get3A_1880] {strides = array<i32>} : memref<10x32x128xf32, #tpu.memory_space<vmem>>, vector<1x1x16xf32>,
        %get3A_1882 = vector.shape_cast %get3A_1881 : vector<1x1x16xf32> to vector<16xf32>
        %add3A_1883 = arith.addf %scan3A_1852, %get3A_1882 : vector<16xf32>
        %get3A_1884 = arith.constant 7 : i32
        %get3A_1885 = arith.index_cast %get3A_1884 : i32 to index
        %get3A_1886 = arith.index_cast %scan3A_1848 : i32 to index
        %get3A_1887 = arith.constant 64 : index
        %get3A_1888 = tpu.vector_load %arg4[%get3A_1885, %get3A_1886, %get3A_1887] {strides = array<i32>} : memref<10x32x128xf32, #tpu.memory_space<vmem>>, vector<1x1x16xf32>,
        %get3A_1889 = vector.shape_cast %get3A_1888 : vector<1x1x16xf32> to vector<16xf32>
        %add3A_1890 = arith.addf %scan3A_1853, %get3A_1889 : vector<16xf32>
        %get3A_1891 = arith.constant 7 : i32
        %get3A_1892 = arith.index_cast %get3A_1891 : i32 to index
        %get3A_1893 = arith.index_cast %scan3A_1848 : i32 to index
        %get3A_1894 = arith.constant 80 : index
        %get3A_1895 = tpu.vector_load %arg4[%get3A_1892, %get3A_1893, %get3A_1894] {strides = array<i32>} : memref<10x32x128xf32, #tpu.memory_space<vmem>>, vector<1x1x16xf32>,
        %get3A_1896 = vector.shape_cast %get3A_1895 : vector<1x1x16xf32> to vector<16xf32>
        %add3A_1897 = arith.addf %scan3A_1854, %get3A_1896 : vector<16xf32>
        %get3A_1898 = arith.constant 7 : i32
        %get3A_1899 = arith.index_cast %get3A_1898 : i32 to index
        %get3A_1900 = arith.index_cast %scan3A_1848 : i32 to index
        %get3A_1901 = arith.constant 96 : index
        %get3A_1902 = tpu.vector_load %arg4[%get3A_1899, %get3A_1900, %get3A_1901] {strides = array<i32>} : memref<10x32x128xf32, #tpu.memory_space<vmem>>, vector<1x1x16xf32>,
        %get3A_1903 = vector.shape_cast %get3A_1902 : vector<1x1x16xf32> to vector<16xf32>
        %add3A_1904 = arith.addf %scan3A_1855, %get3A_1903 : vector<16xf32>
        %get3A_1905 = arith.constant 7 : i32
        %get3A_1906 = arith.index_cast %get3A_1905 : i32 to index
        %get3A_1907 = arith.index_cast %scan3A_1848 : i32 to index
        %get3A_1908 = arith.constant 112 : index
        %get3A_1909 = tpu.vector_load %arg4[%get3A_1906, %get3A_1907, %get3A_1908] {strides = array<i32>} : memref<10x32x128xf32, #tpu.memory_space<vmem>>, vector<1x1x16xf32>,
        %get3A_1910 = vector.shape_cast %get3A_1909 : vector<1x1x16xf32> to vector<16xf32>
        %add3A_1911 = arith.addf %scan3A_1856, %get3A_1910 : vector<16xf32>
        scf.yield %add3A_1862, %add3A_1869, %add3A_1876, %add3A_1883, %add3A_1890, %add3A_1897, %add3A_1904, %add3A_1911 : vector<16xf32>, vector<16xf32>, vector<16xf32>, vector<16xf32>, vector<16xf32>, vector<16xf32>, vector<16xf32>, vector<16xf32>
      }
      %scan3A_680 = arith.constant 32 : i32
      %mul3A_681 = arith.constant 10 : i32
      %mul3A_682 = arith.muli %mul3A_25, %mul3A_681 : i32
      %add3A_683 = arith.constant 7 : i32
      %add3A_684 = arith.addi %mul3A_682, %add3A_683 : i32
      %mul3A_685 = arith.constant 3.125000e-02 : f32
      %mul3A_686 = vector.broadcast %mul3A_685 : f32 to vector<16xf32>
      %mul3A_687 = arith.mulf %scan3A_679#0, %mul3A_686 : vector<16xf32>
      %swap3A_688 = arith.index_cast %add3A_684 : i32 to index
      %swap3A_689 = arith.constant 0 : index
      %swap3A_690 = tpu.vector_load %arg6[%swap3A_688, %swap3A_689] {strides = array<i32>} : memref<100x128xf32, #tpu.memory_space<vmem>>, vector<1x16xf32>,
      %swap3A_691 = vector.shape_cast %swap3A_690 : vector<1x16xf32> to vector<16xf32>
      %swap3A_692 = vector.shape_cast %mul3A_687 : vector<16xf32> to vector<1x16xf32>
      tpu.vector_store %arg6[%swap3A_688, %swap3A_689], %swap3A_692 {strides = array<i32>} : memref<100x128xf32, #tpu.memory_space<vmem>>, vector<1x16xf32>,
      %mul3A_693 = arith.constant 3.125000e-02 : f32
      %mul3A_694 = vector.broadcast %mul3A_693 : f32 to vector<16xf32>
      %mul3A_695 = arith.mulf %scan3A_679#1, %mul3A_694 : vector<16xf32>
      %swap3A_696 = arith.index_cast %add3A_684 : i32 to index
      %swap3A_697 = arith.constant 16 : index
      %swap3A_698 = tpu.vector_load %arg6[%swap3A_696, %swap3A_697] {strides = array<i32>} : memref<100x128xf32, #tpu.memory_space<vmem>>, vector<1x16xf32>,
      %swap3A_699 = vector.shape_cast %swap3A_698 : vector<1x16xf32> to vector<16xf32>
      %swap3A_700 = vector.shape_cast %mul3A_695 : vector<16xf32> to vector<1x16xf32>
      tpu.vector_store %arg6[%swap3A_696, %swap3A_697], %swap3A_700 {strides = array<i32>} : memref<100x128xf32, #tpu.memory_space<vmem>>, vector<1x16xf32>,
      %mul3A_701 = arith.constant 3.125000e-02 : f32
      %mul3A_702 = vector.broadcast %mul3A_701 : f32 to vector<16xf32>
      %mul3A_703 = arith.mulf %scan3A_679#2, %mul3A_702 : vector<16xf32>
      %swap3A_704 = arith.index_cast %add3A_684 : i32 to index
      %swap3A_705 = arith.constant 32 : index
      %swap3A_706 = tpu.vector_load %arg6[%swap3A_704, %swap3A_705] {strides = array<i32>} : memref<100x128xf32, #tpu.memory_space<vmem>>, vector<1x16xf32>,
      %swap3A_707 = vector.shape_cast %swap3A_706 : vector<1x16xf32> to vector<16xf32>
      %swap3A_708 = vector.shape_cast %mul3A_703 : vector<16xf32> to vector<1x16xf32>
      tpu.vector_store %arg6[%swap3A_704, %swap3A_705], %swap3A_708 {strides = array<i32>} : memref<100x128xf32, #tpu.memory_space<vmem>>, vector<1x16xf32>,
      %mul3A_709 = arith.constant 3.125000e-02 : f32
      %mul3A_710 = vector.broadcast %mul3A_709 : f32 to vector<16xf32>
      %mul3A_711 = arith.mulf %scan3A_679#3, %mul3A_710 : vector<16xf32>
      %swap3A_712 = arith.index_cast %add3A_684 : i32 to index
      %swap3A_713 = arith.constant 48 : index
      %swap3A_714 = tpu.vector_load %arg6[%swap3A_712, %swap3A_713] {strides = array<i32>} : memref<100x128xf32, #tpu.memory_space<vmem>>, vector<1x16xf32>,
      %swap3A_715 = vector.shape_cast %swap3A_714 : vector<1x16xf32> to vector<16xf32>
      %swap3A_716 = vector.shape_cast %mul3A_711 : vector<16xf32> to vector<1x16xf32>
      tpu.vector_store %arg6[%swap3A_712, %swap3A_713], %swap3A_716 {strides = array<i32>} : memref<100x128xf32, #tpu.memory_space<vmem>>, vector<1x16xf32>,
      %mul3A_717 = arith.constant 3.125000e-02 : f32
      %mul3A_718 = vector.broadcast %mul3A_717 : f32 to vector<16xf32>
      %mul3A_719 = arith.mulf %scan3A_679#4, %mul3A_718 : vector<16xf32>
      %swap3A_720 = arith.index_cast %add3A_684 : i32 to index
      %swap3A_721 = arith.constant 64 : index
      %swap3A_722 = tpu.vector_load %arg6[%swap3A_720, %swap3A_721] {strides = array<i32>} : memref<100x128xf32, #tpu.memory_space<vmem>>, vector<1x16xf32>,
      %swap3A_723 = vector.shape_cast %swap3A_722 : vector<1x16xf32> to vector<16xf32>
      %swap3A_724 = vector.shape_cast %mul3A_719 : vector<16xf32> to vector<1x16xf32>
      tpu.vector_store %arg6[%swap3A_720, %swap3A_721], %swap3A_724 {strides = array<i32>} : memref<100x128xf32, #tpu.memory_space<vmem>>, vector<1x16xf32>,
      %mul3A_725 = arith.constant 3.125000e-02 : f32
      %mul3A_726 = vector.broadcast %mul3A_725 : f32 to vector<16xf32>
      %mul3A_727 = arith.mulf %scan3A_679#5, %mul3A_726 : vector<16xf32>
      %swap3A_728 = arith.index_cast %add3A_684 : i32 to index
      %swap3A_729 = arith.constant 80 : index
      %swap3A_730 = tpu.vector_load %arg6[%swap3A_728, %swap3A_729] {strides = array<i32>} : memref<100x128xf32, #tpu.memory_space<vmem>>, vector<1x16xf32>,
      %swap3A_731 = vector.shape_cast %swap3A_730 : vector<1x16xf32> to vector<16xf32>
      %swap3A_732 = vector.shape_cast %mul3A_727 : vector<16xf32> to vector<1x16xf32>
      tpu.vector_store %arg6[%swap3A_728, %swap3A_729], %swap3A_732 {strides = array<i32>} : memref<100x128xf32, #tpu.memory_space<vmem>>, vector<1x16xf32>,
      %mul3A_733 = arith.constant 3.125000e-02 : f32
      %mul3A_734 = vector.broadcast %mul3A_733 : f32 to vector<16xf32>
      %mul3A_735 = arith.mulf %scan3A_679#6, %mul3A_734 : vector<16xf32>
      %swap3A_736 = arith.index_cast %add3A_684 : i32 to index
      %swap3A_737 = arith.constant 96 : index
      %swap3A_738 = tpu.vector_load %arg6[%swap3A_736, %swap3A_737] {strides = array<i32>} : memref<100x128xf32, #tpu.memory_space<vmem>>, vector<1x16xf32>,
      %swap3A_739 = vector.shape_cast %swap3A_738 : vector<1x16xf32> to vector<16xf32>
      %swap3A_740 = vector.shape_cast %mul3A_735 : vector<16xf32> to vector<1x16xf32>
      tpu.vector_store %arg6[%swap3A_736, %swap3A_737], %swap3A_740 {strides = array<i32>} : memref<100x128xf32, #tpu.memory_space<vmem>>, vector<1x16xf32>,
      %mul3A_741 = arith.constant 3.125000e-02 : f32
      %mul3A_742 = vector.broadcast %mul3A_741 : f32 to vector<16xf32>
      %mul3A_743 = arith.mulf %scan3A_679#7, %mul3A_742 : vector<16xf32>
      %swap3A_744 = arith.index_cast %add3A_684 : i32 to index
      %swap3A_745 = arith.constant 112 : index
      %swap3A_746 = tpu.vector_load %arg6[%swap3A_744, %swap3A_745] {strides = array<i32>} : memref<100x128xf32, #tpu.memory_space<vmem>>, vector<1x16xf32>,
      %swap3A_747 = vector.shape_cast %swap3A_746 : vector<1x16xf32> to vector<16xf32>
      %swap3A_748 = vector.shape_cast %mul3A_743 : vector<16xf32> to vector<1x16xf32>
      tpu.vector_store %arg6[%swap3A_744, %swap3A_745], %swap3A_748 {strides = array<i32>} : memref<100x128xf32, #tpu.memory_space<vmem>>, vector<1x16xf32>,
      %broadcast_in_dim3A_749 = arith.constant 0.000000e+00 : f32
      %broadcast_in_dim3A_750 = vector.broadcast %broadcast_in_dim3A_749 : f32 to vector<16xf32>
      %broadcast_in_dim3A_751 = arith.constant 0.000000e+00 : f32
      %broadcast_in_dim3A_752 = vector.broadcast %broadcast_in_dim3A_751 : f32 to vector<16xf32>
      %broadcast_in_dim3A_753 = arith.constant 0.000000e+00 : f32
      %broadcast_in_dim3A_754 = vector.broadcast %broadcast_in_dim3A_753 : f32 to vector<16xf32>
      %broadcast_in_dim3A_755 = arith.constant 0.000000e+00 : f32
      %broadcast_in_dim3A_756 = vector.broadcast %broadcast_in_dim3A_755 : f32 to vector<16xf32>
      %broadcast_in_dim3A_757 = arith.constant 0.000000e+00 : f32
      %broadcast_in_dim3A_758 = vector.broadcast %broadcast_in_dim3A_757 : f32 to vector<16xf32>
      %broadcast_in_dim3A_759 = arith.constant 0.000000e+00 : f32
      %broadcast_in_dim3A_760 = vector.broadcast %broadcast_in_dim3A_759 : f32 to vector<16xf32>
      %broadcast_in_dim3A_761 = arith.constant 0.000000e+00 : f32
      %broadcast_in_dim3A_762 = vector.broadcast %broadcast_in_dim3A_761 : f32 to vector<16xf32>
      %broadcast_in_dim3A_763 = arith.constant 0.000000e+00 : f32
      %broadcast_in_dim3A_764 = vector.broadcast %broadcast_in_dim3A_763 : f32 to vector<16xf32>
      %scan3A_765 = arith.constant 0 : i32
      %scan3A_766 = arith.constant 32 : i32
      %scan3A_767 = arith.addi %scan3A_765, %scan3A_766 : i32
      %scan3A_768 = arith.constant 1 : i32
      %scan3A_769:8 = scf.for %scan3A_1848 = %scan3A_765 to %scan3A_767 step %scan3A_768 iter_args(%scan3A_1849 = %broadcast_in_dim3A_750, %scan3A_1850 = %broadcast_in_dim3A_752, %scan3A_1851 = %broadcast_in_dim3A_754, %scan3A_1852 = %broadcast_in_dim3A_756, %scan3A_1853 = %broadcast_in_dim3A_758, %scan3A_1854 = %broadcast_in_dim3A_760, %scan3A_1855 = %broadcast_in_dim3A_762, %scan3A_1856 = %broadcast_in_dim3A_764) -> (vector<16xf32>, vector<16xf32>, vector<16xf32>, vector<16xf32>, vector<16xf32>, vector<16xf32>, vector<16xf32>, vector<16xf32>)  : i32 {
        %get3A = arith.constant 8 : i32
        %get3A_1857 = arith.index_cast %get3A : i32 to index
        %get3A_1858 = arith.index_cast %scan3A_1848 : i32 to index
        %get3A_1859 = arith.constant 0 : index
        %get3A_1860 = tpu.vector_load %arg4[%get3A_1857, %get3A_1858, %get3A_1859] {strides = array<i32>} : memref<10x32x128xf32, #tpu.memory_space<vmem>>, vector<1x1x16xf32>,
        %get3A_1861 = vector.shape_cast %get3A_1860 : vector<1x1x16xf32> to vector<16xf32>
        %add3A_1862 = arith.addf %scan3A_1849, %get3A_1861 : vector<16xf32>
        %get3A_1863 = arith.constant 8 : i32
        %get3A_1864 = arith.index_cast %get3A_1863 : i32 to index
        %get3A_1865 = arith.index_cast %scan3A_1848 : i32 to index
        %get3A_1866 = arith.constant 16 : index
        %get3A_1867 = tpu.vector_load %arg4[%get3A_1864, %get3A_1865, %get3A_1866] {strides = array<i32>} : memref<10x32x128xf32, #tpu.memory_space<vmem>>, vector<1x1x16xf32>,
        %get3A_1868 = vector.shape_cast %get3A_1867 : vector<1x1x16xf32> to vector<16xf32>
        %add3A_1869 = arith.addf %scan3A_1850, %get3A_1868 : vector<16xf32>
        %get3A_1870 = arith.constant 8 : i32
        %get3A_1871 = arith.index_cast %get3A_1870 : i32 to index
        %get3A_1872 = arith.index_cast %scan3A_1848 : i32 to index
        %get3A_1873 = arith.constant 32 : index
        %get3A_1874 = tpu.vector_load %arg4[%get3A_1871, %get3A_1872, %get3A_1873] {strides = array<i32>} : memref<10x32x128xf32, #tpu.memory_space<vmem>>, vector<1x1x16xf32>,
        %get3A_1875 = vector.shape_cast %get3A_1874 : vector<1x1x16xf32> to vector<16xf32>
        %add3A_1876 = arith.addf %scan3A_1851, %get3A_1875 : vector<16xf32>
        %get3A_1877 = arith.constant 8 : i32
        %get3A_1878 = arith.index_cast %get3A_1877 : i32 to index
        %get3A_1879 = arith.index_cast %scan3A_1848 : i32 to index
        %get3A_1880 = arith.constant 48 : index
        %get3A_1881 = tpu.vector_load %arg4[%get3A_1878, %get3A_1879, %get3A_1880] {strides = array<i32>} : memref<10x32x128xf32, #tpu.memory_space<vmem>>, vector<1x1x16xf32>,
        %get3A_1882 = vector.shape_cast %get3A_1881 : vector<1x1x16xf32> to vector<16xf32>
        %add3A_1883 = arith.addf %scan3A_1852, %get3A_1882 : vector<16xf32>
        %get3A_1884 = arith.constant 8 : i32
        %get3A_1885 = arith.index_cast %get3A_1884 : i32 to index
        %get3A_1886 = arith.index_cast %scan3A_1848 : i32 to index
        %get3A_1887 = arith.constant 64 : index
        %get3A_1888 = tpu.vector_load %arg4[%get3A_1885, %get3A_1886, %get3A_1887] {strides = array<i32>} : memref<10x32x128xf32, #tpu.memory_space<vmem>>, vector<1x1x16xf32>,
        %get3A_1889 = vector.shape_cast %get3A_1888 : vector<1x1x16xf32> to vector<16xf32>
        %add3A_1890 = arith.addf %scan3A_1853, %get3A_1889 : vector<16xf32>
        %get3A_1891 = arith.constant 8 : i32
        %get3A_1892 = arith.index_cast %get3A_1891 : i32 to index
        %get3A_1893 = arith.index_cast %scan3A_1848 : i32 to index
        %get3A_1894 = arith.constant 80 : index
        %get3A_1895 = tpu.vector_load %arg4[%get3A_1892, %get3A_1893, %get3A_1894] {strides = array<i32>} : memref<10x32x128xf32, #tpu.memory_space<vmem>>, vector<1x1x16xf32>,
        %get3A_1896 = vector.shape_cast %get3A_1895 : vector<1x1x16xf32> to vector<16xf32>
        %add3A_1897 = arith.addf %scan3A_1854, %get3A_1896 : vector<16xf32>
        %get3A_1898 = arith.constant 8 : i32
        %get3A_1899 = arith.index_cast %get3A_1898 : i32 to index
        %get3A_1900 = arith.index_cast %scan3A_1848 : i32 to index
        %get3A_1901 = arith.constant 96 : index
        %get3A_1902 = tpu.vector_load %arg4[%get3A_1899, %get3A_1900, %get3A_1901] {strides = array<i32>} : memref<10x32x128xf32, #tpu.memory_space<vmem>>, vector<1x1x16xf32>,
        %get3A_1903 = vector.shape_cast %get3A_1902 : vector<1x1x16xf32> to vector<16xf32>
        %add3A_1904 = arith.addf %scan3A_1855, %get3A_1903 : vector<16xf32>
        %get3A_1905 = arith.constant 8 : i32
        %get3A_1906 = arith.index_cast %get3A_1905 : i32 to index
        %get3A_1907 = arith.index_cast %scan3A_1848 : i32 to index
        %get3A_1908 = arith.constant 112 : index
        %get3A_1909 = tpu.vector_load %arg4[%get3A_1906, %get3A_1907, %get3A_1908] {strides = array<i32>} : memref<10x32x128xf32, #tpu.memory_space<vmem>>, vector<1x1x16xf32>,
        %get3A_1910 = vector.shape_cast %get3A_1909 : vector<1x1x16xf32> to vector<16xf32>
        %add3A_1911 = arith.addf %scan3A_1856, %get3A_1910 : vector<16xf32>
        scf.yield %add3A_1862, %add3A_1869, %add3A_1876, %add3A_1883, %add3A_1890, %add3A_1897, %add3A_1904, %add3A_1911 : vector<16xf32>, vector<16xf32>, vector<16xf32>, vector<16xf32>, vector<16xf32>, vector<16xf32>, vector<16xf32>, vector<16xf32>
      }
      %scan3A_770 = arith.constant 32 : i32
      %mul3A_771 = arith.constant 10 : i32
      %mul3A_772 = arith.muli %mul3A_25, %mul3A_771 : i32
      %add3A_773 = arith.constant 8 : i32
      %add3A_774 = arith.addi %mul3A_772, %add3A_773 : i32
      %mul3A_775 = arith.constant 3.125000e-02 : f32
      %mul3A_776 = vector.broadcast %mul3A_775 : f32 to vector<16xf32>
      %mul3A_777 = arith.mulf %scan3A_769#0, %mul3A_776 : vector<16xf32>
      %swap3A_778 = arith.index_cast %add3A_774 : i32 to index
      %swap3A_779 = arith.constant 0 : index
      %swap3A_780 = tpu.vector_load %arg6[%swap3A_778, %swap3A_779] {strides = array<i32>} : memref<100x128xf32, #tpu.memory_space<vmem>>, vector<1x16xf32>,
      %swap3A_781 = vector.shape_cast %swap3A_780 : vector<1x16xf32> to vector<16xf32>
      %swap3A_782 = vector.shape_cast %mul3A_777 : vector<16xf32> to vector<1x16xf32>
      tpu.vector_store %arg6[%swap3A_778, %swap3A_779], %swap3A_782 {strides = array<i32>} : memref<100x128xf32, #tpu.memory_space<vmem>>, vector<1x16xf32>,
      %mul3A_783 = arith.constant 3.125000e-02 : f32
      %mul3A_784 = vector.broadcast %mul3A_783 : f32 to vector<16xf32>
      %mul3A_785 = arith.mulf %scan3A_769#1, %mul3A_784 : vector<16xf32>
      %swap3A_786 = arith.index_cast %add3A_774 : i32 to index
      %swap3A_787 = arith.constant 16 : index
      %swap3A_788 = tpu.vector_load %arg6[%swap3A_786, %swap3A_787] {strides = array<i32>} : memref<100x128xf32, #tpu.memory_space<vmem>>, vector<1x16xf32>,
      %swap3A_789 = vector.shape_cast %swap3A_788 : vector<1x16xf32> to vector<16xf32>
      %swap3A_790 = vector.shape_cast %mul3A_785 : vector<16xf32> to vector<1x16xf32>
      tpu.vector_store %arg6[%swap3A_786, %swap3A_787], %swap3A_790 {strides = array<i32>} : memref<100x128xf32, #tpu.memory_space<vmem>>, vector<1x16xf32>,
      %mul3A_791 = arith.constant 3.125000e-02 : f32
      %mul3A_792 = vector.broadcast %mul3A_791 : f32 to vector<16xf32>
      %mul3A_793 = arith.mulf %scan3A_769#2, %mul3A_792 : vector<16xf32>
      %swap3A_794 = arith.index_cast %add3A_774 : i32 to index
      %swap3A_795 = arith.constant 32 : index
      %swap3A_796 = tpu.vector_load %arg6[%swap3A_794, %swap3A_795] {strides = array<i32>} : memref<100x128xf32, #tpu.memory_space<vmem>>, vector<1x16xf32>,
      %swap3A_797 = vector.shape_cast %swap3A_796 : vector<1x16xf32> to vector<16xf32>
      %swap3A_798 = vector.shape_cast %mul3A_793 : vector<16xf32> to vector<1x16xf32>
      tpu.vector_store %arg6[%swap3A_794, %swap3A_795], %swap3A_798 {strides = array<i32>} : memref<100x128xf32, #tpu.memory_space<vmem>>, vector<1x16xf32>,
      %mul3A_799 = arith.constant 3.125000e-02 : f32
      %mul3A_800 = vector.broadcast %mul3A_799 : f32 to vector<16xf32>
      %mul3A_801 = arith.mulf %scan3A_769#3, %mul3A_800 : vector<16xf32>
      %swap3A_802 = arith.index_cast %add3A_774 : i32 to index
      %swap3A_803 = arith.constant 48 : index
      %swap3A_804 = tpu.vector_load %arg6[%swap3A_802, %swap3A_803] {strides = array<i32>} : memref<100x128xf32, #tpu.memory_space<vmem>>, vector<1x16xf32>,
      %swap3A_805 = vector.shape_cast %swap3A_804 : vector<1x16xf32> to vector<16xf32>
      %swap3A_806 = vector.shape_cast %mul3A_801 : vector<16xf32> to vector<1x16xf32>
      tpu.vector_store %arg6[%swap3A_802, %swap3A_803], %swap3A_806 {strides = array<i32>} : memref<100x128xf32, #tpu.memory_space<vmem>>, vector<1x16xf32>,
      %mul3A_807 = arith.constant 3.125000e-02 : f32
      %mul3A_808 = vector.broadcast %mul3A_807 : f32 to vector<16xf32>
      %mul3A_809 = arith.mulf %scan3A_769#4, %mul3A_808 : vector<16xf32>
      %swap3A_810 = arith.index_cast %add3A_774 : i32 to index
      %swap3A_811 = arith.constant 64 : index
      %swap3A_812 = tpu.vector_load %arg6[%swap3A_810, %swap3A_811] {strides = array<i32>} : memref<100x128xf32, #tpu.memory_space<vmem>>, vector<1x16xf32>,
      %swap3A_813 = vector.shape_cast %swap3A_812 : vector<1x16xf32> to vector<16xf32>
      %swap3A_814 = vector.shape_cast %mul3A_809 : vector<16xf32> to vector<1x16xf32>
      tpu.vector_store %arg6[%swap3A_810, %swap3A_811], %swap3A_814 {strides = array<i32>} : memref<100x128xf32, #tpu.memory_space<vmem>>, vector<1x16xf32>,
      %mul3A_815 = arith.constant 3.125000e-02 : f32
      %mul3A_816 = vector.broadcast %mul3A_815 : f32 to vector<16xf32>
      %mul3A_817 = arith.mulf %scan3A_769#5, %mul3A_816 : vector<16xf32>
      %swap3A_818 = arith.index_cast %add3A_774 : i32 to index
      %swap3A_819 = arith.constant 80 : index
      %swap3A_820 = tpu.vector_load %arg6[%swap3A_818, %swap3A_819] {strides = array<i32>} : memref<100x128xf32, #tpu.memory_space<vmem>>, vector<1x16xf32>,
      %swap3A_821 = vector.shape_cast %swap3A_820 : vector<1x16xf32> to vector<16xf32>
      %swap3A_822 = vector.shape_cast %mul3A_817 : vector<16xf32> to vector<1x16xf32>
      tpu.vector_store %arg6[%swap3A_818, %swap3A_819], %swap3A_822 {strides = array<i32>} : memref<100x128xf32, #tpu.memory_space<vmem>>, vector<1x16xf32>,
      %mul3A_823 = arith.constant 3.125000e-02 : f32
      %mul3A_824 = vector.broadcast %mul3A_823 : f32 to vector<16xf32>
      %mul3A_825 = arith.mulf %scan3A_769#6, %mul3A_824 : vector<16xf32>
      %swap3A_826 = arith.index_cast %add3A_774 : i32 to index
      %swap3A_827 = arith.constant 96 : index
      %swap3A_828 = tpu.vector_load %arg6[%swap3A_826, %swap3A_827] {strides = array<i32>} : memref<100x128xf32, #tpu.memory_space<vmem>>, vector<1x16xf32>,
      %swap3A_829 = vector.shape_cast %swap3A_828 : vector<1x16xf32> to vector<16xf32>
      %swap3A_830 = vector.shape_cast %mul3A_825 : vector<16xf32> to vector<1x16xf32>
      tpu.vector_store %arg6[%swap3A_826, %swap3A_827], %swap3A_830 {strides = array<i32>} : memref<100x128xf32, #tpu.memory_space<vmem>>, vector<1x16xf32>,
      %mul3A_831 = arith.constant 3.125000e-02 : f32
      %mul3A_832 = vector.broadcast %mul3A_831 : f32 to vector<16xf32>
      %mul3A_833 = arith.mulf %scan3A_769#7, %mul3A_832 : vector<16xf32>
      %swap3A_834 = arith.index_cast %add3A_774 : i32 to index
      %swap3A_835 = arith.constant 112 : index
      %swap3A_836 = tpu.vector_load %arg6[%swap3A_834, %swap3A_835] {strides = array<i32>} : memref<100x128xf32, #tpu.memory_space<vmem>>, vector<1x16xf32>,
      %swap3A_837 = vector.shape_cast %swap3A_836 : vector<1x16xf32> to vector<16xf32>
      %swap3A_838 = vector.shape_cast %mul3A_833 : vector<16xf32> to vector<1x16xf32>
      tpu.vector_store %arg6[%swap3A_834, %swap3A_835], %swap3A_838 {strides = array<i32>} : memref<100x128xf32, #tpu.memory_space<vmem>>, vector<1x16xf32>,
      %broadcast_in_dim3A_839 = arith.constant 0.000000e+00 : f32
      %broadcast_in_dim3A_840 = vector.broadcast %broadcast_in_dim3A_839 : f32 to vector<16xf32>
      %broadcast_in_dim3A_841 = arith.constant 0.000000e+00 : f32
      %broadcast_in_dim3A_842 = vector.broadcast %broadcast_in_dim3A_841 : f32 to vector<16xf32>
      %broadcast_in_dim3A_843 = arith.constant 0.000000e+00 : f32
      %broadcast_in_dim3A_844 = vector.broadcast %broadcast_in_dim3A_843 : f32 to vector<16xf32>
      %broadcast_in_dim3A_845 = arith.constant 0.000000e+00 : f32
      %broadcast_in_dim3A_846 = vector.broadcast %broadcast_in_dim3A_845 : f32 to vector<16xf32>
      %broadcast_in_dim3A_847 = arith.constant 0.000000e+00 : f32
      %broadcast_in_dim3A_848 = vector.broadcast %broadcast_in_dim3A_847 : f32 to vector<16xf32>
      %broadcast_in_dim3A_849 = arith.constant 0.000000e+00 : f32
      %broadcast_in_dim3A_850 = vector.broadcast %broadcast_in_dim3A_849 : f32 to vector<16xf32>
      %broadcast_in_dim3A_851 = arith.constant 0.000000e+00 : f32
      %broadcast_in_dim3A_852 = vector.broadcast %broadcast_in_dim3A_851 : f32 to vector<16xf32>
      %broadcast_in_dim3A_853 = arith.constant 0.000000e+00 : f32
      %broadcast_in_dim3A_854 = vector.broadcast %broadcast_in_dim3A_853 : f32 to vector<16xf32>
      %scan3A_855 = arith.constant 0 : i32
      %scan3A_856 = arith.constant 32 : i32
      %scan3A_857 = arith.addi %scan3A_855, %scan3A_856 : i32
      %scan3A_858 = arith.constant 1 : i32
      %scan3A_859:8 = scf.for %scan3A_1848 = %scan3A_855 to %scan3A_857 step %scan3A_858 iter_args(%scan3A_1849 = %broadcast_in_dim3A_840, %scan3A_1850 = %broadcast_in_dim3A_842, %scan3A_1851 = %broadcast_in_dim3A_844, %scan3A_1852 = %broadcast_in_dim3A_846, %scan3A_1853 = %broadcast_in_dim3A_848, %scan3A_1854 = %broadcast_in_dim3A_850, %scan3A_1855 = %broadcast_in_dim3A_852, %scan3A_1856 = %broadcast_in_dim3A_854) -> (vector<16xf32>, vector<16xf32>, vector<16xf32>, vector<16xf32>, vector<16xf32>, vector<16xf32>, vector<16xf32>, vector<16xf32>)  : i32 {
        %get3A = arith.constant 9 : i32
        %get3A_1857 = arith.index_cast %get3A : i32 to index
        %get3A_1858 = arith.index_cast %scan3A_1848 : i32 to index
        %get3A_1859 = arith.constant 0 : index
        %get3A_1860 = tpu.vector_load %arg4[%get3A_1857, %get3A_1858, %get3A_1859] {strides = array<i32>} : memref<10x32x128xf32, #tpu.memory_space<vmem>>, vector<1x1x16xf32>,
        %get3A_1861 = vector.shape_cast %get3A_1860 : vector<1x1x16xf32> to vector<16xf32>
        %add3A_1862 = arith.addf %scan3A_1849, %get3A_1861 : vector<16xf32>
        %get3A_1863 = arith.constant 9 : i32
        %get3A_1864 = arith.index_cast %get3A_1863 : i32 to index
        %get3A_1865 = arith.index_cast %scan3A_1848 : i32 to index
        %get3A_1866 = arith.constant 16 : index
        %get3A_1867 = tpu.vector_load %arg4[%get3A_1864, %get3A_1865, %get3A_1866] {strides = array<i32>} : memref<10x32x128xf32, #tpu.memory_space<vmem>>, vector<1x1x16xf32>,
        %get3A_1868 = vector.shape_cast %get3A_1867 : vector<1x1x16xf32> to vector<16xf32>
        %add3A_1869 = arith.addf %scan3A_1850, %get3A_1868 : vector<16xf32>
        %get3A_1870 = arith.constant 9 : i32
        %get3A_1871 = arith.index_cast %get3A_1870 : i32 to index
        %get3A_1872 = arith.index_cast %scan3A_1848 : i32 to index
        %get3A_1873 = arith.constant 32 : index
        %get3A_1874 = tpu.vector_load %arg4[%get3A_1871, %get3A_1872, %get3A_1873] {strides = array<i32>} : memref<10x32x128xf32, #tpu.memory_space<vmem>>, vector<1x1x16xf32>,
        %get3A_1875 = vector.shape_cast %get3A_1874 : vector<1x1x16xf32> to vector<16xf32>
        %add3A_1876 = arith.addf %scan3A_1851, %get3A_1875 : vector<16xf32>
        %get3A_1877 = arith.constant 9 : i32
        %get3A_1878 = arith.index_cast %get3A_1877 : i32 to index
        %get3A_1879 = arith.index_cast %scan3A_1848 : i32 to index
        %get3A_1880 = arith.constant 48 : index
        %get3A_1881 = tpu.vector_load %arg4[%get3A_1878, %get3A_1879, %get3A_1880] {strides = array<i32>} : memref<10x32x128xf32, #tpu.memory_space<vmem>>, vector<1x1x16xf32>,
        %get3A_1882 = vector.shape_cast %get3A_1881 : vector<1x1x16xf32> to vector<16xf32>
        %add3A_1883 = arith.addf %scan3A_1852, %get3A_1882 : vector<16xf32>
        %get3A_1884 = arith.constant 9 : i32
        %get3A_1885 = arith.index_cast %get3A_1884 : i32 to index
        %get3A_1886 = arith.index_cast %scan3A_1848 : i32 to index
        %get3A_1887 = arith.constant 64 : index
        %get3A_1888 = tpu.vector_load %arg4[%get3A_1885, %get3A_1886, %get3A_1887] {strides = array<i32>} : memref<10x32x128xf32, #tpu.memory_space<vmem>>, vector<1x1x16xf32>,
        %get3A_1889 = vector.shape_cast %get3A_1888 : vector<1x1x16xf32> to vector<16xf32>
        %add3A_1890 = arith.addf %scan3A_1853, %get3A_1889 : vector<16xf32>
        %get3A_1891 = arith.constant 9 : i32
        %get3A_1892 = arith.index_cast %get3A_1891 : i32 to index
        %get3A_1893 = arith.index_cast %scan3A_1848 : i32 to index
        %get3A_1894 = arith.constant 80 : index
        %get3A_1895 = tpu.vector_load %arg4[%get3A_1892, %get3A_1893, %get3A_1894] {strides = array<i32>} : memref<10x32x128xf32, #tpu.memory_space<vmem>>, vector<1x1x16xf32>,
        %get3A_1896 = vector.shape_cast %get3A_1895 : vector<1x1x16xf32> to vector<16xf32>
        %add3A_1897 = arith.addf %scan3A_1854, %get3A_1896 : vector<16xf32>
        %get3A_1898 = arith.constant 9 : i32
        %get3A_1899 = arith.index_cast %get3A_1898 : i32 to index
        %get3A_1900 = arith.index_cast %scan3A_1848 : i32 to index
        %get3A_1901 = arith.constant 96 : index
        %get3A_1902 = tpu.vector_load %arg4[%get3A_1899, %get3A_1900, %get3A_1901] {strides = array<i32>} : memref<10x32x128xf32, #tpu.memory_space<vmem>>, vector<1x1x16xf32>,
        %get3A_1903 = vector.shape_cast %get3A_1902 : vector<1x1x16xf32> to vector<16xf32>
        %add3A_1904 = arith.addf %scan3A_1855, %get3A_1903 : vector<16xf32>
        %get3A_1905 = arith.constant 9 : i32
        %get3A_1906 = arith.index_cast %get3A_1905 : i32 to index
        %get3A_1907 = arith.index_cast %scan3A_1848 : i32 to index
        %get3A_1908 = arith.constant 112 : index
        %get3A_1909 = tpu.vector_load %arg4[%get3A_1906, %get3A_1907, %get3A_1908] {strides = array<i32>} : memref<10x32x128xf32, #tpu.memory_space<vmem>>, vector<1x1x16xf32>,
        %get3A_1910 = vector.shape_cast %get3A_1909 : vector<1x1x16xf32> to vector<16xf32>
        %add3A_1911 = arith.addf %scan3A_1856, %get3A_1910 : vector<16xf32>
        scf.yield %add3A_1862, %add3A_1869, %add3A_1876, %add3A_1883, %add3A_1890, %add3A_1897, %add3A_1904, %add3A_1911 : vector<16xf32>, vector<16xf32>, vector<16xf32>, vector<16xf32>, vector<16xf32>, vector<16xf32>, vector<16xf32>, vector<16xf32>
      }
      %scan3A_860 = arith.constant 32 : i32
      %mul3A_861 = arith.constant 10 : i32
      %mul3A_862 = arith.muli %mul3A_25, %mul3A_861 : i32
      %add3A_863 = arith.constant 9 : i32
      %add3A_864 = arith.addi %mul3A_862, %add3A_863 : i32
      %mul3A_865 = arith.constant 3.125000e-02 : f32
      %mul3A_866 = vector.broadcast %mul3A_865 : f32 to vector<16xf32>
      %mul3A_867 = arith.mulf %scan3A_859#0, %mul3A_866 : vector<16xf32>
      %swap3A_868 = arith.index_cast %add3A_864 : i32 to index
      %swap3A_869 = arith.constant 0 : index
      %swap3A_870 = tpu.vector_load %arg6[%swap3A_868, %swap3A_869] {strides = array<i32>} : memref<100x128xf32, #tpu.memory_space<vmem>>, vector<1x16xf32>,
      %swap3A_871 = vector.shape_cast %swap3A_870 : vector<1x16xf32> to vector<16xf32>
      %swap3A_872 = vector.shape_cast %mul3A_867 : vector<16xf32> to vector<1x16xf32>
      tpu.vector_store %arg6[%swap3A_868, %swap3A_869], %swap3A_872 {strides = array<i32>} : memref<100x128xf32, #tpu.memory_space<vmem>>, vector<1x16xf32>,
      %mul3A_873 = arith.constant 3.125000e-02 : f32
      %mul3A_874 = vector.broadcast %mul3A_873 : f32 to vector<16xf32>
      %mul3A_875 = arith.mulf %scan3A_859#1, %mul3A_874 : vector<16xf32>
      %swap3A_876 = arith.index_cast %add3A_864 : i32 to index
      %swap3A_877 = arith.constant 16 : index
      %swap3A_878 = tpu.vector_load %arg6[%swap3A_876, %swap3A_877] {strides = array<i32>} : memref<100x128xf32, #tpu.memory_space<vmem>>, vector<1x16xf32>,
      %swap3A_879 = vector.shape_cast %swap3A_878 : vector<1x16xf32> to vector<16xf32>
      %swap3A_880 = vector.shape_cast %mul3A_875 : vector<16xf32> to vector<1x16xf32>
      tpu.vector_store %arg6[%swap3A_876, %swap3A_877], %swap3A_880 {strides = array<i32>} : memref<100x128xf32, #tpu.memory_space<vmem>>, vector<1x16xf32>,
      %mul3A_881 = arith.constant 3.125000e-02 : f32
      %mul3A_882 = vector.broadcast %mul3A_881 : f32 to vector<16xf32>
      %mul3A_883 = arith.mulf %scan3A_859#2, %mul3A_882 : vector<16xf32>
      %swap3A_884 = arith.index_cast %add3A_864 : i32 to index
      %swap3A_885 = arith.constant 32 : index
      %swap3A_886 = tpu.vector_load %arg6[%swap3A_884, %swap3A_885] {strides = array<i32>} : memref<100x128xf32, #tpu.memory_space<vmem>>, vector<1x16xf32>,
      %swap3A_887 = vector.shape_cast %swap3A_886 : vector<1x16xf32> to vector<16xf32>
      %swap3A_888 = vector.shape_cast %mul3A_883 : vector<16xf32> to vector<1x16xf32>
      tpu.vector_store %arg6[%swap3A_884, %swap3A_885], %swap3A_888 {strides = array<i32>} : memref<100x128xf32, #tpu.memory_space<vmem>>, vector<1x16xf32>,
      %mul3A_889 = arith.constant 3.125000e-02 : f32
      %mul3A_890 = vector.broadcast %mul3A_889 : f32 to vector<16xf32>
      %mul3A_891 = arith.mulf %scan3A_859#3, %mul3A_890 : vector<16xf32>
      %swap3A_892 = arith.index_cast %add3A_864 : i32 to index
      %swap3A_893 = arith.constant 48 : index
      %swap3A_894 = tpu.vector_load %arg6[%swap3A_892, %swap3A_893] {strides = array<i32>} : memref<100x128xf32, #tpu.memory_space<vmem>>, vector<1x16xf32>,
      %swap3A_895 = vector.shape_cast %swap3A_894 : vector<1x16xf32> to vector<16xf32>
      %swap3A_896 = vector.shape_cast %mul3A_891 : vector<16xf32> to vector<1x16xf32>
      tpu.vector_store %arg6[%swap3A_892, %swap3A_893], %swap3A_896 {strides = array<i32>} : memref<100x128xf32, #tpu.memory_space<vmem>>, vector<1x16xf32>,
      %mul3A_897 = arith.constant 3.125000e-02 : f32
      %mul3A_898 = vector.broadcast %mul3A_897 : f32 to vector<16xf32>
      %mul3A_899 = arith.mulf %scan3A_859#4, %mul3A_898 : vector<16xf32>
      %swap3A_900 = arith.index_cast %add3A_864 : i32 to index
      %swap3A_901 = arith.constant 64 : index
      %swap3A_902 = tpu.vector_load %arg6[%swap3A_900, %swap3A_901] {strides = array<i32>} : memref<100x128xf32, #tpu.memory_space<vmem>>, vector<1x16xf32>,
      %swap3A_903 = vector.shape_cast %swap3A_902 : vector<1x16xf32> to vector<16xf32>
      %swap3A_904 = vector.shape_cast %mul3A_899 : vector<16xf32> to vector<1x16xf32>
      tpu.vector_store %arg6[%swap3A_900, %swap3A_901], %swap3A_904 {strides = array<i32>} : memref<100x128xf32, #tpu.memory_space<vmem>>, vector<1x16xf32>,
      %mul3A_905 = arith.constant 3.125000e-02 : f32
      %mul3A_906 = vector.broadcast %mul3A_905 : f32 to vector<16xf32>
      %mul3A_907 = arith.mulf %scan3A_859#5, %mul3A_906 : vector<16xf32>
      %swap3A_908 = arith.index_cast %add3A_864 : i32 to index
      %swap3A_909 = arith.constant 80 : index
      %swap3A_910 = tpu.vector_load %arg6[%swap3A_908, %swap3A_909] {strides = array<i32>} : memref<100x128xf32, #tpu.memory_space<vmem>>, vector<1x16xf32>,
      %swap3A_911 = vector.shape_cast %swap3A_910 : vector<1x16xf32> to vector<16xf32>
      %swap3A_912 = vector.shape_cast %mul3A_907 : vector<16xf32> to vector<1x16xf32>
      tpu.vector_store %arg6[%swap3A_908, %swap3A_909], %swap3A_912 {strides = array<i32>} : memref<100x128xf32, #tpu.memory_space<vmem>>, vector<1x16xf32>,
      %mul3A_913 = arith.constant 3.125000e-02 : f32
      %mul3A_914 = vector.broadcast %mul3A_913 : f32 to vector<16xf32>
      %mul3A_915 = arith.mulf %scan3A_859#6, %mul3A_914 : vector<16xf32>
      %swap3A_916 = arith.index_cast %add3A_864 : i32 to index
      %swap3A_917 = arith.constant 96 : index
      %swap3A_918 = tpu.vector_load %arg6[%swap3A_916, %swap3A_917] {strides = array<i32>} : memref<100x128xf32, #tpu.memory_space<vmem>>, vector<1x16xf32>,
      %swap3A_919 = vector.shape_cast %swap3A_918 : vector<1x16xf32> to vector<16xf32>
      %swap3A_920 = vector.shape_cast %mul3A_915 : vector<16xf32> to vector<1x16xf32>
      tpu.vector_store %arg6[%swap3A_916, %swap3A_917], %swap3A_920 {strides = array<i32>} : memref<100x128xf32, #tpu.memory_space<vmem>>, vector<1x16xf32>,
      %mul3A_921 = arith.constant 3.125000e-02 : f32
      %mul3A_922 = vector.broadcast %mul3A_921 : f32 to vector<16xf32>
      %mul3A_923 = arith.mulf %scan3A_859#7, %mul3A_922 : vector<16xf32>
      %swap3A_924 = arith.index_cast %add3A_864 : i32 to index
      %swap3A_925 = arith.constant 112 : index
      %swap3A_926 = tpu.vector_load %arg6[%swap3A_924, %swap3A_925] {strides = array<i32>} : memref<100x128xf32, #tpu.memory_space<vmem>>, vector<1x16xf32>,
      %swap3A_927 = vector.shape_cast %swap3A_926 : vector<1x16xf32> to vector<16xf32>
      %swap3A_928 = vector.shape_cast %mul3A_923 : vector<16xf32> to vector<1x16xf32>
      tpu.vector_store %arg6[%swap3A_924, %swap3A_925], %swap3A_928 {strides = array<i32>} : memref<100x128xf32, #tpu.memory_space<vmem>>, vector<1x16xf32>,
      %add3A_929 = arith.constant 2 : i32
      %add3A_930 = arith.addi %mul3A_25, %add3A_929 : i32
      %lt3A = arith.constant 10 : i32
      %lt3A_931 = arith.cmpi slt, %add3A_930, %lt3A : i32
      %convert_element_type3A = arith.extui %lt3A_931 : i1 to i32
      %cond3A = arith.constant 0 : i32
      %cond3A_932 = arith.cmpi ne, %convert_element_type3A, %cond3A : i32
      scf.if %cond3A_932 {
        %add3A_1848 = arith.constant 2 : i32
        %add3A_1849 = arith.addi %mul3A_25, %add3A_1848 : i32
        %mul3A_1850 = arith.constant 10 : i32
        %mul3A_1851 = arith.muli %add3A_1849, %mul3A_1850 : i32
        %add3A_1852 = arith.addi %mul3A_2, %mul3A_1851 : i32
        %dma_start3A_1853 = arith.constant 0 : i32
        %dma_start3A_1854 = arith.constant 0 : i32
        %dma_start3A_1855 = tpu.memref_slice %arg2[%add3A_1852, %dma_start3A_1853, %dma_start3A_1854] : memref<10000x32x128xf32, #tpu.memory_space<hbm>> -> memref<10x32x128xf32, #tpu.memory_space<hbm>>
        %dma_start3A_1856 = arith.constant 0 : i32
        %dma_start3A_1857 = arith.constant 0 : i32
        %dma_start3A_1858 = tpu.memref_slice %arg2[%add3A_1852, %dma_start3A_1856, %dma_start3A_1857] : memref<10000x32x128xf32, #tpu.memory_space<hbm>> -> memref<10x32x128xf32, #tpu.memory_space<hbm>>
        tpu.enqueue_dma source(%dma_start3A_1858 : memref<10x32x128xf32, #tpu.memory_space<hbm>>) target(%arg4 : memref<10x32x128xf32, #tpu.memory_space<vmem>>) target_semaphore(%arg7 : memref<!tpu.dma_semaphore, #tpu.memory_space<semaphore_mem>>)
      } else {
      }
      %dma_wait3A_933 = arith.constant 0 : i32
      %dma_wait3A_934 = arith.constant 0 : i32
      %dma_wait3A_935 = tpu.memref_slice %arg2[%mul3A_2, %dma_wait3A_933, %dma_wait3A_934] : memref<10000x32x128xf32, #tpu.memory_space<hbm>> -> memref<10x32x128xf32, #tpu.memory_space<hbm>>
      %dma_wait3A_936 = arith.constant 0 : i32
      %dma_wait3A_937 = arith.constant 0 : i32
      %dma_wait3A_938 = tpu.memref_slice %arg2[%mul3A_2, %dma_wait3A_936, %dma_wait3A_937] : memref<10000x32x128xf32, #tpu.memory_space<hbm>> -> memref<10x32x128xf32, #tpu.memory_space<hbm>>
      tpu.wait_dma2 semaphore(%arg8 : memref<!tpu.dma_semaphore, #tpu.memory_space<semaphore_mem>>) src(%dma_wait3A_938 : memref<10x32x128xf32, #tpu.memory_space<hbm>>) dst(%arg5 : memref<10x32x128xf32, #tpu.memory_space<vmem>>)
      %add3A_939 = arith.constant 1 : i32
      %add3A_940 = arith.addi %mul3A_25, %add3A_939 : i32
      %broadcast_in_dim3A_941 = arith.constant 0.000000e+00 : f32
      %broadcast_in_dim3A_942 = vector.broadcast %broadcast_in_dim3A_941 : f32 to vector<16xf32>
      %broadcast_in_dim3A_943 = arith.constant 0.000000e+00 : f32
      %broadcast_in_dim3A_944 = vector.broadcast %broadcast_in_dim3A_943 : f32 to vector<16xf32>
      %broadcast_in_dim3A_945 = arith.constant 0.000000e+00 : f32
      %broadcast_in_dim3A_946 = vector.broadcast %broadcast_in_dim3A_945 : f32 to vector<16xf32>
      %broadcast_in_dim3A_947 = arith.constant 0.000000e+00 : f32
      %broadcast_in_dim3A_948 = vector.broadcast %broadcast_in_dim3A_947 : f32 to vector<16xf32>
      %broadcast_in_dim3A_949 = arith.constant 0.000000e+00 : f32
      %broadcast_in_dim3A_950 = vector.broadcast %broadcast_in_dim3A_949 : f32 to vector<16xf32>
      %broadcast_in_dim3A_951 = arith.constant 0.000000e+00 : f32
      %broadcast_in_dim3A_952 = vector.broadcast %broadcast_in_dim3A_951 : f32 to vector<16xf32>
      %broadcast_in_dim3A_953 = arith.constant 0.000000e+00 : f32
      %broadcast_in_dim3A_954 = vector.broadcast %broadcast_in_dim3A_953 : f32 to vector<16xf32>
      %broadcast_in_dim3A_955 = arith.constant 0.000000e+00 : f32
      %broadcast_in_dim3A_956 = vector.broadcast %broadcast_in_dim3A_955 : f32 to vector<16xf32>
      %scan3A_957 = arith.constant 0 : i32
      %scan3A_958 = arith.constant 32 : i32
      %scan3A_959 = arith.addi %scan3A_957, %scan3A_958 : i32
      %scan3A_960 = arith.constant 1 : i32
      %scan3A_961:8 = scf.for %scan3A_1848 = %scan3A_957 to %scan3A_959 step %scan3A_960 iter_args(%scan3A_1849 = %broadcast_in_dim3A_942, %scan3A_1850 = %broadcast_in_dim3A_944, %scan3A_1851 = %broadcast_in_dim3A_946, %scan3A_1852 = %broadcast_in_dim3A_948, %scan3A_1853 = %broadcast_in_dim3A_950, %scan3A_1854 = %broadcast_in_dim3A_952, %scan3A_1855 = %broadcast_in_dim3A_954, %scan3A_1856 = %broadcast_in_dim3A_956) -> (vector<16xf32>, vector<16xf32>, vector<16xf32>, vector<16xf32>, vector<16xf32>, vector<16xf32>, vector<16xf32>, vector<16xf32>)  : i32 {
        %get3A = arith.constant 0 : i32
        %get3A_1857 = arith.index_cast %get3A : i32 to index
        %get3A_1858 = arith.index_cast %scan3A_1848 : i32 to index
        %get3A_1859 = arith.constant 0 : index
        %get3A_1860 = tpu.vector_load %arg5[%get3A_1857, %get3A_1858, %get3A_1859] {strides = array<i32>} : memref<10x32x128xf32, #tpu.memory_space<vmem>>, vector<1x1x16xf32>,
        %get3A_1861 = vector.shape_cast %get3A_1860 : vector<1x1x16xf32> to vector<16xf32>
        %add3A_1862 = arith.addf %scan3A_1849, %get3A_1861 : vector<16xf32>
        %get3A_1863 = arith.constant 0 : i32
        %get3A_1864 = arith.index_cast %get3A_1863 : i32 to index
        %get3A_1865 = arith.index_cast %scan3A_1848 : i32 to index
        %get3A_1866 = arith.constant 16 : index
        %get3A_1867 = tpu.vector_load %arg5[%get3A_1864, %get3A_1865, %get3A_1866] {strides = array<i32>} : memref<10x32x128xf32, #tpu.memory_space<vmem>>, vector<1x1x16xf32>,
        %get3A_1868 = vector.shape_cast %get3A_1867 : vector<1x1x16xf32> to vector<16xf32>
        %add3A_1869 = arith.addf %scan3A_1850, %get3A_1868 : vector<16xf32>
        %get3A_1870 = arith.constant 0 : i32
        %get3A_1871 = arith.index_cast %get3A_1870 : i32 to index
        %get3A_1872 = arith.index_cast %scan3A_1848 : i32 to index
        %get3A_1873 = arith.constant 32 : index
        %get3A_1874 = tpu.vector_load %arg5[%get3A_1871, %get3A_1872, %get3A_1873] {strides = array<i32>} : memref<10x32x128xf32, #tpu.memory_space<vmem>>, vector<1x1x16xf32>,
        %get3A_1875 = vector.shape_cast %get3A_1874 : vector<1x1x16xf32> to vector<16xf32>
        %add3A_1876 = arith.addf %scan3A_1851, %get3A_1875 : vector<16xf32>
        %get3A_1877 = arith.constant 0 : i32
        %get3A_1878 = arith.index_cast %get3A_1877 : i32 to index
        %get3A_1879 = arith.index_cast %scan3A_1848 : i32 to index
        %get3A_1880 = arith.constant 48 : index
        %get3A_1881 = tpu.vector_load %arg5[%get3A_1878, %get3A_1879, %get3A_1880] {strides = array<i32>} : memref<10x32x128xf32, #tpu.memory_space<vmem>>, vector<1x1x16xf32>,
        %get3A_1882 = vector.shape_cast %get3A_1881 : vector<1x1x16xf32> to vector<16xf32>
        %add3A_1883 = arith.addf %scan3A_1852, %get3A_1882 : vector<16xf32>
        %get3A_1884 = arith.constant 0 : i32
        %get3A_1885 = arith.index_cast %get3A_1884 : i32 to index
        %get3A_1886 = arith.index_cast %scan3A_1848 : i32 to index
        %get3A_1887 = arith.constant 64 : index
        %get3A_1888 = tpu.vector_load %arg5[%get3A_1885, %get3A_1886, %get3A_1887] {strides = array<i32>} : memref<10x32x128xf32, #tpu.memory_space<vmem>>, vector<1x1x16xf32>,
        %get3A_1889 = vector.shape_cast %get3A_1888 : vector<1x1x16xf32> to vector<16xf32>
        %add3A_1890 = arith.addf %scan3A_1853, %get3A_1889 : vector<16xf32>
        %get3A_1891 = arith.constant 0 : i32
        %get3A_1892 = arith.index_cast %get3A_1891 : i32 to index
        %get3A_1893 = arith.index_cast %scan3A_1848 : i32 to index
        %get3A_1894 = arith.constant 80 : index
        %get3A_1895 = tpu.vector_load %arg5[%get3A_1892, %get3A_1893, %get3A_1894] {strides = array<i32>} : memref<10x32x128xf32, #tpu.memory_space<vmem>>, vector<1x1x16xf32>,
        %get3A_1896 = vector.shape_cast %get3A_1895 : vector<1x1x16xf32> to vector<16xf32>
        %add3A_1897 = arith.addf %scan3A_1854, %get3A_1896 : vector<16xf32>
        %get3A_1898 = arith.constant 0 : i32
        %get3A_1899 = arith.index_cast %get3A_1898 : i32 to index
        %get3A_1900 = arith.index_cast %scan3A_1848 : i32 to index
        %get3A_1901 = arith.constant 96 : index
        %get3A_1902 = tpu.vector_load %arg5[%get3A_1899, %get3A_1900, %get3A_1901] {strides = array<i32>} : memref<10x32x128xf32, #tpu.memory_space<vmem>>, vector<1x1x16xf32>,
        %get3A_1903 = vector.shape_cast %get3A_1902 : vector<1x1x16xf32> to vector<16xf32>
        %add3A_1904 = arith.addf %scan3A_1855, %get3A_1903 : vector<16xf32>
        %get3A_1905 = arith.constant 0 : i32
        %get3A_1906 = arith.index_cast %get3A_1905 : i32 to index
        %get3A_1907 = arith.index_cast %scan3A_1848 : i32 to index
        %get3A_1908 = arith.constant 112 : index
        %get3A_1909 = tpu.vector_load %arg5[%get3A_1906, %get3A_1907, %get3A_1908] {strides = array<i32>} : memref<10x32x128xf32, #tpu.memory_space<vmem>>, vector<1x1x16xf32>,
        %get3A_1910 = vector.shape_cast %get3A_1909 : vector<1x1x16xf32> to vector<16xf32>
        %add3A_1911 = arith.addf %scan3A_1856, %get3A_1910 : vector<16xf32>
        scf.yield %add3A_1862, %add3A_1869, %add3A_1876, %add3A_1883, %add3A_1890, %add3A_1897, %add3A_1904, %add3A_1911 : vector<16xf32>, vector<16xf32>, vector<16xf32>, vector<16xf32>, vector<16xf32>, vector<16xf32>, vector<16xf32>, vector<16xf32>
      }
      %scan3A_962 = arith.constant 32 : i32
      %mul3A_963 = arith.constant 10 : i32
      %mul3A_964 = arith.muli %add3A_940, %mul3A_963 : i32
      %add3A_965 = arith.constant 0 : i32
      %add3A_966 = arith.addi %mul3A_964, %add3A_965 : i32
      %mul3A_967 = arith.constant 3.125000e-02 : f32
      %mul3A_968 = vector.broadcast %mul3A_967 : f32 to vector<16xf32>
      %mul3A_969 = arith.mulf %scan3A_961#0, %mul3A_968 : vector<16xf32>
      %swap3A_970 = arith.index_cast %add3A_966 : i32 to index
      %swap3A_971 = arith.constant 0 : index
      %swap3A_972 = tpu.vector_load %arg6[%swap3A_970, %swap3A_971] {strides = array<i32>} : memref<100x128xf32, #tpu.memory_space<vmem>>, vector<1x16xf32>,
      %swap3A_973 = vector.shape_cast %swap3A_972 : vector<1x16xf32> to vector<16xf32>
      %swap3A_974 = vector.shape_cast %mul3A_969 : vector<16xf32> to vector<1x16xf32>
      tpu.vector_store %arg6[%swap3A_970, %swap3A_971], %swap3A_974 {strides = array<i32>} : memref<100x128xf32, #tpu.memory_space<vmem>>, vector<1x16xf32>,
      %mul3A_975 = arith.constant 3.125000e-02 : f32
      %mul3A_976 = vector.broadcast %mul3A_975 : f32 to vector<16xf32>
      %mul3A_977 = arith.mulf %scan3A_961#1, %mul3A_976 : vector<16xf32>
      %swap3A_978 = arith.index_cast %add3A_966 : i32 to index
      %swap3A_979 = arith.constant 16 : index
      %swap3A_980 = tpu.vector_load %arg6[%swap3A_978, %swap3A_979] {strides = array<i32>} : memref<100x128xf32, #tpu.memory_space<vmem>>, vector<1x16xf32>,
      %swap3A_981 = vector.shape_cast %swap3A_980 : vector<1x16xf32> to vector<16xf32>
      %swap3A_982 = vector.shape_cast %mul3A_977 : vector<16xf32> to vector<1x16xf32>
      tpu.vector_store %arg6[%swap3A_978, %swap3A_979], %swap3A_982 {strides = array<i32>} : memref<100x128xf32, #tpu.memory_space<vmem>>, vector<1x16xf32>,
      %mul3A_983 = arith.constant 3.125000e-02 : f32
      %mul3A_984 = vector.broadcast %mul3A_983 : f32 to vector<16xf32>
      %mul3A_985 = arith.mulf %scan3A_961#2, %mul3A_984 : vector<16xf32>
      %swap3A_986 = arith.index_cast %add3A_966 : i32 to index
      %swap3A_987 = arith.constant 32 : index
      %swap3A_988 = tpu.vector_load %arg6[%swap3A_986, %swap3A_987] {strides = array<i32>} : memref<100x128xf32, #tpu.memory_space<vmem>>, vector<1x16xf32>,
      %swap3A_989 = vector.shape_cast %swap3A_988 : vector<1x16xf32> to vector<16xf32>
      %swap3A_990 = vector.shape_cast %mul3A_985 : vector<16xf32> to vector<1x16xf32>
      tpu.vector_store %arg6[%swap3A_986, %swap3A_987], %swap3A_990 {strides = array<i32>} : memref<100x128xf32, #tpu.memory_space<vmem>>, vector<1x16xf32>,
      %mul3A_991 = arith.constant 3.125000e-02 : f32
      %mul3A_992 = vector.broadcast %mul3A_991 : f32 to vector<16xf32>
      %mul3A_993 = arith.mulf %scan3A_961#3, %mul3A_992 : vector<16xf32>
      %swap3A_994 = arith.index_cast %add3A_966 : i32 to index
      %swap3A_995 = arith.constant 48 : index
      %swap3A_996 = tpu.vector_load %arg6[%swap3A_994, %swap3A_995] {strides = array<i32>} : memref<100x128xf32, #tpu.memory_space<vmem>>, vector<1x16xf32>,
      %swap3A_997 = vector.shape_cast %swap3A_996 : vector<1x16xf32> to vector<16xf32>
      %swap3A_998 = vector.shape_cast %mul3A_993 : vector<16xf32> to vector<1x16xf32>
      tpu.vector_store %arg6[%swap3A_994, %swap3A_995], %swap3A_998 {strides = array<i32>} : memref<100x128xf32, #tpu.memory_space<vmem>>, vector<1x16xf32>,
      %mul3A_999 = arith.constant 3.125000e-02 : f32
      %mul3A_1000 = vector.broadcast %mul3A_999 : f32 to vector<16xf32>
      %mul3A_1001 = arith.mulf %scan3A_961#4, %mul3A_1000 : vector<16xf32>
      %swap3A_1002 = arith.index_cast %add3A_966 : i32 to index
      %swap3A_1003 = arith.constant 64 : index
      %swap3A_1004 = tpu.vector_load %arg6[%swap3A_1002, %swap3A_1003] {strides = array<i32>} : memref<100x128xf32, #tpu.memory_space<vmem>>, vector<1x16xf32>,
      %swap3A_1005 = vector.shape_cast %swap3A_1004 : vector<1x16xf32> to vector<16xf32>
      %swap3A_1006 = vector.shape_cast %mul3A_1001 : vector<16xf32> to vector<1x16xf32>
      tpu.vector_store %arg6[%swap3A_1002, %swap3A_1003], %swap3A_1006 {strides = array<i32>} : memref<100x128xf32, #tpu.memory_space<vmem>>, vector<1x16xf32>,
      %mul3A_1007 = arith.constant 3.125000e-02 : f32
      %mul3A_1008 = vector.broadcast %mul3A_1007 : f32 to vector<16xf32>
      %mul3A_1009 = arith.mulf %scan3A_961#5, %mul3A_1008 : vector<16xf32>
      %swap3A_1010 = arith.index_cast %add3A_966 : i32 to index
      %swap3A_1011 = arith.constant 80 : index
      %swap3A_1012 = tpu.vector_load %arg6[%swap3A_1010, %swap3A_1011] {strides = array<i32>} : memref<100x128xf32, #tpu.memory_space<vmem>>, vector<1x16xf32>,
      %swap3A_1013 = vector.shape_cast %swap3A_1012 : vector<1x16xf32> to vector<16xf32>
      %swap3A_1014 = vector.shape_cast %mul3A_1009 : vector<16xf32> to vector<1x16xf32>
      tpu.vector_store %arg6[%swap3A_1010, %swap3A_1011], %swap3A_1014 {strides = array<i32>} : memref<100x128xf32, #tpu.memory_space<vmem>>, vector<1x16xf32>,
      %mul3A_1015 = arith.constant 3.125000e-02 : f32
      %mul3A_1016 = vector.broadcast %mul3A_1015 : f32 to vector<16xf32>
      %mul3A_1017 = arith.mulf %scan3A_961#6, %mul3A_1016 : vector<16xf32>
      %swap3A_1018 = arith.index_cast %add3A_966 : i32 to index
      %swap3A_1019 = arith.constant 96 : index
      %swap3A_1020 = tpu.vector_load %arg6[%swap3A_1018, %swap3A_1019] {strides = array<i32>} : memref<100x128xf32, #tpu.memory_space<vmem>>, vector<1x16xf32>,
      %swap3A_1021 = vector.shape_cast %swap3A_1020 : vector<1x16xf32> to vector<16xf32>
      %swap3A_1022 = vector.shape_cast %mul3A_1017 : vector<16xf32> to vector<1x16xf32>
      tpu.vector_store %arg6[%swap3A_1018, %swap3A_1019], %swap3A_1022 {strides = array<i32>} : memref<100x128xf32, #tpu.memory_space<vmem>>, vector<1x16xf32>,
      %mul3A_1023 = arith.constant 3.125000e-02 : f32
      %mul3A_1024 = vector.broadcast %mul3A_1023 : f32 to vector<16xf32>
      %mul3A_1025 = arith.mulf %scan3A_961#7, %mul3A_1024 : vector<16xf32>
      %swap3A_1026 = arith.index_cast %add3A_966 : i32 to index
      %swap3A_1027 = arith.constant 112 : index
      %swap3A_1028 = tpu.vector_load %arg6[%swap3A_1026, %swap3A_1027] {strides = array<i32>} : memref<100x128xf32, #tpu.memory_space<vmem>>, vector<1x16xf32>,
      %swap3A_1029 = vector.shape_cast %swap3A_1028 : vector<1x16xf32> to vector<16xf32>
      %swap3A_1030 = vector.shape_cast %mul3A_1025 : vector<16xf32> to vector<1x16xf32>
      tpu.vector_store %arg6[%swap3A_1026, %swap3A_1027], %swap3A_1030 {strides = array<i32>} : memref<100x128xf32, #tpu.memory_space<vmem>>, vector<1x16xf32>,
      %broadcast_in_dim3A_1031 = arith.constant 0.000000e+00 : f32
      %broadcast_in_dim3A_1032 = vector.broadcast %broadcast_in_dim3A_1031 : f32 to vector<16xf32>
      %broadcast_in_dim3A_1033 = arith.constant 0.000000e+00 : f32
      %broadcast_in_dim3A_1034 = vector.broadcast %broadcast_in_dim3A_1033 : f32 to vector<16xf32>
      %broadcast_in_dim3A_1035 = arith.constant 0.000000e+00 : f32
      %broadcast_in_dim3A_1036 = vector.broadcast %broadcast_in_dim3A_1035 : f32 to vector<16xf32>
      %broadcast_in_dim3A_1037 = arith.constant 0.000000e+00 : f32
      %broadcast_in_dim3A_1038 = vector.broadcast %broadcast_in_dim3A_1037 : f32 to vector<16xf32>
      %broadcast_in_dim3A_1039 = arith.constant 0.000000e+00 : f32
      %broadcast_in_dim3A_1040 = vector.broadcast %broadcast_in_dim3A_1039 : f32 to vector<16xf32>
      %broadcast_in_dim3A_1041 = arith.constant 0.000000e+00 : f32
      %broadcast_in_dim3A_1042 = vector.broadcast %broadcast_in_dim3A_1041 : f32 to vector<16xf32>
      %broadcast_in_dim3A_1043 = arith.constant 0.000000e+00 : f32
      %broadcast_in_dim3A_1044 = vector.broadcast %broadcast_in_dim3A_1043 : f32 to vector<16xf32>
      %broadcast_in_dim3A_1045 = arith.constant 0.000000e+00 : f32
      %broadcast_in_dim3A_1046 = vector.broadcast %broadcast_in_dim3A_1045 : f32 to vector<16xf32>
      %scan3A_1047 = arith.constant 0 : i32
      %scan3A_1048 = arith.constant 32 : i32
      %scan3A_1049 = arith.addi %scan3A_1047, %scan3A_1048 : i32
      %scan3A_1050 = arith.constant 1 : i32
      %scan3A_1051:8 = scf.for %scan3A_1848 = %scan3A_1047 to %scan3A_1049 step %scan3A_1050 iter_args(%scan3A_1849 = %broadcast_in_dim3A_1032, %scan3A_1850 = %broadcast_in_dim3A_1034, %scan3A_1851 = %broadcast_in_dim3A_1036, %scan3A_1852 = %broadcast_in_dim3A_1038, %scan3A_1853 = %broadcast_in_dim3A_1040, %scan3A_1854 = %broadcast_in_dim3A_1042, %scan3A_1855 = %broadcast_in_dim3A_1044, %scan3A_1856 = %broadcast_in_dim3A_1046) -> (vector<16xf32>, vector<16xf32>, vector<16xf32>, vector<16xf32>, vector<16xf32>, vector<16xf32>, vector<16xf32>, vector<16xf32>)  : i32 {
        %get3A = arith.constant 1 : i32
        %get3A_1857 = arith.index_cast %get3A : i32 to index
        %get3A_1858 = arith.index_cast %scan3A_1848 : i32 to index
        %get3A_1859 = arith.constant 0 : index
        %get3A_1860 = tpu.vector_load %arg5[%get3A_1857, %get3A_1858, %get3A_1859] {strides = array<i32>} : memref<10x32x128xf32, #tpu.memory_space<vmem>>, vector<1x1x16xf32>,
        %get3A_1861 = vector.shape_cast %get3A_1860 : vector<1x1x16xf32> to vector<16xf32>
        %add3A_1862 = arith.addf %scan3A_1849, %get3A_1861 : vector<16xf32>
        %get3A_1863 = arith.constant 1 : i32
        %get3A_1864 = arith.index_cast %get3A_1863 : i32 to index
        %get3A_1865 = arith.index_cast %scan3A_1848 : i32 to index
        %get3A_1866 = arith.constant 16 : index
        %get3A_1867 = tpu.vector_load %arg5[%get3A_1864, %get3A_1865, %get3A_1866] {strides = array<i32>} : memref<10x32x128xf32, #tpu.memory_space<vmem>>, vector<1x1x16xf32>,
        %get3A_1868 = vector.shape_cast %get3A_1867 : vector<1x1x16xf32> to vector<16xf32>
        %add3A_1869 = arith.addf %scan3A_1850, %get3A_1868 : vector<16xf32>
        %get3A_1870 = arith.constant 1 : i32
        %get3A_1871 = arith.index_cast %get3A_1870 : i32 to index
        %get3A_1872 = arith.index_cast %scan3A_1848 : i32 to index
        %get3A_1873 = arith.constant 32 : index
        %get3A_1874 = tpu.vector_load %arg5[%get3A_1871, %get3A_1872, %get3A_1873] {strides = array<i32>} : memref<10x32x128xf32, #tpu.memory_space<vmem>>, vector<1x1x16xf32>,
        %get3A_1875 = vector.shape_cast %get3A_1874 : vector<1x1x16xf32> to vector<16xf32>
        %add3A_1876 = arith.addf %scan3A_1851, %get3A_1875 : vector<16xf32>
        %get3A_1877 = arith.constant 1 : i32
        %get3A_1878 = arith.index_cast %get3A_1877 : i32 to index
        %get3A_1879 = arith.index_cast %scan3A_1848 : i32 to index
        %get3A_1880 = arith.constant 48 : index
        %get3A_1881 = tpu.vector_load %arg5[%get3A_1878, %get3A_1879, %get3A_1880] {strides = array<i32>} : memref<10x32x128xf32, #tpu.memory_space<vmem>>, vector<1x1x16xf32>,
        %get3A_1882 = vector.shape_cast %get3A_1881 : vector<1x1x16xf32> to vector<16xf32>
        %add3A_1883 = arith.addf %scan3A_1852, %get3A_1882 : vector<16xf32>
        %get3A_1884 = arith.constant 1 : i32
        %get3A_1885 = arith.index_cast %get3A_1884 : i32 to index
        %get3A_1886 = arith.index_cast %scan3A_1848 : i32 to index
        %get3A_1887 = arith.constant 64 : index
        %get3A_1888 = tpu.vector_load %arg5[%get3A_1885, %get3A_1886, %get3A_1887] {strides = array<i32>} : memref<10x32x128xf32, #tpu.memory_space<vmem>>, vector<1x1x16xf32>,
        %get3A_1889 = vector.shape_cast %get3A_1888 : vector<1x1x16xf32> to vector<16xf32>
        %add3A_1890 = arith.addf %scan3A_1853, %get3A_1889 : vector<16xf32>
        %get3A_1891 = arith.constant 1 : i32
        %get3A_1892 = arith.index_cast %get3A_1891 : i32 to index
        %get3A_1893 = arith.index_cast %scan3A_1848 : i32 to index
        %get3A_1894 = arith.constant 80 : index
        %get3A_1895 = tpu.vector_load %arg5[%get3A_1892, %get3A_1893, %get3A_1894] {strides = array<i32>} : memref<10x32x128xf32, #tpu.memory_space<vmem>>, vector<1x1x16xf32>,
        %get3A_1896 = vector.shape_cast %get3A_1895 : vector<1x1x16xf32> to vector<16xf32>
        %add3A_1897 = arith.addf %scan3A_1854, %get3A_1896 : vector<16xf32>
        %get3A_1898 = arith.constant 1 : i32
        %get3A_1899 = arith.index_cast %get3A_1898 : i32 to index
        %get3A_1900 = arith.index_cast %scan3A_1848 : i32 to index
        %get3A_1901 = arith.constant 96 : index
        %get3A_1902 = tpu.vector_load %arg5[%get3A_1899, %get3A_1900, %get3A_1901] {strides = array<i32>} : memref<10x32x128xf32, #tpu.memory_space<vmem>>, vector<1x1x16xf32>,
        %get3A_1903 = vector.shape_cast %get3A_1902 : vector<1x1x16xf32> to vector<16xf32>
        %add3A_1904 = arith.addf %scan3A_1855, %get3A_1903 : vector<16xf32>
        %get3A_1905 = arith.constant 1 : i32
        %get3A_1906 = arith.index_cast %get3A_1905 : i32 to index
        %get3A_1907 = arith.index_cast %scan3A_1848 : i32 to index
        %get3A_1908 = arith.constant 112 : index
        %get3A_1909 = tpu.vector_load %arg5[%get3A_1906, %get3A_1907, %get3A_1908] {strides = array<i32>} : memref<10x32x128xf32, #tpu.memory_space<vmem>>, vector<1x1x16xf32>,
        %get3A_1910 = vector.shape_cast %get3A_1909 : vector<1x1x16xf32> to vector<16xf32>
        %add3A_1911 = arith.addf %scan3A_1856, %get3A_1910 : vector<16xf32>
        scf.yield %add3A_1862, %add3A_1869, %add3A_1876, %add3A_1883, %add3A_1890, %add3A_1897, %add3A_1904, %add3A_1911 : vector<16xf32>, vector<16xf32>, vector<16xf32>, vector<16xf32>, vector<16xf32>, vector<16xf32>, vector<16xf32>, vector<16xf32>
      }
      %scan3A_1052 = arith.constant 32 : i32
      %mul3A_1053 = arith.constant 10 : i32
      %mul3A_1054 = arith.muli %add3A_940, %mul3A_1053 : i32
      %add3A_1055 = arith.constant 1 : i32
      %add3A_1056 = arith.addi %mul3A_1054, %add3A_1055 : i32
      %mul3A_1057 = arith.constant 3.125000e-02 : f32
      %mul3A_1058 = vector.broadcast %mul3A_1057 : f32 to vector<16xf32>
      %mul3A_1059 = arith.mulf %scan3A_1051#0, %mul3A_1058 : vector<16xf32>
      %swap3A_1060 = arith.index_cast %add3A_1056 : i32 to index
      %swap3A_1061 = arith.constant 0 : index
      %swap3A_1062 = tpu.vector_load %arg6[%swap3A_1060, %swap3A_1061] {strides = array<i32>} : memref<100x128xf32, #tpu.memory_space<vmem>>, vector<1x16xf32>,
      %swap3A_1063 = vector.shape_cast %swap3A_1062 : vector<1x16xf32> to vector<16xf32>
      %swap3A_1064 = vector.shape_cast %mul3A_1059 : vector<16xf32> to vector<1x16xf32>
      tpu.vector_store %arg6[%swap3A_1060, %swap3A_1061], %swap3A_1064 {strides = array<i32>} : memref<100x128xf32, #tpu.memory_space<vmem>>, vector<1x16xf32>,
      %mul3A_1065 = arith.constant 3.125000e-02 : f32
      %mul3A_1066 = vector.broadcast %mul3A_1065 : f32 to vector<16xf32>
      %mul3A_1067 = arith.mulf %scan3A_1051#1, %mul3A_1066 : vector<16xf32>
      %swap3A_1068 = arith.index_cast %add3A_1056 : i32 to index
      %swap3A_1069 = arith.constant 16 : index
      %swap3A_1070 = tpu.vector_load %arg6[%swap3A_1068, %swap3A_1069] {strides = array<i32>} : memref<100x128xf32, #tpu.memory_space<vmem>>, vector<1x16xf32>,
      %swap3A_1071 = vector.shape_cast %swap3A_1070 : vector<1x16xf32> to vector<16xf32>
      %swap3A_1072 = vector.shape_cast %mul3A_1067 : vector<16xf32> to vector<1x16xf32>
      tpu.vector_store %arg6[%swap3A_1068, %swap3A_1069], %swap3A_1072 {strides = array<i32>} : memref<100x128xf32, #tpu.memory_space<vmem>>, vector<1x16xf32>,
      %mul3A_1073 = arith.constant 3.125000e-02 : f32
      %mul3A_1074 = vector.broadcast %mul3A_1073 : f32 to vector<16xf32>
      %mul3A_1075 = arith.mulf %scan3A_1051#2, %mul3A_1074 : vector<16xf32>
      %swap3A_1076 = arith.index_cast %add3A_1056 : i32 to index
      %swap3A_1077 = arith.constant 32 : index
      %swap3A_1078 = tpu.vector_load %arg6[%swap3A_1076, %swap3A_1077] {strides = array<i32>} : memref<100x128xf32, #tpu.memory_space<vmem>>, vector<1x16xf32>,
      %swap3A_1079 = vector.shape_cast %swap3A_1078 : vector<1x16xf32> to vector<16xf32>
      %swap3A_1080 = vector.shape_cast %mul3A_1075 : vector<16xf32> to vector<1x16xf32>
      tpu.vector_store %arg6[%swap3A_1076, %swap3A_1077], %swap3A_1080 {strides = array<i32>} : memref<100x128xf32, #tpu.memory_space<vmem>>, vector<1x16xf32>,
      %mul3A_1081 = arith.constant 3.125000e-02 : f32
      %mul3A_1082 = vector.broadcast %mul3A_1081 : f32 to vector<16xf32>
      %mul3A_1083 = arith.mulf %scan3A_1051#3, %mul3A_1082 : vector<16xf32>
      %swap3A_1084 = arith.index_cast %add3A_1056 : i32 to index
      %swap3A_1085 = arith.constant 48 : index
      %swap3A_1086 = tpu.vector_load %arg6[%swap3A_1084, %swap3A_1085] {strides = array<i32>} : memref<100x128xf32, #tpu.memory_space<vmem>>, vector<1x16xf32>,
      %swap3A_1087 = vector.shape_cast %swap3A_1086 : vector<1x16xf32> to vector<16xf32>
      %swap3A_1088 = vector.shape_cast %mul3A_1083 : vector<16xf32> to vector<1x16xf32>
      tpu.vector_store %arg6[%swap3A_1084, %swap3A_1085], %swap3A_1088 {strides = array<i32>} : memref<100x128xf32, #tpu.memory_space<vmem>>, vector<1x16xf32>,
      %mul3A_1089 = arith.constant 3.125000e-02 : f32
      %mul3A_1090 = vector.broadcast %mul3A_1089 : f32 to vector<16xf32>
      %mul3A_1091 = arith.mulf %scan3A_1051#4, %mul3A_1090 : vector<16xf32>
      %swap3A_1092 = arith.index_cast %add3A_1056 : i32 to index
      %swap3A_1093 = arith.constant 64 : index
      %swap3A_1094 = tpu.vector_load %arg6[%swap3A_1092, %swap3A_1093] {strides = array<i32>} : memref<100x128xf32, #tpu.memory_space<vmem>>, vector<1x16xf32>,
      %swap3A_1095 = vector.shape_cast %swap3A_1094 : vector<1x16xf32> to vector<16xf32>
      %swap3A_1096 = vector.shape_cast %mul3A_1091 : vector<16xf32> to vector<1x16xf32>
      tpu.vector_store %arg6[%swap3A_1092, %swap3A_1093], %swap3A_1096 {strides = array<i32>} : memref<100x128xf32, #tpu.memory_space<vmem>>, vector<1x16xf32>,
      %mul3A_1097 = arith.constant 3.125000e-02 : f32
      %mul3A_1098 = vector.broadcast %mul3A_1097 : f32 to vector<16xf32>
      %mul3A_1099 = arith.mulf %scan3A_1051#5, %mul3A_1098 : vector<16xf32>
      %swap3A_1100 = arith.index_cast %add3A_1056 : i32 to index
      %swap3A_1101 = arith.constant 80 : index
      %swap3A_1102 = tpu.vector_load %arg6[%swap3A_1100, %swap3A_1101] {strides = array<i32>} : memref<100x128xf32, #tpu.memory_space<vmem>>, vector<1x16xf32>,
      %swap3A_1103 = vector.shape_cast %swap3A_1102 : vector<1x16xf32> to vector<16xf32>
      %swap3A_1104 = vector.shape_cast %mul3A_1099 : vector<16xf32> to vector<1x16xf32>
      tpu.vector_store %arg6[%swap3A_1100, %swap3A_1101], %swap3A_1104 {strides = array<i32>} : memref<100x128xf32, #tpu.memory_space<vmem>>, vector<1x16xf32>,
      %mul3A_1105 = arith.constant 3.125000e-02 : f32
      %mul3A_1106 = vector.broadcast %mul3A_1105 : f32 to vector<16xf32>
      %mul3A_1107 = arith.mulf %scan3A_1051#6, %mul3A_1106 : vector<16xf32>
      %swap3A_1108 = arith.index_cast %add3A_1056 : i32 to index
      %swap3A_1109 = arith.constant 96 : index
      %swap3A_1110 = tpu.vector_load %arg6[%swap3A_1108, %swap3A_1109] {strides = array<i32>} : memref<100x128xf32, #tpu.memory_space<vmem>>, vector<1x16xf32>,
      %swap3A_1111 = vector.shape_cast %swap3A_1110 : vector<1x16xf32> to vector<16xf32>
      %swap3A_1112 = vector.shape_cast %mul3A_1107 : vector<16xf32> to vector<1x16xf32>
      tpu.vector_store %arg6[%swap3A_1108, %swap3A_1109], %swap3A_1112 {strides = array<i32>} : memref<100x128xf32, #tpu.memory_space<vmem>>, vector<1x16xf32>,
      %mul3A_1113 = arith.constant 3.125000e-02 : f32
      %mul3A_1114 = vector.broadcast %mul3A_1113 : f32 to vector<16xf32>
      %mul3A_1115 = arith.mulf %scan3A_1051#7, %mul3A_1114 : vector<16xf32>
      %swap3A_1116 = arith.index_cast %add3A_1056 : i32 to index
      %swap3A_1117 = arith.constant 112 : index
      %swap3A_1118 = tpu.vector_load %arg6[%swap3A_1116, %swap3A_1117] {strides = array<i32>} : memref<100x128xf32, #tpu.memory_space<vmem>>, vector<1x16xf32>,
      %swap3A_1119 = vector.shape_cast %swap3A_1118 : vector<1x16xf32> to vector<16xf32>
      %swap3A_1120 = vector.shape_cast %mul3A_1115 : vector<16xf32> to vector<1x16xf32>
      tpu.vector_store %arg6[%swap3A_1116, %swap3A_1117], %swap3A_1120 {strides = array<i32>} : memref<100x128xf32, #tpu.memory_space<vmem>>, vector<1x16xf32>,
      %broadcast_in_dim3A_1121 = arith.constant 0.000000e+00 : f32
      %broadcast_in_dim3A_1122 = vector.broadcast %broadcast_in_dim3A_1121 : f32 to vector<16xf32>
      %broadcast_in_dim3A_1123 = arith.constant 0.000000e+00 : f32
      %broadcast_in_dim3A_1124 = vector.broadcast %broadcast_in_dim3A_1123 : f32 to vector<16xf32>
      %broadcast_in_dim3A_1125 = arith.constant 0.000000e+00 : f32
      %broadcast_in_dim3A_1126 = vector.broadcast %broadcast_in_dim3A_1125 : f32 to vector<16xf32>
      %broadcast_in_dim3A_1127 = arith.constant 0.000000e+00 : f32
      %broadcast_in_dim3A_1128 = vector.broadcast %broadcast_in_dim3A_1127 : f32 to vector<16xf32>
      %broadcast_in_dim3A_1129 = arith.constant 0.000000e+00 : f32
      %broadcast_in_dim3A_1130 = vector.broadcast %broadcast_in_dim3A_1129 : f32 to vector<16xf32>
      %broadcast_in_dim3A_1131 = arith.constant 0.000000e+00 : f32
      %broadcast_in_dim3A_1132 = vector.broadcast %broadcast_in_dim3A_1131 : f32 to vector<16xf32>
      %broadcast_in_dim3A_1133 = arith.constant 0.000000e+00 : f32
      %broadcast_in_dim3A_1134 = vector.broadcast %broadcast_in_dim3A_1133 : f32 to vector<16xf32>
      %broadcast_in_dim3A_1135 = arith.constant 0.000000e+00 : f32
      %broadcast_in_dim3A_1136 = vector.broadcast %broadcast_in_dim3A_1135 : f32 to vector<16xf32>
      %scan3A_1137 = arith.constant 0 : i32
      %scan3A_1138 = arith.constant 32 : i32
      %scan3A_1139 = arith.addi %scan3A_1137, %scan3A_1138 : i32
      %scan3A_1140 = arith.constant 1 : i32
      %scan3A_1141:8 = scf.for %scan3A_1848 = %scan3A_1137 to %scan3A_1139 step %scan3A_1140 iter_args(%scan3A_1849 = %broadcast_in_dim3A_1122, %scan3A_1850 = %broadcast_in_dim3A_1124, %scan3A_1851 = %broadcast_in_dim3A_1126, %scan3A_1852 = %broadcast_in_dim3A_1128, %scan3A_1853 = %broadcast_in_dim3A_1130, %scan3A_1854 = %broadcast_in_dim3A_1132, %scan3A_1855 = %broadcast_in_dim3A_1134, %scan3A_1856 = %broadcast_in_dim3A_1136) -> (vector<16xf32>, vector<16xf32>, vector<16xf32>, vector<16xf32>, vector<16xf32>, vector<16xf32>, vector<16xf32>, vector<16xf32>)  : i32 {
        %get3A = arith.constant 2 : i32
        %get3A_1857 = arith.index_cast %get3A : i32 to index
        %get3A_1858 = arith.index_cast %scan3A_1848 : i32 to index
        %get3A_1859 = arith.constant 0 : index
        %get3A_1860 = tpu.vector_load %arg5[%get3A_1857, %get3A_1858, %get3A_1859] {strides = array<i32>} : memref<10x32x128xf32, #tpu.memory_space<vmem>>, vector<1x1x16xf32>,
        %get3A_1861 = vector.shape_cast %get3A_1860 : vector<1x1x16xf32> to vector<16xf32>
        %add3A_1862 = arith.addf %scan3A_1849, %get3A_1861 : vector<16xf32>
        %get3A_1863 = arith.constant 2 : i32
        %get3A_1864 = arith.index_cast %get3A_1863 : i32 to index
        %get3A_1865 = arith.index_cast %scan3A_1848 : i32 to index
        %get3A_1866 = arith.constant 16 : index
        %get3A_1867 = tpu.vector_load %arg5[%get3A_1864, %get3A_1865, %get3A_1866] {strides = array<i32>} : memref<10x32x128xf32, #tpu.memory_space<vmem>>, vector<1x1x16xf32>,
        %get3A_1868 = vector.shape_cast %get3A_1867 : vector<1x1x16xf32> to vector<16xf32>
        %add3A_1869 = arith.addf %scan3A_1850, %get3A_1868 : vector<16xf32>
        %get3A_1870 = arith.constant 2 : i32
        %get3A_1871 = arith.index_cast %get3A_1870 : i32 to index
        %get3A_1872 = arith.index_cast %scan3A_1848 : i32 to index
        %get3A_1873 = arith.constant 32 : index
        %get3A_1874 = tpu.vector_load %arg5[%get3A_1871, %get3A_1872, %get3A_1873] {strides = array<i32>} : memref<10x32x128xf32, #tpu.memory_space<vmem>>, vector<1x1x16xf32>,
        %get3A_1875 = vector.shape_cast %get3A_1874 : vector<1x1x16xf32> to vector<16xf32>
        %add3A_1876 = arith.addf %scan3A_1851, %get3A_1875 : vector<16xf32>
        %get3A_1877 = arith.constant 2 : i32
        %get3A_1878 = arith.index_cast %get3A_1877 : i32 to index
        %get3A_1879 = arith.index_cast %scan3A_1848 : i32 to index
        %get3A_1880 = arith.constant 48 : index
        %get3A_1881 = tpu.vector_load %arg5[%get3A_1878, %get3A_1879, %get3A_1880] {strides = array<i32>} : memref<10x32x128xf32, #tpu.memory_space<vmem>>, vector<1x1x16xf32>,
        %get3A_1882 = vector.shape_cast %get3A_1881 : vector<1x1x16xf32> to vector<16xf32>
        %add3A_1883 = arith.addf %scan3A_1852, %get3A_1882 : vector<16xf32>
        %get3A_1884 = arith.constant 2 : i32
        %get3A_1885 = arith.index_cast %get3A_1884 : i32 to index
        %get3A_1886 = arith.index_cast %scan3A_1848 : i32 to index
        %get3A_1887 = arith.constant 64 : index
        %get3A_1888 = tpu.vector_load %arg5[%get3A_1885, %get3A_1886, %get3A_1887] {strides = array<i32>} : memref<10x32x128xf32, #tpu.memory_space<vmem>>, vector<1x1x16xf32>,
        %get3A_1889 = vector.shape_cast %get3A_1888 : vector<1x1x16xf32> to vector<16xf32>
        %add3A_1890 = arith.addf %scan3A_1853, %get3A_1889 : vector<16xf32>
        %get3A_1891 = arith.constant 2 : i32
        %get3A_1892 = arith.index_cast %get3A_1891 : i32 to index
        %get3A_1893 = arith.index_cast %scan3A_1848 : i32 to index
        %get3A_1894 = arith.constant 80 : index
        %get3A_1895 = tpu.vector_load %arg5[%get3A_1892, %get3A_1893, %get3A_1894] {strides = array<i32>} : memref<10x32x128xf32, #tpu.memory_space<vmem>>, vector<1x1x16xf32>,
        %get3A_1896 = vector.shape_cast %get3A_1895 : vector<1x1x16xf32> to vector<16xf32>
        %add3A_1897 = arith.addf %scan3A_1854, %get3A_1896 : vector<16xf32>
        %get3A_1898 = arith.constant 2 : i32
        %get3A_1899 = arith.index_cast %get3A_1898 : i32 to index
        %get3A_1900 = arith.index_cast %scan3A_1848 : i32 to index
        %get3A_1901 = arith.constant 96 : index
        %get3A_1902 = tpu.vector_load %arg5[%get3A_1899, %get3A_1900, %get3A_1901] {strides = array<i32>} : memref<10x32x128xf32, #tpu.memory_space<vmem>>, vector<1x1x16xf32>,
        %get3A_1903 = vector.shape_cast %get3A_1902 : vector<1x1x16xf32> to vector<16xf32>
        %add3A_1904 = arith.addf %scan3A_1855, %get3A_1903 : vector<16xf32>
        %get3A_1905 = arith.constant 2 : i32
        %get3A_1906 = arith.index_cast %get3A_1905 : i32 to index
        %get3A_1907 = arith.index_cast %scan3A_1848 : i32 to index
        %get3A_1908 = arith.constant 112 : index
        %get3A_1909 = tpu.vector_load %arg5[%get3A_1906, %get3A_1907, %get3A_1908] {strides = array<i32>} : memref<10x32x128xf32, #tpu.memory_space<vmem>>, vector<1x1x16xf32>,
        %get3A_1910 = vector.shape_cast %get3A_1909 : vector<1x1x16xf32> to vector<16xf32>
        %add3A_1911 = arith.addf %scan3A_1856, %get3A_1910 : vector<16xf32>
        scf.yield %add3A_1862, %add3A_1869, %add3A_1876, %add3A_1883, %add3A_1890, %add3A_1897, %add3A_1904, %add3A_1911 : vector<16xf32>, vector<16xf32>, vector<16xf32>, vector<16xf32>, vector<16xf32>, vector<16xf32>, vector<16xf32>, vector<16xf32>
      }
      %scan3A_1142 = arith.constant 32 : i32
      %mul3A_1143 = arith.constant 10 : i32
      %mul3A_1144 = arith.muli %add3A_940, %mul3A_1143 : i32
      %add3A_1145 = arith.constant 2 : i32
      %add3A_1146 = arith.addi %mul3A_1144, %add3A_1145 : i32
      %mul3A_1147 = arith.constant 3.125000e-02 : f32
      %mul3A_1148 = vector.broadcast %mul3A_1147 : f32 to vector<16xf32>
      %mul3A_1149 = arith.mulf %scan3A_1141#0, %mul3A_1148 : vector<16xf32>
      %swap3A_1150 = arith.index_cast %add3A_1146 : i32 to index
      %swap3A_1151 = arith.constant 0 : index
      %swap3A_1152 = tpu.vector_load %arg6[%swap3A_1150, %swap3A_1151] {strides = array<i32>} : memref<100x128xf32, #tpu.memory_space<vmem>>, vector<1x16xf32>,
      %swap3A_1153 = vector.shape_cast %swap3A_1152 : vector<1x16xf32> to vector<16xf32>
      %swap3A_1154 = vector.shape_cast %mul3A_1149 : vector<16xf32> to vector<1x16xf32>
      tpu.vector_store %arg6[%swap3A_1150, %swap3A_1151], %swap3A_1154 {strides = array<i32>} : memref<100x128xf32, #tpu.memory_space<vmem>>, vector<1x16xf32>,
      %mul3A_1155 = arith.constant 3.125000e-02 : f32
      %mul3A_1156 = vector.broadcast %mul3A_1155 : f32 to vector<16xf32>
      %mul3A_1157 = arith.mulf %scan3A_1141#1, %mul3A_1156 : vector<16xf32>
      %swap3A_1158 = arith.index_cast %add3A_1146 : i32 to index
      %swap3A_1159 = arith.constant 16 : index
      %swap3A_1160 = tpu.vector_load %arg6[%swap3A_1158, %swap3A_1159] {strides = array<i32>} : memref<100x128xf32, #tpu.memory_space<vmem>>, vector<1x16xf32>,
      %swap3A_1161 = vector.shape_cast %swap3A_1160 : vector<1x16xf32> to vector<16xf32>
      %swap3A_1162 = vector.shape_cast %mul3A_1157 : vector<16xf32> to vector<1x16xf32>
      tpu.vector_store %arg6[%swap3A_1158, %swap3A_1159], %swap3A_1162 {strides = array<i32>} : memref<100x128xf32, #tpu.memory_space<vmem>>, vector<1x16xf32>,
      %mul3A_1163 = arith.constant 3.125000e-02 : f32
      %mul3A_1164 = vector.broadcast %mul3A_1163 : f32 to vector<16xf32>
      %mul3A_1165 = arith.mulf %scan3A_1141#2, %mul3A_1164 : vector<16xf32>
      %swap3A_1166 = arith.index_cast %add3A_1146 : i32 to index
      %swap3A_1167 = arith.constant 32 : index
      %swap3A_1168 = tpu.vector_load %arg6[%swap3A_1166, %swap3A_1167] {strides = array<i32>} : memref<100x128xf32, #tpu.memory_space<vmem>>, vector<1x16xf32>,
      %swap3A_1169 = vector.shape_cast %swap3A_1168 : vector<1x16xf32> to vector<16xf32>
      %swap3A_1170 = vector.shape_cast %mul3A_1165 : vector<16xf32> to vector<1x16xf32>
      tpu.vector_store %arg6[%swap3A_1166, %swap3A_1167], %swap3A_1170 {strides = array<i32>} : memref<100x128xf32, #tpu.memory_space<vmem>>, vector<1x16xf32>,
      %mul3A_1171 = arith.constant 3.125000e-02 : f32
      %mul3A_1172 = vector.broadcast %mul3A_1171 : f32 to vector<16xf32>
      %mul3A_1173 = arith.mulf %scan3A_1141#3, %mul3A_1172 : vector<16xf32>
      %swap3A_1174 = arith.index_cast %add3A_1146 : i32 to index
      %swap3A_1175 = arith.constant 48 : index
      %swap3A_1176 = tpu.vector_load %arg6[%swap3A_1174, %swap3A_1175] {strides = array<i32>} : memref<100x128xf32, #tpu.memory_space<vmem>>, vector<1x16xf32>,
      %swap3A_1177 = vector.shape_cast %swap3A_1176 : vector<1x16xf32> to vector<16xf32>
      %swap3A_1178 = vector.shape_cast %mul3A_1173 : vector<16xf32> to vector<1x16xf32>
      tpu.vector_store %arg6[%swap3A_1174, %swap3A_1175], %swap3A_1178 {strides = array<i32>} : memref<100x128xf32, #tpu.memory_space<vmem>>, vector<1x16xf32>,
      %mul3A_1179 = arith.constant 3.125000e-02 : f32
      %mul3A_1180 = vector.broadcast %mul3A_1179 : f32 to vector<16xf32>
      %mul3A_1181 = arith.mulf %scan3A_1141#4, %mul3A_1180 : vector<16xf32>
      %swap3A_1182 = arith.index_cast %add3A_1146 : i32 to index
      %swap3A_1183 = arith.constant 64 : index
      %swap3A_1184 = tpu.vector_load %arg6[%swap3A_1182, %swap3A_1183] {strides = array<i32>} : memref<100x128xf32, #tpu.memory_space<vmem>>, vector<1x16xf32>,
      %swap3A_1185 = vector.shape_cast %swap3A_1184 : vector<1x16xf32> to vector<16xf32>
      %swap3A_1186 = vector.shape_cast %mul3A_1181 : vector<16xf32> to vector<1x16xf32>
      tpu.vector_store %arg6[%swap3A_1182, %swap3A_1183], %swap3A_1186 {strides = array<i32>} : memref<100x128xf32, #tpu.memory_space<vmem>>, vector<1x16xf32>,
      %mul3A_1187 = arith.constant 3.125000e-02 : f32
      %mul3A_1188 = vector.broadcast %mul3A_1187 : f32 to vector<16xf32>
      %mul3A_1189 = arith.mulf %scan3A_1141#5, %mul3A_1188 : vector<16xf32>
      %swap3A_1190 = arith.index_cast %add3A_1146 : i32 to index
      %swap3A_1191 = arith.constant 80 : index
      %swap3A_1192 = tpu.vector_load %arg6[%swap3A_1190, %swap3A_1191] {strides = array<i32>} : memref<100x128xf32, #tpu.memory_space<vmem>>, vector<1x16xf32>,
      %swap3A_1193 = vector.shape_cast %swap3A_1192 : vector<1x16xf32> to vector<16xf32>
      %swap3A_1194 = vector.shape_cast %mul3A_1189 : vector<16xf32> to vector<1x16xf32>
      tpu.vector_store %arg6[%swap3A_1190, %swap3A_1191], %swap3A_1194 {strides = array<i32>} : memref<100x128xf32, #tpu.memory_space<vmem>>, vector<1x16xf32>,
      %mul3A_1195 = arith.constant 3.125000e-02 : f32
      %mul3A_1196 = vector.broadcast %mul3A_1195 : f32 to vector<16xf32>
      %mul3A_1197 = arith.mulf %scan3A_1141#6, %mul3A_1196 : vector<16xf32>
      %swap3A_1198 = arith.index_cast %add3A_1146 : i32 to index
      %swap3A_1199 = arith.constant 96 : index
      %swap3A_1200 = tpu.vector_load %arg6[%swap3A_1198, %swap3A_1199] {strides = array<i32>} : memref<100x128xf32, #tpu.memory_space<vmem>>, vector<1x16xf32>,
      %swap3A_1201 = vector.shape_cast %swap3A_1200 : vector<1x16xf32> to vector<16xf32>
      %swap3A_1202 = vector.shape_cast %mul3A_1197 : vector<16xf32> to vector<1x16xf32>
      tpu.vector_store %arg6[%swap3A_1198, %swap3A_1199], %swap3A_1202 {strides = array<i32>} : memref<100x128xf32, #tpu.memory_space<vmem>>, vector<1x16xf32>,
      %mul3A_1203 = arith.constant 3.125000e-02 : f32
      %mul3A_1204 = vector.broadcast %mul3A_1203 : f32 to vector<16xf32>
      %mul3A_1205 = arith.mulf %scan3A_1141#7, %mul3A_1204 : vector<16xf32>
      %swap3A_1206 = arith.index_cast %add3A_1146 : i32 to index
      %swap3A_1207 = arith.constant 112 : index
      %swap3A_1208 = tpu.vector_load %arg6[%swap3A_1206, %swap3A_1207] {strides = array<i32>} : memref<100x128xf32, #tpu.memory_space<vmem>>, vector<1x16xf32>,
      %swap3A_1209 = vector.shape_cast %swap3A_1208 : vector<1x16xf32> to vector<16xf32>
      %swap3A_1210 = vector.shape_cast %mul3A_1205 : vector<16xf32> to vector<1x16xf32>
      tpu.vector_store %arg6[%swap3A_1206, %swap3A_1207], %swap3A_1210 {strides = array<i32>} : memref<100x128xf32, #tpu.memory_space<vmem>>, vector<1x16xf32>,
      %broadcast_in_dim3A_1211 = arith.constant 0.000000e+00 : f32
      %broadcast_in_dim3A_1212 = vector.broadcast %broadcast_in_dim3A_1211 : f32 to vector<16xf32>
      %broadcast_in_dim3A_1213 = arith.constant 0.000000e+00 : f32
      %broadcast_in_dim3A_1214 = vector.broadcast %broadcast_in_dim3A_1213 : f32 to vector<16xf32>
      %broadcast_in_dim3A_1215 = arith.constant 0.000000e+00 : f32
      %broadcast_in_dim3A_1216 = vector.broadcast %broadcast_in_dim3A_1215 : f32 to vector<16xf32>
      %broadcast_in_dim3A_1217 = arith.constant 0.000000e+00 : f32
      %broadcast_in_dim3A_1218 = vector.broadcast %broadcast_in_dim3A_1217 : f32 to vector<16xf32>
      %broadcast_in_dim3A_1219 = arith.constant 0.000000e+00 : f32
      %broadcast_in_dim3A_1220 = vector.broadcast %broadcast_in_dim3A_1219 : f32 to vector<16xf32>
      %broadcast_in_dim3A_1221 = arith.constant 0.000000e+00 : f32
      %broadcast_in_dim3A_1222 = vector.broadcast %broadcast_in_dim3A_1221 : f32 to vector<16xf32>
      %broadcast_in_dim3A_1223 = arith.constant 0.000000e+00 : f32
      %broadcast_in_dim3A_1224 = vector.broadcast %broadcast_in_dim3A_1223 : f32 to vector<16xf32>
      %broadcast_in_dim3A_1225 = arith.constant 0.000000e+00 : f32
      %broadcast_in_dim3A_1226 = vector.broadcast %broadcast_in_dim3A_1225 : f32 to vector<16xf32>
      %scan3A_1227 = arith.constant 0 : i32
      %scan3A_1228 = arith.constant 32 : i32
      %scan3A_1229 = arith.addi %scan3A_1227, %scan3A_1228 : i32
      %scan3A_1230 = arith.constant 1 : i32
      %scan3A_1231:8 = scf.for %scan3A_1848 = %scan3A_1227 to %scan3A_1229 step %scan3A_1230 iter_args(%scan3A_1849 = %broadcast_in_dim3A_1212, %scan3A_1850 = %broadcast_in_dim3A_1214, %scan3A_1851 = %broadcast_in_dim3A_1216, %scan3A_1852 = %broadcast_in_dim3A_1218, %scan3A_1853 = %broadcast_in_dim3A_1220, %scan3A_1854 = %broadcast_in_dim3A_1222, %scan3A_1855 = %broadcast_in_dim3A_1224, %scan3A_1856 = %broadcast_in_dim3A_1226) -> (vector<16xf32>, vector<16xf32>, vector<16xf32>, vector<16xf32>, vector<16xf32>, vector<16xf32>, vector<16xf32>, vector<16xf32>)  : i32 {
        %get3A = arith.constant 3 : i32
        %get3A_1857 = arith.index_cast %get3A : i32 to index
        %get3A_1858 = arith.index_cast %scan3A_1848 : i32 to index
        %get3A_1859 = arith.constant 0 : index
        %get3A_1860 = tpu.vector_load %arg5[%get3A_1857, %get3A_1858, %get3A_1859] {strides = array<i32>} : memref<10x32x128xf32, #tpu.memory_space<vmem>>, vector<1x1x16xf32>,
        %get3A_1861 = vector.shape_cast %get3A_1860 : vector<1x1x16xf32> to vector<16xf32>
        %add3A_1862 = arith.addf %scan3A_1849, %get3A_1861 : vector<16xf32>
        %get3A_1863 = arith.constant 3 : i32
        %get3A_1864 = arith.index_cast %get3A_1863 : i32 to index
        %get3A_1865 = arith.index_cast %scan3A_1848 : i32 to index
        %get3A_1866 = arith.constant 16 : index
        %get3A_1867 = tpu.vector_load %arg5[%get3A_1864, %get3A_1865, %get3A_1866] {strides = array<i32>} : memref<10x32x128xf32, #tpu.memory_space<vmem>>, vector<1x1x16xf32>,
        %get3A_1868 = vector.shape_cast %get3A_1867 : vector<1x1x16xf32> to vector<16xf32>
        %add3A_1869 = arith.addf %scan3A_1850, %get3A_1868 : vector<16xf32>
        %get3A_1870 = arith.constant 3 : i32
        %get3A_1871 = arith.index_cast %get3A_1870 : i32 to index
        %get3A_1872 = arith.index_cast %scan3A_1848 : i32 to index
        %get3A_1873 = arith.constant 32 : index
        %get3A_1874 = tpu.vector_load %arg5[%get3A_1871, %get3A_1872, %get3A_1873] {strides = array<i32>} : memref<10x32x128xf32, #tpu.memory_space<vmem>>, vector<1x1x16xf32>,
        %get3A_1875 = vector.shape_cast %get3A_1874 : vector<1x1x16xf32> to vector<16xf32>
        %add3A_1876 = arith.addf %scan3A_1851, %get3A_1875 : vector<16xf32>
        %get3A_1877 = arith.constant 3 : i32
        %get3A_1878 = arith.index_cast %get3A_1877 : i32 to index
        %get3A_1879 = arith.index_cast %scan3A_1848 : i32 to index
        %get3A_1880 = arith.constant 48 : index
        %get3A_1881 = tpu.vector_load %arg5[%get3A_1878, %get3A_1879, %get3A_1880] {strides = array<i32>} : memref<10x32x128xf32, #tpu.memory_space<vmem>>, vector<1x1x16xf32>,
        %get3A_1882 = vector.shape_cast %get3A_1881 : vector<1x1x16xf32> to vector<16xf32>
        %add3A_1883 = arith.addf %scan3A_1852, %get3A_1882 : vector<16xf32>
        %get3A_1884 = arith.constant 3 : i32
        %get3A_1885 = arith.index_cast %get3A_1884 : i32 to index
        %get3A_1886 = arith.index_cast %scan3A_1848 : i32 to index
        %get3A_1887 = arith.constant 64 : index
        %get3A_1888 = tpu.vector_load %arg5[%get3A_1885, %get3A_1886, %get3A_1887] {strides = array<i32>} : memref<10x32x128xf32, #tpu.memory_space<vmem>>, vector<1x1x16xf32>,
        %get3A_1889 = vector.shape_cast %get3A_1888 : vector<1x1x16xf32> to vector<16xf32>
        %add3A_1890 = arith.addf %scan3A_1853, %get3A_1889 : vector<16xf32>
        %get3A_1891 = arith.constant 3 : i32
        %get3A_1892 = arith.index_cast %get3A_1891 : i32 to index
        %get3A_1893 = arith.index_cast %scan3A_1848 : i32 to index
        %get3A_1894 = arith.constant 80 : index
        %get3A_1895 = tpu.vector_load %arg5[%get3A_1892, %get3A_1893, %get3A_1894] {strides = array<i32>} : memref<10x32x128xf32, #tpu.memory_space<vmem>>, vector<1x1x16xf32>,
        %get3A_1896 = vector.shape_cast %get3A_1895 : vector<1x1x16xf32> to vector<16xf32>
        %add3A_1897 = arith.addf %scan3A_1854, %get3A_1896 : vector<16xf32>
        %get3A_1898 = arith.constant 3 : i32
        %get3A_1899 = arith.index_cast %get3A_1898 : i32 to index
        %get3A_1900 = arith.index_cast %scan3A_1848 : i32 to index
        %get3A_1901 = arith.constant 96 : index
        %get3A_1902 = tpu.vector_load %arg5[%get3A_1899, %get3A_1900, %get3A_1901] {strides = array<i32>} : memref<10x32x128xf32, #tpu.memory_space<vmem>>, vector<1x1x16xf32>,
        %get3A_1903 = vector.shape_cast %get3A_1902 : vector<1x1x16xf32> to vector<16xf32>
        %add3A_1904 = arith.addf %scan3A_1855, %get3A_1903 : vector<16xf32>
        %get3A_1905 = arith.constant 3 : i32
        %get3A_1906 = arith.index_cast %get3A_1905 : i32 to index
        %get3A_1907 = arith.index_cast %scan3A_1848 : i32 to index
        %get3A_1908 = arith.constant 112 : index
        %get3A_1909 = tpu.vector_load %arg5[%get3A_1906, %get3A_1907, %get3A_1908] {strides = array<i32>} : memref<10x32x128xf32, #tpu.memory_space<vmem>>, vector<1x1x16xf32>,
        %get3A_1910 = vector.shape_cast %get3A_1909 : vector<1x1x16xf32> to vector<16xf32>
        %add3A_1911 = arith.addf %scan3A_1856, %get3A_1910 : vector<16xf32>
        scf.yield %add3A_1862, %add3A_1869, %add3A_1876, %add3A_1883, %add3A_1890, %add3A_1897, %add3A_1904, %add3A_1911 : vector<16xf32>, vector<16xf32>, vector<16xf32>, vector<16xf32>, vector<16xf32>, vector<16xf32>, vector<16xf32>, vector<16xf32>
      }
      %scan3A_1232 = arith.constant 32 : i32
      %mul3A_1233 = arith.constant 10 : i32
      %mul3A_1234 = arith.muli %add3A_940, %mul3A_1233 : i32
      %add3A_1235 = arith.constant 3 : i32
      %add3A_1236 = arith.addi %mul3A_1234, %add3A_1235 : i32
      %mul3A_1237 = arith.constant 3.125000e-02 : f32
      %mul3A_1238 = vector.broadcast %mul3A_1237 : f32 to vector<16xf32>
      %mul3A_1239 = arith.mulf %scan3A_1231#0, %mul3A_1238 : vector<16xf32>
      %swap3A_1240 = arith.index_cast %add3A_1236 : i32 to index
      %swap3A_1241 = arith.constant 0 : index
      %swap3A_1242 = tpu.vector_load %arg6[%swap3A_1240, %swap3A_1241] {strides = array<i32>} : memref<100x128xf32, #tpu.memory_space<vmem>>, vector<1x16xf32>,
      %swap3A_1243 = vector.shape_cast %swap3A_1242 : vector<1x16xf32> to vector<16xf32>
      %swap3A_1244 = vector.shape_cast %mul3A_1239 : vector<16xf32> to vector<1x16xf32>
      tpu.vector_store %arg6[%swap3A_1240, %swap3A_1241], %swap3A_1244 {strides = array<i32>} : memref<100x128xf32, #tpu.memory_space<vmem>>, vector<1x16xf32>,
      %mul3A_1245 = arith.constant 3.125000e-02 : f32
      %mul3A_1246 = vector.broadcast %mul3A_1245 : f32 to vector<16xf32>
      %mul3A_1247 = arith.mulf %scan3A_1231#1, %mul3A_1246 : vector<16xf32>
      %swap3A_1248 = arith.index_cast %add3A_1236 : i32 to index
      %swap3A_1249 = arith.constant 16 : index
      %swap3A_1250 = tpu.vector_load %arg6[%swap3A_1248, %swap3A_1249] {strides = array<i32>} : memref<100x128xf32, #tpu.memory_space<vmem>>, vector<1x16xf32>,
      %swap3A_1251 = vector.shape_cast %swap3A_1250 : vector<1x16xf32> to vector<16xf32>
      %swap3A_1252 = vector.shape_cast %mul3A_1247 : vector<16xf32> to vector<1x16xf32>
      tpu.vector_store %arg6[%swap3A_1248, %swap3A_1249], %swap3A_1252 {strides = array<i32>} : memref<100x128xf32, #tpu.memory_space<vmem>>, vector<1x16xf32>,
      %mul3A_1253 = arith.constant 3.125000e-02 : f32
      %mul3A_1254 = vector.broadcast %mul3A_1253 : f32 to vector<16xf32>
      %mul3A_1255 = arith.mulf %scan3A_1231#2, %mul3A_1254 : vector<16xf32>
      %swap3A_1256 = arith.index_cast %add3A_1236 : i32 to index
      %swap3A_1257 = arith.constant 32 : index
      %swap3A_1258 = tpu.vector_load %arg6[%swap3A_1256, %swap3A_1257] {strides = array<i32>} : memref<100x128xf32, #tpu.memory_space<vmem>>, vector<1x16xf32>,
      %swap3A_1259 = vector.shape_cast %swap3A_1258 : vector<1x16xf32> to vector<16xf32>
      %swap3A_1260 = vector.shape_cast %mul3A_1255 : vector<16xf32> to vector<1x16xf32>
      tpu.vector_store %arg6[%swap3A_1256, %swap3A_1257], %swap3A_1260 {strides = array<i32>} : memref<100x128xf32, #tpu.memory_space<vmem>>, vector<1x16xf32>,
      %mul3A_1261 = arith.constant 3.125000e-02 : f32
      %mul3A_1262 = vector.broadcast %mul3A_1261 : f32 to vector<16xf32>
      %mul3A_1263 = arith.mulf %scan3A_1231#3, %mul3A_1262 : vector<16xf32>
      %swap3A_1264 = arith.index_cast %add3A_1236 : i32 to index
      %swap3A_1265 = arith.constant 48 : index
      %swap3A_1266 = tpu.vector_load %arg6[%swap3A_1264, %swap3A_1265] {strides = array<i32>} : memref<100x128xf32, #tpu.memory_space<vmem>>, vector<1x16xf32>,
      %swap3A_1267 = vector.shape_cast %swap3A_1266 : vector<1x16xf32> to vector<16xf32>
      %swap3A_1268 = vector.shape_cast %mul3A_1263 : vector<16xf32> to vector<1x16xf32>
      tpu.vector_store %arg6[%swap3A_1264, %swap3A_1265], %swap3A_1268 {strides = array<i32>} : memref<100x128xf32, #tpu.memory_space<vmem>>, vector<1x16xf32>,
      %mul3A_1269 = arith.constant 3.125000e-02 : f32
      %mul3A_1270 = vector.broadcast %mul3A_1269 : f32 to vector<16xf32>
      %mul3A_1271 = arith.mulf %scan3A_1231#4, %mul3A_1270 : vector<16xf32>
      %swap3A_1272 = arith.index_cast %add3A_1236 : i32 to index
      %swap3A_1273 = arith.constant 64 : index
      %swap3A_1274 = tpu.vector_load %arg6[%swap3A_1272, %swap3A_1273] {strides = array<i32>} : memref<100x128xf32, #tpu.memory_space<vmem>>, vector<1x16xf32>,
      %swap3A_1275 = vector.shape_cast %swap3A_1274 : vector<1x16xf32> to vector<16xf32>
      %swap3A_1276 = vector.shape_cast %mul3A_1271 : vector<16xf32> to vector<1x16xf32>
      tpu.vector_store %arg6[%swap3A_1272, %swap3A_1273], %swap3A_1276 {strides = array<i32>} : memref<100x128xf32, #tpu.memory_space<vmem>>, vector<1x16xf32>,
      %mul3A_1277 = arith.constant 3.125000e-02 : f32
      %mul3A_1278 = vector.broadcast %mul3A_1277 : f32 to vector<16xf32>
      %mul3A_1279 = arith.mulf %scan3A_1231#5, %mul3A_1278 : vector<16xf32>
      %swap3A_1280 = arith.index_cast %add3A_1236 : i32 to index
      %swap3A_1281 = arith.constant 80 : index
      %swap3A_1282 = tpu.vector_load %arg6[%swap3A_1280, %swap3A_1281] {strides = array<i32>} : memref<100x128xf32, #tpu.memory_space<vmem>>, vector<1x16xf32>,
      %swap3A_1283 = vector.shape_cast %swap3A_1282 : vector<1x16xf32> to vector<16xf32>
      %swap3A_1284 = vector.shape_cast %mul3A_1279 : vector<16xf32> to vector<1x16xf32>
      tpu.vector_store %arg6[%swap3A_1280, %swap3A_1281], %swap3A_1284 {strides = array<i32>} : memref<100x128xf32, #tpu.memory_space<vmem>>, vector<1x16xf32>,
      %mul3A_1285 = arith.constant 3.125000e-02 : f32
      %mul3A_1286 = vector.broadcast %mul3A_1285 : f32 to vector<16xf32>
      %mul3A_1287 = arith.mulf %scan3A_1231#6, %mul3A_1286 : vector<16xf32>
      %swap3A_1288 = arith.index_cast %add3A_1236 : i32 to index
      %swap3A_1289 = arith.constant 96 : index
      %swap3A_1290 = tpu.vector_load %arg6[%swap3A_1288, %swap3A_1289] {strides = array<i32>} : memref<100x128xf32, #tpu.memory_space<vmem>>, vector<1x16xf32>,
      %swap3A_1291 = vector.shape_cast %swap3A_1290 : vector<1x16xf32> to vector<16xf32>
      %swap3A_1292 = vector.shape_cast %mul3A_1287 : vector<16xf32> to vector<1x16xf32>
      tpu.vector_store %arg6[%swap3A_1288, %swap3A_1289], %swap3A_1292 {strides = array<i32>} : memref<100x128xf32, #tpu.memory_space<vmem>>, vector<1x16xf32>,
      %mul3A_1293 = arith.constant 3.125000e-02 : f32
      %mul3A_1294 = vector.broadcast %mul3A_1293 : f32 to vector<16xf32>
      %mul3A_1295 = arith.mulf %scan3A_1231#7, %mul3A_1294 : vector<16xf32>
      %swap3A_1296 = arith.index_cast %add3A_1236 : i32 to index
      %swap3A_1297 = arith.constant 112 : index
      %swap3A_1298 = tpu.vector_load %arg6[%swap3A_1296, %swap3A_1297] {strides = array<i32>} : memref<100x128xf32, #tpu.memory_space<vmem>>, vector<1x16xf32>,
      %swap3A_1299 = vector.shape_cast %swap3A_1298 : vector<1x16xf32> to vector<16xf32>
      %swap3A_1300 = vector.shape_cast %mul3A_1295 : vector<16xf32> to vector<1x16xf32>
      tpu.vector_store %arg6[%swap3A_1296, %swap3A_1297], %swap3A_1300 {strides = array<i32>} : memref<100x128xf32, #tpu.memory_space<vmem>>, vector<1x16xf32>,
      %broadcast_in_dim3A_1301 = arith.constant 0.000000e+00 : f32
      %broadcast_in_dim3A_1302 = vector.broadcast %broadcast_in_dim3A_1301 : f32 to vector<16xf32>
      %broadcast_in_dim3A_1303 = arith.constant 0.000000e+00 : f32
      %broadcast_in_dim3A_1304 = vector.broadcast %broadcast_in_dim3A_1303 : f32 to vector<16xf32>
      %broadcast_in_dim3A_1305 = arith.constant 0.000000e+00 : f32
      %broadcast_in_dim3A_1306 = vector.broadcast %broadcast_in_dim3A_1305 : f32 to vector<16xf32>
      %broadcast_in_dim3A_1307 = arith.constant 0.000000e+00 : f32
      %broadcast_in_dim3A_1308 = vector.broadcast %broadcast_in_dim3A_1307 : f32 to vector<16xf32>
      %broadcast_in_dim3A_1309 = arith.constant 0.000000e+00 : f32
      %broadcast_in_dim3A_1310 = vector.broadcast %broadcast_in_dim3A_1309 : f32 to vector<16xf32>
      %broadcast_in_dim3A_1311 = arith.constant 0.000000e+00 : f32
      %broadcast_in_dim3A_1312 = vector.broadcast %broadcast_in_dim3A_1311 : f32 to vector<16xf32>
      %broadcast_in_dim3A_1313 = arith.constant 0.000000e+00 : f32
      %broadcast_in_dim3A_1314 = vector.broadcast %broadcast_in_dim3A_1313 : f32 to vector<16xf32>
      %broadcast_in_dim3A_1315 = arith.constant 0.000000e+00 : f32
      %broadcast_in_dim3A_1316 = vector.broadcast %broadcast_in_dim3A_1315 : f32 to vector<16xf32>
      %scan3A_1317 = arith.constant 0 : i32
      %scan3A_1318 = arith.constant 32 : i32
      %scan3A_1319 = arith.addi %scan3A_1317, %scan3A_1318 : i32
      %scan3A_1320 = arith.constant 1 : i32
      %scan3A_1321:8 = scf.for %scan3A_1848 = %scan3A_1317 to %scan3A_1319 step %scan3A_1320 iter_args(%scan3A_1849 = %broadcast_in_dim3A_1302, %scan3A_1850 = %broadcast_in_dim3A_1304, %scan3A_1851 = %broadcast_in_dim3A_1306, %scan3A_1852 = %broadcast_in_dim3A_1308, %scan3A_1853 = %broadcast_in_dim3A_1310, %scan3A_1854 = %broadcast_in_dim3A_1312, %scan3A_1855 = %broadcast_in_dim3A_1314, %scan3A_1856 = %broadcast_in_dim3A_1316) -> (vector<16xf32>, vector<16xf32>, vector<16xf32>, vector<16xf32>, vector<16xf32>, vector<16xf32>, vector<16xf32>, vector<16xf32>)  : i32 {
        %get3A = arith.constant 4 : i32
        %get3A_1857 = arith.index_cast %get3A : i32 to index
        %get3A_1858 = arith.index_cast %scan3A_1848 : i32 to index
        %get3A_1859 = arith.constant 0 : index
        %get3A_1860 = tpu.vector_load %arg5[%get3A_1857, %get3A_1858, %get3A_1859] {strides = array<i32>} : memref<10x32x128xf32, #tpu.memory_space<vmem>>, vector<1x1x16xf32>,
        %get3A_1861 = vector.shape_cast %get3A_1860 : vector<1x1x16xf32> to vector<16xf32>
        %add3A_1862 = arith.addf %scan3A_1849, %get3A_1861 : vector<16xf32>
        %get3A_1863 = arith.constant 4 : i32
        %get3A_1864 = arith.index_cast %get3A_1863 : i32 to index
        %get3A_1865 = arith.index_cast %scan3A_1848 : i32 to index
        %get3A_1866 = arith.constant 16 : index
        %get3A_1867 = tpu.vector_load %arg5[%get3A_1864, %get3A_1865, %get3A_1866] {strides = array<i32>} : memref<10x32x128xf32, #tpu.memory_space<vmem>>, vector<1x1x16xf32>,
        %get3A_1868 = vector.shape_cast %get3A_1867 : vector<1x1x16xf32> to vector<16xf32>
        %add3A_1869 = arith.addf %scan3A_1850, %get3A_1868 : vector<16xf32>
        %get3A_1870 = arith.constant 4 : i32
        %get3A_1871 = arith.index_cast %get3A_1870 : i32 to index
        %get3A_1872 = arith.index_cast %scan3A_1848 : i32 to index
        %get3A_1873 = arith.constant 32 : index
        %get3A_1874 = tpu.vector_load %arg5[%get3A_1871, %get3A_1872, %get3A_1873] {strides = array<i32>} : memref<10x32x128xf32, #tpu.memory_space<vmem>>, vector<1x1x16xf32>,
        %get3A_1875 = vector.shape_cast %get3A_1874 : vector<1x1x16xf32> to vector<16xf32>
        %add3A_1876 = arith.addf %scan3A_1851, %get3A_1875 : vector<16xf32>
        %get3A_1877 = arith.constant 4 : i32
        %get3A_1878 = arith.index_cast %get3A_1877 : i32 to index
        %get3A_1879 = arith.index_cast %scan3A_1848 : i32 to index
        %get3A_1880 = arith.constant 48 : index
        %get3A_1881 = tpu.vector_load %arg5[%get3A_1878, %get3A_1879, %get3A_1880] {strides = array<i32>} : memref<10x32x128xf32, #tpu.memory_space<vmem>>, vector<1x1x16xf32>,
        %get3A_1882 = vector.shape_cast %get3A_1881 : vector<1x1x16xf32> to vector<16xf32>
        %add3A_1883 = arith.addf %scan3A_1852, %get3A_1882 : vector<16xf32>
        %get3A_1884 = arith.constant 4 : i32
        %get3A_1885 = arith.index_cast %get3A_1884 : i32 to index
        %get3A_1886 = arith.index_cast %scan3A_1848 : i32 to index
        %get3A_1887 = arith.constant 64 : index
        %get3A_1888 = tpu.vector_load %arg5[%get3A_1885, %get3A_1886, %get3A_1887] {strides = array<i32>} : memref<10x32x128xf32, #tpu.memory_space<vmem>>, vector<1x1x16xf32>,
        %get3A_1889 = vector.shape_cast %get3A_1888 : vector<1x1x16xf32> to vector<16xf32>
        %add3A_1890 = arith.addf %scan3A_1853, %get3A_1889 : vector<16xf32>
        %get3A_1891 = arith.constant 4 : i32
        %get3A_1892 = arith.index_cast %get3A_1891 : i32 to index
        %get3A_1893 = arith.index_cast %scan3A_1848 : i32 to index
        %get3A_1894 = arith.constant 80 : index
        %get3A_1895 = tpu.vector_load %arg5[%get3A_1892, %get3A_1893, %get3A_1894] {strides = array<i32>} : memref<10x32x128xf32, #tpu.memory_space<vmem>>, vector<1x1x16xf32>,
        %get3A_1896 = vector.shape_cast %get3A_1895 : vector<1x1x16xf32> to vector<16xf32>
        %add3A_1897 = arith.addf %scan3A_1854, %get3A_1896 : vector<16xf32>
        %get3A_1898 = arith.constant 4 : i32
        %get3A_1899 = arith.index_cast %get3A_1898 : i32 to index
        %get3A_1900 = arith.index_cast %scan3A_1848 : i32 to index
        %get3A_1901 = arith.constant 96 : index
        %get3A_1902 = tpu.vector_load %arg5[%get3A_1899, %get3A_1900, %get3A_1901] {strides = array<i32>} : memref<10x32x128xf32, #tpu.memory_space<vmem>>, vector<1x1x16xf32>,
        %get3A_1903 = vector.shape_cast %get3A_1902 : vector<1x1x16xf32> to vector<16xf32>
        %add3A_1904 = arith.addf %scan3A_1855, %get3A_1903 : vector<16xf32>
        %get3A_1905 = arith.constant 4 : i32
        %get3A_1906 = arith.index_cast %get3A_1905 : i32 to index
        %get3A_1907 = arith.index_cast %scan3A_1848 : i32 to index
        %get3A_1908 = arith.constant 112 : index
        %get3A_1909 = tpu.vector_load %arg5[%get3A_1906, %get3A_1907, %get3A_1908] {strides = array<i32>} : memref<10x32x128xf32, #tpu.memory_space<vmem>>, vector<1x1x16xf32>,
        %get3A_1910 = vector.shape_cast %get3A_1909 : vector<1x1x16xf32> to vector<16xf32>
        %add3A_1911 = arith.addf %scan3A_1856, %get3A_1910 : vector<16xf32>
        scf.yield %add3A_1862, %add3A_1869, %add3A_1876, %add3A_1883, %add3A_1890, %add3A_1897, %add3A_1904, %add3A_1911 : vector<16xf32>, vector<16xf32>, vector<16xf32>, vector<16xf32>, vector<16xf32>, vector<16xf32>, vector<16xf32>, vector<16xf32>
      }
      %scan3A_1322 = arith.constant 32 : i32
      %mul3A_1323 = arith.constant 10 : i32
      %mul3A_1324 = arith.muli %add3A_940, %mul3A_1323 : i32
      %add3A_1325 = arith.constant 4 : i32
      %add3A_1326 = arith.addi %mul3A_1324, %add3A_1325 : i32
      %mul3A_1327 = arith.constant 3.125000e-02 : f32
      %mul3A_1328 = vector.broadcast %mul3A_1327 : f32 to vector<16xf32>
      %mul3A_1329 = arith.mulf %scan3A_1321#0, %mul3A_1328 : vector<16xf32>
      %swap3A_1330 = arith.index_cast %add3A_1326 : i32 to index
      %swap3A_1331 = arith.constant 0 : index
      %swap3A_1332 = tpu.vector_load %arg6[%swap3A_1330, %swap3A_1331] {strides = array<i32>} : memref<100x128xf32, #tpu.memory_space<vmem>>, vector<1x16xf32>,
      %swap3A_1333 = vector.shape_cast %swap3A_1332 : vector<1x16xf32> to vector<16xf32>
      %swap3A_1334 = vector.shape_cast %mul3A_1329 : vector<16xf32> to vector<1x16xf32>
      tpu.vector_store %arg6[%swap3A_1330, %swap3A_1331], %swap3A_1334 {strides = array<i32>} : memref<100x128xf32, #tpu.memory_space<vmem>>, vector<1x16xf32>,
      %mul3A_1335 = arith.constant 3.125000e-02 : f32
      %mul3A_1336 = vector.broadcast %mul3A_1335 : f32 to vector<16xf32>
      %mul3A_1337 = arith.mulf %scan3A_1321#1, %mul3A_1336 : vector<16xf32>
      %swap3A_1338 = arith.index_cast %add3A_1326 : i32 to index
      %swap3A_1339 = arith.constant 16 : index
      %swap3A_1340 = tpu.vector_load %arg6[%swap3A_1338, %swap3A_1339] {strides = array<i32>} : memref<100x128xf32, #tpu.memory_space<vmem>>, vector<1x16xf32>,
      %swap3A_1341 = vector.shape_cast %swap3A_1340 : vector<1x16xf32> to vector<16xf32>
      %swap3A_1342 = vector.shape_cast %mul3A_1337 : vector<16xf32> to vector<1x16xf32>
      tpu.vector_store %arg6[%swap3A_1338, %swap3A_1339], %swap3A_1342 {strides = array<i32>} : memref<100x128xf32, #tpu.memory_space<vmem>>, vector<1x16xf32>,
      %mul3A_1343 = arith.constant 3.125000e-02 : f32
      %mul3A_1344 = vector.broadcast %mul3A_1343 : f32 to vector<16xf32>
      %mul3A_1345 = arith.mulf %scan3A_1321#2, %mul3A_1344 : vector<16xf32>
      %swap3A_1346 = arith.index_cast %add3A_1326 : i32 to index
      %swap3A_1347 = arith.constant 32 : index
      %swap3A_1348 = tpu.vector_load %arg6[%swap3A_1346, %swap3A_1347] {strides = array<i32>} : memref<100x128xf32, #tpu.memory_space<vmem>>, vector<1x16xf32>,
      %swap3A_1349 = vector.shape_cast %swap3A_1348 : vector<1x16xf32> to vector<16xf32>
      %swap3A_1350 = vector.shape_cast %mul3A_1345 : vector<16xf32> to vector<1x16xf32>
      tpu.vector_store %arg6[%swap3A_1346, %swap3A_1347], %swap3A_1350 {strides = array<i32>} : memref<100x128xf32, #tpu.memory_space<vmem>>, vector<1x16xf32>,
      %mul3A_1351 = arith.constant 3.125000e-02 : f32
      %mul3A_1352 = vector.broadcast %mul3A_1351 : f32 to vector<16xf32>
      %mul3A_1353 = arith.mulf %scan3A_1321#3, %mul3A_1352 : vector<16xf32>
      %swap3A_1354 = arith.index_cast %add3A_1326 : i32 to index
      %swap3A_1355 = arith.constant 48 : index
      %swap3A_1356 = tpu.vector_load %arg6[%swap3A_1354, %swap3A_1355] {strides = array<i32>} : memref<100x128xf32, #tpu.memory_space<vmem>>, vector<1x16xf32>,
      %swap3A_1357 = vector.shape_cast %swap3A_1356 : vector<1x16xf32> to vector<16xf32>
      %swap3A_1358 = vector.shape_cast %mul3A_1353 : vector<16xf32> to vector<1x16xf32>
      tpu.vector_store %arg6[%swap3A_1354, %swap3A_1355], %swap3A_1358 {strides = array<i32>} : memref<100x128xf32, #tpu.memory_space<vmem>>, vector<1x16xf32>,
      %mul3A_1359 = arith.constant 3.125000e-02 : f32
      %mul3A_1360 = vector.broadcast %mul3A_1359 : f32 to vector<16xf32>
      %mul3A_1361 = arith.mulf %scan3A_1321#4, %mul3A_1360 : vector<16xf32>
      %swap3A_1362 = arith.index_cast %add3A_1326 : i32 to index
      %swap3A_1363 = arith.constant 64 : index
      %swap3A_1364 = tpu.vector_load %arg6[%swap3A_1362, %swap3A_1363] {strides = array<i32>} : memref<100x128xf32, #tpu.memory_space<vmem>>, vector<1x16xf32>,
      %swap3A_1365 = vector.shape_cast %swap3A_1364 : vector<1x16xf32> to vector<16xf32>
      %swap3A_1366 = vector.shape_cast %mul3A_1361 : vector<16xf32> to vector<1x16xf32>
      tpu.vector_store %arg6[%swap3A_1362, %swap3A_1363], %swap3A_1366 {strides = array<i32>} : memref<100x128xf32, #tpu.memory_space<vmem>>, vector<1x16xf32>,
      %mul3A_1367 = arith.constant 3.125000e-02 : f32
      %mul3A_1368 = vector.broadcast %mul3A_1367 : f32 to vector<16xf32>
      %mul3A_1369 = arith.mulf %scan3A_1321#5, %mul3A_1368 : vector<16xf32>
      %swap3A_1370 = arith.index_cast %add3A_1326 : i32 to index
      %swap3A_1371 = arith.constant 80 : index
      %swap3A_1372 = tpu.vector_load %arg6[%swap3A_1370, %swap3A_1371] {strides = array<i32>} : memref<100x128xf32, #tpu.memory_space<vmem>>, vector<1x16xf32>,
      %swap3A_1373 = vector.shape_cast %swap3A_1372 : vector<1x16xf32> to vector<16xf32>
      %swap3A_1374 = vector.shape_cast %mul3A_1369 : vector<16xf32> to vector<1x16xf32>
      tpu.vector_store %arg6[%swap3A_1370, %swap3A_1371], %swap3A_1374 {strides = array<i32>} : memref<100x128xf32, #tpu.memory_space<vmem>>, vector<1x16xf32>,
      %mul3A_1375 = arith.constant 3.125000e-02 : f32
      %mul3A_1376 = vector.broadcast %mul3A_1375 : f32 to vector<16xf32>
      %mul3A_1377 = arith.mulf %scan3A_1321#6, %mul3A_1376 : vector<16xf32>
      %swap3A_1378 = arith.index_cast %add3A_1326 : i32 to index
      %swap3A_1379 = arith.constant 96 : index
      %swap3A_1380 = tpu.vector_load %arg6[%swap3A_1378, %swap3A_1379] {strides = array<i32>} : memref<100x128xf32, #tpu.memory_space<vmem>>, vector<1x16xf32>,
      %swap3A_1381 = vector.shape_cast %swap3A_1380 : vector<1x16xf32> to vector<16xf32>
      %swap3A_1382 = vector.shape_cast %mul3A_1377 : vector<16xf32> to vector<1x16xf32>
      tpu.vector_store %arg6[%swap3A_1378, %swap3A_1379], %swap3A_1382 {strides = array<i32>} : memref<100x128xf32, #tpu.memory_space<vmem>>, vector<1x16xf32>,
      %mul3A_1383 = arith.constant 3.125000e-02 : f32
      %mul3A_1384 = vector.broadcast %mul3A_1383 : f32 to vector<16xf32>
      %mul3A_1385 = arith.mulf %scan3A_1321#7, %mul3A_1384 : vector<16xf32>
      %swap3A_1386 = arith.index_cast %add3A_1326 : i32 to index
      %swap3A_1387 = arith.constant 112 : index
      %swap3A_1388 = tpu.vector_load %arg6[%swap3A_1386, %swap3A_1387] {strides = array<i32>} : memref<100x128xf32, #tpu.memory_space<vmem>>, vector<1x16xf32>,
      %swap3A_1389 = vector.shape_cast %swap3A_1388 : vector<1x16xf32> to vector<16xf32>
      %swap3A_1390 = vector.shape_cast %mul3A_1385 : vector<16xf32> to vector<1x16xf32>
      tpu.vector_store %arg6[%swap3A_1386, %swap3A_1387], %swap3A_1390 {strides = array<i32>} : memref<100x128xf32, #tpu.memory_space<vmem>>, vector<1x16xf32>,
      %broadcast_in_dim3A_1391 = arith.constant 0.000000e+00 : f32
      %broadcast_in_dim3A_1392 = vector.broadcast %broadcast_in_dim3A_1391 : f32 to vector<16xf32>
      %broadcast_in_dim3A_1393 = arith.constant 0.000000e+00 : f32
      %broadcast_in_dim3A_1394 = vector.broadcast %broadcast_in_dim3A_1393 : f32 to vector<16xf32>
      %broadcast_in_dim3A_1395 = arith.constant 0.000000e+00 : f32
      %broadcast_in_dim3A_1396 = vector.broadcast %broadcast_in_dim3A_1395 : f32 to vector<16xf32>
      %broadcast_in_dim3A_1397 = arith.constant 0.000000e+00 : f32
      %broadcast_in_dim3A_1398 = vector.broadcast %broadcast_in_dim3A_1397 : f32 to vector<16xf32>
      %broadcast_in_dim3A_1399 = arith.constant 0.000000e+00 : f32
      %broadcast_in_dim3A_1400 = vector.broadcast %broadcast_in_dim3A_1399 : f32 to vector<16xf32>
      %broadcast_in_dim3A_1401 = arith.constant 0.000000e+00 : f32
      %broadcast_in_dim3A_1402 = vector.broadcast %broadcast_in_dim3A_1401 : f32 to vector<16xf32>
      %broadcast_in_dim3A_1403 = arith.constant 0.000000e+00 : f32
      %broadcast_in_dim3A_1404 = vector.broadcast %broadcast_in_dim3A_1403 : f32 to vector<16xf32>
      %broadcast_in_dim3A_1405 = arith.constant 0.000000e+00 : f32
      %broadcast_in_dim3A_1406 = vector.broadcast %broadcast_in_dim3A_1405 : f32 to vector<16xf32>
      %scan3A_1407 = arith.constant 0 : i32
      %scan3A_1408 = arith.constant 32 : i32
      %scan3A_1409 = arith.addi %scan3A_1407, %scan3A_1408 : i32
      %scan3A_1410 = arith.constant 1 : i32
      %scan3A_1411:8 = scf.for %scan3A_1848 = %scan3A_1407 to %scan3A_1409 step %scan3A_1410 iter_args(%scan3A_1849 = %broadcast_in_dim3A_1392, %scan3A_1850 = %broadcast_in_dim3A_1394, %scan3A_1851 = %broadcast_in_dim3A_1396, %scan3A_1852 = %broadcast_in_dim3A_1398, %scan3A_1853 = %broadcast_in_dim3A_1400, %scan3A_1854 = %broadcast_in_dim3A_1402, %scan3A_1855 = %broadcast_in_dim3A_1404, %scan3A_1856 = %broadcast_in_dim3A_1406) -> (vector<16xf32>, vector<16xf32>, vector<16xf32>, vector<16xf32>, vector<16xf32>, vector<16xf32>, vector<16xf32>, vector<16xf32>)  : i32 {
        %get3A = arith.constant 5 : i32
        %get3A_1857 = arith.index_cast %get3A : i32 to index
        %get3A_1858 = arith.index_cast %scan3A_1848 : i32 to index
        %get3A_1859 = arith.constant 0 : index
        %get3A_1860 = tpu.vector_load %arg5[%get3A_1857, %get3A_1858, %get3A_1859] {strides = array<i32>} : memref<10x32x128xf32, #tpu.memory_space<vmem>>, vector<1x1x16xf32>,
        %get3A_1861 = vector.shape_cast %get3A_1860 : vector<1x1x16xf32> to vector<16xf32>
        %add3A_1862 = arith.addf %scan3A_1849, %get3A_1861 : vector<16xf32>
        %get3A_1863 = arith.constant 5 : i32
        %get3A_1864 = arith.index_cast %get3A_1863 : i32 to index
        %get3A_1865 = arith.index_cast %scan3A_1848 : i32 to index
        %get3A_1866 = arith.constant 16 : index
        %get3A_1867 = tpu.vector_load %arg5[%get3A_1864, %get3A_1865, %get3A_1866] {strides = array<i32>} : memref<10x32x128xf32, #tpu.memory_space<vmem>>, vector<1x1x16xf32>,
        %get3A_1868 = vector.shape_cast %get3A_1867 : vector<1x1x16xf32> to vector<16xf32>
        %add3A_1869 = arith.addf %scan3A_1850, %get3A_1868 : vector<16xf32>
        %get3A_1870 = arith.constant 5 : i32
        %get3A_1871 = arith.index_cast %get3A_1870 : i32 to index
        %get3A_1872 = arith.index_cast %scan3A_1848 : i32 to index
        %get3A_1873 = arith.constant 32 : index
        %get3A_1874 = tpu.vector_load %arg5[%get3A_1871, %get3A_1872, %get3A_1873] {strides = array<i32>} : memref<10x32x128xf32, #tpu.memory_space<vmem>>, vector<1x1x16xf32>,
        %get3A_1875 = vector.shape_cast %get3A_1874 : vector<1x1x16xf32> to vector<16xf32>
        %add3A_1876 = arith.addf %scan3A_1851, %get3A_1875 : vector<16xf32>
        %get3A_1877 = arith.constant 5 : i32
        %get3A_1878 = arith.index_cast %get3A_1877 : i32 to index
        %get3A_1879 = arith.index_cast %scan3A_1848 : i32 to index
        %get3A_1880 = arith.constant 48 : index
        %get3A_1881 = tpu.vector_load %arg5[%get3A_1878, %get3A_1879, %get3A_1880] {strides = array<i32>} : memref<10x32x128xf32, #tpu.memory_space<vmem>>, vector<1x1x16xf32>,
        %get3A_1882 = vector.shape_cast %get3A_1881 : vector<1x1x16xf32> to vector<16xf32>
        %add3A_1883 = arith.addf %scan3A_1852, %get3A_1882 : vector<16xf32>
        %get3A_1884 = arith.constant 5 : i32
        %get3A_1885 = arith.index_cast %get3A_1884 : i32 to index
        %get3A_1886 = arith.index_cast %scan3A_1848 : i32 to index
        %get3A_1887 = arith.constant 64 : index
        %get3A_1888 = tpu.vector_load %arg5[%get3A_1885, %get3A_1886, %get3A_1887] {strides = array<i32>} : memref<10x32x128xf32, #tpu.memory_space<vmem>>, vector<1x1x16xf32>,
        %get3A_1889 = vector.shape_cast %get3A_1888 : vector<1x1x16xf32> to vector<16xf32>
        %add3A_1890 = arith.addf %scan3A_1853, %get3A_1889 : vector<16xf32>
        %get3A_1891 = arith.constant 5 : i32
        %get3A_1892 = arith.index_cast %get3A_1891 : i32 to index
        %get3A_1893 = arith.index_cast %scan3A_1848 : i32 to index
        %get3A_1894 = arith.constant 80 : index
        %get3A_1895 = tpu.vector_load %arg5[%get3A_1892, %get3A_1893, %get3A_1894] {strides = array<i32>} : memref<10x32x128xf32, #tpu.memory_space<vmem>>, vector<1x1x16xf32>,
        %get3A_1896 = vector.shape_cast %get3A_1895 : vector<1x1x16xf32> to vector<16xf32>
        %add3A_1897 = arith.addf %scan3A_1854, %get3A_1896 : vector<16xf32>
        %get3A_1898 = arith.constant 5 : i32
        %get3A_1899 = arith.index_cast %get3A_1898 : i32 to index
        %get3A_1900 = arith.index_cast %scan3A_1848 : i32 to index
        %get3A_1901 = arith.constant 96 : index
        %get3A_1902 = tpu.vector_load %arg5[%get3A_1899, %get3A_1900, %get3A_1901] {strides = array<i32>} : memref<10x32x128xf32, #tpu.memory_space<vmem>>, vector<1x1x16xf32>,
        %get3A_1903 = vector.shape_cast %get3A_1902 : vector<1x1x16xf32> to vector<16xf32>
        %add3A_1904 = arith.addf %scan3A_1855, %get3A_1903 : vector<16xf32>
        %get3A_1905 = arith.constant 5 : i32
        %get3A_1906 = arith.index_cast %get3A_1905 : i32 to index
        %get3A_1907 = arith.index_cast %scan3A_1848 : i32 to index
        %get3A_1908 = arith.constant 112 : index
        %get3A_1909 = tpu.vector_load %arg5[%get3A_1906, %get3A_1907, %get3A_1908] {strides = array<i32>} : memref<10x32x128xf32, #tpu.memory_space<vmem>>, vector<1x1x16xf32>,
        %get3A_1910 = vector.shape_cast %get3A_1909 : vector<1x1x16xf32> to vector<16xf32>
        %add3A_1911 = arith.addf %scan3A_1856, %get3A_1910 : vector<16xf32>
        scf.yield %add3A_1862, %add3A_1869, %add3A_1876, %add3A_1883, %add3A_1890, %add3A_1897, %add3A_1904, %add3A_1911 : vector<16xf32>, vector<16xf32>, vector<16xf32>, vector<16xf32>, vector<16xf32>, vector<16xf32>, vector<16xf32>, vector<16xf32>
      }
      %scan3A_1412 = arith.constant 32 : i32
      %mul3A_1413 = arith.constant 10 : i32
      %mul3A_1414 = arith.muli %add3A_940, %mul3A_1413 : i32
      %add3A_1415 = arith.constant 5 : i32
      %add3A_1416 = arith.addi %mul3A_1414, %add3A_1415 : i32
      %mul3A_1417 = arith.constant 3.125000e-02 : f32
      %mul3A_1418 = vector.broadcast %mul3A_1417 : f32 to vector<16xf32>
      %mul3A_1419 = arith.mulf %scan3A_1411#0, %mul3A_1418 : vector<16xf32>
      %swap3A_1420 = arith.index_cast %add3A_1416 : i32 to index
      %swap3A_1421 = arith.constant 0 : index
      %swap3A_1422 = tpu.vector_load %arg6[%swap3A_1420, %swap3A_1421] {strides = array<i32>} : memref<100x128xf32, #tpu.memory_space<vmem>>, vector<1x16xf32>,
      %swap3A_1423 = vector.shape_cast %swap3A_1422 : vector<1x16xf32> to vector<16xf32>
      %swap3A_1424 = vector.shape_cast %mul3A_1419 : vector<16xf32> to vector<1x16xf32>
      tpu.vector_store %arg6[%swap3A_1420, %swap3A_1421], %swap3A_1424 {strides = array<i32>} : memref<100x128xf32, #tpu.memory_space<vmem>>, vector<1x16xf32>,
      %mul3A_1425 = arith.constant 3.125000e-02 : f32
      %mul3A_1426 = vector.broadcast %mul3A_1425 : f32 to vector<16xf32>
      %mul3A_1427 = arith.mulf %scan3A_1411#1, %mul3A_1426 : vector<16xf32>
      %swap3A_1428 = arith.index_cast %add3A_1416 : i32 to index
      %swap3A_1429 = arith.constant 16 : index
      %swap3A_1430 = tpu.vector_load %arg6[%swap3A_1428, %swap3A_1429] {strides = array<i32>} : memref<100x128xf32, #tpu.memory_space<vmem>>, vector<1x16xf32>,
      %swap3A_1431 = vector.shape_cast %swap3A_1430 : vector<1x16xf32> to vector<16xf32>
      %swap3A_1432 = vector.shape_cast %mul3A_1427 : vector<16xf32> to vector<1x16xf32>
      tpu.vector_store %arg6[%swap3A_1428, %swap3A_1429], %swap3A_1432 {strides = array<i32>} : memref<100x128xf32, #tpu.memory_space<vmem>>, vector<1x16xf32>,
      %mul3A_1433 = arith.constant 3.125000e-02 : f32
      %mul3A_1434 = vector.broadcast %mul3A_1433 : f32 to vector<16xf32>
      %mul3A_1435 = arith.mulf %scan3A_1411#2, %mul3A_1434 : vector<16xf32>
      %swap3A_1436 = arith.index_cast %add3A_1416 : i32 to index
      %swap3A_1437 = arith.constant 32 : index
      %swap3A_1438 = tpu.vector_load %arg6[%swap3A_1436, %swap3A_1437] {strides = array<i32>} : memref<100x128xf32, #tpu.memory_space<vmem>>, vector<1x16xf32>,
      %swap3A_1439 = vector.shape_cast %swap3A_1438 : vector<1x16xf32> to vector<16xf32>
      %swap3A_1440 = vector.shape_cast %mul3A_1435 : vector<16xf32> to vector<1x16xf32>
      tpu.vector_store %arg6[%swap3A_1436, %swap3A_1437], %swap3A_1440 {strides = array<i32>} : memref<100x128xf32, #tpu.memory_space<vmem>>, vector<1x16xf32>,
      %mul3A_1441 = arith.constant 3.125000e-02 : f32
      %mul3A_1442 = vector.broadcast %mul3A_1441 : f32 to vector<16xf32>
      %mul3A_1443 = arith.mulf %scan3A_1411#3, %mul3A_1442 : vector<16xf32>
      %swap3A_1444 = arith.index_cast %add3A_1416 : i32 to index
      %swap3A_1445 = arith.constant 48 : index
      %swap3A_1446 = tpu.vector_load %arg6[%swap3A_1444, %swap3A_1445] {strides = array<i32>} : memref<100x128xf32, #tpu.memory_space<vmem>>, vector<1x16xf32>,
      %swap3A_1447 = vector.shape_cast %swap3A_1446 : vector<1x16xf32> to vector<16xf32>
      %swap3A_1448 = vector.shape_cast %mul3A_1443 : vector<16xf32> to vector<1x16xf32>
      tpu.vector_store %arg6[%swap3A_1444, %swap3A_1445], %swap3A_1448 {strides = array<i32>} : memref<100x128xf32, #tpu.memory_space<vmem>>, vector<1x16xf32>,
      %mul3A_1449 = arith.constant 3.125000e-02 : f32
      %mul3A_1450 = vector.broadcast %mul3A_1449 : f32 to vector<16xf32>
      %mul3A_1451 = arith.mulf %scan3A_1411#4, %mul3A_1450 : vector<16xf32>
      %swap3A_1452 = arith.index_cast %add3A_1416 : i32 to index
      %swap3A_1453 = arith.constant 64 : index
      %swap3A_1454 = tpu.vector_load %arg6[%swap3A_1452, %swap3A_1453] {strides = array<i32>} : memref<100x128xf32, #tpu.memory_space<vmem>>, vector<1x16xf32>,
      %swap3A_1455 = vector.shape_cast %swap3A_1454 : vector<1x16xf32> to vector<16xf32>
      %swap3A_1456 = vector.shape_cast %mul3A_1451 : vector<16xf32> to vector<1x16xf32>
      tpu.vector_store %arg6[%swap3A_1452, %swap3A_1453], %swap3A_1456 {strides = array<i32>} : memref<100x128xf32, #tpu.memory_space<vmem>>, vector<1x16xf32>,
      %mul3A_1457 = arith.constant 3.125000e-02 : f32
      %mul3A_1458 = vector.broadcast %mul3A_1457 : f32 to vector<16xf32>
      %mul3A_1459 = arith.mulf %scan3A_1411#5, %mul3A_1458 : vector<16xf32>
      %swap3A_1460 = arith.index_cast %add3A_1416 : i32 to index
      %swap3A_1461 = arith.constant 80 : index
      %swap3A_1462 = tpu.vector_load %arg6[%swap3A_1460, %swap3A_1461] {strides = array<i32>} : memref<100x128xf32, #tpu.memory_space<vmem>>, vector<1x16xf32>,
      %swap3A_1463 = vector.shape_cast %swap3A_1462 : vector<1x16xf32> to vector<16xf32>
      %swap3A_1464 = vector.shape_cast %mul3A_1459 : vector<16xf32> to vector<1x16xf32>
      tpu.vector_store %arg6[%swap3A_1460, %swap3A_1461], %swap3A_1464 {strides = array<i32>} : memref<100x128xf32, #tpu.memory_space<vmem>>, vector<1x16xf32>,
      %mul3A_1465 = arith.constant 3.125000e-02 : f32
      %mul3A_1466 = vector.broadcast %mul3A_1465 : f32 to vector<16xf32>
      %mul3A_1467 = arith.mulf %scan3A_1411#6, %mul3A_1466 : vector<16xf32>
      %swap3A_1468 = arith.index_cast %add3A_1416 : i32 to index
      %swap3A_1469 = arith.constant 96 : index
      %swap3A_1470 = tpu.vector_load %arg6[%swap3A_1468, %swap3A_1469] {strides = array<i32>} : memref<100x128xf32, #tpu.memory_space<vmem>>, vector<1x16xf32>,
      %swap3A_1471 = vector.shape_cast %swap3A_1470 : vector<1x16xf32> to vector<16xf32>
      %swap3A_1472 = vector.shape_cast %mul3A_1467 : vector<16xf32> to vector<1x16xf32>
      tpu.vector_store %arg6[%swap3A_1468, %swap3A_1469], %swap3A_1472 {strides = array<i32>} : memref<100x128xf32, #tpu.memory_space<vmem>>, vector<1x16xf32>,
      %mul3A_1473 = arith.constant 3.125000e-02 : f32
      %mul3A_1474 = vector.broadcast %mul3A_1473 : f32 to vector<16xf32>
      %mul3A_1475 = arith.mulf %scan3A_1411#7, %mul3A_1474 : vector<16xf32>
      %swap3A_1476 = arith.index_cast %add3A_1416 : i32 to index
      %swap3A_1477 = arith.constant 112 : index
      %swap3A_1478 = tpu.vector_load %arg6[%swap3A_1476, %swap3A_1477] {strides = array<i32>} : memref<100x128xf32, #tpu.memory_space<vmem>>, vector<1x16xf32>,
      %swap3A_1479 = vector.shape_cast %swap3A_1478 : vector<1x16xf32> to vector<16xf32>
      %swap3A_1480 = vector.shape_cast %mul3A_1475 : vector<16xf32> to vector<1x16xf32>
      tpu.vector_store %arg6[%swap3A_1476, %swap3A_1477], %swap3A_1480 {strides = array<i32>} : memref<100x128xf32, #tpu.memory_space<vmem>>, vector<1x16xf32>,
      %broadcast_in_dim3A_1481 = arith.constant 0.000000e+00 : f32
      %broadcast_in_dim3A_1482 = vector.broadcast %broadcast_in_dim3A_1481 : f32 to vector<16xf32>
      %broadcast_in_dim3A_1483 = arith.constant 0.000000e+00 : f32
      %broadcast_in_dim3A_1484 = vector.broadcast %broadcast_in_dim3A_1483 : f32 to vector<16xf32>
      %broadcast_in_dim3A_1485 = arith.constant 0.000000e+00 : f32
      %broadcast_in_dim3A_1486 = vector.broadcast %broadcast_in_dim3A_1485 : f32 to vector<16xf32>
      %broadcast_in_dim3A_1487 = arith.constant 0.000000e+00 : f32
      %broadcast_in_dim3A_1488 = vector.broadcast %broadcast_in_dim3A_1487 : f32 to vector<16xf32>
      %broadcast_in_dim3A_1489 = arith.constant 0.000000e+00 : f32
      %broadcast_in_dim3A_1490 = vector.broadcast %broadcast_in_dim3A_1489 : f32 to vector<16xf32>
      %broadcast_in_dim3A_1491 = arith.constant 0.000000e+00 : f32
      %broadcast_in_dim3A_1492 = vector.broadcast %broadcast_in_dim3A_1491 : f32 to vector<16xf32>
      %broadcast_in_dim3A_1493 = arith.constant 0.000000e+00 : f32
      %broadcast_in_dim3A_1494 = vector.broadcast %broadcast_in_dim3A_1493 : f32 to vector<16xf32>
      %broadcast_in_dim3A_1495 = arith.constant 0.000000e+00 : f32
      %broadcast_in_dim3A_1496 = vector.broadcast %broadcast_in_dim3A_1495 : f32 to vector<16xf32>
      %scan3A_1497 = arith.constant 0 : i32
      %scan3A_1498 = arith.constant 32 : i32
      %scan3A_1499 = arith.addi %scan3A_1497, %scan3A_1498 : i32
      %scan3A_1500 = arith.constant 1 : i32
      %scan3A_1501:8 = scf.for %scan3A_1848 = %scan3A_1497 to %scan3A_1499 step %scan3A_1500 iter_args(%scan3A_1849 = %broadcast_in_dim3A_1482, %scan3A_1850 = %broadcast_in_dim3A_1484, %scan3A_1851 = %broadcast_in_dim3A_1486, %scan3A_1852 = %broadcast_in_dim3A_1488, %scan3A_1853 = %broadcast_in_dim3A_1490, %scan3A_1854 = %broadcast_in_dim3A_1492, %scan3A_1855 = %broadcast_in_dim3A_1494, %scan3A_1856 = %broadcast_in_dim3A_1496) -> (vector<16xf32>, vector<16xf32>, vector<16xf32>, vector<16xf32>, vector<16xf32>, vector<16xf32>, vector<16xf32>, vector<16xf32>)  : i32 {
        %get3A = arith.constant 6 : i32
        %get3A_1857 = arith.index_cast %get3A : i32 to index
        %get3A_1858 = arith.index_cast %scan3A_1848 : i32 to index
        %get3A_1859 = arith.constant 0 : index
        %get3A_1860 = tpu.vector_load %arg5[%get3A_1857, %get3A_1858, %get3A_1859] {strides = array<i32>} : memref<10x32x128xf32, #tpu.memory_space<vmem>>, vector<1x1x16xf32>,
        %get3A_1861 = vector.shape_cast %get3A_1860 : vector<1x1x16xf32> to vector<16xf32>
        %add3A_1862 = arith.addf %scan3A_1849, %get3A_1861 : vector<16xf32>
        %get3A_1863 = arith.constant 6 : i32
        %get3A_1864 = arith.index_cast %get3A_1863 : i32 to index
        %get3A_1865 = arith.index_cast %scan3A_1848 : i32 to index
        %get3A_1866 = arith.constant 16 : index
        %get3A_1867 = tpu.vector_load %arg5[%get3A_1864, %get3A_1865, %get3A_1866] {strides = array<i32>} : memref<10x32x128xf32, #tpu.memory_space<vmem>>, vector<1x1x16xf32>,
        %get3A_1868 = vector.shape_cast %get3A_1867 : vector<1x1x16xf32> to vector<16xf32>
        %add3A_1869 = arith.addf %scan3A_1850, %get3A_1868 : vector<16xf32>
        %get3A_1870 = arith.constant 6 : i32
        %get3A_1871 = arith.index_cast %get3A_1870 : i32 to index
        %get3A_1872 = arith.index_cast %scan3A_1848 : i32 to index
        %get3A_1873 = arith.constant 32 : index
        %get3A_1874 = tpu.vector_load %arg5[%get3A_1871, %get3A_1872, %get3A_1873] {strides = array<i32>} : memref<10x32x128xf32, #tpu.memory_space<vmem>>, vector<1x1x16xf32>,
        %get3A_1875 = vector.shape_cast %get3A_1874 : vector<1x1x16xf32> to vector<16xf32>
        %add3A_1876 = arith.addf %scan3A_1851, %get3A_1875 : vector<16xf32>
        %get3A_1877 = arith.constant 6 : i32
        %get3A_1878 = arith.index_cast %get3A_1877 : i32 to index
        %get3A_1879 = arith.index_cast %scan3A_1848 : i32 to index
        %get3A_1880 = arith.constant 48 : index
        %get3A_1881 = tpu.vector_load %arg5[%get3A_1878, %get3A_1879, %get3A_1880] {strides = array<i32>} : memref<10x32x128xf32, #tpu.memory_space<vmem>>, vector<1x1x16xf32>,
        %get3A_1882 = vector.shape_cast %get3A_1881 : vector<1x1x16xf32> to vector<16xf32>
        %add3A_1883 = arith.addf %scan3A_1852, %get3A_1882 : vector<16xf32>
        %get3A_1884 = arith.constant 6 : i32
        %get3A_1885 = arith.index_cast %get3A_1884 : i32 to index
        %get3A_1886 = arith.index_cast %scan3A_1848 : i32 to index
        %get3A_1887 = arith.constant 64 : index
        %get3A_1888 = tpu.vector_load %arg5[%get3A_1885, %get3A_1886, %get3A_1887] {strides = array<i32>} : memref<10x32x128xf32, #tpu.memory_space<vmem>>, vector<1x1x16xf32>,
        %get3A_1889 = vector.shape_cast %get3A_1888 : vector<1x1x16xf32> to vector<16xf32>
        %add3A_1890 = arith.addf %scan3A_1853, %get3A_1889 : vector<16xf32>
        %get3A_1891 = arith.constant 6 : i32
        %get3A_1892 = arith.index_cast %get3A_1891 : i32 to index
        %get3A_1893 = arith.index_cast %scan3A_1848 : i32 to index
        %get3A_1894 = arith.constant 80 : index
        %get3A_1895 = tpu.vector_load %arg5[%get3A_1892, %get3A_1893, %get3A_1894] {strides = array<i32>} : memref<10x32x128xf32, #tpu.memory_space<vmem>>, vector<1x1x16xf32>,
        %get3A_1896 = vector.shape_cast %get3A_1895 : vector<1x1x16xf32> to vector<16xf32>
        %add3A_1897 = arith.addf %scan3A_1854, %get3A_1896 : vector<16xf32>
        %get3A_1898 = arith.constant 6 : i32
        %get3A_1899 = arith.index_cast %get3A_1898 : i32 to index
        %get3A_1900 = arith.index_cast %scan3A_1848 : i32 to index
        %get3A_1901 = arith.constant 96 : index
        %get3A_1902 = tpu.vector_load %arg5[%get3A_1899, %get3A_1900, %get3A_1901] {strides = array<i32>} : memref<10x32x128xf32, #tpu.memory_space<vmem>>, vector<1x1x16xf32>,
        %get3A_1903 = vector.shape_cast %get3A_1902 : vector<1x1x16xf32> to vector<16xf32>
        %add3A_1904 = arith.addf %scan3A_1855, %get3A_1903 : vector<16xf32>
        %get3A_1905 = arith.constant 6 : i32
        %get3A_1906 = arith.index_cast %get3A_1905 : i32 to index
        %get3A_1907 = arith.index_cast %scan3A_1848 : i32 to index
        %get3A_1908 = arith.constant 112 : index
        %get3A_1909 = tpu.vector_load %arg5[%get3A_1906, %get3A_1907, %get3A_1908] {strides = array<i32>} : memref<10x32x128xf32, #tpu.memory_space<vmem>>, vector<1x1x16xf32>,
        %get3A_1910 = vector.shape_cast %get3A_1909 : vector<1x1x16xf32> to vector<16xf32>
        %add3A_1911 = arith.addf %scan3A_1856, %get3A_1910 : vector<16xf32>
        scf.yield %add3A_1862, %add3A_1869, %add3A_1876, %add3A_1883, %add3A_1890, %add3A_1897, %add3A_1904, %add3A_1911 : vector<16xf32>, vector<16xf32>, vector<16xf32>, vector<16xf32>, vector<16xf32>, vector<16xf32>, vector<16xf32>, vector<16xf32>
      }
      %scan3A_1502 = arith.constant 32 : i32
      %mul3A_1503 = arith.constant 10 : i32
      %mul3A_1504 = arith.muli %add3A_940, %mul3A_1503 : i32
      %add3A_1505 = arith.constant 6 : i32
      %add3A_1506 = arith.addi %mul3A_1504, %add3A_1505 : i32
      %mul3A_1507 = arith.constant 3.125000e-02 : f32
      %mul3A_1508 = vector.broadcast %mul3A_1507 : f32 to vector<16xf32>
      %mul3A_1509 = arith.mulf %scan3A_1501#0, %mul3A_1508 : vector<16xf32>
      %swap3A_1510 = arith.index_cast %add3A_1506 : i32 to index
      %swap3A_1511 = arith.constant 0 : index
      %swap3A_1512 = tpu.vector_load %arg6[%swap3A_1510, %swap3A_1511] {strides = array<i32>} : memref<100x128xf32, #tpu.memory_space<vmem>>, vector<1x16xf32>,
      %swap3A_1513 = vector.shape_cast %swap3A_1512 : vector<1x16xf32> to vector<16xf32>
      %swap3A_1514 = vector.shape_cast %mul3A_1509 : vector<16xf32> to vector<1x16xf32>
      tpu.vector_store %arg6[%swap3A_1510, %swap3A_1511], %swap3A_1514 {strides = array<i32>} : memref<100x128xf32, #tpu.memory_space<vmem>>, vector<1x16xf32>,
      %mul3A_1515 = arith.constant 3.125000e-02 : f32
      %mul3A_1516 = vector.broadcast %mul3A_1515 : f32 to vector<16xf32>
      %mul3A_1517 = arith.mulf %scan3A_1501#1, %mul3A_1516 : vector<16xf32>
      %swap3A_1518 = arith.index_cast %add3A_1506 : i32 to index
      %swap3A_1519 = arith.constant 16 : index
      %swap3A_1520 = tpu.vector_load %arg6[%swap3A_1518, %swap3A_1519] {strides = array<i32>} : memref<100x128xf32, #tpu.memory_space<vmem>>, vector<1x16xf32>,
      %swap3A_1521 = vector.shape_cast %swap3A_1520 : vector<1x16xf32> to vector<16xf32>
      %swap3A_1522 = vector.shape_cast %mul3A_1517 : vector<16xf32> to vector<1x16xf32>
      tpu.vector_store %arg6[%swap3A_1518, %swap3A_1519], %swap3A_1522 {strides = array<i32>} : memref<100x128xf32, #tpu.memory_space<vmem>>, vector<1x16xf32>,
      %mul3A_1523 = arith.constant 3.125000e-02 : f32
      %mul3A_1524 = vector.broadcast %mul3A_1523 : f32 to vector<16xf32>
      %mul3A_1525 = arith.mulf %scan3A_1501#2, %mul3A_1524 : vector<16xf32>
      %swap3A_1526 = arith.index_cast %add3A_1506 : i32 to index
      %swap3A_1527 = arith.constant 32 : index
      %swap3A_1528 = tpu.vector_load %arg6[%swap3A_1526, %swap3A_1527] {strides = array<i32>} : memref<100x128xf32, #tpu.memory_space<vmem>>, vector<1x16xf32>,
      %swap3A_1529 = vector.shape_cast %swap3A_1528 : vector<1x16xf32> to vector<16xf32>
      %swap3A_1530 = vector.shape_cast %mul3A_1525 : vector<16xf32> to vector<1x16xf32>
      tpu.vector_store %arg6[%swap3A_1526, %swap3A_1527], %swap3A_1530 {strides = array<i32>} : memref<100x128xf32, #tpu.memory_space<vmem>>, vector<1x16xf32>,
      %mul3A_1531 = arith.constant 3.125000e-02 : f32
      %mul3A_1532 = vector.broadcast %mul3A_1531 : f32 to vector<16xf32>
      %mul3A_1533 = arith.mulf %scan3A_1501#3, %mul3A_1532 : vector<16xf32>
      %swap3A_1534 = arith.index_cast %add3A_1506 : i32 to index
      %swap3A_1535 = arith.constant 48 : index
      %swap3A_1536 = tpu.vector_load %arg6[%swap3A_1534, %swap3A_1535] {strides = array<i32>} : memref<100x128xf32, #tpu.memory_space<vmem>>, vector<1x16xf32>,
      %swap3A_1537 = vector.shape_cast %swap3A_1536 : vector<1x16xf32> to vector<16xf32>
      %swap3A_1538 = vector.shape_cast %mul3A_1533 : vector<16xf32> to vector<1x16xf32>
      tpu.vector_store %arg6[%swap3A_1534, %swap3A_1535], %swap3A_1538 {strides = array<i32>} : memref<100x128xf32, #tpu.memory_space<vmem>>, vector<1x16xf32>,
      %mul3A_1539 = arith.constant 3.125000e-02 : f32
      %mul3A_1540 = vector.broadcast %mul3A_1539 : f32 to vector<16xf32>
      %mul3A_1541 = arith.mulf %scan3A_1501#4, %mul3A_1540 : vector<16xf32>
      %swap3A_1542 = arith.index_cast %add3A_1506 : i32 to index
      %swap3A_1543 = arith.constant 64 : index
      %swap3A_1544 = tpu.vector_load %arg6[%swap3A_1542, %swap3A_1543] {strides = array<i32>} : memref<100x128xf32, #tpu.memory_space<vmem>>, vector<1x16xf32>,
      %swap3A_1545 = vector.shape_cast %swap3A_1544 : vector<1x16xf32> to vector<16xf32>
      %swap3A_1546 = vector.shape_cast %mul3A_1541 : vector<16xf32> to vector<1x16xf32>
      tpu.vector_store %arg6[%swap3A_1542, %swap3A_1543], %swap3A_1546 {strides = array<i32>} : memref<100x128xf32, #tpu.memory_space<vmem>>, vector<1x16xf32>,
      %mul3A_1547 = arith.constant 3.125000e-02 : f32
      %mul3A_1548 = vector.broadcast %mul3A_1547 : f32 to vector<16xf32>
      %mul3A_1549 = arith.mulf %scan3A_1501#5, %mul3A_1548 : vector<16xf32>
      %swap3A_1550 = arith.index_cast %add3A_1506 : i32 to index
      %swap3A_1551 = arith.constant 80 : index
      %swap3A_1552 = tpu.vector_load %arg6[%swap3A_1550, %swap3A_1551] {strides = array<i32>} : memref<100x128xf32, #tpu.memory_space<vmem>>, vector<1x16xf32>,
      %swap3A_1553 = vector.shape_cast %swap3A_1552 : vector<1x16xf32> to vector<16xf32>
      %swap3A_1554 = vector.shape_cast %mul3A_1549 : vector<16xf32> to vector<1x16xf32>
      tpu.vector_store %arg6[%swap3A_1550, %swap3A_1551], %swap3A_1554 {strides = array<i32>} : memref<100x128xf32, #tpu.memory_space<vmem>>, vector<1x16xf32>,
      %mul3A_1555 = arith.constant 3.125000e-02 : f32
      %mul3A_1556 = vector.broadcast %mul3A_1555 : f32 to vector<16xf32>
      %mul3A_1557 = arith.mulf %scan3A_1501#6, %mul3A_1556 : vector<16xf32>
      %swap3A_1558 = arith.index_cast %add3A_1506 : i32 to index
      %swap3A_1559 = arith.constant 96 : index
      %swap3A_1560 = tpu.vector_load %arg6[%swap3A_1558, %swap3A_1559] {strides = array<i32>} : memref<100x128xf32, #tpu.memory_space<vmem>>, vector<1x16xf32>,
      %swap3A_1561 = vector.shape_cast %swap3A_1560 : vector<1x16xf32> to vector<16xf32>
      %swap3A_1562 = vector.shape_cast %mul3A_1557 : vector<16xf32> to vector<1x16xf32>
      tpu.vector_store %arg6[%swap3A_1558, %swap3A_1559], %swap3A_1562 {strides = array<i32>} : memref<100x128xf32, #tpu.memory_space<vmem>>, vector<1x16xf32>,
      %mul3A_1563 = arith.constant 3.125000e-02 : f32
      %mul3A_1564 = vector.broadcast %mul3A_1563 : f32 to vector<16xf32>
      %mul3A_1565 = arith.mulf %scan3A_1501#7, %mul3A_1564 : vector<16xf32>
      %swap3A_1566 = arith.index_cast %add3A_1506 : i32 to index
      %swap3A_1567 = arith.constant 112 : index
      %swap3A_1568 = tpu.vector_load %arg6[%swap3A_1566, %swap3A_1567] {strides = array<i32>} : memref<100x128xf32, #tpu.memory_space<vmem>>, vector<1x16xf32>,
      %swap3A_1569 = vector.shape_cast %swap3A_1568 : vector<1x16xf32> to vector<16xf32>
      %swap3A_1570 = vector.shape_cast %mul3A_1565 : vector<16xf32> to vector<1x16xf32>
      tpu.vector_store %arg6[%swap3A_1566, %swap3A_1567], %swap3A_1570 {strides = array<i32>} : memref<100x128xf32, #tpu.memory_space<vmem>>, vector<1x16xf32>,
      %broadcast_in_dim3A_1571 = arith.constant 0.000000e+00 : f32
      %broadcast_in_dim3A_1572 = vector.broadcast %broadcast_in_dim3A_1571 : f32 to vector<16xf32>
      %broadcast_in_dim3A_1573 = arith.constant 0.000000e+00 : f32
      %broadcast_in_dim3A_1574 = vector.broadcast %broadcast_in_dim3A_1573 : f32 to vector<16xf32>
      %broadcast_in_dim3A_1575 = arith.constant 0.000000e+00 : f32
      %broadcast_in_dim3A_1576 = vector.broadcast %broadcast_in_dim3A_1575 : f32 to vector<16xf32>
      %broadcast_in_dim3A_1577 = arith.constant 0.000000e+00 : f32
      %broadcast_in_dim3A_1578 = vector.broadcast %broadcast_in_dim3A_1577 : f32 to vector<16xf32>
      %broadcast_in_dim3A_1579 = arith.constant 0.000000e+00 : f32
      %broadcast_in_dim3A_1580 = vector.broadcast %broadcast_in_dim3A_1579 : f32 to vector<16xf32>
      %broadcast_in_dim3A_1581 = arith.constant 0.000000e+00 : f32
      %broadcast_in_dim3A_1582 = vector.broadcast %broadcast_in_dim3A_1581 : f32 to vector<16xf32>
      %broadcast_in_dim3A_1583 = arith.constant 0.000000e+00 : f32
      %broadcast_in_dim3A_1584 = vector.broadcast %broadcast_in_dim3A_1583 : f32 to vector<16xf32>
      %broadcast_in_dim3A_1585 = arith.constant 0.000000e+00 : f32
      %broadcast_in_dim3A_1586 = vector.broadcast %broadcast_in_dim3A_1585 : f32 to vector<16xf32>
      %scan3A_1587 = arith.constant 0 : i32
      %scan3A_1588 = arith.constant 32 : i32
      %scan3A_1589 = arith.addi %scan3A_1587, %scan3A_1588 : i32
      %scan3A_1590 = arith.constant 1 : i32
      %scan3A_1591:8 = scf.for %scan3A_1848 = %scan3A_1587 to %scan3A_1589 step %scan3A_1590 iter_args(%scan3A_1849 = %broadcast_in_dim3A_1572, %scan3A_1850 = %broadcast_in_dim3A_1574, %scan3A_1851 = %broadcast_in_dim3A_1576, %scan3A_1852 = %broadcast_in_dim3A_1578, %scan3A_1853 = %broadcast_in_dim3A_1580, %scan3A_1854 = %broadcast_in_dim3A_1582, %scan3A_1855 = %broadcast_in_dim3A_1584, %scan3A_1856 = %broadcast_in_dim3A_1586) -> (vector<16xf32>, vector<16xf32>, vector<16xf32>, vector<16xf32>, vector<16xf32>, vector<16xf32>, vector<16xf32>, vector<16xf32>)  : i32 {
        %get3A = arith.constant 7 : i32
        %get3A_1857 = arith.index_cast %get3A : i32 to index
        %get3A_1858 = arith.index_cast %scan3A_1848 : i32 to index
        %get3A_1859 = arith.constant 0 : index
        %get3A_1860 = tpu.vector_load %arg5[%get3A_1857, %get3A_1858, %get3A_1859] {strides = array<i32>} : memref<10x32x128xf32, #tpu.memory_space<vmem>>, vector<1x1x16xf32>,
        %get3A_1861 = vector.shape_cast %get3A_1860 : vector<1x1x16xf32> to vector<16xf32>
        %add3A_1862 = arith.addf %scan3A_1849, %get3A_1861 : vector<16xf32>
        %get3A_1863 = arith.constant 7 : i32
        %get3A_1864 = arith.index_cast %get3A_1863 : i32 to index
        %get3A_1865 = arith.index_cast %scan3A_1848 : i32 to index
        %get3A_1866 = arith.constant 16 : index
        %get3A_1867 = tpu.vector_load %arg5[%get3A_1864, %get3A_1865, %get3A_1866] {strides = array<i32>} : memref<10x32x128xf32, #tpu.memory_space<vmem>>, vector<1x1x16xf32>,
        %get3A_1868 = vector.shape_cast %get3A_1867 : vector<1x1x16xf32> to vector<16xf32>
        %add3A_1869 = arith.addf %scan3A_1850, %get3A_1868 : vector<16xf32>
        %get3A_1870 = arith.constant 7 : i32
        %get3A_1871 = arith.index_cast %get3A_1870 : i32 to index
        %get3A_1872 = arith.index_cast %scan3A_1848 : i32 to index
        %get3A_1873 = arith.constant 32 : index
        %get3A_1874 = tpu.vector_load %arg5[%get3A_1871, %get3A_1872, %get3A_1873] {strides = array<i32>} : memref<10x32x128xf32, #tpu.memory_space<vmem>>, vector<1x1x16xf32>,
        %get3A_1875 = vector.shape_cast %get3A_1874 : vector<1x1x16xf32> to vector<16xf32>
        %add3A_1876 = arith.addf %scan3A_1851, %get3A_1875 : vector<16xf32>
        %get3A_1877 = arith.constant 7 : i32
        %get3A_1878 = arith.index_cast %get3A_1877 : i32 to index
        %get3A_1879 = arith.index_cast %scan3A_1848 : i32 to index
        %get3A_1880 = arith.constant 48 : index
        %get3A_1881 = tpu.vector_load %arg5[%get3A_1878, %get3A_1879, %get3A_1880] {strides = array<i32>} : memref<10x32x128xf32, #tpu.memory_space<vmem>>, vector<1x1x16xf32>,
        %get3A_1882 = vector.shape_cast %get3A_1881 : vector<1x1x16xf32> to vector<16xf32>
        %add3A_1883 = arith.addf %scan3A_1852, %get3A_1882 : vector<16xf32>
        %get3A_1884 = arith.constant 7 : i32
        %get3A_1885 = arith.index_cast %get3A_1884 : i32 to index
        %get3A_1886 = arith.index_cast %scan3A_1848 : i32 to index
        %get3A_1887 = arith.constant 64 : index
        %get3A_1888 = tpu.vector_load %arg5[%get3A_1885, %get3A_1886, %get3A_1887] {strides = array<i32>} : memref<10x32x128xf32, #tpu.memory_space<vmem>>, vector<1x1x16xf32>,
        %get3A_1889 = vector.shape_cast %get3A_1888 : vector<1x1x16xf32> to vector<16xf32>
        %add3A_1890 = arith.addf %scan3A_1853, %get3A_1889 : vector<16xf32>
        %get3A_1891 = arith.constant 7 : i32
        %get3A_1892 = arith.index_cast %get3A_1891 : i32 to index
        %get3A_1893 = arith.index_cast %scan3A_1848 : i32 to index
        %get3A_1894 = arith.constant 80 : index
        %get3A_1895 = tpu.vector_load %arg5[%get3A_1892, %get3A_1893, %get3A_1894] {strides = array<i32>} : memref<10x32x128xf32, #tpu.memory_space<vmem>>, vector<1x1x16xf32>,
        %get3A_1896 = vector.shape_cast %get3A_1895 : vector<1x1x16xf32> to vector<16xf32>
        %add3A_1897 = arith.addf %scan3A_1854, %get3A_1896 : vector<16xf32>
        %get3A_1898 = arith.constant 7 : i32
        %get3A_1899 = arith.index_cast %get3A_1898 : i32 to index
        %get3A_1900 = arith.index_cast %scan3A_1848 : i32 to index
        %get3A_1901 = arith.constant 96 : index
        %get3A_1902 = tpu.vector_load %arg5[%get3A_1899, %get3A_1900, %get3A_1901] {strides = array<i32>} : memref<10x32x128xf32, #tpu.memory_space<vmem>>, vector<1x1x16xf32>,
        %get3A_1903 = vector.shape_cast %get3A_1902 : vector<1x1x16xf32> to vector<16xf32>
        %add3A_1904 = arith.addf %scan3A_1855, %get3A_1903 : vector<16xf32>
        %get3A_1905 = arith.constant 7 : i32
        %get3A_1906 = arith.index_cast %get3A_1905 : i32 to index
        %get3A_1907 = arith.index_cast %scan3A_1848 : i32 to index
        %get3A_1908 = arith.constant 112 : index
        %get3A_1909 = tpu.vector_load %arg5[%get3A_1906, %get3A_1907, %get3A_1908] {strides = array<i32>} : memref<10x32x128xf32, #tpu.memory_space<vmem>>, vector<1x1x16xf32>,
        %get3A_1910 = vector.shape_cast %get3A_1909 : vector<1x1x16xf32> to vector<16xf32>
        %add3A_1911 = arith.addf %scan3A_1856, %get3A_1910 : vector<16xf32>
        scf.yield %add3A_1862, %add3A_1869, %add3A_1876, %add3A_1883, %add3A_1890, %add3A_1897, %add3A_1904, %add3A_1911 : vector<16xf32>, vector<16xf32>, vector<16xf32>, vector<16xf32>, vector<16xf32>, vector<16xf32>, vector<16xf32>, vector<16xf32>
      }
      %scan3A_1592 = arith.constant 32 : i32
      %mul3A_1593 = arith.constant 10 : i32
      %mul3A_1594 = arith.muli %add3A_940, %mul3A_1593 : i32
      %add3A_1595 = arith.constant 7 : i32
      %add3A_1596 = arith.addi %mul3A_1594, %add3A_1595 : i32
      %mul3A_1597 = arith.constant 3.125000e-02 : f32
      %mul3A_1598 = vector.broadcast %mul3A_1597 : f32 to vector<16xf32>
      %mul3A_1599 = arith.mulf %scan3A_1591#0, %mul3A_1598 : vector<16xf32>
      %swap3A_1600 = arith.index_cast %add3A_1596 : i32 to index
      %swap3A_1601 = arith.constant 0 : index
      %swap3A_1602 = tpu.vector_load %arg6[%swap3A_1600, %swap3A_1601] {strides = array<i32>} : memref<100x128xf32, #tpu.memory_space<vmem>>, vector<1x16xf32>,
      %swap3A_1603 = vector.shape_cast %swap3A_1602 : vector<1x16xf32> to vector<16xf32>
      %swap3A_1604 = vector.shape_cast %mul3A_1599 : vector<16xf32> to vector<1x16xf32>
      tpu.vector_store %arg6[%swap3A_1600, %swap3A_1601], %swap3A_1604 {strides = array<i32>} : memref<100x128xf32, #tpu.memory_space<vmem>>, vector<1x16xf32>,
      %mul3A_1605 = arith.constant 3.125000e-02 : f32
      %mul3A_1606 = vector.broadcast %mul3A_1605 : f32 to vector<16xf32>
      %mul3A_1607 = arith.mulf %scan3A_1591#1, %mul3A_1606 : vector<16xf32>
      %swap3A_1608 = arith.index_cast %add3A_1596 : i32 to index
      %swap3A_1609 = arith.constant 16 : index
      %swap3A_1610 = tpu.vector_load %arg6[%swap3A_1608, %swap3A_1609] {strides = array<i32>} : memref<100x128xf32, #tpu.memory_space<vmem>>, vector<1x16xf32>,
      %swap3A_1611 = vector.shape_cast %swap3A_1610 : vector<1x16xf32> to vector<16xf32>
      %swap3A_1612 = vector.shape_cast %mul3A_1607 : vector<16xf32> to vector<1x16xf32>
      tpu.vector_store %arg6[%swap3A_1608, %swap3A_1609], %swap3A_1612 {strides = array<i32>} : memref<100x128xf32, #tpu.memory_space<vmem>>, vector<1x16xf32>,
      %mul3A_1613 = arith.constant 3.125000e-02 : f32
      %mul3A_1614 = vector.broadcast %mul3A_1613 : f32 to vector<16xf32>
      %mul3A_1615 = arith.mulf %scan3A_1591#2, %mul3A_1614 : vector<16xf32>
      %swap3A_1616 = arith.index_cast %add3A_1596 : i32 to index
      %swap3A_1617 = arith.constant 32 : index
      %swap3A_1618 = tpu.vector_load %arg6[%swap3A_1616, %swap3A_1617] {strides = array<i32>} : memref<100x128xf32, #tpu.memory_space<vmem>>, vector<1x16xf32>,
      %swap3A_1619 = vector.shape_cast %swap3A_1618 : vector<1x16xf32> to vector<16xf32>
      %swap3A_1620 = vector.shape_cast %mul3A_1615 : vector<16xf32> to vector<1x16xf32>
      tpu.vector_store %arg6[%swap3A_1616, %swap3A_1617], %swap3A_1620 {strides = array<i32>} : memref<100x128xf32, #tpu.memory_space<vmem>>, vector<1x16xf32>,
      %mul3A_1621 = arith.constant 3.125000e-02 : f32
      %mul3A_1622 = vector.broadcast %mul3A_1621 : f32 to vector<16xf32>
      %mul3A_1623 = arith.mulf %scan3A_1591#3, %mul3A_1622 : vector<16xf32>
      %swap3A_1624 = arith.index_cast %add3A_1596 : i32 to index
      %swap3A_1625 = arith.constant 48 : index
      %swap3A_1626 = tpu.vector_load %arg6[%swap3A_1624, %swap3A_1625] {strides = array<i32>} : memref<100x128xf32, #tpu.memory_space<vmem>>, vector<1x16xf32>,
      %swap3A_1627 = vector.shape_cast %swap3A_1626 : vector<1x16xf32> to vector<16xf32>
      %swap3A_1628 = vector.shape_cast %mul3A_1623 : vector<16xf32> to vector<1x16xf32>
      tpu.vector_store %arg6[%swap3A_1624, %swap3A_1625], %swap3A_1628 {strides = array<i32>} : memref<100x128xf32, #tpu.memory_space<vmem>>, vector<1x16xf32>,
      %mul3A_1629 = arith.constant 3.125000e-02 : f32
      %mul3A_1630 = vector.broadcast %mul3A_1629 : f32 to vector<16xf32>
      %mul3A_1631 = arith.mulf %scan3A_1591#4, %mul3A_1630 : vector<16xf32>
      %swap3A_1632 = arith.index_cast %add3A_1596 : i32 to index
      %swap3A_1633 = arith.constant 64 : index
      %swap3A_1634 = tpu.vector_load %arg6[%swap3A_1632, %swap3A_1633] {strides = array<i32>} : memref<100x128xf32, #tpu.memory_space<vmem>>, vector<1x16xf32>,
      %swap3A_1635 = vector.shape_cast %swap3A_1634 : vector<1x16xf32> to vector<16xf32>
      %swap3A_1636 = vector.shape_cast %mul3A_1631 : vector<16xf32> to vector<1x16xf32>
      tpu.vector_store %arg6[%swap3A_1632, %swap3A_1633], %swap3A_1636 {strides = array<i32>} : memref<100x128xf32, #tpu.memory_space<vmem>>, vector<1x16xf32>,
      %mul3A_1637 = arith.constant 3.125000e-02 : f32
      %mul3A_1638 = vector.broadcast %mul3A_1637 : f32 to vector<16xf32>
      %mul3A_1639 = arith.mulf %scan3A_1591#5, %mul3A_1638 : vector<16xf32>
      %swap3A_1640 = arith.index_cast %add3A_1596 : i32 to index
      %swap3A_1641 = arith.constant 80 : index
      %swap3A_1642 = tpu.vector_load %arg6[%swap3A_1640, %swap3A_1641] {strides = array<i32>} : memref<100x128xf32, #tpu.memory_space<vmem>>, vector<1x16xf32>,
      %swap3A_1643 = vector.shape_cast %swap3A_1642 : vector<1x16xf32> to vector<16xf32>
      %swap3A_1644 = vector.shape_cast %mul3A_1639 : vector<16xf32> to vector<1x16xf32>
      tpu.vector_store %arg6[%swap3A_1640, %swap3A_1641], %swap3A_1644 {strides = array<i32>} : memref<100x128xf32, #tpu.memory_space<vmem>>, vector<1x16xf32>,
      %mul3A_1645 = arith.constant 3.125000e-02 : f32
      %mul3A_1646 = vector.broadcast %mul3A_1645 : f32 to vector<16xf32>
      %mul3A_1647 = arith.mulf %scan3A_1591#6, %mul3A_1646 : vector<16xf32>
      %swap3A_1648 = arith.index_cast %add3A_1596 : i32 to index
      %swap3A_1649 = arith.constant 96 : index
      %swap3A_1650 = tpu.vector_load %arg6[%swap3A_1648, %swap3A_1649] {strides = array<i32>} : memref<100x128xf32, #tpu.memory_space<vmem>>, vector<1x16xf32>,
      %swap3A_1651 = vector.shape_cast %swap3A_1650 : vector<1x16xf32> to vector<16xf32>
      %swap3A_1652 = vector.shape_cast %mul3A_1647 : vector<16xf32> to vector<1x16xf32>
      tpu.vector_store %arg6[%swap3A_1648, %swap3A_1649], %swap3A_1652 {strides = array<i32>} : memref<100x128xf32, #tpu.memory_space<vmem>>, vector<1x16xf32>,
      %mul3A_1653 = arith.constant 3.125000e-02 : f32
      %mul3A_1654 = vector.broadcast %mul3A_1653 : f32 to vector<16xf32>
      %mul3A_1655 = arith.mulf %scan3A_1591#7, %mul3A_1654 : vector<16xf32>
      %swap3A_1656 = arith.index_cast %add3A_1596 : i32 to index
      %swap3A_1657 = arith.constant 112 : index
      %swap3A_1658 = tpu.vector_load %arg6[%swap3A_1656, %swap3A_1657] {strides = array<i32>} : memref<100x128xf32, #tpu.memory_space<vmem>>, vector<1x16xf32>,
      %swap3A_1659 = vector.shape_cast %swap3A_1658 : vector<1x16xf32> to vector<16xf32>
      %swap3A_1660 = vector.shape_cast %mul3A_1655 : vector<16xf32> to vector<1x16xf32>
      tpu.vector_store %arg6[%swap3A_1656, %swap3A_1657], %swap3A_1660 {strides = array<i32>} : memref<100x128xf32, #tpu.memory_space<vmem>>, vector<1x16xf32>,
      %broadcast_in_dim3A_1661 = arith.constant 0.000000e+00 : f32
      %broadcast_in_dim3A_1662 = vector.broadcast %broadcast_in_dim3A_1661 : f32 to vector<16xf32>
      %broadcast_in_dim3A_1663 = arith.constant 0.000000e+00 : f32
      %broadcast_in_dim3A_1664 = vector.broadcast %broadcast_in_dim3A_1663 : f32 to vector<16xf32>
      %broadcast_in_dim3A_1665 = arith.constant 0.000000e+00 : f32
      %broadcast_in_dim3A_1666 = vector.broadcast %broadcast_in_dim3A_1665 : f32 to vector<16xf32>
      %broadcast_in_dim3A_1667 = arith.constant 0.000000e+00 : f32
      %broadcast_in_dim3A_1668 = vector.broadcast %broadcast_in_dim3A_1667 : f32 to vector<16xf32>
      %broadcast_in_dim3A_1669 = arith.constant 0.000000e+00 : f32
      %broadcast_in_dim3A_1670 = vector.broadcast %broadcast_in_dim3A_1669 : f32 to vector<16xf32>
      %broadcast_in_dim3A_1671 = arith.constant 0.000000e+00 : f32
      %broadcast_in_dim3A_1672 = vector.broadcast %broadcast_in_dim3A_1671 : f32 to vector<16xf32>
      %broadcast_in_dim3A_1673 = arith.constant 0.000000e+00 : f32
      %broadcast_in_dim3A_1674 = vector.broadcast %broadcast_in_dim3A_1673 : f32 to vector<16xf32>
      %broadcast_in_dim3A_1675 = arith.constant 0.000000e+00 : f32
      %broadcast_in_dim3A_1676 = vector.broadcast %broadcast_in_dim3A_1675 : f32 to vector<16xf32>
      %scan3A_1677 = arith.constant 0 : i32
      %scan3A_1678 = arith.constant 32 : i32
      %scan3A_1679 = arith.addi %scan3A_1677, %scan3A_1678 : i32
      %scan3A_1680 = arith.constant 1 : i32
      %scan3A_1681:8 = scf.for %scan3A_1848 = %scan3A_1677 to %scan3A_1679 step %scan3A_1680 iter_args(%scan3A_1849 = %broadcast_in_dim3A_1662, %scan3A_1850 = %broadcast_in_dim3A_1664, %scan3A_1851 = %broadcast_in_dim3A_1666, %scan3A_1852 = %broadcast_in_dim3A_1668, %scan3A_1853 = %broadcast_in_dim3A_1670, %scan3A_1854 = %broadcast_in_dim3A_1672, %scan3A_1855 = %broadcast_in_dim3A_1674, %scan3A_1856 = %broadcast_in_dim3A_1676) -> (vector<16xf32>, vector<16xf32>, vector<16xf32>, vector<16xf32>, vector<16xf32>, vector<16xf32>, vector<16xf32>, vector<16xf32>)  : i32 {
        %get3A = arith.constant 8 : i32
        %get3A_1857 = arith.index_cast %get3A : i32 to index
        %get3A_1858 = arith.index_cast %scan3A_1848 : i32 to index
        %get3A_1859 = arith.constant 0 : index
        %get3A_1860 = tpu.vector_load %arg5[%get3A_1857, %get3A_1858, %get3A_1859] {strides = array<i32>} : memref<10x32x128xf32, #tpu.memory_space<vmem>>, vector<1x1x16xf32>,
        %get3A_1861 = vector.shape_cast %get3A_1860 : vector<1x1x16xf32> to vector<16xf32>
        %add3A_1862 = arith.addf %scan3A_1849, %get3A_1861 : vector<16xf32>
        %get3A_1863 = arith.constant 8 : i32
        %get3A_1864 = arith.index_cast %get3A_1863 : i32 to index
        %get3A_1865 = arith.index_cast %scan3A_1848 : i32 to index
        %get3A_1866 = arith.constant 16 : index
        %get3A_1867 = tpu.vector_load %arg5[%get3A_1864, %get3A_1865, %get3A_1866] {strides = array<i32>} : memref<10x32x128xf32, #tpu.memory_space<vmem>>, vector<1x1x16xf32>,
        %get3A_1868 = vector.shape_cast %get3A_1867 : vector<1x1x16xf32> to vector<16xf32>
        %add3A_1869 = arith.addf %scan3A_1850, %get3A_1868 : vector<16xf32>
        %get3A_1870 = arith.constant 8 : i32
        %get3A_1871 = arith.index_cast %get3A_1870 : i32 to index
        %get3A_1872 = arith.index_cast %scan3A_1848 : i32 to index
        %get3A_1873 = arith.constant 32 : index
        %get3A_1874 = tpu.vector_load %arg5[%get3A_1871, %get3A_1872, %get3A_1873] {strides = array<i32>} : memref<10x32x128xf32, #tpu.memory_space<vmem>>, vector<1x1x16xf32>,
        %get3A_1875 = vector.shape_cast %get3A_1874 : vector<1x1x16xf32> to vector<16xf32>
        %add3A_1876 = arith.addf %scan3A_1851, %get3A_1875 : vector<16xf32>
        %get3A_1877 = arith.constant 8 : i32
        %get3A_1878 = arith.index_cast %get3A_1877 : i32 to index
        %get3A_1879 = arith.index_cast %scan3A_1848 : i32 to index
        %get3A_1880 = arith.constant 48 : index
        %get3A_1881 = tpu.vector_load %arg5[%get3A_1878, %get3A_1879, %get3A_1880] {strides = array<i32>} : memref<10x32x128xf32, #tpu.memory_space<vmem>>, vector<1x1x16xf32>,
        %get3A_1882 = vector.shape_cast %get3A_1881 : vector<1x1x16xf32> to vector<16xf32>
        %add3A_1883 = arith.addf %scan3A_1852, %get3A_1882 : vector<16xf32>
        %get3A_1884 = arith.constant 8 : i32
        %get3A_1885 = arith.index_cast %get3A_1884 : i32 to index
        %get3A_1886 = arith.index_cast %scan3A_1848 : i32 to index
        %get3A_1887 = arith.constant 64 : index
        %get3A_1888 = tpu.vector_load %arg5[%get3A_1885, %get3A_1886, %get3A_1887] {strides = array<i32>} : memref<10x32x128xf32, #tpu.memory_space<vmem>>, vector<1x1x16xf32>,
        %get3A_1889 = vector.shape_cast %get3A_1888 : vector<1x1x16xf32> to vector<16xf32>
        %add3A_1890 = arith.addf %scan3A_1853, %get3A_1889 : vector<16xf32>
        %get3A_1891 = arith.constant 8 : i32
        %get3A_1892 = arith.index_cast %get3A_1891 : i32 to index
        %get3A_1893 = arith.index_cast %scan3A_1848 : i32 to index
        %get3A_1894 = arith.constant 80 : index
        %get3A_1895 = tpu.vector_load %arg5[%get3A_1892, %get3A_1893, %get3A_1894] {strides = array<i32>} : memref<10x32x128xf32, #tpu.memory_space<vmem>>, vector<1x1x16xf32>,
        %get3A_1896 = vector.shape_cast %get3A_1895 : vector<1x1x16xf32> to vector<16xf32>
        %add3A_1897 = arith.addf %scan3A_1854, %get3A_1896 : vector<16xf32>
        %get3A_1898 = arith.constant 8 : i32
        %get3A_1899 = arith.index_cast %get3A_1898 : i32 to index
        %get3A_1900 = arith.index_cast %scan3A_1848 : i32 to index
        %get3A_1901 = arith.constant 96 : index
        %get3A_1902 = tpu.vector_load %arg5[%get3A_1899, %get3A_1900, %get3A_1901] {strides = array<i32>} : memref<10x32x128xf32, #tpu.memory_space<vmem>>, vector<1x1x16xf32>,
        %get3A_1903 = vector.shape_cast %get3A_1902 : vector<1x1x16xf32> to vector<16xf32>
        %add3A_1904 = arith.addf %scan3A_1855, %get3A_1903 : vector<16xf32>
        %get3A_1905 = arith.constant 8 : i32
        %get3A_1906 = arith.index_cast %get3A_1905 : i32 to index
        %get3A_1907 = arith.index_cast %scan3A_1848 : i32 to index
        %get3A_1908 = arith.constant 112 : index
        %get3A_1909 = tpu.vector_load %arg5[%get3A_1906, %get3A_1907, %get3A_1908] {strides = array<i32>} : memref<10x32x128xf32, #tpu.memory_space<vmem>>, vector<1x1x16xf32>,
        %get3A_1910 = vector.shape_cast %get3A_1909 : vector<1x1x16xf32> to vector<16xf32>
        %add3A_1911 = arith.addf %scan3A_1856, %get3A_1910 : vector<16xf32>
        scf.yield %add3A_1862, %add3A_1869, %add3A_1876, %add3A_1883, %add3A_1890, %add3A_1897, %add3A_1904, %add3A_1911 : vector<16xf32>, vector<16xf32>, vector<16xf32>, vector<16xf32>, vector<16xf32>, vector<16xf32>, vector<16xf32>, vector<16xf32>
      }
      %scan3A_1682 = arith.constant 32 : i32
      %mul3A_1683 = arith.constant 10 : i32
      %mul3A_1684 = arith.muli %add3A_940, %mul3A_1683 : i32
      %add3A_1685 = arith.constant 8 : i32
      %add3A_1686 = arith.addi %mul3A_1684, %add3A_1685 : i32
      %mul3A_1687 = arith.constant 3.125000e-02 : f32
      %mul3A_1688 = vector.broadcast %mul3A_1687 : f32 to vector<16xf32>
      %mul3A_1689 = arith.mulf %scan3A_1681#0, %mul3A_1688 : vector<16xf32>
      %swap3A_1690 = arith.index_cast %add3A_1686 : i32 to index
      %swap3A_1691 = arith.constant 0 : index
      %swap3A_1692 = tpu.vector_load %arg6[%swap3A_1690, %swap3A_1691] {strides = array<i32>} : memref<100x128xf32, #tpu.memory_space<vmem>>, vector<1x16xf32>,
      %swap3A_1693 = vector.shape_cast %swap3A_1692 : vector<1x16xf32> to vector<16xf32>
      %swap3A_1694 = vector.shape_cast %mul3A_1689 : vector<16xf32> to vector<1x16xf32>
      tpu.vector_store %arg6[%swap3A_1690, %swap3A_1691], %swap3A_1694 {strides = array<i32>} : memref<100x128xf32, #tpu.memory_space<vmem>>, vector<1x16xf32>,
      %mul3A_1695 = arith.constant 3.125000e-02 : f32
      %mul3A_1696 = vector.broadcast %mul3A_1695 : f32 to vector<16xf32>
      %mul3A_1697 = arith.mulf %scan3A_1681#1, %mul3A_1696 : vector<16xf32>
      %swap3A_1698 = arith.index_cast %add3A_1686 : i32 to index
      %swap3A_1699 = arith.constant 16 : index
      %swap3A_1700 = tpu.vector_load %arg6[%swap3A_1698, %swap3A_1699] {strides = array<i32>} : memref<100x128xf32, #tpu.memory_space<vmem>>, vector<1x16xf32>,
      %swap3A_1701 = vector.shape_cast %swap3A_1700 : vector<1x16xf32> to vector<16xf32>
      %swap3A_1702 = vector.shape_cast %mul3A_1697 : vector<16xf32> to vector<1x16xf32>
      tpu.vector_store %arg6[%swap3A_1698, %swap3A_1699], %swap3A_1702 {strides = array<i32>} : memref<100x128xf32, #tpu.memory_space<vmem>>, vector<1x16xf32>,
      %mul3A_1703 = arith.constant 3.125000e-02 : f32
      %mul3A_1704 = vector.broadcast %mul3A_1703 : f32 to vector<16xf32>
      %mul3A_1705 = arith.mulf %scan3A_1681#2, %mul3A_1704 : vector<16xf32>
      %swap3A_1706 = arith.index_cast %add3A_1686 : i32 to index
      %swap3A_1707 = arith.constant 32 : index
      %swap3A_1708 = tpu.vector_load %arg6[%swap3A_1706, %swap3A_1707] {strides = array<i32>} : memref<100x128xf32, #tpu.memory_space<vmem>>, vector<1x16xf32>,
      %swap3A_1709 = vector.shape_cast %swap3A_1708 : vector<1x16xf32> to vector<16xf32>
      %swap3A_1710 = vector.shape_cast %mul3A_1705 : vector<16xf32> to vector<1x16xf32>
      tpu.vector_store %arg6[%swap3A_1706, %swap3A_1707], %swap3A_1710 {strides = array<i32>} : memref<100x128xf32, #tpu.memory_space<vmem>>, vector<1x16xf32>,
      %mul3A_1711 = arith.constant 3.125000e-02 : f32
      %mul3A_1712 = vector.broadcast %mul3A_1711 : f32 to vector<16xf32>
      %mul3A_1713 = arith.mulf %scan3A_1681#3, %mul3A_1712 : vector<16xf32>
      %swap3A_1714 = arith.index_cast %add3A_1686 : i32 to index
      %swap3A_1715 = arith.constant 48 : index
      %swap3A_1716 = tpu.vector_load %arg6[%swap3A_1714, %swap3A_1715] {strides = array<i32>} : memref<100x128xf32, #tpu.memory_space<vmem>>, vector<1x16xf32>,
      %swap3A_1717 = vector.shape_cast %swap3A_1716 : vector<1x16xf32> to vector<16xf32>
      %swap3A_1718 = vector.shape_cast %mul3A_1713 : vector<16xf32> to vector<1x16xf32>
      tpu.vector_store %arg6[%swap3A_1714, %swap3A_1715], %swap3A_1718 {strides = array<i32>} : memref<100x128xf32, #tpu.memory_space<vmem>>, vector<1x16xf32>,
      %mul3A_1719 = arith.constant 3.125000e-02 : f32
      %mul3A_1720 = vector.broadcast %mul3A_1719 : f32 to vector<16xf32>
      %mul3A_1721 = arith.mulf %scan3A_1681#4, %mul3A_1720 : vector<16xf32>
      %swap3A_1722 = arith.index_cast %add3A_1686 : i32 to index
      %swap3A_1723 = arith.constant 64 : index
      %swap3A_1724 = tpu.vector_load %arg6[%swap3A_1722, %swap3A_1723] {strides = array<i32>} : memref<100x128xf32, #tpu.memory_space<vmem>>, vector<1x16xf32>,
      %swap3A_1725 = vector.shape_cast %swap3A_1724 : vector<1x16xf32> to vector<16xf32>
      %swap3A_1726 = vector.shape_cast %mul3A_1721 : vector<16xf32> to vector<1x16xf32>
      tpu.vector_store %arg6[%swap3A_1722, %swap3A_1723], %swap3A_1726 {strides = array<i32>} : memref<100x128xf32, #tpu.memory_space<vmem>>, vector<1x16xf32>,
      %mul3A_1727 = arith.constant 3.125000e-02 : f32
      %mul3A_1728 = vector.broadcast %mul3A_1727 : f32 to vector<16xf32>
      %mul3A_1729 = arith.mulf %scan3A_1681#5, %mul3A_1728 : vector<16xf32>
      %swap3A_1730 = arith.index_cast %add3A_1686 : i32 to index
      %swap3A_1731 = arith.constant 80 : index
      %swap3A_1732 = tpu.vector_load %arg6[%swap3A_1730, %swap3A_1731] {strides = array<i32>} : memref<100x128xf32, #tpu.memory_space<vmem>>, vector<1x16xf32>,
      %swap3A_1733 = vector.shape_cast %swap3A_1732 : vector<1x16xf32> to vector<16xf32>
      %swap3A_1734 = vector.shape_cast %mul3A_1729 : vector<16xf32> to vector<1x16xf32>
      tpu.vector_store %arg6[%swap3A_1730, %swap3A_1731], %swap3A_1734 {strides = array<i32>} : memref<100x128xf32, #tpu.memory_space<vmem>>, vector<1x16xf32>,
      %mul3A_1735 = arith.constant 3.125000e-02 : f32
      %mul3A_1736 = vector.broadcast %mul3A_1735 : f32 to vector<16xf32>
      %mul3A_1737 = arith.mulf %scan3A_1681#6, %mul3A_1736 : vector<16xf32>
      %swap3A_1738 = arith.index_cast %add3A_1686 : i32 to index
      %swap3A_1739 = arith.constant 96 : index
      %swap3A_1740 = tpu.vector_load %arg6[%swap3A_1738, %swap3A_1739] {strides = array<i32>} : memref<100x128xf32, #tpu.memory_space<vmem>>, vector<1x16xf32>,
      %swap3A_1741 = vector.shape_cast %swap3A_1740 : vector<1x16xf32> to vector<16xf32>
      %swap3A_1742 = vector.shape_cast %mul3A_1737 : vector<16xf32> to vector<1x16xf32>
      tpu.vector_store %arg6[%swap3A_1738, %swap3A_1739], %swap3A_1742 {strides = array<i32>} : memref<100x128xf32, #tpu.memory_space<vmem>>, vector<1x16xf32>,
      %mul3A_1743 = arith.constant 3.125000e-02 : f32
      %mul3A_1744 = vector.broadcast %mul3A_1743 : f32 to vector<16xf32>
      %mul3A_1745 = arith.mulf %scan3A_1681#7, %mul3A_1744 : vector<16xf32>
      %swap3A_1746 = arith.index_cast %add3A_1686 : i32 to index
      %swap3A_1747 = arith.constant 112 : index
      %swap3A_1748 = tpu.vector_load %arg6[%swap3A_1746, %swap3A_1747] {strides = array<i32>} : memref<100x128xf32, #tpu.memory_space<vmem>>, vector<1x16xf32>,
      %swap3A_1749 = vector.shape_cast %swap3A_1748 : vector<1x16xf32> to vector<16xf32>
      %swap3A_1750 = vector.shape_cast %mul3A_1745 : vector<16xf32> to vector<1x16xf32>
      tpu.vector_store %arg6[%swap3A_1746, %swap3A_1747], %swap3A_1750 {strides = array<i32>} : memref<100x128xf32, #tpu.memory_space<vmem>>, vector<1x16xf32>,
      %broadcast_in_dim3A_1751 = arith.constant 0.000000e+00 : f32
      %broadcast_in_dim3A_1752 = vector.broadcast %broadcast_in_dim3A_1751 : f32 to vector<16xf32>
      %broadcast_in_dim3A_1753 = arith.constant 0.000000e+00 : f32
      %broadcast_in_dim3A_1754 = vector.broadcast %broadcast_in_dim3A_1753 : f32 to vector<16xf32>
      %broadcast_in_dim3A_1755 = arith.constant 0.000000e+00 : f32
      %broadcast_in_dim3A_1756 = vector.broadcast %broadcast_in_dim3A_1755 : f32 to vector<16xf32>
      %broadcast_in_dim3A_1757 = arith.constant 0.000000e+00 : f32
      %broadcast_in_dim3A_1758 = vector.broadcast %broadcast_in_dim3A_1757 : f32 to vector<16xf32>
      %broadcast_in_dim3A_1759 = arith.constant 0.000000e+00 : f32
      %broadcast_in_dim3A_1760 = vector.broadcast %broadcast_in_dim3A_1759 : f32 to vector<16xf32>
      %broadcast_in_dim3A_1761 = arith.constant 0.000000e+00 : f32
      %broadcast_in_dim3A_1762 = vector.broadcast %broadcast_in_dim3A_1761 : f32 to vector<16xf32>
      %broadcast_in_dim3A_1763 = arith.constant 0.000000e+00 : f32
      %broadcast_in_dim3A_1764 = vector.broadcast %broadcast_in_dim3A_1763 : f32 to vector<16xf32>
      %broadcast_in_dim3A_1765 = arith.constant 0.000000e+00 : f32
      %broadcast_in_dim3A_1766 = vector.broadcast %broadcast_in_dim3A_1765 : f32 to vector<16xf32>
      %scan3A_1767 = arith.constant 0 : i32
      %scan3A_1768 = arith.constant 32 : i32
      %scan3A_1769 = arith.addi %scan3A_1767, %scan3A_1768 : i32
      %scan3A_1770 = arith.constant 1 : i32
      %scan3A_1771:8 = scf.for %scan3A_1848 = %scan3A_1767 to %scan3A_1769 step %scan3A_1770 iter_args(%scan3A_1849 = %broadcast_in_dim3A_1752, %scan3A_1850 = %broadcast_in_dim3A_1754, %scan3A_1851 = %broadcast_in_dim3A_1756, %scan3A_1852 = %broadcast_in_dim3A_1758, %scan3A_1853 = %broadcast_in_dim3A_1760, %scan3A_1854 = %broadcast_in_dim3A_1762, %scan3A_1855 = %broadcast_in_dim3A_1764, %scan3A_1856 = %broadcast_in_dim3A_1766) -> (vector<16xf32>, vector<16xf32>, vector<16xf32>, vector<16xf32>, vector<16xf32>, vector<16xf32>, vector<16xf32>, vector<16xf32>)  : i32 {
        %get3A = arith.constant 9 : i32
        %get3A_1857 = arith.index_cast %get3A : i32 to index
        %get3A_1858 = arith.index_cast %scan3A_1848 : i32 to index
        %get3A_1859 = arith.constant 0 : index
        %get3A_1860 = tpu.vector_load %arg5[%get3A_1857, %get3A_1858, %get3A_1859] {strides = array<i32>} : memref<10x32x128xf32, #tpu.memory_space<vmem>>, vector<1x1x16xf32>,
        %get3A_1861 = vector.shape_cast %get3A_1860 : vector<1x1x16xf32> to vector<16xf32>
        %add3A_1862 = arith.addf %scan3A_1849, %get3A_1861 : vector<16xf32>
        %get3A_1863 = arith.constant 9 : i32
        %get3A_1864 = arith.index_cast %get3A_1863 : i32 to index
        %get3A_1865 = arith.index_cast %scan3A_1848 : i32 to index
        %get3A_1866 = arith.constant 16 : index
        %get3A_1867 = tpu.vector_load %arg5[%get3A_1864, %get3A_1865, %get3A_1866] {strides = array<i32>} : memref<10x32x128xf32, #tpu.memory_space<vmem>>, vector<1x1x16xf32>,
        %get3A_1868 = vector.shape_cast %get3A_1867 : vector<1x1x16xf32> to vector<16xf32>
        %add3A_1869 = arith.addf %scan3A_1850, %get3A_1868 : vector<16xf32>
        %get3A_1870 = arith.constant 9 : i32
        %get3A_1871 = arith.index_cast %get3A_1870 : i32 to index
        %get3A_1872 = arith.index_cast %scan3A_1848 : i32 to index
        %get3A_1873 = arith.constant 32 : index
        %get3A_1874 = tpu.vector_load %arg5[%get3A_1871, %get3A_1872, %get3A_1873] {strides = array<i32>} : memref<10x32x128xf32, #tpu.memory_space<vmem>>, vector<1x1x16xf32>,
        %get3A_1875 = vector.shape_cast %get3A_1874 : vector<1x1x16xf32> to vector<16xf32>
        %add3A_1876 = arith.addf %scan3A_1851, %get3A_1875 : vector<16xf32>
        %get3A_1877 = arith.constant 9 : i32
        %get3A_1878 = arith.index_cast %get3A_1877 : i32 to index
        %get3A_1879 = arith.index_cast %scan3A_1848 : i32 to index
        %get3A_1880 = arith.constant 48 : index
        %get3A_1881 = tpu.vector_load %arg5[%get3A_1878, %get3A_1879, %get3A_1880] {strides = array<i32>} : memref<10x32x128xf32, #tpu.memory_space<vmem>>, vector<1x1x16xf32>,
        %get3A_1882 = vector.shape_cast %get3A_1881 : vector<1x1x16xf32> to vector<16xf32>
        %add3A_1883 = arith.addf %scan3A_1852, %get3A_1882 : vector<16xf32>
        %get3A_1884 = arith.constant 9 : i32
        %get3A_1885 = arith.index_cast %get3A_1884 : i32 to index
        %get3A_1886 = arith.index_cast %scan3A_1848 : i32 to index
        %get3A_1887 = arith.constant 64 : index
        %get3A_1888 = tpu.vector_load %arg5[%get3A_1885, %get3A_1886, %get3A_1887] {strides = array<i32>} : memref<10x32x128xf32, #tpu.memory_space<vmem>>, vector<1x1x16xf32>,
        %get3A_1889 = vector.shape_cast %get3A_1888 : vector<1x1x16xf32> to vector<16xf32>
        %add3A_1890 = arith.addf %scan3A_1853, %get3A_1889 : vector<16xf32>
        %get3A_1891 = arith.constant 9 : i32
        %get3A_1892 = arith.index_cast %get3A_1891 : i32 to index
        %get3A_1893 = arith.index_cast %scan3A_1848 : i32 to index
        %get3A_1894 = arith.constant 80 : index
        %get3A_1895 = tpu.vector_load %arg5[%get3A_1892, %get3A_1893, %get3A_1894] {strides = array<i32>} : memref<10x32x128xf32, #tpu.memory_space<vmem>>, vector<1x1x16xf32>,
        %get3A_1896 = vector.shape_cast %get3A_1895 : vector<1x1x16xf32> to vector<16xf32>
        %add3A_1897 = arith.addf %scan3A_1854, %get3A_1896 : vector<16xf32>
        %get3A_1898 = arith.constant 9 : i32
        %get3A_1899 = arith.index_cast %get3A_1898 : i32 to index
        %get3A_1900 = arith.index_cast %scan3A_1848 : i32 to index
        %get3A_1901 = arith.constant 96 : index
        %get3A_1902 = tpu.vector_load %arg5[%get3A_1899, %get3A_1900, %get3A_1901] {strides = array<i32>} : memref<10x32x128xf32, #tpu.memory_space<vmem>>, vector<1x1x16xf32>,
        %get3A_1903 = vector.shape_cast %get3A_1902 : vector<1x1x16xf32> to vector<16xf32>
        %add3A_1904 = arith.addf %scan3A_1855, %get3A_1903 : vector<16xf32>
        %get3A_1905 = arith.constant 9 : i32
        %get3A_1906 = arith.index_cast %get3A_1905 : i32 to index
        %get3A_1907 = arith.index_cast %scan3A_1848 : i32 to index
        %get3A_1908 = arith.constant 112 : index
        %get3A_1909 = tpu.vector_load %arg5[%get3A_1906, %get3A_1907, %get3A_1908] {strides = array<i32>} : memref<10x32x128xf32, #tpu.memory_space<vmem>>, vector<1x1x16xf32>,
        %get3A_1910 = vector.shape_cast %get3A_1909 : vector<1x1x16xf32> to vector<16xf32>
        %add3A_1911 = arith.addf %scan3A_1856, %get3A_1910 : vector<16xf32>
        scf.yield %add3A_1862, %add3A_1869, %add3A_1876, %add3A_1883, %add3A_1890, %add3A_1897, %add3A_1904, %add3A_1911 : vector<16xf32>, vector<16xf32>, vector<16xf32>, vector<16xf32>, vector<16xf32>, vector<16xf32>, vector<16xf32>, vector<16xf32>
      }
      %scan3A_1772 = arith.constant 32 : i32
      %mul3A_1773 = arith.constant 10 : i32
      %mul3A_1774 = arith.muli %add3A_940, %mul3A_1773 : i32
      %add3A_1775 = arith.constant 9 : i32
      %add3A_1776 = arith.addi %mul3A_1774, %add3A_1775 : i32
      %mul3A_1777 = arith.constant 3.125000e-02 : f32
      %mul3A_1778 = vector.broadcast %mul3A_1777 : f32 to vector<16xf32>
      %mul3A_1779 = arith.mulf %scan3A_1771#0, %mul3A_1778 : vector<16xf32>
      %swap3A_1780 = arith.index_cast %add3A_1776 : i32 to index
      %swap3A_1781 = arith.constant 0 : index
      %swap3A_1782 = tpu.vector_load %arg6[%swap3A_1780, %swap3A_1781] {strides = array<i32>} : memref<100x128xf32, #tpu.memory_space<vmem>>, vector<1x16xf32>,
      %swap3A_1783 = vector.shape_cast %swap3A_1782 : vector<1x16xf32> to vector<16xf32>
      %swap3A_1784 = vector.shape_cast %mul3A_1779 : vector<16xf32> to vector<1x16xf32>
      tpu.vector_store %arg6[%swap3A_1780, %swap3A_1781], %swap3A_1784 {strides = array<i32>} : memref<100x128xf32, #tpu.memory_space<vmem>>, vector<1x16xf32>,
      %mul3A_1785 = arith.constant 3.125000e-02 : f32
      %mul3A_1786 = vector.broadcast %mul3A_1785 : f32 to vector<16xf32>
      %mul3A_1787 = arith.mulf %scan3A_1771#1, %mul3A_1786 : vector<16xf32>
      %swap3A_1788 = arith.index_cast %add3A_1776 : i32 to index
      %swap3A_1789 = arith.constant 16 : index
      %swap3A_1790 = tpu.vector_load %arg6[%swap3A_1788, %swap3A_1789] {strides = array<i32>} : memref<100x128xf32, #tpu.memory_space<vmem>>, vector<1x16xf32>,
      %swap3A_1791 = vector.shape_cast %swap3A_1790 : vector<1x16xf32> to vector<16xf32>
      %swap3A_1792 = vector.shape_cast %mul3A_1787 : vector<16xf32> to vector<1x16xf32>
      tpu.vector_store %arg6[%swap3A_1788, %swap3A_1789], %swap3A_1792 {strides = array<i32>} : memref<100x128xf32, #tpu.memory_space<vmem>>, vector<1x16xf32>,
      %mul3A_1793 = arith.constant 3.125000e-02 : f32
      %mul3A_1794 = vector.broadcast %mul3A_1793 : f32 to vector<16xf32>
      %mul3A_1795 = arith.mulf %scan3A_1771#2, %mul3A_1794 : vector<16xf32>
      %swap3A_1796 = arith.index_cast %add3A_1776 : i32 to index
      %swap3A_1797 = arith.constant 32 : index
      %swap3A_1798 = tpu.vector_load %arg6[%swap3A_1796, %swap3A_1797] {strides = array<i32>} : memref<100x128xf32, #tpu.memory_space<vmem>>, vector<1x16xf32>,
      %swap3A_1799 = vector.shape_cast %swap3A_1798 : vector<1x16xf32> to vector<16xf32>
      %swap3A_1800 = vector.shape_cast %mul3A_1795 : vector<16xf32> to vector<1x16xf32>
      tpu.vector_store %arg6[%swap3A_1796, %swap3A_1797], %swap3A_1800 {strides = array<i32>} : memref<100x128xf32, #tpu.memory_space<vmem>>, vector<1x16xf32>,
      %mul3A_1801 = arith.constant 3.125000e-02 : f32
      %mul3A_1802 = vector.broadcast %mul3A_1801 : f32 to vector<16xf32>
      %mul3A_1803 = arith.mulf %scan3A_1771#3, %mul3A_1802 : vector<16xf32>
      %swap3A_1804 = arith.index_cast %add3A_1776 : i32 to index
      %swap3A_1805 = arith.constant 48 : index
      %swap3A_1806 = tpu.vector_load %arg6[%swap3A_1804, %swap3A_1805] {strides = array<i32>} : memref<100x128xf32, #tpu.memory_space<vmem>>, vector<1x16xf32>,
      %swap3A_1807 = vector.shape_cast %swap3A_1806 : vector<1x16xf32> to vector<16xf32>
      %swap3A_1808 = vector.shape_cast %mul3A_1803 : vector<16xf32> to vector<1x16xf32>
      tpu.vector_store %arg6[%swap3A_1804, %swap3A_1805], %swap3A_1808 {strides = array<i32>} : memref<100x128xf32, #tpu.memory_space<vmem>>, vector<1x16xf32>,
      %mul3A_1809 = arith.constant 3.125000e-02 : f32
      %mul3A_1810 = vector.broadcast %mul3A_1809 : f32 to vector<16xf32>
      %mul3A_1811 = arith.mulf %scan3A_1771#4, %mul3A_1810 : vector<16xf32>
      %swap3A_1812 = arith.index_cast %add3A_1776 : i32 to index
      %swap3A_1813 = arith.constant 64 : index
      %swap3A_1814 = tpu.vector_load %arg6[%swap3A_1812, %swap3A_1813] {strides = array<i32>} : memref<100x128xf32, #tpu.memory_space<vmem>>, vector<1x16xf32>,
      %swap3A_1815 = vector.shape_cast %swap3A_1814 : vector<1x16xf32> to vector<16xf32>
      %swap3A_1816 = vector.shape_cast %mul3A_1811 : vector<16xf32> to vector<1x16xf32>
      tpu.vector_store %arg6[%swap3A_1812, %swap3A_1813], %swap3A_1816 {strides = array<i32>} : memref<100x128xf32, #tpu.memory_space<vmem>>, vector<1x16xf32>,
      %mul3A_1817 = arith.constant 3.125000e-02 : f32
      %mul3A_1818 = vector.broadcast %mul3A_1817 : f32 to vector<16xf32>
      %mul3A_1819 = arith.mulf %scan3A_1771#5, %mul3A_1818 : vector<16xf32>
      %swap3A_1820 = arith.index_cast %add3A_1776 : i32 to index
      %swap3A_1821 = arith.constant 80 : index
      %swap3A_1822 = tpu.vector_load %arg6[%swap3A_1820, %swap3A_1821] {strides = array<i32>} : memref<100x128xf32, #tpu.memory_space<vmem>>, vector<1x16xf32>,
      %swap3A_1823 = vector.shape_cast %swap3A_1822 : vector<1x16xf32> to vector<16xf32>
      %swap3A_1824 = vector.shape_cast %mul3A_1819 : vector<16xf32> to vector<1x16xf32>
      tpu.vector_store %arg6[%swap3A_1820, %swap3A_1821], %swap3A_1824 {strides = array<i32>} : memref<100x128xf32, #tpu.memory_space<vmem>>, vector<1x16xf32>,
      %mul3A_1825 = arith.constant 3.125000e-02 : f32
      %mul3A_1826 = vector.broadcast %mul3A_1825 : f32 to vector<16xf32>
      %mul3A_1827 = arith.mulf %scan3A_1771#6, %mul3A_1826 : vector<16xf32>
      %swap3A_1828 = arith.index_cast %add3A_1776 : i32 to index
      %swap3A_1829 = arith.constant 96 : index
      %swap3A_1830 = tpu.vector_load %arg6[%swap3A_1828, %swap3A_1829] {strides = array<i32>} : memref<100x128xf32, #tpu.memory_space<vmem>>, vector<1x16xf32>,
      %swap3A_1831 = vector.shape_cast %swap3A_1830 : vector<1x16xf32> to vector<16xf32>
      %swap3A_1832 = vector.shape_cast %mul3A_1827 : vector<16xf32> to vector<1x16xf32>
      tpu.vector_store %arg6[%swap3A_1828, %swap3A_1829], %swap3A_1832 {strides = array<i32>} : memref<100x128xf32, #tpu.memory_space<vmem>>, vector<1x16xf32>,
      %mul3A_1833 = arith.constant 3.125000e-02 : f32
      %mul3A_1834 = vector.broadcast %mul3A_1833 : f32 to vector<16xf32>
      %mul3A_1835 = arith.mulf %scan3A_1771#7, %mul3A_1834 : vector<16xf32>
      %swap3A_1836 = arith.index_cast %add3A_1776 : i32 to index
      %swap3A_1837 = arith.constant 112 : index
      %swap3A_1838 = tpu.vector_load %arg6[%swap3A_1836, %swap3A_1837] {strides = array<i32>} : memref<100x128xf32, #tpu.memory_space<vmem>>, vector<1x16xf32>,
      %swap3A_1839 = vector.shape_cast %swap3A_1838 : vector<1x16xf32> to vector<16xf32>
      %swap3A_1840 = vector.shape_cast %mul3A_1835 : vector<16xf32> to vector<1x16xf32>
      tpu.vector_store %arg6[%swap3A_1836, %swap3A_1837], %swap3A_1840 {strides = array<i32>} : memref<100x128xf32, #tpu.memory_space<vmem>>, vector<1x16xf32>,
      %add3A_1841 = arith.constant 3 : i32
      %add3A_1842 = arith.addi %mul3A_25, %add3A_1841 : i32
      %lt3A_1843 = arith.constant 10 : i32
      %lt3A_1844 = arith.cmpi slt, %add3A_1842, %lt3A_1843 : i32
      %convert_element_type3A_1845 = arith.extui %lt3A_1844 : i1 to i32
      %cond3A_1846 = arith.constant 0 : i32
      %cond3A_1847 = arith.cmpi ne, %convert_element_type3A_1845, %cond3A_1846 : i32
      scf.if %cond3A_1847 {
        %add3A_1848 = arith.constant 3 : i32
        %add3A_1849 = arith.addi %mul3A_25, %add3A_1848 : i32
        %mul3A_1850 = arith.constant 10 : i32
        %mul3A_1851 = arith.muli %add3A_1849, %mul3A_1850 : i32
        %add3A_1852 = arith.addi %mul3A_2, %mul3A_1851 : i32
        %dma_start3A_1853 = arith.constant 0 : i32
        %dma_start3A_1854 = arith.constant 0 : i32
        %dma_start3A_1855 = tpu.memref_slice %arg2[%add3A_1852, %dma_start3A_1853, %dma_start3A_1854] : memref<10000x32x128xf32, #tpu.memory_space<hbm>> -> memref<10x32x128xf32, #tpu.memory_space<hbm>>
        %dma_start3A_1856 = arith.constant 0 : i32
        %dma_start3A_1857 = arith.constant 0 : i32
        %dma_start3A_1858 = tpu.memref_slice %arg2[%add3A_1852, %dma_start3A_1856, %dma_start3A_1857] : memref<10000x32x128xf32, #tpu.memory_space<hbm>> -> memref<10x32x128xf32, #tpu.memory_space<hbm>>
        tpu.enqueue_dma source(%dma_start3A_1858 : memref<10x32x128xf32, #tpu.memory_space<hbm>>) target(%arg5 : memref<10x32x128xf32, #tpu.memory_space<vmem>>) target_semaphore(%arg8 : memref<!tpu.dma_semaphore, #tpu.memory_space<semaphore_mem>>)
      } else {
      }
    }
    %scan3A_22 = arith.constant 5 : i32
    "tpu.region"() ({
      %run_scoped3A = tpu.sem_alloc : memref<!tpu.dma_semaphore, #tpu.memory_space<semaphore_mem>>
      %dma_start3A_23 = arith.constant 0 : i32
      %dma_start3A_24 = arith.constant 0 : i32
      %dma_start3A_25 = tpu.memref_slice %arg3[%add3A, %dma_start3A_23, %dma_start3A_24] : memref<32x100x128xf32, #tpu.memory_space<hbm>> -> memref<1x100x128xf32, #tpu.memory_space<hbm>>
      %dma_start3A_26 = tpu.memref_squeeze %dma_start3A_25 : memref<1x100x128xf32, #tpu.memory_space<hbm>> -> memref<100x128xf32, #tpu.memory_space<hbm>>
      %dma_start3A_27 = arith.constant 0 : i32
      %dma_start3A_28 = arith.constant 0 : i32
      %dma_start3A_29 = tpu.memref_slice %arg3[%add3A, %dma_start3A_27, %dma_start3A_28] : memref<32x100x128xf32, #tpu.memory_space<hbm>> -> memref<1x100x128xf32, #tpu.memory_space<hbm>>
      %dma_start3A_30 = tpu.memref_squeeze %dma_start3A_29 : memref<1x100x128xf32, #tpu.memory_space<hbm>> -> memref<100x128xf32, #tpu.memory_space<hbm>>
      tpu.enqueue_dma source(%arg6 : memref<100x128xf32, #tpu.memory_space<vmem>>) target(%dma_start3A_30 : memref<100x128xf32, #tpu.memory_space<hbm>>) target_semaphore(%run_scoped3A : memref<!tpu.dma_semaphore, #tpu.memory_space<semaphore_mem>>)
      %dma_wait3A = arith.constant 0 : i32
      %dma_wait3A_31 = arith.constant 0 : i32
      %dma_wait3A_32 = tpu.memref_slice %arg3[%add3A, %dma_wait3A, %dma_wait3A_31] : memref<32x100x128xf32, #tpu.memory_space<hbm>> -> memref<1x100x128xf32, #tpu.memory_space<hbm>>
      %dma_wait3A_33 = tpu.memref_squeeze %dma_wait3A_32 : memref<1x100x128xf32, #tpu.memory_space<hbm>> -> memref<100x128xf32, #tpu.memory_space<hbm>>
      %dma_wait3A_34 = arith.constant 0 : i32
      %dma_wait3A_35 = arith.constant 0 : i32
      %dma_wait3A_36 = tpu.memref_slice %arg3[%add3A, %dma_wait3A_34, %dma_wait3A_35] : memref<32x100x128xf32, #tpu.memory_space<hbm>> -> memref<1x100x128xf32, #tpu.memory_space<hbm>>
      %dma_wait3A_37 = tpu.memref_squeeze %dma_wait3A_36 : memref<1x100x128xf32, #tpu.memory_space<hbm>> -> memref<100x128xf32, #tpu.memory_space<hbm>>
      tpu.wait_dma2 semaphore(%run_scoped3A : memref<!tpu.dma_semaphore, #tpu.memory_space<semaphore_mem>>) src(%arg6 : memref<100x128xf32, #tpu.memory_space<vmem>>) dst(%dma_wait3A_37 : memref<100x128xf32, #tpu.memory_space<hbm>>)
      tpu.yield
    }) : () -> ()
    return
  }
}

module attributes {stable_mosaic.version = 14 : i64} {
  func.func @_tc_tail_body(%arg0: i32, %arg1: memref<400x128xf32, #tpu.memory_space<vmem>>, %arg2: memref<400x32x128xf32, #tpu.memory_space<vmem>>, %arg3: memref<128x128xf32, #tpu.memory_space<vmem>>, %arg4: memref<128x128xf32, #tpu.memory_space<vmem>>, %arg5: memref<400x128xf32, #tpu.memory_space<vmem>>) attributes {dimension_semantics = [#tpu.dimension_semantics<arbitrary>], iteration_bounds = array<i64: 17>, scalar_prefetch = 0 : i64, scratch_operands = 0 : i64, tpu.core_type = #tpu.core_type<tc>, window_params = [{transform_indices = @transform_0, window_bounds = array<i64: 400, 128>}, {transform_indices = @transform_1, window_bounds = array<i64: 400, 32, 128>}, {pipeline_mode = #tpu.pipeline_mode<synchronous>, transform_indices = @transform_2, window_bounds = array<i64: 128, 128>}, {pipeline_mode = #tpu.pipeline_mode<synchronous>, transform_indices = @transform_3, window_bounds = array<i64: 128, 128>}, {transform_indices = @transform_4, window_bounds = array<i64: 400, 128>}]} {
    %get3A = arith.constant 0 : index
    %get3A_0 = arith.constant 0 : index
    %get3A_1 = arith.constant 0 : index
    %get3A_2 = vector.load %arg2[%get3A, %get3A_0, %get3A_1] : memref<400x32x128xf32, #tpu.memory_space<vmem>>, vector<400x32x128xf32>
    %reduce_sum3A = arith.constant dense<0.000000e+00> : vector<400x128xf32>
    %reduce_sum3A_3 = vector.multi_reduction <add>, %get3A_2, %reduce_sum3A [1] : vector<400x32x128xf32> to vector<400x128xf32>
    %div3A = arith.constant 3.200000e+01 : f32
    %div3A_4 = vector.broadcast %div3A : f32 to vector<400x128xf32>
    %div3A_5 = arith.divf %reduce_sum3A_3, %div3A_4 : vector<400x128xf32>
    %get3A_6 = arith.constant 0 : index
    %get3A_7 = arith.constant 0 : index
    %get3A_8 = vector.load %arg3[%get3A_6, %get3A_7] : memref<128x128xf32, #tpu.memory_space<vmem>>, vector<128x128xf32>
    %dot_general3A = arith.constant dense<0.000000e+00> : vector<400x128xf32>
    %dot_general3A_9 = tpu.matmul %div3A_5, %get3A_8, %dot_general3A {dimension_numbers = #tpu.dot_dimension_numbers<[1], [0], [0], [1], [0, 0, 1, 1], [], []>, transpose_lhs_hint = false} : vector<400x128xf32>, vector<128x128xf32>, vector<400x128xf32> -> vector<400x128xf32>
    %get3A_10 = arith.constant 0 : index
    %get3A_11 = arith.constant 0 : index
    %get3A_12 = vector.load %arg1[%get3A_10, %get3A_11] : memref<400x128xf32, #tpu.memory_space<vmem>>, vector<400x128xf32>
    %get3A_13 = arith.constant 0 : index
    %get3A_14 = arith.constant 0 : index
    %get3A_15 = vector.load %arg4[%get3A_13, %get3A_14] : memref<128x128xf32, #tpu.memory_space<vmem>>, vector<128x128xf32>
    %dot_general3A_16 = arith.constant dense<0.000000e+00> : vector<400x128xf32>
    %dot_general3A_17 = tpu.matmul %get3A_12, %get3A_15, %dot_general3A_16 {dimension_numbers = #tpu.dot_dimension_numbers<[1], [0], [0], [1], [0, 0, 1, 1], [], []>, transpose_lhs_hint = false} : vector<400x128xf32>, vector<128x128xf32>, vector<400x128xf32> -> vector<400x128xf32>
    %add3A = arith.addf %dot_general3A_9, %dot_general3A_17 : vector<400x128xf32>
    %max3A = arith.constant 0.000000e+00 : f32
    %max3A_18 = vector.broadcast %max3A : f32 to vector<400x128xf32>
    %max3A_19 = arith.maximumf %add3A, %max3A_18 : vector<400x128xf32>
    %swap3A = arith.constant 0 : index
    %swap3A_20 = arith.constant 0 : index
    %swap3A_21 = vector.load %arg5[%swap3A, %swap3A_20] : memref<400x128xf32, #tpu.memory_space<vmem>>, vector<400x128xf32>
    tpu.vector_store %arg5[%swap3A, %swap3A_20], %max3A_19 {strides = array<i32>} : memref<400x128xf32, #tpu.memory_space<vmem>>, vector<400x128xf32>,
    return
  }
  func.func @transform_0(%arg0: i32) -> (i32, i32) {
    %add3A = arith.constant 8 : i32
    %add3A_0 = arith.addi %arg0, %add3A : i32
    %c0_i32 = arith.constant 0 : i32
    %c0_i32_1 = arith.constant 0 : i32
    return %add3A_0, %c0_i32 : i32, i32
  }
  func.func @transform_1(%arg0: i32) -> (i32, i32, i32) {
    %add3A = arith.constant 8 : i32
    %add3A_0 = arith.addi %arg0, %add3A : i32
    %c0_i32 = arith.constant 0 : i32
    %c0_i32_1 = arith.constant 0 : i32
    %c0_i32_2 = arith.constant 0 : i32
    return %add3A_0, %c0_i32, %c0_i32_1 : i32, i32, i32
  }
  func.func @transform_2(%arg0: i32) -> (i32, i32) {
    %c0_i32 = arith.constant 0 : i32
    %c0_i32_0 = arith.constant 0 : i32
    %c0_i32_1 = arith.constant 0 : i32
    return %c0_i32, %c0_i32_0 : i32, i32
  }
  func.func @transform_3(%arg0: i32) -> (i32, i32) {
    %c0_i32 = arith.constant 0 : i32
    %c0_i32_0 = arith.constant 0 : i32
    %c0_i32_1 = arith.constant 0 : i32
    return %c0_i32, %c0_i32_0 : i32, i32
  }
  func.func @transform_4(%arg0: i32) -> (i32, i32) {
    %c0_i32 = arith.constant 0 : i32
    %c0_i32_0 = arith.constant 0 : i32
    return %arg0, %c0_i32 : i32, i32
  }
}

module attributes {stable_mosaic.version = 14 : i64} {
  func.func @_tc_head_body(%arg0: i32, %arg1: memref<400x128xf32, #tpu.memory_space<vmem>>, %arg2: memref<400x128xf32, #tpu.memory_space<vmem>>, %arg3: memref<128x128xf32, #tpu.memory_space<vmem>>, %arg4: memref<128x128xf32, #tpu.memory_space<vmem>>, %arg5: memref<400x128xf32, #tpu.memory_space<vmem>>) attributes {dimension_semantics = [#tpu.dimension_semantics<arbitrary>], iteration_bounds = array<i64: 8>, scalar_prefetch = 0 : i64, scratch_operands = 0 : i64, tpu.core_type = #tpu.core_type<tc>, window_params = [{transform_indices = @transform_0, window_bounds = array<i64: 400, 128>}, {transform_indices = @transform_1, window_bounds = array<i64: 400, 128>}, {pipeline_mode = #tpu.pipeline_mode<synchronous>, transform_indices = @transform_2, window_bounds = array<i64: 128, 128>}, {pipeline_mode = #tpu.pipeline_mode<synchronous>, transform_indices = @transform_3, window_bounds = array<i64: 128, 128>}, {transform_indices = @transform_4, window_bounds = array<i64: 400, 128>}]} {
    %get3A = arith.constant 0 : index
    %get3A_0 = arith.constant 0 : index
    %get3A_1 = vector.load %arg1[%get3A, %get3A_0] : memref<400x128xf32, #tpu.memory_space<vmem>>, vector<400x128xf32>
    %get3A_2 = arith.constant 0 : index
    %get3A_3 = arith.constant 0 : index
    %get3A_4 = vector.load %arg3[%get3A_2, %get3A_3] : memref<128x128xf32, #tpu.memory_space<vmem>>, vector<128x128xf32>
    %dot_general3A = arith.constant dense<0.000000e+00> : vector<400x128xf32>
    %dot_general3A_5 = tpu.matmul %get3A_1, %get3A_4, %dot_general3A {dimension_numbers = #tpu.dot_dimension_numbers<[1], [0], [0], [1], [0, 0, 1, 1], [], []>, transpose_lhs_hint = false} : vector<400x128xf32>, vector<128x128xf32>, vector<400x128xf32> -> vector<400x128xf32>
    %get3A_6 = arith.constant 0 : index
    %get3A_7 = arith.constant 0 : index
    %get3A_8 = vector.load %arg2[%get3A_6, %get3A_7] : memref<400x128xf32, #tpu.memory_space<vmem>>, vector<400x128xf32>
    %get3A_9 = arith.constant 0 : index
    %get3A_10 = arith.constant 0 : index
    %get3A_11 = vector.load %arg4[%get3A_9, %get3A_10] : memref<128x128xf32, #tpu.memory_space<vmem>>, vector<128x128xf32>
    %dot_general3A_12 = arith.constant dense<0.000000e+00> : vector<400x128xf32>
    %dot_general3A_13 = tpu.matmul %get3A_8, %get3A_11, %dot_general3A_12 {dimension_numbers = #tpu.dot_dimension_numbers<[1], [0], [0], [1], [0, 0, 1, 1], [], []>, transpose_lhs_hint = false} : vector<400x128xf32>, vector<128x128xf32>, vector<400x128xf32> -> vector<400x128xf32>
    %add3A = arith.addf %dot_general3A_5, %dot_general3A_13 : vector<400x128xf32>
    %max3A = arith.constant 0.000000e+00 : f32
    %max3A_14 = vector.broadcast %max3A : f32 to vector<400x128xf32>
    %max3A_15 = arith.maximumf %add3A, %max3A_14 : vector<400x128xf32>
    %swap3A = arith.constant 0 : index
    %swap3A_16 = arith.constant 0 : index
    %swap3A_17 = vector.load %arg5[%swap3A, %swap3A_16] : memref<400x128xf32, #tpu.memory_space<vmem>>, vector<400x128xf32>
    tpu.vector_store %arg5[%swap3A, %swap3A_16], %max3A_15 {strides = array<i32>} : memref<400x128xf32, #tpu.memory_space<vmem>>, vector<400x128xf32>,
    return
  }
  func.func @transform_0(%arg0: i32) -> (i32, i32) {
    %c0_i32 = arith.constant 0 : i32
    %c0_i32_0 = arith.constant 0 : i32
    return %arg0, %c0_i32 : i32, i32
  }
  func.func @transform_1(%arg0: i32) -> (i32, i32) {
    %c0_i32 = arith.constant 0 : i32
    %c0_i32_0 = arith.constant 0 : i32
    return %arg0, %c0_i32 : i32, i32
  }
  func.func @transform_2(%arg0: i32) -> (i32, i32) {
    %c0_i32 = arith.constant 0 : i32
    %c0_i32_0 = arith.constant 0 : i32
    %c0_i32_1 = arith.constant 0 : i32
    return %c0_i32, %c0_i32_0 : i32, i32
  }
  func.func @transform_3(%arg0: i32) -> (i32, i32) {
    %c0_i32 = arith.constant 0 : i32
    %c0_i32_0 = arith.constant 0 : i32
    %c0_i32_1 = arith.constant 0 : i32
    return %c0_i32, %c0_i32_0 : i32, i32
  }
  func.func @transform_4(%arg0: i32) -> (i32, i32) {
    %c0_i32 = arith.constant 0 : i32
    %c0_i32_0 = arith.constant 0 : i32
    return %arg0, %c0_i32 : i32, i32
  }
}

</mosaic_0001>

<sc_bundles>
// kernel: kernel.5.cloned.1.call-start
scs
__scs_entry_jumppad:
0x0: {  	(pc) =	sbr.rel $0x88, $3  }
0x1: {  	(tag) =	ssettag $0x0;
	lr =	simm.s32 $0x1  }
0x2: {  	[smem:$0x3F9D] =	sst lr;
	_ =	strace $0xD0000000  }
0x3: {  	_ = 	snop  }
0x4: {  	_ = 	snop  }
0x5: {  	_ = 	snop  }
0x6: {  	_ = 	snop  }
0x7: {  	_ = 	snop  }
__scs_overlays_trampoline_lowered:
0x8: {  	[smem:$0x3FAC] =	sst s0  }
0x9: {  	[smem:$0x3FAD] =	sst s1  }
0xa: {  	[smem:$0x3FAE] =	sst s2  }
0xb: {  	[smem:$0x3FAF] =	sst s3  }
0xc: {  	[smem:$0x3FB0] =	sst s4  }
0xd: {  	[smem:$0x3FB1] =	sst s5  }
0xe: {  	[smem:$0x3FB2] =	sst s6  }
0xf: {  	[smem:$0x3FB3] =	sst s7  }
0x10: {  	[smem:$0x3FB4] =	sst s8  }
0x11: {  	[smem:$0x3FB5] =	sst s9;
	s0 =	simm.s32 @!p0 $0x0  }
0x12: {  	s1 =	sld [smem:$0x3F9B];
	s0 =	simm.s32 @p0 $0x1  }
0x13: {  	[smem:$0x3FB6] =	sst s0;
	s0 =	simm.s32 @!p1 $0x0  }
0x14: {  	s2 =	sld [smem:$0x3F9A];
	s0 =	simm.s32 @p1 $0x1  }
0x15: {  	[smem:$0x3FB7] =	sst s0;
	s0 =	simm.s32 @!p2 $0x0  }
0x16: {  	s3 =	sld [smem:$0x3FDB];
	s0 =	simm.s32 @p2 $0x1  }
0x17: {  	s4 =	simm.s32 $0x1BF5;
	[smem:$0x3FB9] =	sst s0  }
0x18: {  	s0 =	sld [smem:$0x3F9C];
	_ =	swait.ge [sflag:s4], $0x0  }
0x19: {  	s7 =	sld [smem:$0x3F9D]  }
0x1a: {  	s8 =	sadd.s32 $0xFFFFE003, lr  }
0x1b: {  	s9 =	sadd.s32 $0xFFFFFEF7, lr;
	s5 =	simm.s32 $0xFFFFFFFF;
	p2 =	slt.u32 s8, $0xFFFFF086  }
0x1c: {  	p1 =	slt.u32 s9, $0xF7A;
	s5 =	simm.s32 @!p2 $0x0  }
0x1d: {  	s5 =	simm.s32 @p1 $0x1;
	p0 =	seq.s32 s7, s2  }
0x1e: {  	s7 =	smul.u32 @!p0 $0xF7A, s2;
	p2 =	seq.s32 @!p0 s5, $0x0  }
0x1f: {  	s9 =	smul.u32 $0xF7A, s1;
	s8 =	simm.s32 @!p0 $0x1BF5;
	p2 =	por !p2, p0  }
0x20: {  	[sflag:s8] =	ssyncset.s32 @!p0 $0xFFFFF086;
	s6 =	sadd.s32 @!p0 s3, s7;
	s7 =	simm.s32 @!p0 $0x108  }
0x21: {  	s3 =	sadd.s32 s3, s9;
	s6 =	sadd.s32 @!p0 $0x88, s6;
	s7 =	simm.s32 @p2 $0x1082  }
0x22: {  	[simem:s7], [sflag:s8] =	dma.local @!p0 [hbm:s6], $0xF7A  }
0x23: {  	s9 =	sor.u32 $0xD0000000, s2;
	s6 =	simm.s32 $0x108;
	_ =	swait.ge @!p0 [sflag:s8], $0x0  }
0x24: {  	s3 =	sadd.s32 $0x88, s3;
	s6 =	simm.s32 @!p1 $0x1082;
	[sflag:s4] =	ssyncset.s32 $0xFFFFF086  }
0x25: {  	[simem:s6], [sflag:s4] =	dma.local [hbm:s3], $0xF7A  }
0x26: {  	[smem:$0x3F9D] =	sst s1;
	(tag) =	ssettag s2;
	_ =	strace s9  }
0x27: {  	s1 =	sld [smem:$0x3FAD]  }
0x28: {  	s2 =	sld [smem:$0x3FAE]  }
0x29: {  	s4 =	sld [smem:$0x3FB0]  }
0x2a: {  	p0 =	seq.s32 s5, $0x0;
	s5 =	sld [smem:$0x3FB1]  }
0x2b: {  	s6 =	sld [smem:$0x3FB2]  }
0x2c: {  	s7 =	sld [smem:$0x3FB3]  }
0x2d: {  	s3 =	simm.s32 $0x108;
	s8 =	sld [smem:$0x3FB4]  }
0x2e: {  	s3 =	simm.s32 @!p0 $0x1082;
	s9 =	sld [smem:$0x3FB5]  }
0x2f: {  	lr =	sadd.s32 s0, s3;
	s0 =	sld [smem:$0x3FAC]  }
0x30: {  	s3 =	sld [smem:$0x3FAF]  }
0x31: {  	[smem:$0x3FB8] =	sst s10  }
0x32: {  	s10 =	sld [smem:$0x3FB6];
	_ =	sdelay $0x3  }
0x33: {  	p0 =	seq.s32 s10, $0x1;
	s10 =	sld [smem:$0x3FB8];
	_ =	sdelay $0x3  }
0x34: {  	[smem:$0x3FB8] =	sst s10  }
0x35: {  	s10 =	sld [smem:$0x3FB7];
	_ =	sdelay $0x3  }
0x36: {  	p1 =	seq.s32 s10, $0x1;
	s10 =	sld [smem:$0x3FB8];
	_ =	sdelay $0x3  }
0x37: {  	[smem:$0x3FB8] =	sst s10  }
0x38: {  	s10 =	sld [smem:$0x3FB9]  }
0x39: {  	_ = 	snop;
	(pc) =	sbr.ind lr, $3  }
0x3a: {  	_ = 	snop  }
0x3b: {  	_ = 	snop  }
0x3c: {  	p2 =	seq.s32 s10, $0x1;
	s10 =	sld [smem:$0x3FB8]  }
0x3d: {  	_ =	shalt  }
0x3e: {  	_ =	shalt  }
0x3f: {  	_ =	shalt  }
0x40: {  	_ =	shalt  }
0x41: {  	_ =	shalt  }
0x42: {  	_ =	shalt  }
0x43: {  	_ =	shalt  }
0x44: {  	_ =	shalt  }
0x45: {  	_ =	shalt  }
0x46: {  	_ =	shalt  }
0x47: {  	_ =	shalt  }
0x48: {  	_ =	shalt  }
0x49: {  	_ =	shalt  }
0x4a: {  	_ =	shalt  }
0x4b: {  	_ =	shalt  }
0x4c: {  	_ =	shalt  }
0x4d: {  	_ =	shalt  }
0x4e: {  	_ =	shalt  }
0x4f: {  	_ =	shalt  }
0x50: {  	_ =	shalt  }
0x51: {  	_ =	shalt  }
0x52: {  	_ =	shalt  }
0x53: {  	_ =	shalt  }
0x54: {  	_ =	shalt  }
0x55: {  	_ =	shalt  }
0x56: {  	_ =	shalt  }
0x57: {  	_ =	shalt  }
0x58: {  	_ =	shalt  }
0x59: {  	_ =	shalt  }
0x5a: {  	_ =	shalt  }
0x5b: {  	_ =	shalt  }
0x5c: {  	_ =	shalt  }
0x5d: {  	_ =	shalt  }
0x5e: {  	_ =	shalt  }
0x5f: {  	_ =	shalt  }
0x60: {  	_ =	shalt  }
0x61: {  	_ =	shalt  }
0x62: {  	_ =	shalt  }
0x63: {  	_ =	shalt  }
0x64: {  	_ =	shalt  }
0x65: {  	_ =	shalt  }
0x66: {  	_ =	shalt  }
0x67: {  	_ =	shalt  }
0x68: {  	_ =	shalt  }
0x69: {  	_ =	shalt  }
0x6a: {  	_ =	shalt  }
0x6b: {  	_ =	shalt  }
0x6c: {  	_ =	shalt  }
0x6d: {  	_ =	shalt  }
0x6e: {  	_ =	shalt  }
0x6f: {  	_ =	shalt  }
0x70: {  	_ =	shalt  }
0x71: {  	_ =	shalt  }
0x72: {  	_ =	shalt  }
0x73: {  	_ =	shalt  }
0x74: {  	_ =	shalt  }
0x75: {  	_ =	shalt  }
0x76: {  	_ =	shalt  }
0x77: {  	_ =	shalt  }
0x78: {  	_ =	shalt  }
0x79: {  	_ =	shalt  }
0x7a: {  	_ =	shalt  }
0x7b: {  	_ =	shalt  }
0x7c: {  	_ =	shalt  }
0x7d: {  	_ =	shalt  }
0x7e: {  	_ =	shalt  }
0x7f: {  	_ =	shalt  }
0x80: {  	_ =	shalt  }
0x81: {  	_ =	shalt  }
0x82: {  	_ =	shalt  }
0x83: {  	_ =	shalt  }
0x84: {  	_ =	shalt  }
0x85: {  	_ =	shalt  }
0x86: {  	_ =	shalt  }
0x87: {  	_ =	shalt  }
.Lfunc_end0:
.L_simem_size_0:
called_computation_lowered:
.L_overlay_start_0:
0x88: {  	s2 =	sld [smem:$0x3FD9]  }
0x89: {  	s3 =	sld [smem:$0x3FFE];
	_ =	sdelay $0x1  }
0x8a: {  	s1 =	srdreg.scid  }
0x8b: {  	s0 =	sand.u32 $0x1, s1  }
0x8c: {  	s18 =	sshll.u32 s0, $0xA;
	s2 =	sadd.s32 s3, s2  }
0x8d: {  	s2 =	sadd.s32 s2, s18  }
0x8e: {  	[smem:$0x3FC4] =	sst s2  }
0x8f: {  	_ = 	snop  }
0x90: {  	s2 =	sld [smem:$0x3FC8]  }
0x91: {  	s19 =	sld [smem:$0x3FD0];
	(tm) =	ssettm $0x1  }
0x92: {  	s4 =	sld [smem:$0x3FFB];
	_ =	sdelay $0x3  }
0x93: {  	_ =	strace s4  }
0x94: {  	s4 =	sld [smem:$0x3FFC];
	_ =	sdelay $0x3  }
0x95: {  	_ =	strace s4  }
0x96: {  	s4 =	sld [smem:$0x3FFD];
	_ =	sdelay $0x3  }
0x97: {  	_ =	strace s4  }
0x98: {  	_ =	strace $0x8FFFFFFF  }
0x99: {  	s20 =	sld [smem:$0x3FDB];
	_ =	sdelay $0x1  }
0x9a: {  	s5 =	simm.s32 $_scs_section_size  }
0x9b: {  	s6 =	simm.s32 $_size__tile_overlayer_lowered;
	s7 =	simm.s32 $_tile_overlayer_lowered  }
0x9c: {  	s23 =	simm.s32 $0x1BFF;
	s22 =	sshll.u32 s7, $0x1;
	s4 =	sadd.s32 s5, s20  }
0x9d: {  	s8 =	simm.s32 $0x0;
	s21 =	sshll.u32 s6, $0x1;
	s6 =	sadd.s32 s22, s4  }
0x9e: {  	[timem:s8], [sflag:s23] =	dma.local [hbm:s6], s21  }
0x9f: {  	_ =	swait.ge [sflag:s23], s21  }
0xa0: {  	s5 =	ssub.s32 $0x0, s21;
	[sflag:s23] =	ssyncset.done $0x0  }
0xa1: {  	[sflag:s23] =	ssyncadd.s32 s5;
	_ =	sdelay $0x1  }
0xa2: {  	s24 =	simm.s32 $0x1B8B  }
0xa3: {  	_ =	swait.ge [sflag:s24], $0x1  }
0xa4: {  	[sflag:s24] =	ssyncset.done $0x0  }
0xa5: {  	s25 =	simm.s32 $0x1B8E;
	[sflag:s24] =	ssyncadd.s32 $0xFFFFFFFF  }
0xa6: {  	s26 =	simm.s32 $execute0_lowered;
	[smem:$0x3FD2] =	sst s25  }
0xa7: {  	s5 =	sshll.u32 s26, $0x1;
	_ =	strace $0x80000046;
	[dreg:$0x1] =	wrdreg $0xFFFFFFFF  }
0xa8: {  	s28 =	simm.s32 $_size_execute0_lowered;
	s4 =	sadd.s32 s4, s5;
	[dreg:$0x0] =	wrdreg $0x0  }
0xa9: {  	s5 =	sshll.u32 s28, $0x1;
	[dreg:$0x2] =	wrdreg s4  }
0xaa: {  	[dreg:$0x3] =	wrdreg s5  }
0xab: {  	[dreg:$0x4] =	wrdreg $0xC0  }
0xac: {  	_ =	task [dreg:s8], $0x5FFFF  }
0xad: {  	[dreg:$0x1] =	wrdreg $0xFFFFFFFF  }
0xae: {  	[dreg:$0x0] =	wrdreg $0x60  }
0xaf: {  	[dreg:$0x2] =	wrdreg s2  }
0xb0: {  	[dreg:$0x3] =	wrdreg s19  }
0xb1: {  	[dreg:$0x4] =	wrdreg $0x9  }
0xb2: {  	_ =	task.clear_ibuf [dreg:s8], $0x5FFFF;
	_ =	strace $0x90000046  }
0xb3: {  	s29 =	simm.s32 $0x9;
	_ =	strace $0x80000048  }
0xb4: {  	_ =	swait.ge [sflag:s29], $0x1  }
0xb5: {  	[sflag:s29] =	ssyncadd.s32 $0xFFFFFFFF  }
0xb6: {  	_ =	strace $0x90000048  }
0xb7: {  	_ =	sfence  }
0xb8: {  	s30 =	sld [smem:$0x0];
	_ =	sdelay $0x2  }
0xb9: {  	s31 =	sshll.u32 s1, $0xD;
	s1 =	sshrl.u32 s1, $0x2  }
0xba: {  	s3 =	sand.u32 $0x4000, s31;
	s1 =	sadd.s32 s1, s30  }
0xbb: {  	s0 =	sor.u32 s3, s0;
	s1 =	sshll.u32 s1, $0x11  }
0xbc: {  	s0 =	sor.u32 s1, s0  }
0xbd: {  	s0 =	sadd.s32 $0x8F2B, s0  }
0xbe: {  	[sflag:s0] =	ssyncadd.remote.s32 $0x1  }
0xbf: {  	_ =	sfence.sel $0xFFFF  }
0xc0: {  	[dreg:$0x0] =	wrdreg $0xFFFFFFFF;
	(pc) =	sbr.abs _section_cstart, $3  }
0xc1: {  	[dreg:$0x1] =	wrdreg $0xFFFFFFFF  }
0xc2: {  	_ =	task.clear_ibuf [dreg:s8], $0x2FFFF;
	_ =	strace $0x9FFFFFFF  }
0xc3: {  	(tm) =	ssettm $0x7FFFFFFF  }
tec
execute0_lowered:
.L_overlay_start_1:
0x0: {  	(tag) =	ssettag $0x1  }
0x1: {  	s2 =	rddreg [dreg:$0x0]  }
0x2: {  	s1 =	srdreg.scid;
	s0 =	stileid.u32  }
0x3: {  	s8 =	rddreg [dreg:$0x1];
	s4 =	sand.u32 $0x1, s1;
	s5 =	sshll.u32 s0, $0x1  }
0x4: {  	s3 =	simm.s32 $0x0;
	s12 =	simm.s32 $0x2;
	s5 =	sor.u32 s4, s5  }
0x5: {  	s13 =	simm.s32 $0x14000;
	s14 =	simm.s32 $0x3;
	s6 =	smul.u32 $0x64000, s5  }
0x6: {  	s15 =	simm.s32 $0x0;
	s1 =	rddreg [dreg:$0x2];
	s10 =	smul.u32 $0xC800, s5  }
0x7: {  	[smem:$0x7FF] =	sst s3;
	s4 =	ssub.s32 $0x2, s4;
	s11 =	smul.u32 $0x680, s5  }
.Ltmp0:
0x8: {  	_ =	strace $0x80000047;
	s9 =	sshrl.u32 s4, $0x1;
	(pc) =	sbr.rel .LBB2_1-.Ltmp0, $4  }
0x9: {  	s7 =	smul.u32 $0x64, s5;
	s9 =	ssub.s32 s4, s9;
	s6 =	sshrl.u32 s6, $0x3  }
0xa: {  	s4 =	sadd.s32 s2, s10;
	s8 =	sadd.s32 s8, s11;
	s9 =	smax.u32 s9, $0x1  }
0xb: {  	s10 =	simm.s32 $0xA000;
	s11 =	simm.s32 $0x1;
	s6 =	sadd.s32 s2, s6  }
0xc: {  	s5 =	sadd.s32 $0x1400, s6;
	s6 =	sadd.s32 $0x14, s7;
	s7 =	sadd.s32 $0x1E, s7  }
.LBB2_44:
0xd: {  	s15 =	sadd.s32 $0x1, s15  }
0xe: {  	p0 =	sne.s32 s15, s9  }
.Ltmp1:
0xf: {  	_ = 	snop;
	(pc) =	sbr.rel @!p0 .LBB2_45-.Ltmp1, $4  }
0x10: {  	[hbm4b:s8+s3] =	stream.linear.scatter [tilespmem:s13], [sflag:$0x3], $0x3200, $0x38;
	[tilespmem:$0x17400] =	vst v63  }
0x11: {  	_ =	swait.ge [sflag:s14], $0x3200  }
0x12: {  	[sflag:s14] =	ssyncset.done $0x0  }
0x13: {  	[sflag:s14] =	ssyncadd.s32 $0xFFFFCE00  }
.LBB2_1:
0x14: {  	[tilespmem:s3], [sflag:$0x1] =	stream.linear.gather [hbm4b:s4+s3], $0xA000, $0x38;
	[tilespmem:$0x17400] =	vst v63  }
0x15: {  	s16 =	simm.s32 $0x0  }
0x16: {  	[tilespmem:s10], [sflag:$0x2] =	stream.linear.gather [hbm4b:s5+s3], $0xA000, $0x38;
	[tilespmem:$0x17400] =	vst v63  }
.LBB2_2:
0x17: {  	_ =	swait.ge [sflag:s11], $0xA000  }
0x18: {  	[sflag:s11] =	ssyncset.done $0x0  }
0x19: {  	s19 =	simm.s32 $0x0;
	[sflag:s11] =	ssyncadd.s32 $0xFFFF6000  }
0x1a: {  	v0 =	vld [tilespmem:s19+$0x70]  }
0x1b: {  	v1 =	vld [tilespmem:s19+$0x0]  }
0x1c: {  	v3 =	vld [tilespmem:s19+$0x10]  }
0x1d: {  	v12 =	vld [tilespmem:s19+$0x20]  }
0x1e: {  	v11 =	vld [tilespmem:s19+$0x30]  }
0x1f: {  	v2 =	vimm.f32 $0.0e+00;
	v8 =	vimm.f32 $0.0e+00;
	v5 =	vld [tilespmem:s19+$0x40]  }
0x20: {  	v9 =	vimm.f32 $0.0e+00;
	v6 =	vld [tilespmem:s19+$0x50];
	v0 =	vadd.f32 v0, v2;
	v7 =	vadd.f32 v1, v2  }
0x21: {  	s17 =	simm.s32 $0x80;
	s18 =	simm.s32 $0x400;
	v10 =	vld [tilespmem:s19+$0x60];
	v4 =	vadd.f32 v3, v2;
	v3 =	vimm.f32 $0.0e+00;
	v1 =	vimm.f32 $0.0e+00  }
.LBB2_3:
0x22: {  	p0 =	sne.s32 s18, $0x3E00;
	v13 =	vld [tilespmem:s17+$0x70];
	v2 =	vadd.f32 v12, v2  }
0x23: {  	v14 =	vld [tilespmem:s17+$0x0];
	v8 =	vadd.f32 v11, v8  }
0x24: {  	v15 =	vld [tilespmem:s17+$0x10];
	v9 =	vadd.f32 v5, v9  }
.Ltmp2:
0x25: {  	v12 =	vld [tilespmem:s17+$0x20];
	v3 =	vadd.f32 v6, v3;
	(pc) =	sbr.rel @p0 .LBB2_3-.Ltmp2, $4  }
0x26: {  	v11 =	vld [tilespmem:s17+$0x30];
	v1 =	vadd.f32 v10, v1  }
0x27: {  	v5 =	vld [tilespmem:s17+$0x40];
	v0 =	vadd.f32 v13, v0  }
0x28: {  	v7 =	vadd.f32 v14, v7;
	v6 =	vld [tilespmem:s17+$0x50]  }
0x29: {  	v4 =	vadd.f32 v15, v4;
	v10 =	vld [tilespmem:s17+$0x60];
	s17 =	sshra.s32 s18, $0x2;
	s18 =	sadd.s32 $0x200, s18  }
0x2a: {  	v13 =	vld [tilespmem:s17+$0x0]  }
0x2b: {  	v14 =	vld [tilespmem:s17+$0x10]  }
0x2c: {  	v15 =	vld [tilespmem:s17+$0x20]  }
0x2d: {  	v2 =	vadd.f32 v12, v2;
	v12 =	vld [tilespmem:s17+$0x50]  }
0x2e: {  	v8 =	vadd.f32 v11, v8;
	v11 =	vld [tilespmem:s17+$0x60]  }
0x2f: {  	v16 =	vld [tilespmem:s17+$0x30];
	v5 =	vadd.f32 v5, v9;
	v7 =	vadd.f32 v13, v7  }
0x30: {  	v17 =	vld [tilespmem:s17+$0x40];
	s18 =	smul.u32 $0x2800, s16;
	v3 =	vadd.f32 v6, v3;
	v4 =	vadd.f32 v14, v4  }
0x31: {  	v9 =	vld [tilespmem:s17+$0x70];
	v1 =	vadd.f32 v10, v1;
	v2 =	vadd.f32 v15, v2;
	v7 =	vmul.f32 $3.125000000e-02, v7  }
0x32: {  	s17 =	sshra.s32 s18, $0x2;
	v3 =	vadd.f32 v12, v3;
	v4 =	vmul.f32 $3.125000000e-02, v4  }
0x33: {  	v1 =	vadd.f32 v11, v1;
	v2 =	vmul.f32 $3.125000000e-02, v2;
	[tilespmem:s17+$0x14000] =	vst v7  }
0x34: {  	v6 =	vadd.f32 v16, v8;
	v3 =	vmul.f32 $3.125000000e-02, v3;
	[tilespmem:s17+$0x14010] =	vst v4  }
0x35: {  	v5 =	vadd.f32 v17, v5;
	v1 =	vmul.f32 $3.125000000e-02, v1;
	[tilespmem:s17+$0x14020] =	vst v2  }
0x36: {  	v0 =	vadd.f32 v9, v0;
	v4 =	vmul.f32 $3.125000000e-02, v6;
	[tilespmem:s17+$0x14050] =	vst v3  }
0x37: {  	v2 =	vmul.f32 $3.125000000e-02, v5;
	[tilespmem:s17+$0x14060] =	vst v1  }
0x38: {  	v0 =	vmul.f32 $3.125000000e-02, v0;
	[tilespmem:s17+$0x14030] =	vst v4  }
0x39: {  	[tilespmem:s17+$0x14040] =	vst v2  }
0x3a: {  	s20 =	simm.s32 $0x0;
	[tilespmem:s17+$0x14070] =	vst v0  }
0x3b: {  	v0 =	vld [tilespmem:s20+$0x1070]  }
0x3c: {  	v2 =	vld [tilespmem:s20+$0x1000]  }
0x3d: {  	v3 =	vld [tilespmem:s20+$0x1010]  }
0x3e: {  	v12 =	vld [tilespmem:s20+$0x1020]  }
0x3f: {  	v10 =	vld [tilespmem:s20+$0x1030]  }
0x40: {  	v9 =	vimm.f32 $0.0e+00;
	v1 =	vimm.f32 $0.0e+00;
	v7 =	vld [tilespmem:s20+$0x1040]  }
0x41: {  	v6 =	vimm.f32 $0.0e+00;
	v8 =	vld [tilespmem:s20+$0x1050];
	v0 =	vadd.f32 v0, v1;
	v5 =	vadd.f32 v2, v1  }
0x42: {  	s19 =	simm.s32 $0x400;
	s18 =	simm.s32 $0x80;
	v11 =	vld [tilespmem:s20+$0x1060];
	v4 =	vadd.f32 v3, v1;
	v3 =	vimm.f32 $0.0e+00;
	v2 =	vimm.f32 $0.0e+00  }
.LBB2_5:
0x43: {  	p0 =	sne.s32 s19, $0x3E00;
	v13 =	vld [tilespmem:s18+$0x1070];
	v1 =	vadd.f32 v12, v1  }
0x44: {  	v14 =	vld [tilespmem:s18+$0x1000];
	v6 =	vadd.f32 v10, v6  }
0x45: {  	v15 =	vld [tilespmem:s18+$0x1010];
	v9 =	vadd.f32 v7, v9  }
.Ltmp3:
0x46: {  	v12 =	vld [tilespmem:s18+$0x1020];
	v3 =	vadd.f32 v8, v3;
	(pc) =	sbr.rel @p0 .LBB2_5-.Ltmp3, $4  }
0x47: {  	v10 =	vld [tilespmem:s18+$0x1030];
	v2 =	vadd.f32 v11, v2  }
0x48: {  	v7 =	vld [tilespmem:s18+$0x1040];
	v0 =	vadd.f32 v13, v0  }
0x49: {  	v5 =	vadd.f32 v14, v5;
	v8 =	vld [tilespmem:s18+$0x1050]  }
0x4a: {  	v4 =	vadd.f32 v15, v4;
	v11 =	vld [tilespmem:s18+$0x1060];
	s18 =	sshra.s32 s19, $0x2;
	s19 =	sadd.s32 $0x200, s19  }
0x4b: {  	v13 =	vld [tilespmem:s18+$0x1000]  }
0x4c: {  	v14 =	vld [tilespmem:s18+$0x1010]  }
0x4d: {  	v15 =	vld [tilespmem:s18+$0x1020]  }
0x4e: {  	v1 =	vadd.f32 v12, v1;
	v12 =	vld [tilespmem:s18+$0x1050]  }
0x4f: {  	v16 =	vld [tilespmem:s18+$0x1030]  }
0x50: {  	v17 =	vld [tilespmem:s18+$0x1040];
	v7 =	vadd.f32 v7, v9;
	v5 =	vadd.f32 v13, v5  }
0x51: {  	v9 =	vld [tilespmem:s18+$0x1070];
	v3 =	vadd.f32 v8, v3;
	v4 =	vadd.f32 v14, v4  }
0x52: {  	v6 =	vadd.f32 v10, v6;
	v10 =	vld [tilespmem:s18+$0x1060];
	v1 =	vadd.f32 v15, v1;
	v5 =	vmul.f32 $3.125000000e-02, v5  }
0x53: {  	v3 =	vadd.f32 v12, v3;
	v4 =	vmul.f32 $3.125000000e-02, v4  }
0x54: {  	v6 =	vadd.f32 v16, v6;
	v1 =	vmul.f32 $3.125000000e-02, v1;
	[tilespmem:s17+$0x14080] =	vst v5  }
0x55: {  	v2 =	vadd.f32 v11, v2;
	v7 =	vadd.f32 v17, v7;
	v3 =	vmul.f32 $3.125000000e-02, v3;
	[tilespmem:s17+$0x14090] =	vst v4  }
0x56: {  	v0 =	vadd.f32 v9, v0;
	v4 =	vmul.f32 $3.125000000e-02, v6;
	[tilespmem:s17+$0x140A0] =	vst v1  }
0x57: {  	v2 =	vadd.f32 v10, v2;
	v1 =	vmul.f32 $3.125000000e-02, v7;
	[tilespmem:s17+$0x140D0] =	vst v3  }
0x58: {  	v0 =	vmul.f32 $3.125000000e-02, v0;
	[tilespmem:s17+$0x140B0] =	vst v4  }
0x59: {  	[tilespmem:s17+$0x140C0] =	vst v1;
	v1 =	vmul.f32 $3.125000000e-02, v2  }
0x5a: {  	[tilespmem:s17+$0x140F0] =	vst v0  }
0x5b: {  	s20 =	simm.s32 $0x0;
	[tilespmem:s17+$0x140E0] =	vst v1  }
0x5c: {  	v0 =	vld [tilespmem:s20+$0x2070]  }
0x5d: {  	v2 =	vld [tilespmem:s20+$0x2000]  }
0x5e: {  	v3 =	vld [tilespmem:s20+$0x2010]  }
0x5f: {  	v12 =	vld [tilespmem:s20+$0x2020]  }
0x60: {  	v10 =	vld [tilespmem:s20+$0x2030]  }
0x61: {  	v9 =	vimm.f32 $0.0e+00;
	v1 =	vimm.f32 $0.0e+00;
	v7 =	vld [tilespmem:s20+$0x2040]  }
0x62: {  	v6 =	vimm.f32 $0.0e+00;
	v8 =	vld [tilespmem:s20+$0x2050];
	v0 =	vadd.f32 v0, v1;
	v5 =	vadd.f32 v2, v1  }
0x63: {  	s19 =	simm.s32 $0x400;
	s18 =	simm.s32 $0x80;
	v11 =	vld [tilespmem:s20+$0x2060];
	v4 =	vadd.f32 v3, v1;
	v3 =	vimm.f32 $0.0e+00;
	v2 =	vimm.f32 $0.0e+00  }
.LBB2_7:
0x64: {  	p0 =	sne.s32 s19, $0x3E00;
	v13 =	vld [tilespmem:s18+$0x2070];
	v1 =	vadd.f32 v12, v1  }
0x65: {  	v14 =	vld [tilespmem:s18+$0x2000];
	v6 =	vadd.f32 v10, v6  }
0x66: {  	v15 =	vld [tilespmem:s18+$0x2010];
	v9 =	vadd.f32 v7, v9  }
.Ltmp4:
0x67: {  	v12 =	vld [tilespmem:s18+$0x2020];
	v3 =	vadd.f32 v8, v3;
	(pc) =	sbr.rel @p0 .LBB2_7-.Ltmp4, $4  }
0x68: {  	v10 =	vld [tilespmem:s18+$0x2030];
	v2 =	vadd.f32 v11, v2  }
0x69: {  	v7 =	vld [tilespmem:s18+$0x2040];
	v0 =	vadd.f32 v13, v0  }
0x6a: {  	v5 =	vadd.f32 v14, v5;
	v8 =	vld [tilespmem:s18+$0x2050]  }
0x6b: {  	v4 =	vadd.f32 v15, v4;
	v11 =	vld [tilespmem:s18+$0x2060];
	s18 =	sshra.s32 s19, $0x2;
	s19 =	sadd.s32 $0x200, s19  }
0x6c: {  	v13 =	vld [tilespmem:s18+$0x2000]  }
0x6d: {  	v14 =	vld [tilespmem:s18+$0x2010]  }
0x6e: {  	v15 =	vld [tilespmem:s18+$0x2020]  }
0x6f: {  	v1 =	vadd.f32 v12, v1;
	v12 =	vld [tilespmem:s18+$0x2050]  }
0x70: {  	v16 =	vld [tilespmem:s18+$0x2030]  }
0x71: {  	v17 =	vld [tilespmem:s18+$0x2040];
	v7 =	vadd.f32 v7, v9;
	v5 =	vadd.f32 v13, v5  }
0x72: {  	v9 =	vld [tilespmem:s18+$0x2070];
	v3 =	vadd.f32 v8, v3;
	v4 =	vadd.f32 v14, v4  }
0x73: {  	v6 =	vadd.f32 v10, v6;
	v10 =	vld [tilespmem:s18+$0x2060];
	v1 =	vadd.f32 v15, v1;
	v5 =	vmul.f32 $3.125000000e-02, v5  }
0x74: {  	v3 =	vadd.f32 v12, v3;
	v4 =	vmul.f32 $3.125000000e-02, v4  }
0x75: {  	v6 =	vadd.f32 v16, v6;
	v1 =	vmul.f32 $3.125000000e-02, v1;
	[tilespmem:s17+$0x14100] =	vst v5  }
0x76: {  	v2 =	vadd.f32 v11, v2;
	v7 =	vadd.f32 v17, v7;
	v3 =	vmul.f32 $3.125000000e-02, v3;
	[tilespmem:s17+$0x14110] =	vst v4  }
0x77: {  	v0 =	vadd.f32 v9, v0;
	v4 =	vmul.f32 $3.125000000e-02, v6;
	[tilespmem:s17+$0x14120] =	vst v1  }
0x78: {  	v2 =	vadd.f32 v10, v2;
	v1 =	vmul.f32 $3.125000000e-02, v7;
	[tilespmem:s17+$0x14150] =	vst v3  }
0x79: {  	v0 =	vmul.f32 $3.125000000e-02, v0;
	[tilespmem:s17+$0x14130] =	vst v4  }
0x7a: {  	[tilespmem:s17+$0x14140] =	vst v1;
	v1 =	vmul.f32 $3.125000000e-02, v2  }
0x7b: {  	[tilespmem:s17+$0x14170] =	vst v0  }
0x7c: {  	s20 =	simm.s32 $0x0;
	[tilespmem:s17+$0x14160] =	vst v1  }
0x7d: {  	v0 =	vld [tilespmem:s20+$0x3070]  }
0x7e: {  	v2 =	vld [tilespmem:s20+$0x3000]  }
0x7f: {  	v3 =	vld [tilespmem:s20+$0x3010]  }
0x80: {  	v12 =	vld [tilespmem:s20+$0x3020]  }
0x81: {  	v10 =	vld [tilespmem:s20+$0x3030]  }
0x82: {  	v9 =	vimm.f32 $0.0e+00;
	v1 =	vimm.f32 $0.0e+00;
	v7 =	vld [tilespmem:s20+$0x3040]  }
0x83: {  	v6 =	vimm.f32 $0.0e+00;
	v8 =	vld [tilespmem:s20+$0x3050];
	v0 =	vadd.f32 v0, v1;
	v5 =	vadd.f32 v2, v1  }
0x84: {  	s19 =	simm.s32 $0x400;
	s18 =	simm.s32 $0x80;
	v11 =	vld [tilespmem:s20+$0x3060];
	v4 =	vadd.f32 v3, v1;
	v3 =	vimm.f32 $0.0e+00;
	v2 =	vimm.f32 $0.0e+00  }
.LBB2_9:
0x85: {  	p0 =	sne.s32 s19, $0x3E00;
	v13 =	vld [tilespmem:s18+$0x3070];
	v1 =	vadd.f32 v12, v1  }
0x86: {  	v14 =	vld [tilespmem:s18+$0x3000];
	v6 =	vadd.f32 v10, v6  }
0x87: {  	v15 =	vld [tilespmem:s18+$0x3010];
	v9 =	vadd.f32 v7, v9  }
.Ltmp5:
0x88: {  	v12 =	vld [tilespmem:s18+$0x3020];
	v3 =	vadd.f32 v8, v3;
	(pc) =	sbr.rel @p0 .LBB2_9-.Ltmp5, $4  }
0x89: {  	v10 =	vld [tilespmem:s18+$0x3030];
	v2 =	vadd.f32 v11, v2  }
0x8a: {  	v7 =	vld [tilespmem:s18+$0x3040];
	v0 =	vadd.f32 v13, v0  }
0x8b: {  	v5 =	vadd.f32 v14, v5;
	v8 =	vld [tilespmem:s18+$0x3050]  }
0x8c: {  	v4 =	vadd.f32 v15, v4;
	v11 =	vld [tilespmem:s18+$0x3060];
	s18 =	sshra.s32 s19, $0x2;
	s19 =	sadd.s32 $0x200, s19  }
0x8d: {  	v13 =	vld [tilespmem:s18+$0x3000]  }
0x8e: {  	v14 =	vld [tilespmem:s18+$0x3010]  }
0x8f: {  	v15 =	vld [tilespmem:s18+$0x3020]  }
0x90: {  	v1 =	vadd.f32 v12, v1;
	v12 =	vld [tilespmem:s18+$0x3050]  }
0x91: {  	v16 =	vld [tilespmem:s18+$0x3030]  }
0x92: {  	v17 =	vld [tilespmem:s18+$0x3040];
	v7 =	vadd.f32 v7, v9;
	v5 =	vadd.f32 v13, v5  }
0x93: {  	v9 =	vld [tilespmem:s18+$0x3070];
	v3 =	vadd.f32 v8, v3;
	v4 =	vadd.f32 v14, v4  }
0x94: {  	v6 =	vadd.f32 v10, v6;
	v10 =	vld [tilespmem:s18+$0x3060];
	v1 =	vadd.f32 v15, v1;
	v5 =	vmul.f32 $3.125000000e-02, v5  }
0x95: {  	v3 =	vadd.f32 v12, v3;
	v4 =	vmul.f32 $3.125000000e-02, v4  }
0x96: {  	v6 =	vadd.f32 v16, v6;
	v1 =	vmul.f32 $3.125000000e-02, v1;
	[tilespmem:s17+$0x14180] =	vst v5  }
0x97: {  	v2 =	vadd.f32 v11, v2;
	v7 =	vadd.f32 v17, v7;
	v3 =	vmul.f32 $3.125000000e-02, v3;
	[tilespmem:s17+$0x14190] =	vst v4  }
0x98: {  	v0 =	vadd.f32 v9, v0;
	v4 =	vmul.f32 $3.125000000e-02, v6;
	[tilespmem:s17+$0x141A0] =	vst v1  }
0x99: {  	v2 =	vadd.f32 v10, v2;
	v1 =	vmul.f32 $3.125000000e-02, v7;
	[tilespmem:s17+$0x141D0] =	vst v3  }
0x9a: {  	v0 =	vmul.f32 $3.125000000e-02, v0;
	[tilespmem:s17+$0x141B0] =	vst v4  }
0x9b: {  	[tilespmem:s17+$0x141C0] =	vst v1;
	v1 =	vmul.f32 $3.125000000e-02, v2  }
0x9c: {  	[tilespmem:s17+$0x141F0] =	vst v0  }
0x9d: {  	s20 =	simm.s32 $0x0;
	[tilespmem:s17+$0x141E0] =	vst v1  }
0x9e: {  	v0 =	vld [tilespmem:s20+$0x4070]  }
0x9f: {  	v2 =	vld [tilespmem:s20+$0x4000]  }
0xa0: {  	v3 =	vld [tilespmem:s20+$0x4010]  }
0xa1: {  	v12 =	vld [tilespmem:s20+$0x4020]  }
0xa2: {  	v10 =	vld [tilespmem:s20+$0x4030]  }
0xa3: {  	v9 =	vimm.f32 $0.0e+00;
	v1 =	vimm.f32 $0.0e+00;
	v7 =	vld [tilespmem:s20+$0x4040]  }
0xa4: {  	v6 =	vimm.f32 $0.0e+00;
	v8 =	vld [tilespmem:s20+$0x4050];
	v0 =	vadd.f32 v0, v1;
	v5 =	vadd.f32 v2, v1  }
0xa5: {  	s19 =	simm.s32 $0x400;
	s18 =	simm.s32 $0x80;
	v11 =	vld [tilespmem:s20+$0x4060];
	v4 =	vadd.f32 v3, v1;
	v3 =	vimm.f32 $0.0e+00;
	v2 =	vimm.f32 $0.0e+00  }
.LBB2_11:
0xa6: {  	p0 =	sne.s32 s19, $0x3E00;
	v13 =	vld [tilespmem:s18+$0x4070];
	v1 =	vadd.f32 v12, v1  }
0xa7: {  	v14 =	vld [tilespmem:s18+$0x4000];
	v6 =	vadd.f32 v10, v6  }
0xa8: {  	v15 =	vld [tilespmem:s18+$0x4010];
	v9 =	vadd.f32 v7, v9  }
.Ltmp6:
0xa9: {  	v12 =	vld [tilespmem:s18+$0x4020];
	v3 =	vadd.f32 v8, v3;
	(pc) =	sbr.rel @p0 .LBB2_11-.Ltmp6, $4  }
0xaa: {  	v10 =	vld [tilespmem:s18+$0x4030];
	v2 =	vadd.f32 v11, v2  }
0xab: {  	v7 =	vld [tilespmem:s18+$0x4040];
	v0 =	vadd.f32 v13, v0  }
0xac: {  	v5 =	vadd.f32 v14, v5;
	v8 =	vld [tilespmem:s18+$0x4050]  }
0xad: {  	v4 =	vadd.f32 v15, v4;
	v11 =	vld [tilespmem:s18+$0x4060];
	s18 =	sshra.s32 s19, $0x2;
	s19 =	sadd.s32 $0x200, s19  }
0xae: {  	v13 =	vld [tilespmem:s18+$0x4000]  }
0xaf: {  	v14 =	vld [tilespmem:s18+$0x4010]  }
0xb0: {  	v15 =	vld [tilespmem:s18+$0x4020]  }
0xb1: {  	v1 =	vadd.f32 v12, v1;
	v12 =	vld [tilespmem:s18+$0x4050]  }
0xb2: {  	v16 =	vld [tilespmem:s18+$0x4030]  }
0xb3: {  	v17 =	vld [tilespmem:s18+$0x4040];
	v7 =	vadd.f32 v7, v9;
	v5 =	vadd.f32 v13, v5  }
0xb4: {  	v9 =	vld [tilespmem:s18+$0x4070];
	v3 =	vadd.f32 v8, v3;
	v4 =	vadd.f32 v14, v4  }
0xb5: {  	v6 =	vadd.f32 v10, v6;
	v10 =	vld [tilespmem:s18+$0x4060];
	v1 =	vadd.f32 v15, v1;
	v5 =	vmul.f32 $3.125000000e-02, v5  }
0xb6: {  	v3 =	vadd.f32 v12, v3;
	v4 =	vmul.f32 $3.125000000e-02, v4  }
0xb7: {  	v6 =	vadd.f32 v16, v6;
	v1 =	vmul.f32 $3.125000000e-02, v1;
	[tilespmem:s17+$0x14200] =	vst v5  }
0xb8: {  	v2 =	vadd.f32 v11, v2;
	v7 =	vadd.f32 v17, v7;
	v3 =	vmul.f32 $3.125000000e-02, v3;
	[tilespmem:s17+$0x14210] =	vst v4  }
0xb9: {  	v0 =	vadd.f32 v9, v0;
	v4 =	vmul.f32 $3.125000000e-02, v6;
	[tilespmem:s17+$0x14220] =	vst v1  }
0xba: {  	v2 =	vadd.f32 v10, v2;
	v1 =	vmul.f32 $3.125000000e-02, v7;
	[tilespmem:s17+$0x14250] =	vst v3  }
0xbb: {  	v0 =	vmul.f32 $3.125000000e-02, v0;
	[tilespmem:s17+$0x14230] =	vst v4  }
0xbc: {  	[tilespmem:s17+$0x14240] =	vst v1;
	v1 =	vmul.f32 $3.125000000e-02, v2  }
0xbd: {  	[tilespmem:s17+$0x14270] =	vst v0  }
0xbe: {  	s20 =	simm.s32 $0x0;
	[tilespmem:s17+$0x14260] =	vst v1  }
0xbf: {  	v0 =	vld [tilespmem:s20+$0x5070]  }
0xc0: {  	v2 =	vld [tilespmem:s20+$0x5000]  }
0xc1: {  	v3 =	vld [tilespmem:s20+$0x5010]  }
0xc2: {  	v12 =	vld [tilespmem:s20+$0x5020]  }
0xc3: {  	v10 =	vld [tilespmem:s20+$0x5030]  }
0xc4: {  	v9 =	vimm.f32 $0.0e+00;
	v1 =	vimm.f32 $0.0e+00;
	v7 =	vld [tilespmem:s20+$0x5040]  }
0xc5: {  	v6 =	vimm.f32 $0.0e+00;
	v8 =	vld [tilespmem:s20+$0x5050];
	v0 =	vadd.f32 v0, v1;
	v5 =	vadd.f32 v2, v1  }
0xc6: {  	s19 =	simm.s32 $0x400;
	s18 =	simm.s32 $0x80;
	v11 =	vld [tilespmem:s20+$0x5060];
	v4 =	vadd.f32 v3, v1;
	v3 =	vimm.f32 $0.0e+00;
	v2 =	vimm.f32 $0.0e+00  }
.LBB2_13:
0xc7: {  	p0 =	sne.s32 s19, $0x3E00;
	v13 =	vld [tilespmem:s18+$0x5070];
	v1 =	vadd.f32 v12, v1  }
0xc8: {  	v14 =	vld [tilespmem:s18+$0x5000];
	v6 =	vadd.f32 v10, v6  }
0xc9: {  	v15 =	vld [tilespmem:s18+$0x5010];
	v9 =	vadd.f32 v7, v9  }
.Ltmp7:
0xca: {  	v12 =	vld [tilespmem:s18+$0x5020];
	v3 =	vadd.f32 v8, v3;
	(pc) =	sbr.rel @p0 .LBB2_13-.Ltmp7, $4  }
0xcb: {  	v10 =	vld [tilespmem:s18+$0x5030];
	v2 =	vadd.f32 v11, v2  }
0xcc: {  	v7 =	vld [tilespmem:s18+$0x5040];
	v0 =	vadd.f32 v13, v0  }
0xcd: {  	v5 =	vadd.f32 v14, v5;
	v8 =	vld [tilespmem:s18+$0x5050]  }
0xce: {  	v4 =	vadd.f32 v15, v4;
	v11 =	vld [tilespmem:s18+$0x5060];
	s18 =	sshra.s32 s19, $0x2;
	s19 =	sadd.s32 $0x200, s19  }
0xcf: {  	v13 =	vld [tilespmem:s18+$0x5000]  }
0xd0: {  	v14 =	vld [tilespmem:s18+$0x5010]  }
0xd1: {  	v15 =	vld [tilespmem:s18+$0x5020]  }
0xd2: {  	v1 =	vadd.f32 v12, v1;
	v12 =	vld [tilespmem:s18+$0x5050]  }
0xd3: {  	v16 =	vld [tilespmem:s18+$0x5030]  }
0xd4: {  	v17 =	vld [tilespmem:s18+$0x5040];
	v7 =	vadd.f32 v7, v9;
	v5 =	vadd.f32 v13, v5  }
0xd5: {  	v9 =	vld [tilespmem:s18+$0x5070];
	v3 =	vadd.f32 v8, v3;
	v4 =	vadd.f32 v14, v4  }
0xd6: {  	v6 =	vadd.f32 v10, v6;
	v10 =	vld [tilespmem:s18+$0x5060];
	v1 =	vadd.f32 v15, v1;
	v5 =	vmul.f32 $3.125000000e-02, v5  }
0xd7: {  	v3 =	vadd.f32 v12, v3;
	v4 =	vmul.f32 $3.125000000e-02, v4  }
0xd8: {  	v6 =	vadd.f32 v16, v6;
	v1 =	vmul.f32 $3.125000000e-02, v1;
	[tilespmem:s17+$0x14280] =	vst v5  }
0xd9: {  	v2 =	vadd.f32 v11, v2;
	v7 =	vadd.f32 v17, v7;
	v3 =	vmul.f32 $3.125000000e-02, v3;
	[tilespmem:s17+$0x14290] =	vst v4  }
0xda: {  	v0 =	vadd.f32 v9, v0;
	v4 =	vmul.f32 $3.125000000e-02, v6;
	[tilespmem:s17+$0x142A0] =	vst v1  }
0xdb: {  	v2 =	vadd.f32 v10, v2;
	v1 =	vmul.f32 $3.125000000e-02, v7;
	[tilespmem:s17+$0x142D0] =	vst v3  }
0xdc: {  	v0 =	vmul.f32 $3.125000000e-02, v0;
	[tilespmem:s17+$0x142B0] =	vst v4  }
0xdd: {  	[tilespmem:s17+$0x142C0] =	vst v1;
	v1 =	vmul.f32 $3.125000000e-02, v2  }
0xde: {  	[tilespmem:s17+$0x142F0] =	vst v0  }
0xdf: {  	s20 =	simm.s32 $0x0;
	[tilespmem:s17+$0x142E0] =	vst v1  }
0xe0: {  	v0 =	vld [tilespmem:s20+$0x6070]  }
0xe1: {  	v2 =	vld [tilespmem:s20+$0x6000]  }
0xe2: {  	v3 =	vld [tilespmem:s20+$0x6010]  }
0xe3: {  	v12 =	vld [tilespmem:s20+$0x6020]  }
0xe4: {  	v10 =	vld [tilespmem:s20+$0x6030]  }
0xe5: {  	v9 =	vimm.f32 $0.0e+00;
	v1 =	vimm.f32 $0.0e+00;
	v7 =	vld [tilespmem:s20+$0x6040]  }
0xe6: {  	v6 =	vimm.f32 $0.0e+00;
	v8 =	vld [tilespmem:s20+$0x6050];
	v0 =	vadd.f32 v0, v1;
	v5 =	vadd.f32 v2, v1  }
0xe7: {  	s19 =	simm.s32 $0x400;
	s18 =	simm.s32 $0x80;
	v11 =	vld [tilespmem:s20+$0x6060];
	v4 =	vadd.f32 v3, v1;
	v3 =	vimm.f32 $0.0e+00;
	v2 =	vimm.f32 $0.0e+00  }
.LBB2_15:
0xe8: {  	p0 =	sne.s32 s19, $0x3E00;
	v13 =	vld [tilespmem:s18+$0x6070];
	v1 =	vadd.f32 v12, v1  }
0xe9: {  	v14 =	vld [tilespmem:s18+$0x6000];
	v6 =	vadd.f32 v10, v6  }
0xea: {  	v15 =	vld [tilespmem:s18+$0x6010];
	v9 =	vadd.f32 v7, v9  }
.Ltmp8:
0xeb: {  	v12 =	vld [tilespmem:s18+$0x6020];
	v3 =	vadd.f32 v8, v3;
	(pc) =	sbr.rel @p0 .LBB2_15-.Ltmp8, $4  }
0xec: {  	v10 =	vld [tilespmem:s18+$0x6030];
	v2 =	vadd.f32 v11, v2  }
0xed: {  	v7 =	vld [tilespmem:s18+$0x6040];
	v0 =	vadd.f32 v13, v0  }
0xee: {  	v5 =	vadd.f32 v14, v5;
	v8 =	vld [tilespmem:s18+$0x6050]  }
0xef: {  	v4 =	vadd.f32 v15, v4;
	v11 =	vld [tilespmem:s18+$0x6060];
	s18 =	sshra.s32 s19, $0x2;
	s19 =	sadd.s32 $0x200, s19  }
0xf0: {  	v13 =	vld [tilespmem:s18+$0x6000]  }
0xf1: {  	v14 =	vld [tilespmem:s18+$0x6010]  }
0xf2: {  	v15 =	vld [tilespmem:s18+$0x6020]  }
0xf3: {  	v1 =	vadd.f32 v12, v1;
	v12 =	vld [tilespmem:s18+$0x6050]  }
0xf4: {  	v16 =	vld [tilespmem:s18+$0x6030]  }
0xf5: {  	v17 =	vld [tilespmem:s18+$0x6040];
	v7 =	vadd.f32 v7, v9;
	v5 =	vadd.f32 v13, v5  }
0xf6: {  	v9 =	vld [tilespmem:s18+$0x6070];
	v3 =	vadd.f32 v8, v3;
	v4 =	vadd.f32 v14, v4  }
0xf7: {  	v6 =	vadd.f32 v10, v6;
	v10 =	vld [tilespmem:s18+$0x6060];
	v1 =	vadd.f32 v15, v1;
	v5 =	vmul.f32 $3.125000000e-02, v5  }
0xf8: {  	v3 =	vadd.f32 v12, v3;
	v4 =	vmul.f32 $3.125000000e-02, v4  }
0xf9: {  	v6 =	vadd.f32 v16, v6;
	v1 =	vmul.f32 $3.125000000e-02, v1;
	[tilespmem:s17+$0x14300] =	vst v5  }
0xfa: {  	v2 =	vadd.f32 v11, v2;
	v7 =	vadd.f32 v17, v7;
	v3 =	vmul.f32 $3.125000000e-02, v3;
	[tilespmem:s17+$0x14310] =	vst v4  }
0xfb: {  	v0 =	vadd.f32 v9, v0;
	v4 =	vmul.f32 $3.125000000e-02, v6;
	[tilespmem:s17+$0x14320] =	vst v1  }
0xfc: {  	v2 =	vadd.f32 v10, v2;
	v1 =	vmul.f32 $3.125000000e-02, v7;
	[tilespmem:s17+$0x14350] =	vst v3  }
0xfd: {  	v0 =	vmul.f32 $3.125000000e-02, v0;
	[tilespmem:s17+$0x14330] =	vst v4  }
0xfe: {  	[tilespmem:s17+$0x14340] =	vst v1;
	v1 =	vmul.f32 $3.125000000e-02, v2  }
0xff: {  	[tilespmem:s17+$0x14370] =	vst v0  }
0x100: {  	s20 =	simm.s32 $0x0;
	[tilespmem:s17+$0x14360] =	vst v1  }
0x101: {  	v0 =	vld [tilespmem:s20+$0x7070]  }
0x102: {  	v2 =	vld [tilespmem:s20+$0x7000]  }
0x103: {  	v3 =	vld [tilespmem:s20+$0x7010]  }
0x104: {  	v12 =	vld [tilespmem:s20+$0x7020]  }
0x105: {  	v10 =	vld [tilespmem:s20+$0x7030]  }
0x106: {  	v9 =	vimm.f32 $0.0e+00;
	v1 =	vimm.f32 $0.0e+00;
	v7 =	vld [tilespmem:s20+$0x7040]  }
0x107: {  	v6 =	vimm.f32 $0.0e+00;
	v8 =	vld [tilespmem:s20+$0x7050];
	v0 =	vadd.f32 v0, v1;
	v5 =	vadd.f32 v2, v1  }
0x108: {  	s19 =	simm.s32 $0x400;
	s18 =	simm.s32 $0x80;
	v11 =	vld [tilespmem:s20+$0x7060];
	v4 =	vadd.f32 v3, v1;
	v3 =	vimm.f32 $0.0e+00;
	v2 =	vimm.f32 $0.0e+00  }
.LBB2_17:
0x109: {  	p0 =	sne.s32 s19, $0x3E00;
	v13 =	vld [tilespmem:s18+$0x7070];
	v1 =	vadd.f32 v12, v1  }
0x10a: {  	v14 =	vld [tilespmem:s18+$0x7000];
	v6 =	vadd.f32 v10, v6  }
0x10b: {  	v15 =	vld [tilespmem:s18+$0x7010];
	v9 =	vadd.f32 v7, v9  }
.Ltmp9:
0x10c: {  	v12 =	vld [tilespmem:s18+$0x7020];
	v3 =	vadd.f32 v8, v3;
	(pc) =	sbr.rel @p0 .LBB2_17-.Ltmp9, $4  }
0x10d: {  	v10 =	vld [tilespmem:s18+$0x7030];
	v2 =	vadd.f32 v11, v2  }
0x10e: {  	v7 =	vld [tilespmem:s18+$0x7040];
	v0 =	vadd.f32 v13, v0  }
0x10f: {  	v5 =	vadd.f32 v14, v5;
	v8 =	vld [tilespmem:s18+$0x7050]  }
0x110: {  	v4 =	vadd.f32 v15, v4;
	v11 =	vld [tilespmem:s18+$0x7060];
	s18 =	sshra.s32 s19, $0x2;
	s19 =	sadd.s32 $0x200, s19  }
0x111: {  	v13 =	vld [tilespmem:s18+$0x7000]  }
0x112: {  	v14 =	vld [tilespmem:s18+$0x7010]  }
0x113: {  	v15 =	vld [tilespmem:s18+$0x7020]  }
0x114: {  	v1 =	vadd.f32 v12, v1;
	v12 =	vld [tilespmem:s18+$0x7050]  }
0x115: {  	v16 =	vld [tilespmem:s18+$0x7030]  }
0x116: {  	v17 =	vld [tilespmem:s18+$0x7040];
	v7 =	vadd.f32 v7, v9;
	v5 =	vadd.f32 v13, v5  }
0x117: {  	v9 =	vld [tilespmem:s18+$0x7070];
	v3 =	vadd.f32 v8, v3;
	v4 =	vadd.f32 v14, v4  }
0x118: {  	v6 =	vadd.f32 v10, v6;
	v10 =	vld [tilespmem:s18+$0x7060];
	v1 =	vadd.f32 v15, v1;
	v5 =	vmul.f32 $3.125000000e-02, v5  }
0x119: {  	v3 =	vadd.f32 v12, v3;
	v4 =	vmul.f32 $3.125000000e-02, v4  }
0x11a: {  	v6 =	vadd.f32 v16, v6;
	v1 =	vmul.f32 $3.125000000e-02, v1;
	[tilespmem:s17+$0x14380] =	vst v5  }
0x11b: {  	v2 =	vadd.f32 v11, v2;
	v7 =	vadd.f32 v17, v7;
	v3 =	vmul.f32 $3.125000000e-02, v3;
	[tilespmem:s17+$0x14390] =	vst v4  }
0x11c: {  	v0 =	vadd.f32 v9, v0;
	v4 =	vmul.f32 $3.125000000e-02, v6;
	[tilespmem:s17+$0x143A0] =	vst v1  }
0x11d: {  	v2 =	vadd.f32 v10, v2;
	v1 =	vmul.f32 $3.125000000e-02, v7;
	[tilespmem:s17+$0x143D0] =	vst v3  }
0x11e: {  	v0 =	vmul.f32 $3.125000000e-02, v0;
	[tilespmem:s17+$0x143B0] =	vst v4  }
0x11f: {  	[tilespmem:s17+$0x143C0] =	vst v1;
	v1 =	vmul.f32 $3.125000000e-02, v2  }
0x120: {  	[tilespmem:s17+$0x143F0] =	vst v0  }
0x121: {  	s20 =	simm.s32 $0x0;
	[tilespmem:s17+$0x143E0] =	vst v1  }
0x122: {  	v0 =	vld [tilespmem:s20+$0x8070]  }
0x123: {  	v2 =	vld [tilespmem:s20+$0x8000]  }
0x124: {  	v3 =	vld [tilespmem:s20+$0x8010]  }
0x125: {  	v12 =	vld [tilespmem:s20+$0x8020]  }
0x126: {  	v10 =	vld [tilespmem:s20+$0x8030]  }
0x127: {  	v9 =	vimm.f32 $0.0e+00;
	v1 =	vimm.f32 $0.0e+00;
	v7 =	vld [tilespmem:s20+$0x8040]  }
0x128: {  	v6 =	vimm.f32 $0.0e+00;
	v8 =	vld [tilespmem:s20+$0x8050];
	v0 =	vadd.f32 v0, v1;
	v5 =	vadd.f32 v2, v1  }
0x129: {  	s19 =	simm.s32 $0x400;
	s18 =	simm.s32 $0x80;
	v11 =	vld [tilespmem:s20+$0x8060];
	v4 =	vadd.f32 v3, v1;
	v3 =	vimm.f32 $0.0e+00;
	v2 =	vimm.f32 $0.0e+00  }
.LBB2_19:
0x12a: {  	p0 =	sne.s32 s19, $0x3E00;
	v13 =	vld [tilespmem:s18+$0x8070];
	v1 =	vadd.f32 v12, v1  }
0x12b: {  	v14 =	vld [tilespmem:s18+$0x8000];
	v6 =	vadd.f32 v10, v6  }
0x12c: {  	v15 =	vld [tilespmem:s18+$0x8010];
	v9 =	vadd.f32 v7, v9  }
.Ltmp10:
0x12d: {  	v12 =	vld [tilespmem:s18+$0x8020];
	v3 =	vadd.f32 v8, v3;
	(pc) =	sbr.rel @p0 .LBB2_19-.Ltmp10, $4  }
0x12e: {  	v10 =	vld [tilespmem:s18+$0x8030];
	v2 =	vadd.f32 v11, v2  }
0x12f: {  	v7 =	vld [tilespmem:s18+$0x8040];
	v0 =	vadd.f32 v13, v0  }
0x130: {  	v5 =	vadd.f32 v14, v5;
	v8 =	vld [tilespmem:s18+$0x8050]  }
0x131: {  	v4 =	vadd.f32 v15, v4;
	v11 =	vld [tilespmem:s18+$0x8060];
	s18 =	sshra.s32 s19, $0x2;
	s19 =	sadd.s32 $0x200, s19  }
0x132: {  	v13 =	vld [tilespmem:s18+$0x8000]  }
0x133: {  	v14 =	vld [tilespmem:s18+$0x8010]  }
0x134: {  	v15 =	vld [tilespmem:s18+$0x8020]  }
0x135: {  	v1 =	vadd.f32 v12, v1;
	v12 =	vld [tilespmem:s18+$0x8050]  }
0x136: {  	v16 =	vld [tilespmem:s18+$0x8030]  }
0x137: {  	v17 =	vld [tilespmem:s18+$0x8040];
	v7 =	vadd.f32 v7, v9;
	v5 =	vadd.f32 v13, v5  }
0x138: {  	v9 =	vld [tilespmem:s18+$0x8070];
	v3 =	vadd.f32 v8, v3;
	v4 =	vadd.f32 v14, v4  }
0x139: {  	v6 =	vadd.f32 v10, v6;
	v10 =	vld [tilespmem:s18+$0x8060];
	v1 =	vadd.f32 v15, v1;
	v5 =	vmul.f32 $3.125000000e-02, v5  }
0x13a: {  	v3 =	vadd.f32 v12, v3;
	v4 =	vmul.f32 $3.125000000e-02, v4  }
0x13b: {  	v6 =	vadd.f32 v16, v6;
	v1 =	vmul.f32 $3.125000000e-02, v1;
	[tilespmem:s17+$0x14400] =	vst v5  }
0x13c: {  	v2 =	vadd.f32 v11, v2;
	v7 =	vadd.f32 v17, v7;
	v3 =	vmul.f32 $3.125000000e-02, v3;
	[tilespmem:s17+$0x14410] =	vst v4  }
0x13d: {  	v0 =	vadd.f32 v9, v0;
	v4 =	vmul.f32 $3.125000000e-02, v6;
	[tilespmem:s17+$0x14420] =	vst v1  }
0x13e: {  	v2 =	vadd.f32 v10, v2;
	v1 =	vmul.f32 $3.125000000e-02, v7;
	[tilespmem:s17+$0x14450] =	vst v3  }
0x13f: {  	v0 =	vmul.f32 $3.125000000e-02, v0;
	[tilespmem:s17+$0x14430] =	vst v4  }
0x140: {  	[tilespmem:s17+$0x14440] =	vst v1;
	v1 =	vmul.f32 $3.125000000e-02, v2  }
0x141: {  	[tilespmem:s17+$0x14470] =	vst v0  }
0x142: {  	s20 =	simm.s32 $0x0;
	[tilespmem:s17+$0x14460] =	vst v1  }
0x143: {  	v0 =	vld [tilespmem:s20+$0x9070]  }
0x144: {  	v2 =	vld [tilespmem:s20+$0x9000]  }
0x145: {  	v3 =	vld [tilespmem:s20+$0x9010]  }
0x146: {  	v12 =	vld [tilespmem:s20+$0x9020]  }
0x147: {  	v10 =	vld [tilespmem:s20+$0x9030]  }
0x148: {  	v9 =	vimm.f32 $0.0e+00;
	v1 =	vimm.f32 $0.0e+00;
	v7 =	vld [tilespmem:s20+$0x9040]  }
0x149: {  	v6 =	vimm.f32 $0.0e+00;
	v8 =	vld [tilespmem:s20+$0x9050];
	v0 =	vadd.f32 v0, v1;
	v5 =	vadd.f32 v2, v1  }
0x14a: {  	s19 =	simm.s32 $0x400;
	s18 =	simm.s32 $0x80;
	v11 =	vld [tilespmem:s20+$0x9060];
	v4 =	vadd.f32 v3, v1;
	v3 =	vimm.f32 $0.0e+00;
	v2 =	vimm.f32 $0.0e+00  }
.LBB2_21:
0x14b: {  	p0 =	sne.s32 s19, $0x3E00;
	v13 =	vld [tilespmem:s18+$0x9070];
	v1 =	vadd.f32 v12, v1  }
0x14c: {  	v14 =	vld [tilespmem:s18+$0x9000];
	v6 =	vadd.f32 v10, v6  }
0x14d: {  	v15 =	vld [tilespmem:s18+$0x9010];
	v9 =	vadd.f32 v7, v9  }
.Ltmp11:
0x14e: {  	v12 =	vld [tilespmem:s18+$0x9020];
	v3 =	vadd.f32 v8, v3;
	(pc) =	sbr.rel @p0 .LBB2_21-.Ltmp11, $4  }
0x14f: {  	v10 =	vld [tilespmem:s18+$0x9030];
	v2 =	vadd.f32 v11, v2  }
0x150: {  	v7 =	vld [tilespmem:s18+$0x9040];
	v0 =	vadd.f32 v13, v0  }
0x151: {  	v5 =	vadd.f32 v14, v5;
	v8 =	vld [tilespmem:s18+$0x9050]  }
0x152: {  	v4 =	vadd.f32 v15, v4;
	v11 =	vld [tilespmem:s18+$0x9060];
	s18 =	sshra.s32 s19, $0x2;
	s19 =	sadd.s32 $0x200, s19  }
0x153: {  	v13 =	vld [tilespmem:s18+$0x9000]  }
0x154: {  	v14 =	vld [tilespmem:s18+$0x9010]  }
0x155: {  	v15 =	vld [tilespmem:s18+$0x9020]  }
0x156: {  	v1 =	vadd.f32 v12, v1;
	v12 =	vld [tilespmem:s18+$0x9050]  }
0x157: {  	v16 =	vld [tilespmem:s18+$0x9030]  }
0x158: {  	v17 =	vld [tilespmem:s18+$0x9040];
	v7 =	vadd.f32 v7, v9;
	v5 =	vadd.f32 v13, v5  }
0x159: {  	v9 =	vld [tilespmem:s18+$0x9070];
	v3 =	vadd.f32 v8, v3;
	v4 =	vadd.f32 v14, v4  }
0x15a: {  	v6 =	vadd.f32 v10, v6;
	v10 =	vld [tilespmem:s18+$0x9060];
	v1 =	vadd.f32 v15, v1;
	v5 =	vmul.f32 $3.125000000e-02, v5  }
0x15b: {  	v3 =	vadd.f32 v12, v3;
	v4 =	vmul.f32 $3.125000000e-02, v4  }
0x15c: {  	v6 =	vadd.f32 v16, v6;
	v1 =	vmul.f32 $3.125000000e-02, v1;
	[tilespmem:s17+$0x14480] =	vst v5  }
0x15d: {  	p0 =	seq.s32 s16, $0x4;
	v2 =	vadd.f32 v11, v2;
	v7 =	vadd.f32 v17, v7;
	v3 =	vmul.f32 $3.125000000e-02, v3;
	[tilespmem:s17+$0x14490] =	vst v4  }
0x15e: {  	s18 =	smul.u32 @!p0 $0x14, s16;
	v0 =	vadd.f32 v9, v0;
	v4 =	vmul.f32 $3.125000000e-02, v6;
	[tilespmem:s17+$0x144A0] =	vst v1  }
0x15f: {  	v2 =	vadd.f32 v10, v2;
	v1 =	vmul.f32 $3.125000000e-02, v7;
	[tilespmem:s17+$0x144D0] =	vst v3  }
0x160: {  	s18 =	sadd.s32 @!p0 s18, s6;
	v0 =	vmul.f32 $3.125000000e-02, v0;
	[tilespmem:s17+$0x144B0] =	vst v4  }
0x161: {  	s18 =	sshll.u32 @!p0 s18, $0x9;
	[tilespmem:s17+$0x144C0] =	vst v1;
	v1 =	vmul.f32 $3.125000000e-02, v2  }
0x162: {  	s18 =	sand.u32 @!p0 $0x1FFFF800, s18;
	[tilespmem:s17+$0x144F0] =	vst v0  }
0x163: {  	s19 =	simm.s32 @!p0 $0x0;
	s18 =	sadd.s32 @!p0 s2, s18;
	[tilespmem:s17+$0x144E0] =	vst v1  }
0x164: {  	[tilespmem:s19], [sflag:$0x1] =	stream.linear.gather @!p0 [hbm4b:s18+s19], $0xA000, $0x38;
	[tilespmem:$0x17400] =	vst v63  }
0x165: {  	_ =	swait.ge [sflag:s12], $0xA000  }
0x166: {  	[sflag:s12] =	ssyncset.done $0x0  }
0x167: {  	s20 =	simm.s32 $0x0;
	[sflag:s12] =	ssyncadd.s32 $0xFFFF6000  }
0x168: {  	v0 =	vld [tilespmem:s20+$0xA070]  }
0x169: {  	v2 =	vld [tilespmem:s20+$0xA000]  }
0x16a: {  	v3 =	vld [tilespmem:s20+$0xA010]  }
0x16b: {  	v12 =	vld [tilespmem:s20+$0xA020]  }
0x16c: {  	v10 =	vld [tilespmem:s20+$0xA030]  }
0x16d: {  	v9 =	vimm.f32 $0.0e+00;
	v1 =	vimm.f32 $0.0e+00;
	v7 =	vld [tilespmem:s20+$0xA040]  }
0x16e: {  	v6 =	vimm.f32 $0.0e+00;
	v8 =	vld [tilespmem:s20+$0xA050];
	v0 =	vadd.f32 v0, v1;
	v5 =	vadd.f32 v2, v1  }
0x16f: {  	s18 =	simm.s32 $0x80;
	s19 =	simm.s32 $0x400;
	v11 =	vld [tilespmem:s20+$0xA060];
	v4 =	vadd.f32 v3, v1;
	v3 =	vimm.f32 $0.0e+00;
	v2 =	vimm.f32 $0.0e+00  }
.LBB2_23:
0x170: {  	p1 =	sne.s32 s19, $0x3E00;
	v13 =	vld [tilespmem:s18+$0xA070];
	v1 =	vadd.f32 v12, v1  }
0x171: {  	v14 =	vld [tilespmem:s18+$0xA000];
	v6 =	vadd.f32 v10, v6  }
0x172: {  	v15 =	vld [tilespmem:s18+$0xA010];
	v9 =	vadd.f32 v7, v9  }
.Ltmp12:
0x173: {  	v12 =	vld [tilespmem:s18+$0xA020];
	v3 =	vadd.f32 v8, v3;
	(pc) =	sbr.rel @p1 .LBB2_23-.Ltmp12, $4  }
0x174: {  	v10 =	vld [tilespmem:s18+$0xA030];
	v2 =	vadd.f32 v11, v2  }
0x175: {  	v7 =	vld [tilespmem:s18+$0xA040];
	v0 =	vadd.f32 v13, v0  }
0x176: {  	v5 =	vadd.f32 v14, v5;
	v8 =	vld [tilespmem:s18+$0xA050]  }
0x177: {  	v4 =	vadd.f32 v15, v4;
	v11 =	vld [tilespmem:s18+$0xA060];
	s18 =	sshra.s32 s19, $0x2;
	s19 =	sadd.s32 $0x200, s19  }
0x178: {  	v13 =	vld [tilespmem:s18+$0xA000]  }
0x179: {  	v14 =	vld [tilespmem:s18+$0xA010]  }
0x17a: {  	v15 =	vld [tilespmem:s18+$0xA020]  }
0x17b: {  	v1 =	vadd.f32 v12, v1;
	v12 =	vld [tilespmem:s18+$0xA050]  }
0x17c: {  	v16 =	vld [tilespmem:s18+$0xA030]  }
0x17d: {  	v17 =	vld [tilespmem:s18+$0xA040];
	v7 =	vadd.f32 v7, v9;
	v5 =	vadd.f32 v13, v5  }
0x17e: {  	v9 =	vld [tilespmem:s18+$0xA070];
	v3 =	vadd.f32 v8, v3;
	v4 =	vadd.f32 v14, v4  }
0x17f: {  	v6 =	vadd.f32 v10, v6;
	v10 =	vld [tilespmem:s18+$0xA060];
	v1 =	vadd.f32 v15, v1;
	v5 =	vmul.f32 $3.125000000e-02, v5  }
0x180: {  	v3 =	vadd.f32 v12, v3;
	v4 =	vmul.f32 $3.125000000e-02, v4  }
0x181: {  	v6 =	vadd.f32 v16, v6;
	v1 =	vmul.f32 $3.125000000e-02, v1;
	[tilespmem:s17+$0x14500] =	vst v5  }
0x182: {  	v2 =	vadd.f32 v11, v2;
	v7 =	vadd.f32 v17, v7;
	v3 =	vmul.f32 $3.125000000e-02, v3;
	[tilespmem:s17+$0x14510] =	vst v4  }
0x183: {  	v0 =	vadd.f32 v9, v0;
	v4 =	vmul.f32 $3.125000000e-02, v6;
	[tilespmem:s17+$0x14520] =	vst v1  }
0x184: {  	v2 =	vadd.f32 v10, v2;
	v1 =	vmul.f32 $3.125000000e-02, v7;
	[tilespmem:s17+$0x14550] =	vst v3  }
0x185: {  	v0 =	vmul.f32 $3.125000000e-02, v0;
	[tilespmem:s17+$0x14530] =	vst v4  }
0x186: {  	[tilespmem:s17+$0x14540] =	vst v1;
	v1 =	vmul.f32 $3.125000000e-02, v2  }
0x187: {  	[tilespmem:s17+$0x14570] =	vst v0  }
0x188: {  	s20 =	simm.s32 $0x0;
	[tilespmem:s17+$0x14560] =	vst v1  }
0x189: {  	v0 =	vld [tilespmem:s20+$0xB070]  }
0x18a: {  	v2 =	vld [tilespmem:s20+$0xB000]  }
0x18b: {  	v3 =	vld [tilespmem:s20+$0xB010]  }
0x18c: {  	v12 =	vld [tilespmem:s20+$0xB020]  }
0x18d: {  	v10 =	vld [tilespmem:s20+$0xB030]  }
0x18e: {  	v9 =	vimm.f32 $0.0e+00;
	v1 =	vimm.f32 $0.0e+00;
	v7 =	vld [tilespmem:s20+$0xB040]  }
0x18f: {  	v6 =	vimm.f32 $0.0e+00;
	v8 =	vld [tilespmem:s20+$0xB050];
	v0 =	vadd.f32 v0, v1;
	v5 =	vadd.f32 v2, v1  }
0x190: {  	s19 =	simm.s32 $0x400;
	s18 =	simm.s32 $0x80;
	v11 =	vld [tilespmem:s20+$0xB060];
	v4 =	vadd.f32 v3, v1;
	v3 =	vimm.f32 $0.0e+00;
	v2 =	vimm.f32 $0.0e+00  }
.LBB2_25:
0x191: {  	p1 =	sne.s32 s19, $0x3E00;
	v13 =	vld [tilespmem:s18+$0xB070];
	v1 =	vadd.f32 v12, v1  }
0x192: {  	v14 =	vld [tilespmem:s18+$0xB000];
	v6 =	vadd.f32 v10, v6  }
0x193: {  	v15 =	vld [tilespmem:s18+$0xB010];
	v9 =	vadd.f32 v7, v9  }
.Ltmp13:
0x194: {  	v12 =	vld [tilespmem:s18+$0xB020];
	v3 =	vadd.f32 v8, v3;
	(pc) =	sbr.rel @p1 .LBB2_25-.Ltmp13, $4  }
0x195: {  	v10 =	vld [tilespmem:s18+$0xB030];
	v2 =	vadd.f32 v11, v2  }
0x196: {  	v7 =	vld [tilespmem:s18+$0xB040];
	v0 =	vadd.f32 v13, v0  }
0x197: {  	v5 =	vadd.f32 v14, v5;
	v8 =	vld [tilespmem:s18+$0xB050]  }
0x198: {  	v4 =	vadd.f32 v15, v4;
	v11 =	vld [tilespmem:s18+$0xB060];
	s18 =	sshra.s32 s19, $0x2;
	s19 =	sadd.s32 $0x200, s19  }
0x199: {  	v13 =	vld [tilespmem:s18+$0xB000]  }
0x19a: {  	v14 =	vld [tilespmem:s18+$0xB010]  }
0x19b: {  	v15 =	vld [tilespmem:s18+$0xB020]  }
0x19c: {  	v1 =	vadd.f32 v12, v1;
	v12 =	vld [tilespmem:s18+$0xB050]  }
0x19d: {  	v16 =	vld [tilespmem:s18+$0xB030]  }
0x19e: {  	v17 =	vld [tilespmem:s18+$0xB040];
	v7 =	vadd.f32 v7, v9;
	v5 =	vadd.f32 v13, v5  }
0x19f: {  	v9 =	vld [tilespmem:s18+$0xB070];
	v3 =	vadd.f32 v8, v3;
	v4 =	vadd.f32 v14, v4  }
0x1a0: {  	v6 =	vadd.f32 v10, v6;
	v10 =	vld [tilespmem:s18+$0xB060];
	v1 =	vadd.f32 v15, v1;
	v5 =	vmul.f32 $3.125000000e-02, v5  }
0x1a1: {  	v3 =	vadd.f32 v12, v3;
	v4 =	vmul.f32 $3.125000000e-02, v4  }
0x1a2: {  	v6 =	vadd.f32 v16, v6;
	v1 =	vmul.f32 $3.125000000e-02, v1;
	[tilespmem:s17+$0x14580] =	vst v5  }
0x1a3: {  	v2 =	vadd.f32 v11, v2;
	v7 =	vadd.f32 v17, v7;
	v3 =	vmul.f32 $3.125000000e-02, v3;
	[tilespmem:s17+$0x14590] =	vst v4  }
0x1a4: {  	v0 =	vadd.f32 v9, v0;
	v4 =	vmul.f32 $3.125000000e-02, v6;
	[tilespmem:s17+$0x145A0] =	vst v1  }
0x1a5: {  	v2 =	vadd.f32 v10, v2;
	v1 =	vmul.f32 $3.125000000e-02, v7;
	[tilespmem:s17+$0x145D0] =	vst v3  }
0x1a6: {  	v0 =	vmul.f32 $3.125000000e-02, v0;
	[tilespmem:s17+$0x145B0] =	vst v4  }
0x1a7: {  	[tilespmem:s17+$0x145C0] =	vst v1;
	v1 =	vmul.f32 $3.125000000e-02, v2  }
0x1a8: {  	[tilespmem:s17+$0x145F0] =	vst v0  }
0x1a9: {  	s20 =	simm.s32 $0x0;
	[tilespmem:s17+$0x145E0] =	vst v1  }
0x1aa: {  	v0 =	vld [tilespmem:s20+$0xC070]  }
0x1ab: {  	v2 =	vld [tilespmem:s20+$0xC000]  }
0x1ac: {  	v3 =	vld [tilespmem:s20+$0xC010]  }
0x1ad: {  	v12 =	vld [tilespmem:s20+$0xC020]  }
0x1ae: {  	v10 =	vld [tilespmem:s20+$0xC030]  }
0x1af: {  	v9 =	vimm.f32 $0.0e+00;
	v1 =	vimm.f32 $0.0e+00;
	v7 =	vld [tilespmem:s20+$0xC040]  }
0x1b0: {  	v6 =	vimm.f32 $0.0e+00;
	v8 =	vld [tilespmem:s20+$0xC050];
	v0 =	vadd.f32 v0, v1;
	v5 =	vadd.f32 v2, v1  }
0x1b1: {  	s19 =	simm.s32 $0x400;
	s18 =	simm.s32 $0x80;
	v11 =	vld [tilespmem:s20+$0xC060];
	v4 =	vadd.f32 v3, v1;
	v3 =	vimm.f32 $0.0e+00;
	v2 =	vimm.f32 $0.0e+00  }
.LBB2_27:
0x1b2: {  	p1 =	sne.s32 s19, $0x3E00;
	v13 =	vld [tilespmem:s18+$0xC070];
	v1 =	vadd.f32 v12, v1  }
0x1b3: {  	v14 =	vld [tilespmem:s18+$0xC000];
	v6 =	vadd.f32 v10, v6  }
0x1b4: {  	v15 =	vld [tilespmem:s18+$0xC010];
	v9 =	vadd.f32 v7, v9  }
.Ltmp14:
0x1b5: {  	v12 =	vld [tilespmem:s18+$0xC020];
	v3 =	vadd.f32 v8, v3;
	(pc) =	sbr.rel @p1 .LBB2_27-.Ltmp14, $4  }
0x1b6: {  	v10 =	vld [tilespmem:s18+$0xC030];
	v2 =	vadd.f32 v11, v2  }
0x1b7: {  	v7 =	vld [tilespmem:s18+$0xC040];
	v0 =	vadd.f32 v13, v0  }
0x1b8: {  	v5 =	vadd.f32 v14, v5;
	v8 =	vld [tilespmem:s18+$0xC050]  }
0x1b9: {  	v4 =	vadd.f32 v15, v4;
	v11 =	vld [tilespmem:s18+$0xC060];
	s18 =	sshra.s32 s19, $0x2;
	s19 =	sadd.s32 $0x200, s19  }
0x1ba: {  	v13 =	vld [tilespmem:s18+$0xC000]  }
0x1bb: {  	v14 =	vld [tilespmem:s18+$0xC010]  }
0x1bc: {  	v15 =	vld [tilespmem:s18+$0xC020]  }
0x1bd: {  	v1 =	vadd.f32 v12, v1;
	v12 =	vld [tilespmem:s18+$0xC050]  }
0x1be: {  	v16 =	vld [tilespmem:s18+$0xC030]  }
0x1bf: {  	v17 =	vld [tilespmem:s18+$0xC040];
	v7 =	vadd.f32 v7, v9;
	v5 =	vadd.f32 v13, v5  }
0x1c0: {  	v9 =	vld [tilespmem:s18+$0xC070];
	v3 =	vadd.f32 v8, v3;
	v4 =	vadd.f32 v14, v4  }
0x1c1: {  	v6 =	vadd.f32 v10, v6;
	v10 =	vld [tilespmem:s18+$0xC060];
	v1 =	vadd.f32 v15, v1;
	v5 =	vmul.f32 $3.125000000e-02, v5  }
0x1c2: {  	v3 =	vadd.f32 v12, v3;
	v4 =	vmul.f32 $3.125000000e-02, v4  }
0x1c3: {  	v6 =	vadd.f32 v16, v6;
	v1 =	vmul.f32 $3.125000000e-02, v1;
	[tilespmem:s17+$0x14600] =	vst v5  }
0x1c4: {  	v2 =	vadd.f32 v11, v2;
	v7 =	vadd.f32 v17, v7;
	v3 =	vmul.f32 $3.125000000e-02, v3;
	[tilespmem:s17+$0x14610] =	vst v4  }
0x1c5: {  	v0 =	vadd.f32 v9, v0;
	v4 =	vmul.f32 $3.125000000e-02, v6;
	[tilespmem:s17+$0x14620] =	vst v1  }
0x1c6: {  	v2 =	vadd.f32 v10, v2;
	v1 =	vmul.f32 $3.125000000e-02, v7;
	[tilespmem:s17+$0x14650] =	vst v3  }
0x1c7: {  	v0 =	vmul.f32 $3.125000000e-02, v0;
	[tilespmem:s17+$0x14630] =	vst v4  }
0x1c8: {  	[tilespmem:s17+$0x14640] =	vst v1;
	v1 =	vmul.f32 $3.125000000e-02, v2  }
0x1c9: {  	[tilespmem:s17+$0x14670] =	vst v0  }
0x1ca: {  	s20 =	simm.s32 $0x0;
	[tilespmem:s17+$0x14660] =	vst v1  }
0x1cb: {  	v0 =	vld [tilespmem:s20+$0xD070]  }
0x1cc: {  	v2 =	vld [tilespmem:s20+$0xD000]  }
0x1cd: {  	v3 =	vld [tilespmem:s20+$0xD010]  }
0x1ce: {  	v12 =	vld [tilespmem:s20+$0xD020]  }
0x1cf: {  	v10 =	vld [tilespmem:s20+$0xD030]  }
0x1d0: {  	v9 =	vimm.f32 $0.0e+00;
	v1 =	vimm.f32 $0.0e+00;
	v7 =	vld [tilespmem:s20+$0xD040]  }
0x1d1: {  	v6 =	vimm.f32 $0.0e+00;
	v8 =	vld [tilespmem:s20+$0xD050];
	v0 =	vadd.f32 v0, v1;
	v5 =	vadd.f32 v2, v1  }
0x1d2: {  	s19 =	simm.s32 $0x400;
	s18 =	simm.s32 $0x80;
	v11 =	vld [tilespmem:s20+$0xD060];
	v4 =	vadd.f32 v3, v1;
	v3 =	vimm.f32 $0.0e+00;
	v2 =	vimm.f32 $0.0e+00  }
.LBB2_29:
0x1d3: {  	p1 =	sne.s32 s19, $0x3E00;
	v13 =	vld [tilespmem:s18+$0xD070];
	v1 =	vadd.f32 v12, v1  }
0x1d4: {  	v14 =	vld [tilespmem:s18+$0xD000];
	v6 =	vadd.f32 v10, v6  }
0x1d5: {  	v15 =	vld [tilespmem:s18+$0xD010];
	v9 =	vadd.f32 v7, v9  }
.Ltmp15:
0x1d6: {  	v12 =	vld [tilespmem:s18+$0xD020];
	v3 =	vadd.f32 v8, v3;
	(pc) =	sbr.rel @p1 .LBB2_29-.Ltmp15, $4  }
0x1d7: {  	v10 =	vld [tilespmem:s18+$0xD030];
	v2 =	vadd.f32 v11, v2  }
0x1d8: {  	v7 =	vld [tilespmem:s18+$0xD040];
	v0 =	vadd.f32 v13, v0  }
0x1d9: {  	v5 =	vadd.f32 v14, v5;
	v8 =	vld [tilespmem:s18+$0xD050]  }
0x1da: {  	v4 =	vadd.f32 v15, v4;
	v11 =	vld [tilespmem:s18+$0xD060];
	s18 =	sshra.s32 s19, $0x2;
	s19 =	sadd.s32 $0x200, s19  }
0x1db: {  	v13 =	vld [tilespmem:s18+$0xD000]  }
0x1dc: {  	v14 =	vld [tilespmem:s18+$0xD010]  }
0x1dd: {  	v15 =	vld [tilespmem:s18+$0xD020]  }
0x1de: {  	v1 =	vadd.f32 v12, v1;
	v12 =	vld [tilespmem:s18+$0xD050]  }
0x1df: {  	v16 =	vld [tilespmem:s18+$0xD030]  }
0x1e0: {  	v17 =	vld [tilespmem:s18+$0xD040];
	v7 =	vadd.f32 v7, v9;
	v5 =	vadd.f32 v13, v5  }
0x1e1: {  	v9 =	vld [tilespmem:s18+$0xD070];
	v3 =	vadd.f32 v8, v3;
	v4 =	vadd.f32 v14, v4  }
0x1e2: {  	v6 =	vadd.f32 v10, v6;
	v10 =	vld [tilespmem:s18+$0xD060];
	v1 =	vadd.f32 v15, v1;
	v5 =	vmul.f32 $3.125000000e-02, v5  }
0x1e3: {  	v3 =	vadd.f32 v12, v3;
	v4 =	vmul.f32 $3.125000000e-02, v4  }
0x1e4: {  	v6 =	vadd.f32 v16, v6;
	v1 =	vmul.f32 $3.125000000e-02, v1;
	[tilespmem:s17+$0x14680] =	vst v5  }
0x1e5: {  	v2 =	vadd.f32 v11, v2;
	v7 =	vadd.f32 v17, v7;
	v3 =	vmul.f32 $3.125000000e-02, v3;
	[tilespmem:s17+$0x14690] =	vst v4  }
0x1e6: {  	v0 =	vadd.f32 v9, v0;
	v4 =	vmul.f32 $3.125000000e-02, v6;
	[tilespmem:s17+$0x146A0] =	vst v1  }
0x1e7: {  	v2 =	vadd.f32 v10, v2;
	v1 =	vmul.f32 $3.125000000e-02, v7;
	[tilespmem:s17+$0x146D0] =	vst v3  }
0x1e8: {  	v0 =	vmul.f32 $3.125000000e-02, v0;
	[tilespmem:s17+$0x146B0] =	vst v4  }
0x1e9: {  	[tilespmem:s17+$0x146C0] =	vst v1;
	v1 =	vmul.f32 $3.125000000e-02, v2  }
0x1ea: {  	[tilespmem:s17+$0x146F0] =	vst v0  }
0x1eb: {  	s20 =	simm.s32 $0x0;
	[tilespmem:s17+$0x146E0] =	vst v1  }
0x1ec: {  	v0 =	vld [tilespmem:s20+$0xE070]  }
0x1ed: {  	v2 =	vld [tilespmem:s20+$0xE000]  }
0x1ee: {  	v3 =	vld [tilespmem:s20+$0xE010]  }
0x1ef: {  	v12 =	vld [tilespmem:s20+$0xE020]  }
0x1f0: {  	v10 =	vld [tilespmem:s20+$0xE030]  }
0x1f1: {  	v9 =	vimm.f32 $0.0e+00;
	v1 =	vimm.f32 $0.0e+00;
	v7 =	vld [tilespmem:s20+$0xE040]  }
0x1f2: {  	v6 =	vimm.f32 $0.0e+00;
	v8 =	vld [tilespmem:s20+$0xE050];
	v0 =	vadd.f32 v0, v1;
	v5 =	vadd.f32 v2, v1  }
0x1f3: {  	s19 =	simm.s32 $0x400;
	s18 =	simm.s32 $0x80;
	v11 =	vld [tilespmem:s20+$0xE060];
	v4 =	vadd.f32 v3, v1;
	v3 =	vimm.f32 $0.0e+00;
	v2 =	vimm.f32 $0.0e+00  }
.LBB2_31:
0x1f4: {  	p1 =	sne.s32 s19, $0x3E00;
	v13 =	vld [tilespmem:s18+$0xE070];
	v1 =	vadd.f32 v12, v1  }
0x1f5: {  	v14 =	vld [tilespmem:s18+$0xE000];
	v6 =	vadd.f32 v10, v6  }
0x1f6: {  	v15 =	vld [tilespmem:s18+$0xE010];
	v9 =	vadd.f32 v7, v9  }
.Ltmp16:
0x1f7: {  	v12 =	vld [tilespmem:s18+$0xE020];
	v3 =	vadd.f32 v8, v3;
	(pc) =	sbr.rel @p1 .LBB2_31-.Ltmp16, $4  }
0x1f8: {  	v10 =	vld [tilespmem:s18+$0xE030];
	v2 =	vadd.f32 v11, v2  }
0x1f9: {  	v7 =	vld [tilespmem:s18+$0xE040];
	v0 =	vadd.f32 v13, v0  }
0x1fa: {  	v5 =	vadd.f32 v14, v5;
	v8 =	vld [tilespmem:s18+$0xE050]  }
0x1fb: {  	v4 =	vadd.f32 v15, v4;
	v11 =	vld [tilespmem:s18+$0xE060];
	s18 =	sshra.s32 s19, $0x2;
	s19 =	sadd.s32 $0x200, s19  }
0x1fc: {  	v13 =	vld [tilespmem:s18+$0xE000]  }
0x1fd: {  	v14 =	vld [tilespmem:s18+$0xE010]  }
0x1fe: {  	v15 =	vld [tilespmem:s18+$0xE020]  }
0x1ff: {  	v1 =	vadd.f32 v12, v1;
	v12 =	vld [tilespmem:s18+$0xE050]  }
0x200: {  	v16 =	vld [tilespmem:s18+$0xE030]  }
0x201: {  	v17 =	vld [tilespmem:s18+$0xE040];
	v7 =	vadd.f32 v7, v9;
	v5 =	vadd.f32 v13, v5  }
0x202: {  	v9 =	vld [tilespmem:s18+$0xE070];
	v3 =	vadd.f32 v8, v3;
	v4 =	vadd.f32 v14, v4  }
0x203: {  	v6 =	vadd.f32 v10, v6;
	v10 =	vld [tilespmem:s18+$0xE060];
	v1 =	vadd.f32 v15, v1;
	v5 =	vmul.f32 $3.125000000e-02, v5  }
0x204: {  	v3 =	vadd.f32 v12, v3;
	v4 =	vmul.f32 $3.125000000e-02, v4  }
0x205: {  	v6 =	vadd.f32 v16, v6;
	v1 =	vmul.f32 $3.125000000e-02, v1;
	[tilespmem:s17+$0x14700] =	vst v5  }
0x206: {  	v2 =	vadd.f32 v11, v2;
	v7 =	vadd.f32 v17, v7;
	v3 =	vmul.f32 $3.125000000e-02, v3;
	[tilespmem:s17+$0x14710] =	vst v4  }
0x207: {  	v0 =	vadd.f32 v9, v0;
	v4 =	vmul.f32 $3.125000000e-02, v6;
	[tilespmem:s17+$0x14720] =	vst v1  }
0x208: {  	v2 =	vadd.f32 v10, v2;
	v1 =	vmul.f32 $3.125000000e-02, v7;
	[tilespmem:s17+$0x14750] =	vst v3  }
0x209: {  	v0 =	vmul.f32 $3.125000000e-02, v0;
	[tilespmem:s17+$0x14730] =	vst v4  }
0x20a: {  	[tilespmem:s17+$0x14740] =	vst v1;
	v1 =	vmul.f32 $3.125000000e-02, v2  }
0x20b: {  	[tilespmem:s17+$0x14770] =	vst v0  }
0x20c: {  	s20 =	simm.s32 $0x0;
	[tilespmem:s17+$0x14760] =	vst v1  }
0x20d: {  	v0 =	vld [tilespmem:s20+$0xF070]  }
0x20e: {  	v2 =	vld [tilespmem:s20+$0xF000]  }
0x20f: {  	v3 =	vld [tilespmem:s20+$0xF010]  }
0x210: {  	v12 =	vld [tilespmem:s20+$0xF020]  }
0x211: {  	v10 =	vld [tilespmem:s20+$0xF030]  }
0x212: {  	v9 =	vimm.f32 $0.0e+00;
	v1 =	vimm.f32 $0.0e+00;
	v7 =	vld [tilespmem:s20+$0xF040]  }
0x213: {  	v6 =	vimm.f32 $0.0e+00;
	v8 =	vld [tilespmem:s20+$0xF050];
	v0 =	vadd.f32 v0, v1;
	v5 =	vadd.f32 v2, v1  }
0x214: {  	s19 =	simm.s32 $0x400;
	s18 =	simm.s32 $0x80;
	v11 =	vld [tilespmem:s20+$0xF060];
	v4 =	vadd.f32 v3, v1;
	v3 =	vimm.f32 $0.0e+00;
	v2 =	vimm.f32 $0.0e+00  }
.LBB2_33:
0x215: {  	p1 =	sne.s32 s19, $0x3E00;
	v13 =	vld [tilespmem:s18+$0xF070];
	v1 =	vadd.f32 v12, v1  }
0x216: {  	v14 =	vld [tilespmem:s18+$0xF000];
	v6 =	vadd.f32 v10, v6  }
0x217: {  	v15 =	vld [tilespmem:s18+$0xF010];
	v9 =	vadd.f32 v7, v9  }
.Ltmp17:
0x218: {  	v12 =	vld [tilespmem:s18+$0xF020];
	v3 =	vadd.f32 v8, v3;
	(pc) =	sbr.rel @p1 .LBB2_33-.Ltmp17, $4  }
0x219: {  	v10 =	vld [tilespmem:s18+$0xF030];
	v2 =	vadd.f32 v11, v2  }
0x21a: {  	v7 =	vld [tilespmem:s18+$0xF040];
	v0 =	vadd.f32 v13, v0  }
0x21b: {  	v5 =	vadd.f32 v14, v5;
	v8 =	vld [tilespmem:s18+$0xF050]  }
0x21c: {  	v4 =	vadd.f32 v15, v4;
	v11 =	vld [tilespmem:s18+$0xF060];
	s18 =	sshra.s32 s19, $0x2;
	s19 =	sadd.s32 $0x200, s19  }
0x21d: {  	v13 =	vld [tilespmem:s18+$0xF000]  }
0x21e: {  	v14 =	vld [tilespmem:s18+$0xF010]  }
0x21f: {  	v15 =	vld [tilespmem:s18+$0xF020]  }
0x220: {  	v1 =	vadd.f32 v12, v1;
	v12 =	vld [tilespmem:s18+$0xF050]  }
0x221: {  	v16 =	vld [tilespmem:s18+$0xF030]  }
0x222: {  	v17 =	vld [tilespmem:s18+$0xF040];
	v7 =	vadd.f32 v7, v9;
	v5 =	vadd.f32 v13, v5  }
0x223: {  	v9 =	vld [tilespmem:s18+$0xF070];
	v3 =	vadd.f32 v8, v3;
	v4 =	vadd.f32 v14, v4  }
0x224: {  	v6 =	vadd.f32 v10, v6;
	v10 =	vld [tilespmem:s18+$0xF060];
	v1 =	vadd.f32 v15, v1;
	v5 =	vmul.f32 $3.125000000e-02, v5  }
0x225: {  	v3 =	vadd.f32 v12, v3;
	v4 =	vmul.f32 $3.125000000e-02, v4  }
0x226: {  	v6 =	vadd.f32 v16, v6;
	v1 =	vmul.f32 $3.125000000e-02, v1;
	[tilespmem:s17+$0x14780] =	vst v5  }
0x227: {  	v2 =	vadd.f32 v11, v2;
	v7 =	vadd.f32 v17, v7;
	v3 =	vmul.f32 $3.125000000e-02, v3;
	[tilespmem:s17+$0x14790] =	vst v4  }
0x228: {  	v0 =	vadd.f32 v9, v0;
	v4 =	vmul.f32 $3.125000000e-02, v6;
	[tilespmem:s17+$0x147A0] =	vst v1  }
0x229: {  	v2 =	vadd.f32 v10, v2;
	v1 =	vmul.f32 $3.125000000e-02, v7;
	[tilespmem:s17+$0x147D0] =	vst v3  }
0x22a: {  	v0 =	vmul.f32 $3.125000000e-02, v0;
	[tilespmem:s17+$0x147B0] =	vst v4  }
0x22b: {  	[tilespmem:s17+$0x147C0] =	vst v1;
	v1 =	vmul.f32 $3.125000000e-02, v2  }
0x22c: {  	[tilespmem:s17+$0x147F0] =	vst v0  }
0x22d: {  	s20 =	simm.s32 $0x0;
	[tilespmem:s17+$0x147E0] =	vst v1  }
0x22e: {  	v0 =	vld [tilespmem:s20+$0x10070]  }
0x22f: {  	v2 =	vld [tilespmem:s20+$0x10000]  }
0x230: {  	v3 =	vld [tilespmem:s20+$0x10010]  }
0x231: {  	v12 =	vld [tilespmem:s20+$0x10020]  }
0x232: {  	v10 =	vld [tilespmem:s20+$0x10030]  }
0x233: {  	v9 =	vimm.f32 $0.0e+00;
	v1 =	vimm.f32 $0.0e+00;
	v7 =	vld [tilespmem:s20+$0x10040]  }
0x234: {  	v6 =	vimm.f32 $0.0e+00;
	v8 =	vld [tilespmem:s20+$0x10050];
	v0 =	vadd.f32 v0, v1;
	v5 =	vadd.f32 v2, v1  }
0x235: {  	s19 =	simm.s32 $0x400;
	s18 =	simm.s32 $0x80;
	v11 =	vld [tilespmem:s20+$0x10060];
	v4 =	vadd.f32 v3, v1;
	v3 =	vimm.f32 $0.0e+00;
	v2 =	vimm.f32 $0.0e+00  }
.LBB2_35:
0x236: {  	p1 =	sne.s32 s19, $0x3E00;
	v13 =	vld [tilespmem:s18+$0x10070];
	v1 =	vadd.f32 v12, v1  }
0x237: {  	v14 =	vld [tilespmem:s18+$0x10000];
	v6 =	vadd.f32 v10, v6  }
0x238: {  	v15 =	vld [tilespmem:s18+$0x10010];
	v9 =	vadd.f32 v7, v9  }
.Ltmp18:
0x239: {  	v12 =	vld [tilespmem:s18+$0x10020];
	v3 =	vadd.f32 v8, v3;
	(pc) =	sbr.rel @p1 .LBB2_35-.Ltmp18, $4  }
0x23a: {  	v10 =	vld [tilespmem:s18+$0x10030];
	v2 =	vadd.f32 v11, v2  }
0x23b: {  	v7 =	vld [tilespmem:s18+$0x10040];
	v0 =	vadd.f32 v13, v0  }
0x23c: {  	v5 =	vadd.f32 v14, v5;
	v8 =	vld [tilespmem:s18+$0x10050]  }
0x23d: {  	v4 =	vadd.f32 v15, v4;
	v11 =	vld [tilespmem:s18+$0x10060];
	s18 =	sshra.s32 s19, $0x2;
	s19 =	sadd.s32 $0x200, s19  }
0x23e: {  	v13 =	vld [tilespmem:s18+$0x10000]  }
0x23f: {  	v14 =	vld [tilespmem:s18+$0x10010]  }
0x240: {  	v15 =	vld [tilespmem:s18+$0x10020]  }
0x241: {  	v1 =	vadd.f32 v12, v1;
	v12 =	vld [tilespmem:s18+$0x10050]  }
0x242: {  	v16 =	vld [tilespmem:s18+$0x10030]  }
0x243: {  	v17 =	vld [tilespmem:s18+$0x10040];
	v7 =	vadd.f32 v7, v9;
	v5 =	vadd.f32 v13, v5  }
0x244: {  	v9 =	vld [tilespmem:s18+$0x10070];
	v3 =	vadd.f32 v8, v3;
	v4 =	vadd.f32 v14, v4  }
0x245: {  	v6 =	vadd.f32 v10, v6;
	v10 =	vld [tilespmem:s18+$0x10060];
	v1 =	vadd.f32 v15, v1;
	v5 =	vmul.f32 $3.125000000e-02, v5  }
0x246: {  	v3 =	vadd.f32 v12, v3;
	v4 =	vmul.f32 $3.125000000e-02, v4  }
0x247: {  	v6 =	vadd.f32 v16, v6;
	v1 =	vmul.f32 $3.125000000e-02, v1;
	[tilespmem:s17+$0x14800] =	vst v5  }
0x248: {  	v2 =	vadd.f32 v11, v2;
	v7 =	vadd.f32 v17, v7;
	v3 =	vmul.f32 $3.125000000e-02, v3;
	[tilespmem:s17+$0x14810] =	vst v4  }
0x249: {  	v0 =	vadd.f32 v9, v0;
	v4 =	vmul.f32 $3.125000000e-02, v6;
	[tilespmem:s17+$0x14820] =	vst v1  }
0x24a: {  	v2 =	vadd.f32 v10, v2;
	v1 =	vmul.f32 $3.125000000e-02, v7;
	[tilespmem:s17+$0x14850] =	vst v3  }
0x24b: {  	v0 =	vmul.f32 $3.125000000e-02, v0;
	[tilespmem:s17+$0x14830] =	vst v4  }
0x24c: {  	[tilespmem:s17+$0x14840] =	vst v1;
	v1 =	vmul.f32 $3.125000000e-02, v2  }
0x24d: {  	[tilespmem:s17+$0x14870] =	vst v0  }
0x24e: {  	s20 =	simm.s32 $0x0;
	[tilespmem:s17+$0x14860] =	vst v1  }
0x24f: {  	v0 =	vld [tilespmem:s20+$0x11070]  }
0x250: {  	v2 =	vld [tilespmem:s20+$0x11000]  }
0x251: {  	v3 =	vld [tilespmem:s20+$0x11010]  }
0x252: {  	v12 =	vld [tilespmem:s20+$0x11020]  }
0x253: {  	v10 =	vld [tilespmem:s20+$0x11030]  }
0x254: {  	v9 =	vimm.f32 $0.0e+00;
	v1 =	vimm.f32 $0.0e+00;
	v7 =	vld [tilespmem:s20+$0x11040]  }
0x255: {  	v6 =	vimm.f32 $0.0e+00;
	v8 =	vld [tilespmem:s20+$0x11050];
	v0 =	vadd.f32 v0, v1;
	v5 =	vadd.f32 v2, v1  }
0x256: {  	s19 =	simm.s32 $0x400;
	s18 =	simm.s32 $0x80;
	v11 =	vld [tilespmem:s20+$0x11060];
	v4 =	vadd.f32 v3, v1;
	v3 =	vimm.f32 $0.0e+00;
	v2 =	vimm.f32 $0.0e+00  }
.LBB2_37:
0x257: {  	p1 =	sne.s32 s19, $0x3E00;
	v13 =	vld [tilespmem:s18+$0x11070];
	v1 =	vadd.f32 v12, v1  }
0x258: {  	v14 =	vld [tilespmem:s18+$0x11000];
	v6 =	vadd.f32 v10, v6  }
0x259: {  	v15 =	vld [tilespmem:s18+$0x11010];
	v9 =	vadd.f32 v7, v9  }
.Ltmp19:
0x25a: {  	v12 =	vld [tilespmem:s18+$0x11020];
	v3 =	vadd.f32 v8, v3;
	(pc) =	sbr.rel @p1 .LBB2_37-.Ltmp19, $4  }
0x25b: {  	v10 =	vld [tilespmem:s18+$0x11030];
	v2 =	vadd.f32 v11, v2  }
0x25c: {  	v7 =	vld [tilespmem:s18+$0x11040];
	v0 =	vadd.f32 v13, v0  }
0x25d: {  	v5 =	vadd.f32 v14, v5;
	v8 =	vld [tilespmem:s18+$0x11050]  }
0x25e: {  	v4 =	vadd.f32 v15, v4;
	v11 =	vld [tilespmem:s18+$0x11060];
	s18 =	sshra.s32 s19, $0x2;
	s19 =	sadd.s32 $0x200, s19  }
0x25f: {  	v13 =	vld [tilespmem:s18+$0x11000]  }
0x260: {  	v14 =	vld [tilespmem:s18+$0x11010]  }
0x261: {  	v15 =	vld [tilespmem:s18+$0x11020]  }
0x262: {  	v1 =	vadd.f32 v12, v1;
	v12 =	vld [tilespmem:s18+$0x11050]  }
0x263: {  	v16 =	vld [tilespmem:s18+$0x11030]  }
0x264: {  	v17 =	vld [tilespmem:s18+$0x11040];
	v7 =	vadd.f32 v7, v9;
	v5 =	vadd.f32 v13, v5  }
0x265: {  	v9 =	vld [tilespmem:s18+$0x11070];
	v3 =	vadd.f32 v8, v3;
	v4 =	vadd.f32 v14, v4  }
0x266: {  	v6 =	vadd.f32 v10, v6;
	v10 =	vld [tilespmem:s18+$0x11060];
	v1 =	vadd.f32 v15, v1;
	v5 =	vmul.f32 $3.125000000e-02, v5  }
0x267: {  	v3 =	vadd.f32 v12, v3;
	v4 =	vmul.f32 $3.125000000e-02, v4  }
0x268: {  	v6 =	vadd.f32 v16, v6;
	v1 =	vmul.f32 $3.125000000e-02, v1;
	[tilespmem:s17+$0x14880] =	vst v5  }
0x269: {  	v2 =	vadd.f32 v11, v2;
	v7 =	vadd.f32 v17, v7;
	v3 =	vmul.f32 $3.125000000e-02, v3;
	[tilespmem:s17+$0x14890] =	vst v4  }
0x26a: {  	v0 =	vadd.f32 v9, v0;
	v4 =	vmul.f32 $3.125000000e-02, v6;
	[tilespmem:s17+$0x148A0] =	vst v1  }
0x26b: {  	v2 =	vadd.f32 v10, v2;
	v1 =	vmul.f32 $3.125000000e-02, v7;
	[tilespmem:s17+$0x148D0] =	vst v3  }
0x26c: {  	v0 =	vmul.f32 $3.125000000e-02, v0;
	[tilespmem:s17+$0x148B0] =	vst v4  }
0x26d: {  	[tilespmem:s17+$0x148C0] =	vst v1;
	v1 =	vmul.f32 $3.125000000e-02, v2  }
0x26e: {  	[tilespmem:s17+$0x148F0] =	vst v0  }
0x26f: {  	s20 =	simm.s32 $0x0;
	[tilespmem:s17+$0x148E0] =	vst v1  }
0x270: {  	v0 =	vld [tilespmem:s20+$0x12070]  }
0x271: {  	v2 =	vld [tilespmem:s20+$0x12000]  }
0x272: {  	v3 =	vld [tilespmem:s20+$0x12010]  }
0x273: {  	v12 =	vld [tilespmem:s20+$0x12020]  }
0x274: {  	v10 =	vld [tilespmem:s20+$0x12030]  }
0x275: {  	v9 =	vimm.f32 $0.0e+00;
	v1 =	vimm.f32 $0.0e+00;
	v7 =	vld [tilespmem:s20+$0x12040]  }
0x276: {  	v6 =	vimm.f32 $0.0e+00;
	v8 =	vld [tilespmem:s20+$0x12050];
	v0 =	vadd.f32 v0, v1;
	v5 =	vadd.f32 v2, v1  }
0x277: {  	s19 =	simm.s32 $0x400;
	s18 =	simm.s32 $0x80;
	v11 =	vld [tilespmem:s20+$0x12060];
	v4 =	vadd.f32 v3, v1;
	v3 =	vimm.f32 $0.0e+00;
	v2 =	vimm.f32 $0.0e+00  }
.LBB2_39:
0x278: {  	p1 =	sne.s32 s19, $0x3E00;
	v13 =	vld [tilespmem:s18+$0x12070];
	v1 =	vadd.f32 v12, v1  }
0x279: {  	v14 =	vld [tilespmem:s18+$0x12000];
	v6 =	vadd.f32 v10, v6  }
0x27a: {  	v15 =	vld [tilespmem:s18+$0x12010];
	v9 =	vadd.f32 v7, v9  }
.Ltmp20:
0x27b: {  	v12 =	vld [tilespmem:s18+$0x12020];
	v3 =	vadd.f32 v8, v3;
	(pc) =	sbr.rel @p1 .LBB2_39-.Ltmp20, $4  }
0x27c: {  	v10 =	vld [tilespmem:s18+$0x12030];
	v2 =	vadd.f32 v11, v2  }
0x27d: {  	v7 =	vld [tilespmem:s18+$0x12040];
	v0 =	vadd.f32 v13, v0  }
0x27e: {  	v5 =	vadd.f32 v14, v5;
	v8 =	vld [tilespmem:s18+$0x12050]  }
0x27f: {  	v4 =	vadd.f32 v15, v4;
	v11 =	vld [tilespmem:s18+$0x12060];
	s18 =	sshra.s32 s19, $0x2;
	s19 =	sadd.s32 $0x200, s19  }
0x280: {  	v13 =	vld [tilespmem:s18+$0x12000]  }
0x281: {  	v14 =	vld [tilespmem:s18+$0x12010]  }
0x282: {  	v15 =	vld [tilespmem:s18+$0x12020]  }
0x283: {  	v1 =	vadd.f32 v12, v1;
	v12 =	vld [tilespmem:s18+$0x12050]  }
0x284: {  	v16 =	vld [tilespmem:s18+$0x12030]  }
0x285: {  	v17 =	vld [tilespmem:s18+$0x12040];
	v7 =	vadd.f32 v7, v9;
	v5 =	vadd.f32 v13, v5  }
0x286: {  	v9 =	vld [tilespmem:s18+$0x12070];
	v3 =	vadd.f32 v8, v3;
	v4 =	vadd.f32 v14, v4  }
0x287: {  	v6 =	vadd.f32 v10, v6;
	v10 =	vld [tilespmem:s18+$0x12060];
	v1 =	vadd.f32 v15, v1;
	v5 =	vmul.f32 $3.125000000e-02, v5  }
0x288: {  	v3 =	vadd.f32 v12, v3;
	v4 =	vmul.f32 $3.125000000e-02, v4  }
0x289: {  	v6 =	vadd.f32 v16, v6;
	v1 =	vmul.f32 $3.125000000e-02, v1;
	[tilespmem:s17+$0x14900] =	vst v5  }
0x28a: {  	v2 =	vadd.f32 v11, v2;
	v7 =	vadd.f32 v17, v7;
	v3 =	vmul.f32 $3.125000000e-02, v3;
	[tilespmem:s17+$0x14910] =	vst v4  }
0x28b: {  	v0 =	vadd.f32 v9, v0;
	v4 =	vmul.f32 $3.125000000e-02, v6;
	[tilespmem:s17+$0x14920] =	vst v1  }
0x28c: {  	v2 =	vadd.f32 v10, v2;
	v1 =	vmul.f32 $3.125000000e-02, v7;
	[tilespmem:s17+$0x14950] =	vst v3  }
0x28d: {  	v0 =	vmul.f32 $3.125000000e-02, v0;
	[tilespmem:s17+$0x14930] =	vst v4  }
0x28e: {  	[tilespmem:s17+$0x14940] =	vst v1;
	v1 =	vmul.f32 $3.125000000e-02, v2  }
0x28f: {  	[tilespmem:s17+$0x14970] =	vst v0  }
0x290: {  	s20 =	simm.s32 $0x0;
	[tilespmem:s17+$0x14960] =	vst v1  }
0x291: {  	v0 =	vld [tilespmem:s20+$0x13070]  }
0x292: {  	v2 =	vld [tilespmem:s20+$0x13000]  }
0x293: {  	v3 =	vld [tilespmem:s20+$0x13010]  }
0x294: {  	v12 =	vld [tilespmem:s20+$0x13020]  }
0x295: {  	v10 =	vld [tilespmem:s20+$0x13030]  }
0x296: {  	v9 =	vimm.f32 $0.0e+00;
	v1 =	vimm.f32 $0.0e+00;
	v7 =	vld [tilespmem:s20+$0x13040]  }
0x297: {  	v6 =	vimm.f32 $0.0e+00;
	v8 =	vld [tilespmem:s20+$0x13050];
	v0 =	vadd.f32 v0, v1;
	v5 =	vadd.f32 v2, v1  }
0x298: {  	s19 =	simm.s32 $0x400;
	s18 =	simm.s32 $0x80;
	v11 =	vld [tilespmem:s20+$0x13060];
	v4 =	vadd.f32 v3, v1;
	v3 =	vimm.f32 $0.0e+00;
	v2 =	vimm.f32 $0.0e+00  }
.LBB2_41:
0x299: {  	p1 =	sne.s32 s19, $0x3E00;
	v13 =	vld [tilespmem:s18+$0x13070];
	v1 =	vadd.f32 v12, v1  }
0x29a: {  	v14 =	vld [tilespmem:s18+$0x13000];
	v6 =	vadd.f32 v10, v6  }
0x29b: {  	v15 =	vld [tilespmem:s18+$0x13010];
	v9 =	vadd.f32 v7, v9  }
.Ltmp21:
0x29c: {  	v12 =	vld [tilespmem:s18+$0x13020];
	v3 =	vadd.f32 v8, v3;
	(pc) =	sbr.rel @p1 .LBB2_41-.Ltmp21, $4  }
0x29d: {  	v10 =	vld [tilespmem:s18+$0x13030];
	v2 =	vadd.f32 v11, v2  }
0x29e: {  	v7 =	vld [tilespmem:s18+$0x13040];
	v0 =	vadd.f32 v13, v0  }
0x29f: {  	v5 =	vadd.f32 v14, v5;
	v8 =	vld [tilespmem:s18+$0x13050]  }
0x2a0: {  	v4 =	vadd.f32 v15, v4;
	v11 =	vld [tilespmem:s18+$0x13060];
	s18 =	sshra.s32 s19, $0x2;
	s19 =	sadd.s32 $0x200, s19  }
0x2a1: {  	v13 =	vld [tilespmem:s18+$0x13000]  }
0x2a2: {  	v14 =	vld [tilespmem:s18+$0x13010]  }
0x2a3: {  	v15 =	vld [tilespmem:s18+$0x13020]  }
0x2a4: {  	v16 =	vld [tilespmem:s18+$0x13030]  }
0x2a5: {  	v17 =	vld [tilespmem:s18+$0x13040]  }
0x2a6: {  	v1 =	vadd.f32 v12, v1;
	v58 =	vld [tilespmem:s18+$0x13050];
	v5 =	vadd.f32 v13, v5  }
0x2a7: {  	v60 =	vld [tilespmem:s18+$0x13070];
	v6 =	vadd.f32 v10, v6;
	v4 =	vadd.f32 v14, v4  }
0x2a8: {  	v59 =	vld [tilespmem:s18+$0x13060];
	v7 =	vadd.f32 v7, v9;
	v1 =	vadd.f32 v15, v1;
	v5 =	vmul.f32 $3.125000000e-02, v5  }
0x2a9: {  	v3 =	vadd.f32 v8, v3;
	v6 =	vadd.f32 v16, v6;
	v4 =	vmul.f32 $3.125000000e-02, v4  }
0x2aa: {  	v7 =	vadd.f32 v17, v7;
	v1 =	vmul.f32 $3.125000000e-02, v1;
	[tilespmem:s17+$0x14980] =	vst v5  }
0x2ab: {  	v2 =	vadd.f32 v11, v2;
	v3 =	vadd.f32 v58, v3;
	v61 =	vmul.f32 $3.125000000e-02, v6;
	[tilespmem:s17+$0x14990] =	vst v4  }
0x2ac: {  	v0 =	vadd.f32 v60, v0;
	v62 =	vmul.f32 $3.125000000e-02, v7;
	[tilespmem:s17+$0x149A0] =	vst v1  }
.Ltmp22:
0x2ad: {  	v2 =	vadd.f32 v59, v2;
	v3 =	vmul.f32 $3.125000000e-02, v3;
	[tilespmem:s17+$0x149B0] =	vst v61;
	(pc) =	sbr.rel @p0 .LBB2_44-.Ltmp22, $4  }
0x2ae: {  	v0 =	vmul.f32 $3.125000000e-02, v0;
	[tilespmem:s17+$0x149C0] =	vst v62  }
0x2af: {  	v63 =	vmul.f32 $3.125000000e-02, v2;
	[tilespmem:s17+$0x149D0] =	vst v3  }
0x2b0: {  	[tilespmem:s17+$0x149F0] =	vst v0  }
0x2b1: {  	[tilespmem:s17+$0x149E0] =	vst v63  }
0x2b2: {  	s17 =	smul.u32 $0x14, s16;
	_ =	sdelay $0x1  }
.Ltmp23:
0x2b3: {  	s17 =	sadd.s32 s17, s7;
	(pc) =	sbr.rel .LBB2_2-.Ltmp23, $4  }
0x2b4: {  	s17 =	sshll.u32 s17, $0x9  }
0x2b5: {  	s17 =	sand.u32 $0x1FFFFC00, s17  }
0x2b6: {  	s16 =	sadd.s32 $0x1, s16;
	s17 =	sadd.s32 s2, s17  }
0x2b7: {  	[tilespmem:s10], [sflag:$0x2] =	stream.linear.gather [hbm4b:s17+s3], $0xA000, $0x38;
	[tilespmem:$0x17400] =	vst v63  }
.LBB2_45:
0x2b8: {  	_ =	sfence.sel $0x180000  }
0x2b9: {  	[bflag:$0x0] =	sbarrier.arrive $0xFFFF  }
0x2ba: {  	p0 =	sne.s32 s0, $0x0;
	_ =	strace $0x90000047  }
0x2bb: {  	s0 =	sadd.s32 @!p0 $0x100000, s1;
	[bflag:$0x2] =	sbarrier.arrive $0xFFFF  }
0x2bc: {  	[sflag:s0] =	ssyncadd.tile.s32 @!p0 $0x1;
	_ =	shalt  }
.Lfunc_end2:
_tile_overlayer_lowered:
.L_overlay_start_2:
0x2bd: {  	(tag) =	ssettag $0x2  }
0x2be: {  	s0 =	rddreg [dreg:$0x0];
	s2 =	stileid.u32  }
0x2bf: {  	s1 =	rddreg [dreg:$0x1];
	p0 =	sne.s32 s2, $0x0  }
0x2c0: {  	s3 =	rddreg [dreg:$0x2];
	[bflag:$0x3] =	sbarrier.arrive $0xFFFF;
	s2 =	simm.s32 @!p0 $0x1C03  }
0x2c1: {  	[timem:s3], [sflag:s2] =	dma.local @!p0 [hbm:s0], s1  }
0x2c2: {  	s0 =	simm.s32 @!p0 $0x3  }
0x2c3: {  	_ =	swait.ge @!p0 [sflag:s0], s1  }
0x2c4: {  	s1 =	ssub.s32 @!p0 $0x0, s1;
	[sflag:s0] =	ssyncset.done @!p0 $0x0  }
0x2c5: {  	[sflag:s0] =	ssyncadd.s32 @!p0 s1  }
0x2c6: {  	[bflag:$0x3] =	sbarrier.arrive $0xFFFF  }
0x2c7: {  	_ =	shalt  }

</sc_bundles>
